<compile_context>
chip_gen: v7x
topology: tpu7x:2x2x1
jax: 0.10.2.dev20260603
libtpu: 0.0.44.dev20260713+nightly
codegen_flags: <defaults>
</compile_context>

<pallas_src>
import functools

import jax
import jax.numpy as jnp
from jax import lax
from jax.experimental import pallas as pl
from jax.experimental.pallas import tpu as pltpu
from jax.experimental.pallas import tpu_sc as plsc

N_NODES = 10000
N_EDGES = 320000
DIM = 128

_N_TILES = 32
_CHUNK = 128
_N_CHUNKS = N_EDGES // _CHUNK
_NBUF = 3
_ITERS = 81
_WSLAB = 80
_N_SLABS = N_NODES // _WSLAB
_SLAB_ITERS = -(-_N_SLABS // 16)

_sc_mesh = plsc.VectorSubcoreMesh(core_axis_name="c", subcore_axis_name="s")


@functools.partial(
    pl.kernel,
    mesh=_sc_mesh,
    out_type=jax.ShapeDtypeStruct((2, N_NODES, DIM), jnp.float32),
    scratch_types=(
        [pltpu.VMEM((_CHUNK,), jnp.int32)] * _NBUF
        + [pltpu.VMEM((_CHUNK,), jnp.int32)] * _NBUF
        + [pltpu.VMEM((_CHUNK, DIM), jnp.float32)] * _NBUF
        + [pltpu.VMEM_SHARED((N_NODES, DIM), jnp.float32)]
        + [pltpu.SemaphoreType.DMA] * (3 * _NBUF + 1)
    ),
)
def _sc_agg(table_hbm, ei_hbm, out_hbm, *scr):
    src_b = scr[0:_NBUF]
    dst_b = scr[_NBUF:2 * _NBUF]
    rows_b = scr[2 * _NBUF:3 * _NBUF]
    acc_sh = scr[3 * _NBUF]
    isem = scr[3 * _NBUF + 1:3 * _NBUF + 1 + _NBUF]
    gsem = scr[3 * _NBUF + 1 + _NBUF:3 * _NBUF + 1 + 2 * _NBUF]
    ssem = scr[3 * _NBUF + 1 + 2 * _NBUF:3 * _NBUF + 1 + 3 * _NBUF]
    zsem = scr[3 * _NBUF + 1 + 3 * _NBUF]

    cid = lax.axis_index("c")
    sid = lax.axis_index("s")
    wid = cid * 16 + sid

    def _ci(k):
        return k * _N_TILES + wid

    def _valid(k):
        return _ci(k) < _N_CHUNKS

    def _src_slice(k):
        return ei_hbm.at[0, pl.ds(_ci(k) * _CHUNK, _CHUNK)]

    def _dst_slice(k):
        return ei_hbm.at[1, pl.ds(_ci(k) * _CHUNK, _CHUNK)]

    def _slab_ok(j):
        return (j * 16 + sid) < _N_SLABS

    def _slab_r0(j):
        return pl.multiple_of((j * 16 + sid) * _WSLAB, 8)

    for k0 in range(_NBUF):
        pltpu.async_copy(_src_slice(k0), src_b[k0], isem[k0])

    zbuf = rows_b[_NBUF - 1]

    def _zero_row(r, carry):
        for j in range(DIM // 16):
            zbuf[r, pl.ds(j * 16, 16)] = jnp.zeros((16,), jnp.float32)
        return carry

    lax.fori_loop(0, _WSLAB, _zero_row, 0)

    def _zfill(j):
        return pltpu.make_async_copy(zbuf.at[pl.ds(0, _WSLAB)],
                                     acc_sh.at[pl.ds(_slab_r0(j), _WSLAB)],
                                     zsem)

    for j in range(_SLAB_ITERS):
        @pl.when(_slab_ok(j))
        def _():
            _zfill(j).start()

    def _edge_round(p, carry):
        for h in range(_NBUF):
            k = p * _NBUF + h
            b = h
            bp = (h + _NBUF - 1) % _NBUF

            @pl.when((k >= _NBUF) & _valid(k - _NBUF))
            def _():
                pltpu.make_async_copy(
                    table_hbm.at[pl.ds(0, _CHUNK)], rows_b[b], ssem[b]
                ).wait()

            @pl.when(_valid(k))
            def _():
                pltpu.make_async_copy(_src_slice(k), src_b[b], isem[b]).wait()
                pltpu.async_copy(table_hbm.at[src_b[b]], rows_b[b], gsem[b])
                pltpu.async_copy(_dst_slice(k), dst_b[b], ssem[b])

            @pl.when((k >= 1) & _valid(k - 1))
            def _():
                pltpu.make_async_copy(table_hbm.at[src_b[bp]], rows_b[bp],
                                      gsem[bp]).wait()

                @pl.when(k == 1)
                def _():
                    for j in range(_SLAB_ITERS):
                        @pl.when(_slab_ok(j))
                        def _():
                            _zfill(j).wait()
                    plsc.subcore_barrier()

                @pl.when(_valid(k + _NBUF - 1))
                def _():
                    pltpu.async_copy(_src_slice(k + _NBUF - 1), src_b[bp],
                                     isem[bp])

                pltpu.make_async_copy(_dst_slice(k - 1), dst_b[bp],
                                      ssem[bp]).wait()
                pltpu.async_copy(rows_b[bp], acc_sh.at[dst_b[bp]], ssem[bp],
                                 add=True)

        return carry

    lax.fori_loop(0, (_ITERS + 2 * _NBUF) // _NBUF, _edge_round, 0)

    plsc.subcore_barrier()

    def _stage(j):
        return rows_b[j % _NBUF].at[pl.ds(0, _WSLAB)]

    def _fetch(j):
        return pltpu.make_async_copy(acc_sh.at[pl.ds(_slab_r0(j), _WSLAB)],
                                     _stage(j), gsem[j % _NBUF])

    def _store(j):
        return pltpu.make_async_copy(_stage(j),
                                     out_hbm.at[cid, pl.ds(_slab_r0(j), _WSLAB)],
                                     ssem[j % _NBUF])

    for j in range(_SLAB_ITERS + 1):
        if j < _SLAB_ITERS:
            if j >= _NBUF:
                @pl.when(_slab_ok(j - _NBUF))
                def _():
                    _store(j - _NBUF).wait()

            @pl.when(_slab_ok(j))
            def _():
                _fetch(j).start()

        if j >= 1:
            @pl.when(_slab_ok(j - 1))
            def _():
                _fetch(j - 1).wait()
                _store(j - 1).start()

    for j in range(_SLAB_ITERS - _NBUF, _SLAB_ITERS):
        @pl.when(_slab_ok(j))
        def _():
            _store(j).wait()


_BLK = 5000


def _mlp1_body(x_ref, a0_ref, a1_ref, w1_ref, b1_ref, w2_ref, b2_ref, o_ref):
    s = x_ref[...] + a0_ref[0] + a1_ref[0]
    h = jnp.dot(s, w1_ref[...], preferred_element_type=jnp.float32) + b1_ref[...]
    h = jnp.maximum(h, 0.0)
    o_ref[...] = jnp.dot(h, w2_ref[...], preferred_element_type=jnp.float32) + b2_ref[...]


def _mlp1(x, acc, W1, b1, W2, b2):
    grid = (N_NODES // _BLK,)
    return pl.pallas_call(
        _mlp1_body,
        grid=grid,
        in_specs=[
            pl.BlockSpec((_BLK, DIM), lambda i: (i, 0)),
            pl.BlockSpec((1, _BLK, DIM), lambda i: (0, i, 0)),
            pl.BlockSpec((1, _BLK, DIM), lambda i: (1, i, 0)),
            pl.BlockSpec((DIM, DIM), lambda i: (0, 0)),
            pl.BlockSpec((1, DIM), lambda i: (0, 0)),
            pl.BlockSpec((DIM, DIM), lambda i: (0, 0)),
            pl.BlockSpec((1, DIM), lambda i: (0, 0)),
        ],
        out_specs=pl.BlockSpec((_BLK, DIM), lambda i: (i, 0)),
        out_shape=jax.ShapeDtypeStruct((N_NODES, DIM), jnp.float32),
    )(x, acc, acc, W1, b1.reshape(1, DIM), W2, b2.reshape(1, DIM))


def _mlp2_body(h_ref, a0_ref, a1_ref, w3_ref, b3_ref, w4_ref, b4_ref,
               wf_ref, bf_ref, o_ref, acc_ref):
    s = h_ref[...] + a0_ref[0] + a1_ref[0]
    z = jnp.dot(s, w3_ref[...], preferred_element_type=jnp.float32) + b3_ref[...]
    part = jnp.sum(jnp.maximum(z, 0.0), axis=0, keepdims=True)

    @pl.when(pl.program_id(0) == 0)
    def _():
        acc_ref[...] = jnp.zeros_like(acc_ref)

    acc_ref[...] += part

    @pl.when(pl.program_id(0) == pl.num_programs(0) - 1)
    def _():
        pooled = (
            jnp.dot(acc_ref[...] * (1.0 / N_NODES), w4_ref[...],
                    preferred_element_type=jnp.float32)
            + b4_ref[...]
        )
        o_ref[...] = (
            jnp.dot(pooled, wf_ref[...], preferred_element_type=jnp.float32)
            + bf_ref[...]
        )


def _mlp2(h, acc, W3, b3, W4, b4, Wf, bf):
    grid = (N_NODES // _BLK,)
    return pl.pallas_call(
        _mlp2_body,
        grid=grid,
        in_specs=[
            pl.BlockSpec((_BLK, DIM), lambda i: (i, 0)),
            pl.BlockSpec((1, _BLK, DIM), lambda i: (0, i, 0)),
            pl.BlockSpec((1, _BLK, DIM), lambda i: (1, i, 0)),
            pl.BlockSpec((DIM, DIM), lambda i: (0, 0)),
            pl.BlockSpec((1, DIM), lambda i: (0, 0)),
            pl.BlockSpec((DIM, DIM), lambda i: (0, 0)),
            pl.BlockSpec((1, DIM), lambda i: (0, 0)),
            pl.BlockSpec((DIM, DIM), lambda i: (0, 0)),
            pl.BlockSpec((1, DIM), lambda i: (0, 0)),
        ],
        out_specs=pl.BlockSpec((1, DIM), lambda i: (0, 0)),
        out_shape=jax.ShapeDtypeStruct((1, DIM), jnp.float32),
        scratch_shapes=[pltpu.VMEM((1, DIM), jnp.float32)],
    )(h, acc, acc, W3, b3.reshape(1, DIM), W4, b4.reshape(1, DIM),
      Wf, bf.reshape(1, DIM))


def kernel(x, edge_index, W1, b1, W2, b2, W3, b3, W4, b4, Wf, bf):
    ei = edge_index.astype(jnp.int32)
    acc1 = _sc_agg(x, ei)
    h1 = _mlp1(x, acc1, W1, b1, W2, b2)
    acc2 = _sc_agg(h1, ei)
    out = _mlp2(h1, acc2, W3, b3, W4, b4, Wf, bf)
    return out.reshape(DIM)

# --- scband reference (transcript-rebuilt; emitter-appended) ---
"""Pipeline reference for scband-ginmodel-70334384439968 (READ-ONLY COPY).

The authoritative reference and input builder live on the scoring server;
editing this copy changes nothing except your own understanding.
"""

import jax, jax.numpy as jnp
import numpy as np

N_NODES = 10000
N_EDGES = 320000
NODE_DIM = 128
HIDDEN_DIM = 128
OUTPUT_DIM = 128


def setup_inputs(seed: int = 0) -> dict:
    key = jax.random.key(seed)
    ks = jax.random.split(key, 12)
    x = jax.random.normal(ks[0], (N_NODES, NODE_DIM), dtype=jnp.float32)
    edge_index = jax.random.randint(ks[1], (2, N_EDGES), 0, N_NODES, dtype=jnp.int64)
    s1 = 1.0 / np.sqrt(NODE_DIM)
    s2 = 1.0 / np.sqrt(HIDDEN_DIM)
    # conv1 MLP: Linear(node_dim, hidden) -> ReLU -> Linear(hidden, hidden)
    W1 = jax.random.uniform(ks[2], (NODE_DIM, HIDDEN_DIM), jnp.float32, -s1, s1)
    b1 = jax.random.uniform(ks[3], (HIDDEN_DIM,), jnp.float32, -s1, s1)
    W2 = jax.random.uniform(ks[4], (HIDDEN_DIM, HIDDEN_DIM), jnp.float32, -s2, s2)
    b2 = jax.random.uniform(ks[5], (HIDDEN_DIM,), jnp.float32, -s2, s2)
    # conv2 MLP
    W3 = jax.random.uniform(ks[6], (HIDDEN_DIM, HIDDEN_DIM), jnp.float32, -s2, s2)
    b3 = jax.random.uniform(ks[7], (HIDDEN_DIM,), jnp.float32, -s2, s2)
    W4 = jax.random.uniform(ks[8], (HIDDEN_DIM, HIDDEN_DIM), jnp.float32, -s2, s2)
    b4 = jax.random.uniform(ks[9], (HIDDEN_DIM,), jnp.float32, -s2, s2)
    # final fc
    Wf = jax.random.uniform(ks[10], (HIDDEN_DIM, OUTPUT_DIM), jnp.float32, -s2, s2)
    bf = jax.random.uniform(ks[11], (OUTPUT_DIM,), jnp.float32, -s2, s2)
    return {"x": x, "edge_index": edge_index, "W1": W1, "b1": b1, "W2": W2,
            "b2": b2, "W3": W3, "b3": b3, "W4": W4, "b4": b4, "Wf": Wf, "bf": bf}


def _gin_conv(x, src, dst, Wa, ba, Wb, bb, eps=0.0):
    # sum-aggregate messages from source nodes to destination nodes (scatter-add)
    agg = jnp.zeros_like(x).at[dst].add(x[src])
    h = (1.0 + eps) * x + agg
    h = h @ Wa + ba
    h = jax.nn.relu(h)
    h = h @ Wb + bb
    return h


def reference(x, edge_index, W1, b1, W2, b2, W3, b3, W4, b4, Wf, bf):
    src = edge_index[0]
    dst = edge_index[1]
    h = _gin_conv(x, src, dst, W1, b1, W2, b2)
    h = _gin_conv(h, src, dst, W3, b3, W4, b4)
    pooled = h.mean(axis=0)
    return pooled @ Wf + bf

if __name__ == "__main__":
    import jax
    _d = setup_inputs()
    print(jax.jit(kernel)(*tuple(_d.values())))

</pallas_src>

<mosaic_0001>
#map = affine_map<(d0, d1) -> (0, 0)>
#map1 = affine_map<(d0, d1) -> (0, 0, 0)>
module attributes {stable_mosaic.version = 14 : i64} {
  func.func @_sc_agg(%arg0: i32, %arg1: i32, %arg2: memref<10000x128xf32, #tpu.memory_space<hbm>>, %arg3: memref<2x320000xi32, #tpu.memory_space<hbm>>, %arg4: memref<2x10000x128xf32, #tpu.memory_space<hbm>>, %arg5: memref<128xi32, #tpu.memory_space<vmem>>, %arg6: memref<128xi32, #tpu.memory_space<vmem>>, %arg7: memref<128xi32, #tpu.memory_space<vmem>>, %arg8: memref<128xi32, #tpu.memory_space<vmem>>, %arg9: memref<128xi32, #tpu.memory_space<vmem>>, %arg10: memref<128xi32, #tpu.memory_space<vmem>>, %arg11: memref<128x128xf32, #tpu.memory_space<vmem>>, %arg12: memref<128x128xf32, #tpu.memory_space<vmem>>, %arg13: memref<128x128xf32, #tpu.memory_space<vmem>>, %arg14: memref<10000x128xf32, #tpu.memory_space<vmem_shared>>, %arg15: memref<!tpu.dma_semaphore, #tpu.memory_space<semaphore_mem>>, %arg16: memref<!tpu.dma_semaphore, #tpu.memory_space<semaphore_mem>>, %arg17: memref<!tpu.dma_semaphore, #tpu.memory_space<semaphore_mem>>, %arg18: memref<!tpu.dma_semaphore, #tpu.memory_space<semaphore_mem>>, %arg19: memref<!tpu.dma_semaphore, #tpu.memory_space<semaphore_mem>>, %arg20: memref<!tpu.dma_semaphore, #tpu.memory_space<semaphore_mem>>, %arg21: memref<!tpu.dma_semaphore, #tpu.memory_space<semaphore_mem>>, %arg22: memref<!tpu.dma_semaphore, #tpu.memory_space<semaphore_mem>>, %arg23: memref<!tpu.dma_semaphore, #tpu.memory_space<semaphore_mem>>, %arg24: memref<!tpu.dma_semaphore, #tpu.memory_space<semaphore_mem>>) attributes {dimension_semantics = [#tpu.dimension_semantics<core_parallel>, #tpu.dimension_semantics<subcore_parallel>], iteration_bounds = array<i64: 2, 16>, scalar_prefetch = 0 : i64, scratch_operands = 20 : i64, tpu.core_type = #tpu.core_type<sc_vector_subcore>, window_params = [{transform_indices = #map}, {transform_indices = #map}, {transform_indices = #map1}]} {
    %mul3A = arith.constant 16 : i32
    %mul3A_0 = arith.muli %arg0, %mul3A : i32
    %add3A = arith.addi %mul3A_0, %arg1 : i32
    %add3A_1 = arith.constant 0 : i32
    %add3A_2 = arith.addi %add3A_1, %add3A : i32
    %mul3A_3 = arith.constant 128 : i32
    %mul3A_4 = arith.muli %add3A_2, %mul3A_3 : i32
    %dma_start3A = arith.constant 0 : i32
    %dma_start3A_5 = tpu.memref_slice %arg3[%dma_start3A, %mul3A_4] : memref<2x320000xi32, #tpu.memory_space<hbm>> -> memref<1x128xi32, #tpu.memory_space<hbm>>
    %dma_start3A_6 = tpu.memref_squeeze %dma_start3A_5 : memref<1x128xi32, #tpu.memory_space<hbm>> -> memref<128xi32, #tpu.memory_space<hbm>>
    %dma_start3A_7 = tpu.memref_slice %arg3[%dma_start3A, %mul3A_4] : memref<2x320000xi32, #tpu.memory_space<hbm>> -> memref<1x128xi32, #tpu.memory_space<hbm>>
    %dma_start3A_8 = tpu.memref_squeeze %dma_start3A_7 : memref<1x128xi32, #tpu.memory_space<hbm>> -> memref<128xi32, #tpu.memory_space<hbm>>
    tpu.enqueue_dma source(%dma_start3A_8 : memref<128xi32, #tpu.memory_space<hbm>>) target(%arg5 : memref<128xi32, #tpu.memory_space<vmem>>) target_semaphore(%arg15 : memref<!tpu.dma_semaphore, #tpu.memory_space<semaphore_mem>>)
    %add3A_9 = arith.constant 32 : i32
    %add3A_10 = arith.addi %add3A_9, %add3A : i32
    %mul3A_11 = arith.constant 128 : i32
    %mul3A_12 = arith.muli %add3A_10, %mul3A_11 : i32
    %dma_start3A_13 = arith.constant 0 : i32
    %dma_start3A_14 = tpu.memref_slice %arg3[%dma_start3A_13, %mul3A_12] : memref<2x320000xi32, #tpu.memory_space<hbm>> -> memref<1x128xi32, #tpu.memory_space<hbm>>
    %dma_start3A_15 = tpu.memref_squeeze %dma_start3A_14 : memref<1x128xi32, #tpu.memory_space<hbm>> -> memref<128xi32, #tpu.memory_space<hbm>>
    %dma_start3A_16 = tpu.memref_slice %arg3[%dma_start3A_13, %mul3A_12] : memref<2x320000xi32, #tpu.memory_space<hbm>> -> memref<1x128xi32, #tpu.memory_space<hbm>>
    %dma_start3A_17 = tpu.memref_squeeze %dma_start3A_16 : memref<1x128xi32, #tpu.memory_space<hbm>> -> memref<128xi32, #tpu.memory_space<hbm>>
    tpu.enqueue_dma source(%dma_start3A_17 : memref<128xi32, #tpu.memory_space<hbm>>) target(%arg6 : memref<128xi32, #tpu.memory_space<vmem>>) target_semaphore(%arg16 : memref<!tpu.dma_semaphore, #tpu.memory_space<semaphore_mem>>)
    %add3A_18 = arith.constant 64 : i32
    %add3A_19 = arith.addi %add3A_18, %add3A : i32
    %mul3A_20 = arith.constant 128 : i32
    %mul3A_21 = arith.muli %add3A_19, %mul3A_20 : i32
    %dma_start3A_22 = arith.constant 0 : i32
    %dma_start3A_23 = tpu.memref_slice %arg3[%dma_start3A_22, %mul3A_21] : memref<2x320000xi32, #tpu.memory_space<hbm>> -> memref<1x128xi32, #tpu.memory_space<hbm>>
    %dma_start3A_24 = tpu.memref_squeeze %dma_start3A_23 : memref<1x128xi32, #tpu.memory_space<hbm>> -> memref<128xi32, #tpu.memory_space<hbm>>
    %dma_start3A_25 = tpu.memref_slice %arg3[%dma_start3A_22, %mul3A_21] : memref<2x320000xi32, #tpu.memory_space<hbm>> -> memref<1x128xi32, #tpu.memory_space<hbm>>
    %dma_start3A_26 = tpu.memref_squeeze %dma_start3A_25 : memref<1x128xi32, #tpu.memory_space<hbm>> -> memref<128xi32, #tpu.memory_space<hbm>>
    tpu.enqueue_dma source(%dma_start3A_26 : memref<128xi32, #tpu.memory_space<hbm>>) target(%arg7 : memref<128xi32, #tpu.memory_space<vmem>>) target_semaphore(%arg17 : memref<!tpu.dma_semaphore, #tpu.memory_space<semaphore_mem>>)
    %scan3A = arith.constant 0 : i32
    %scan3A_27 = arith.constant 0 : i32
    %scan3A_28 = arith.constant 80 : i32
    %scan3A_29 = arith.addi %scan3A_27, %scan3A_28 : i32
    %scan3A_30 = arith.constant 1 : i32
    scf.for %scan3A_259 = %scan3A_27 to %scan3A_29 step %scan3A_30  : i32 {
      %broadcast_in_dim3A = arith.constant 0.000000e+00 : f32
      %broadcast_in_dim3A_260 = vector.broadcast %broadcast_in_dim3A : f32 to vector<16xf32>
      %swap3A = arith.index_cast %scan3A_259 : i32 to index
      %swap3A_261 = arith.constant 0 : index
      %swap3A_262 = tpu.vector_load %arg13[%swap3A, %swap3A_261] {strides = array<i32>} : memref<128x128xf32, #tpu.memory_space<vmem>>, vector<1x16xf32>,
      %swap3A_263 = vector.shape_cast %swap3A_262 : vector<1x16xf32> to vector<16xf32>
      %swap3A_264 = vector.shape_cast %broadcast_in_dim3A_260 : vector<16xf32> to vector<1x16xf32>
      tpu.vector_store %arg13[%swap3A, %swap3A_261], %swap3A_264 {strides = array<i32>} : memref<128x128xf32, #tpu.memory_space<vmem>>, vector<1x16xf32>,
      %broadcast_in_dim3A_265 = arith.constant 0.000000e+00 : f32
      %broadcast_in_dim3A_266 = vector.broadcast %broadcast_in_dim3A_265 : f32 to vector<16xf32>
      %swap3A_267 = arith.index_cast %scan3A_259 : i32 to index
      %swap3A_268 = arith.constant 16 : index
      %swap3A_269 = tpu.vector_load %arg13[%swap3A_267, %swap3A_268] {strides = array<i32>} : memref<128x128xf32, #tpu.memory_space<vmem>>, vector<1x16xf32>,
      %swap3A_270 = vector.shape_cast %swap3A_269 : vector<1x16xf32> to vector<16xf32>
      %swap3A_271 = vector.shape_cast %broadcast_in_dim3A_266 : vector<16xf32> to vector<1x16xf32>
      tpu.vector_store %arg13[%swap3A_267, %swap3A_268], %swap3A_271 {strides = array<i32>} : memref<128x128xf32, #tpu.memory_space<vmem>>, vector<1x16xf32>,
      %broadcast_in_dim3A_272 = arith.constant 0.000000e+00 : f32
      %broadcast_in_dim3A_273 = vector.broadcast %broadcast_in_dim3A_272 : f32 to vector<16xf32>
      %swap3A_274 = arith.index_cast %scan3A_259 : i32 to index
      %swap3A_275 = arith.constant 32 : index
      %swap3A_276 = tpu.vector_load %arg13[%swap3A_274, %swap3A_275] {strides = array<i32>} : memref<128x128xf32, #tpu.memory_space<vmem>>, vector<1x16xf32>,
      %swap3A_277 = vector.shape_cast %swap3A_276 : vector<1x16xf32> to vector<16xf32>
      %swap3A_278 = vector.shape_cast %broadcast_in_dim3A_273 : vector<16xf32> to vector<1x16xf32>
      tpu.vector_store %arg13[%swap3A_274, %swap3A_275], %swap3A_278 {strides = array<i32>} : memref<128x128xf32, #tpu.memory_space<vmem>>, vector<1x16xf32>,
      %broadcast_in_dim3A_279 = arith.constant 0.000000e+00 : f32
      %broadcast_in_dim3A_280 = vector.broadcast %broadcast_in_dim3A_279 : f32 to vector<16xf32>
      %swap3A_281 = arith.index_cast %scan3A_259 : i32 to index
      %swap3A_282 = arith.constant 48 : index
      %swap3A_283 = tpu.vector_load %arg13[%swap3A_281, %swap3A_282] {strides = array<i32>} : memref<128x128xf32, #tpu.memory_space<vmem>>, vector<1x16xf32>,
      %swap3A_284 = vector.shape_cast %swap3A_283 : vector<1x16xf32> to vector<16xf32>
      %swap3A_285 = vector.shape_cast %broadcast_in_dim3A_280 : vector<16xf32> to vector<1x16xf32>
      tpu.vector_store %arg13[%swap3A_281, %swap3A_282], %swap3A_285 {strides = array<i32>} : memref<128x128xf32, #tpu.memory_space<vmem>>, vector<1x16xf32>,
      %broadcast_in_dim3A_286 = arith.constant 0.000000e+00 : f32
      %broadcast_in_dim3A_287 = vector.broadcast %broadcast_in_dim3A_286 : f32 to vector<16xf32>
      %swap3A_288 = arith.index_cast %scan3A_259 : i32 to index
      %swap3A_289 = arith.constant 64 : index
      %swap3A_290 = tpu.vector_load %arg13[%swap3A_288, %swap3A_289] {strides = array<i32>} : memref<128x128xf32, #tpu.memory_space<vmem>>, vector<1x16xf32>,
      %swap3A_291 = vector.shape_cast %swap3A_290 : vector<1x16xf32> to vector<16xf32>
      %swap3A_292 = vector.shape_cast %broadcast_in_dim3A_287 : vector<16xf32> to vector<1x16xf32>
      tpu.vector_store %arg13[%swap3A_288, %swap3A_289], %swap3A_292 {strides = array<i32>} : memref<128x128xf32, #tpu.memory_space<vmem>>, vector<1x16xf32>,
      %broadcast_in_dim3A_293 = arith.constant 0.000000e+00 : f32
      %broadcast_in_dim3A_294 = vector.broadcast %broadcast_in_dim3A_293 : f32 to vector<16xf32>
      %swap3A_295 = arith.index_cast %scan3A_259 : i32 to index
      %swap3A_296 = arith.constant 80 : index
      %swap3A_297 = tpu.vector_load %arg13[%swap3A_295, %swap3A_296] {strides = array<i32>} : memref<128x128xf32, #tpu.memory_space<vmem>>, vector<1x16xf32>,
      %swap3A_298 = vector.shape_cast %swap3A_297 : vector<1x16xf32> to vector<16xf32>
      %swap3A_299 = vector.shape_cast %broadcast_in_dim3A_294 : vector<16xf32> to vector<1x16xf32>
      tpu.vector_store %arg13[%swap3A_295, %swap3A_296], %swap3A_299 {strides = array<i32>} : memref<128x128xf32, #tpu.memory_space<vmem>>, vector<1x16xf32>,
      %broadcast_in_dim3A_300 = arith.constant 0.000000e+00 : f32
      %broadcast_in_dim3A_301 = vector.broadcast %broadcast_in_dim3A_300 : f32 to vector<16xf32>
      %swap3A_302 = arith.index_cast %scan3A_259 : i32 to index
      %swap3A_303 = arith.constant 96 : index
      %swap3A_304 = tpu.vector_load %arg13[%swap3A_302, %swap3A_303] {strides = array<i32>} : memref<128x128xf32, #tpu.memory_space<vmem>>, vector<1x16xf32>,
      %swap3A_305 = vector.shape_cast %swap3A_304 : vector<1x16xf32> to vector<16xf32>
      %swap3A_306 = vector.shape_cast %broadcast_in_dim3A_301 : vector<16xf32> to vector<1x16xf32>
      tpu.vector_store %arg13[%swap3A_302, %swap3A_303], %swap3A_306 {strides = array<i32>} : memref<128x128xf32, #tpu.memory_space<vmem>>, vector<1x16xf32>,
      %broadcast_in_dim3A_307 = arith.constant 0.000000e+00 : f32
      %broadcast_in_dim3A_308 = vector.broadcast %broadcast_in_dim3A_307 : f32 to vector<16xf32>
      %swap3A_309 = arith.index_cast %scan3A_259 : i32 to index
      %swap3A_310 = arith.constant 112 : index
      %swap3A_311 = tpu.vector_load %arg13[%swap3A_309, %swap3A_310] {strides = array<i32>} : memref<128x128xf32, #tpu.memory_space<vmem>>, vector<1x16xf32>,
      %swap3A_312 = vector.shape_cast %swap3A_311 : vector<1x16xf32> to vector<16xf32>
      %swap3A_313 = vector.shape_cast %broadcast_in_dim3A_308 : vector<16xf32> to vector<1x16xf32>
      tpu.vector_store %arg13[%swap3A_309, %swap3A_310], %swap3A_313 {strides = array<i32>} : memref<128x128xf32, #tpu.memory_space<vmem>>, vector<1x16xf32>,
    }
    %scan3A_31 = arith.constant 80 : i32
    %add3A_32 = arith.constant 0 : i32
    %add3A_33 = arith.addi %add3A_32, %arg1 : i32
    %lt3A = arith.constant 125 : i32
    %lt3A_34 = arith.cmpi slt, %add3A_33, %lt3A : i32
    %convert_element_type3A = arith.extui %lt3A_34 : i1 to i32
    %cond3A = arith.constant 0 : i32
    %cond3A_35 = arith.cmpi ne, %convert_element_type3A, %cond3A : i32
    scf.if %cond3A_35 {
      %add3A_259 = arith.constant 0 : i32
      %add3A_260 = arith.addi %add3A_259, %arg1 : i32
      %mul3A_261 = arith.constant 80 : i32
      %mul3A_262 = arith.muli %add3A_260, %mul3A_261 : i32
      %multiple_of3A = tpu.assume_multiple %mul3A_262, 8 : i32
      %dma_start3A_263 = arith.constant 0 : i32
      %dma_start3A_264 = arith.constant 0 : i32
      %dma_start3A_265 = tpu.memref_slice %arg13[%dma_start3A_263, %dma_start3A_264] : memref<128x128xf32, #tpu.memory_space<vmem>> -> memref<80x128xf32, #tpu.memory_space<vmem>>
      %dma_start3A_266 = arith.constant 0 : i32
      %dma_start3A_267 = tpu.memref_slice %arg14[%multiple_of3A, %dma_start3A_266] : memref<10000x128xf32, #tpu.memory_space<vmem_shared>> -> memref<80x128xf32, #tpu.memory_space<vmem_shared>>
      %dma_start3A_268 = arith.constant 0 : i32
      %dma_start3A_269 = tpu.memref_slice %arg14[%multiple_of3A, %dma_start3A_268] : memref<10000x128xf32, #tpu.memory_space<vmem_shared>> -> memref<80x128xf32, #tpu.memory_space<vmem_shared>>
      %dma_start3A_270 = arith.constant 0 : i32
      %dma_start3A_271 = arith.constant 0 : i32
      %dma_start3A_272 = tpu.memref_slice %arg13[%dma_start3A_270, %dma_start3A_271] : memref<128x128xf32, #tpu.memory_space<vmem>> -> memref<80x128xf32, #tpu.memory_space<vmem>>
      tpu.enqueue_dma source(%dma_start3A_272 : memref<80x128xf32, #tpu.memory_space<vmem>>) target(%dma_start3A_269 : memref<80x128xf32, #tpu.memory_space<vmem_shared>>) target_semaphore(%arg24 : memref<!tpu.dma_semaphore, #tpu.memory_space<semaphore_mem>>)
    } else {
    }
    %add3A_36 = arith.constant 16 : i32
    %add3A_37 = arith.addi %add3A_36, %arg1 : i32
    %lt3A_38 = arith.constant 125 : i32
    %lt3A_39 = arith.cmpi slt, %add3A_37, %lt3A_38 : i32
    %convert_element_type3A_40 = arith.extui %lt3A_39 : i1 to i32
    %cond3A_41 = arith.constant 0 : i32
    %cond3A_42 = arith.cmpi ne, %convert_element_type3A_40, %cond3A_41 : i32
    scf.if %cond3A_42 {
      %add3A_259 = arith.constant 16 : i32
      %add3A_260 = arith.addi %add3A_259, %arg1 : i32
      %mul3A_261 = arith.constant 80 : i32
      %mul3A_262 = arith.muli %add3A_260, %mul3A_261 : i32
      %multiple_of3A = tpu.assume_multiple %mul3A_262, 8 : i32
      %dma_start3A_263 = arith.constant 0 : i32
      %dma_start3A_264 = arith.constant 0 : i32
      %dma_start3A_265 = tpu.memref_slice %arg13[%dma_start3A_263, %dma_start3A_264] : memref<128x128xf32, #tpu.memory_space<vmem>> -> memref<80x128xf32, #tpu.memory_space<vmem>>
      %dma_start3A_266 = arith.constant 0 : i32
      %dma_start3A_267 = tpu.memref_slice %arg14[%multiple_of3A, %dma_start3A_266] : memref<10000x128xf32, #tpu.memory_space<vmem_shared>> -> memref<80x128xf32, #tpu.memory_space<vmem_shared>>
      %dma_start3A_268 = arith.constant 0 : i32
      %dma_start3A_269 = tpu.memref_slice %arg14[%multiple_of3A, %dma_start3A_268] : memref<10000x128xf32, #tpu.memory_space<vmem_shared>> -> memref<80x128xf32, #tpu.memory_space<vmem_shared>>
      %dma_start3A_270 = arith.constant 0 : i32
      %dma_start3A_271 = arith.constant 0 : i32
      %dma_start3A_272 = tpu.memref_slice %arg13[%dma_start3A_270, %dma_start3A_271] : memref<128x128xf32, #tpu.memory_space<vmem>> -> memref<80x128xf32, #tpu.memory_space<vmem>>
      tpu.enqueue_dma source(%dma_start3A_272 : memref<80x128xf32, #tpu.memory_space<vmem>>) target(%dma_start3A_269 : memref<80x128xf32, #tpu.memory_space<vmem_shared>>) target_semaphore(%arg24 : memref<!tpu.dma_semaphore, #tpu.memory_space<semaphore_mem>>)
    } else {
    }
    %add3A_43 = arith.constant 32 : i32
    %add3A_44 = arith.addi %add3A_43, %arg1 : i32
    %lt3A_45 = arith.constant 125 : i32
    %lt3A_46 = arith.cmpi slt, %add3A_44, %lt3A_45 : i32
    %convert_element_type3A_47 = arith.extui %lt3A_46 : i1 to i32
    %cond3A_48 = arith.constant 0 : i32
    %cond3A_49 = arith.cmpi ne, %convert_element_type3A_47, %cond3A_48 : i32
    scf.if %cond3A_49 {
      %add3A_259 = arith.constant 32 : i32
      %add3A_260 = arith.addi %add3A_259, %arg1 : i32
      %mul3A_261 = arith.constant 80 : i32
      %mul3A_262 = arith.muli %add3A_260, %mul3A_261 : i32
      %multiple_of3A = tpu.assume_multiple %mul3A_262, 8 : i32
      %dma_start3A_263 = arith.constant 0 : i32
      %dma_start3A_264 = arith.constant 0 : i32
      %dma_start3A_265 = tpu.memref_slice %arg13[%dma_start3A_263, %dma_start3A_264] : memref<128x128xf32, #tpu.memory_space<vmem>> -> memref<80x128xf32, #tpu.memory_space<vmem>>
      %dma_start3A_266 = arith.constant 0 : i32
      %dma_start3A_267 = tpu.memref_slice %arg14[%multiple_of3A, %dma_start3A_266] : memref<10000x128xf32, #tpu.memory_space<vmem_shared>> -> memref<80x128xf32, #tpu.memory_space<vmem_shared>>
      %dma_start3A_268 = arith.constant 0 : i32
      %dma_start3A_269 = tpu.memref_slice %arg14[%multiple_of3A, %dma_start3A_268] : memref<10000x128xf32, #tpu.memory_space<vmem_shared>> -> memref<80x128xf32, #tpu.memory_space<vmem_shared>>
      %dma_start3A_270 = arith.constant 0 : i32
      %dma_start3A_271 = arith.constant 0 : i32
      %dma_start3A_272 = tpu.memref_slice %arg13[%dma_start3A_270, %dma_start3A_271] : memref<128x128xf32, #tpu.memory_space<vmem>> -> memref<80x128xf32, #tpu.memory_space<vmem>>
      tpu.enqueue_dma source(%dma_start3A_272 : memref<80x128xf32, #tpu.memory_space<vmem>>) target(%dma_start3A_269 : memref<80x128xf32, #tpu.memory_space<vmem_shared>>) target_semaphore(%arg24 : memref<!tpu.dma_semaphore, #tpu.memory_space<semaphore_mem>>)
    } else {
    }
    %add3A_50 = arith.constant 48 : i32
    %add3A_51 = arith.addi %add3A_50, %arg1 : i32
    %lt3A_52 = arith.constant 125 : i32
    %lt3A_53 = arith.cmpi slt, %add3A_51, %lt3A_52 : i32
    %convert_element_type3A_54 = arith.extui %lt3A_53 : i1 to i32
    %cond3A_55 = arith.constant 0 : i32
    %cond3A_56 = arith.cmpi ne, %convert_element_type3A_54, %cond3A_55 : i32
    scf.if %cond3A_56 {
      %add3A_259 = arith.constant 48 : i32
      %add3A_260 = arith.addi %add3A_259, %arg1 : i32
      %mul3A_261 = arith.constant 80 : i32
      %mul3A_262 = arith.muli %add3A_260, %mul3A_261 : i32
      %multiple_of3A = tpu.assume_multiple %mul3A_262, 8 : i32
      %dma_start3A_263 = arith.constant 0 : i32
      %dma_start3A_264 = arith.constant 0 : i32
      %dma_start3A_265 = tpu.memref_slice %arg13[%dma_start3A_263, %dma_start3A_264] : memref<128x128xf32, #tpu.memory_space<vmem>> -> memref<80x128xf32, #tpu.memory_space<vmem>>
      %dma_start3A_266 = arith.constant 0 : i32
      %dma_start3A_267 = tpu.memref_slice %arg14[%multiple_of3A, %dma_start3A_266] : memref<10000x128xf32, #tpu.memory_space<vmem_shared>> -> memref<80x128xf32, #tpu.memory_space<vmem_shared>>
      %dma_start3A_268 = arith.constant 0 : i32
      %dma_start3A_269 = tpu.memref_slice %arg14[%multiple_of3A, %dma_start3A_268] : memref<10000x128xf32, #tpu.memory_space<vmem_shared>> -> memref<80x128xf32, #tpu.memory_space<vmem_shared>>
      %dma_start3A_270 = arith.constant 0 : i32
      %dma_start3A_271 = arith.constant 0 : i32
      %dma_start3A_272 = tpu.memref_slice %arg13[%dma_start3A_270, %dma_start3A_271] : memref<128x128xf32, #tpu.memory_space<vmem>> -> memref<80x128xf32, #tpu.memory_space<vmem>>
      tpu.enqueue_dma source(%dma_start3A_272 : memref<80x128xf32, #tpu.memory_space<vmem>>) target(%dma_start3A_269 : memref<80x128xf32, #tpu.memory_space<vmem_shared>>) target_semaphore(%arg24 : memref<!tpu.dma_semaphore, #tpu.memory_space<semaphore_mem>>)
    } else {
    }
    %add3A_57 = arith.constant 64 : i32
    %add3A_58 = arith.addi %add3A_57, %arg1 : i32
    %lt3A_59 = arith.constant 125 : i32
    %lt3A_60 = arith.cmpi slt, %add3A_58, %lt3A_59 : i32
    %convert_element_type3A_61 = arith.extui %lt3A_60 : i1 to i32
    %cond3A_62 = arith.constant 0 : i32
    %cond3A_63 = arith.cmpi ne, %convert_element_type3A_61, %cond3A_62 : i32
    scf.if %cond3A_63 {
      %add3A_259 = arith.constant 64 : i32
      %add3A_260 = arith.addi %add3A_259, %arg1 : i32
      %mul3A_261 = arith.constant 80 : i32
      %mul3A_262 = arith.muli %add3A_260, %mul3A_261 : i32
      %multiple_of3A = tpu.assume_multiple %mul3A_262, 8 : i32
      %dma_start3A_263 = arith.constant 0 : i32
      %dma_start3A_264 = arith.constant 0 : i32
      %dma_start3A_265 = tpu.memref_slice %arg13[%dma_start3A_263, %dma_start3A_264] : memref<128x128xf32, #tpu.memory_space<vmem>> -> memref<80x128xf32, #tpu.memory_space<vmem>>
      %dma_start3A_266 = arith.constant 0 : i32
      %dma_start3A_267 = tpu.memref_slice %arg14[%multiple_of3A, %dma_start3A_266] : memref<10000x128xf32, #tpu.memory_space<vmem_shared>> -> memref<80x128xf32, #tpu.memory_space<vmem_shared>>
      %dma_start3A_268 = arith.constant 0 : i32
      %dma_start3A_269 = tpu.memref_slice %arg14[%multiple_of3A, %dma_start3A_268] : memref<10000x128xf32, #tpu.memory_space<vmem_shared>> -> memref<80x128xf32, #tpu.memory_space<vmem_shared>>
      %dma_start3A_270 = arith.constant 0 : i32
      %dma_start3A_271 = arith.constant 0 : i32
      %dma_start3A_272 = tpu.memref_slice %arg13[%dma_start3A_270, %dma_start3A_271] : memref<128x128xf32, #tpu.memory_space<vmem>> -> memref<80x128xf32, #tpu.memory_space<vmem>>
      tpu.enqueue_dma source(%dma_start3A_272 : memref<80x128xf32, #tpu.memory_space<vmem>>) target(%dma_start3A_269 : memref<80x128xf32, #tpu.memory_space<vmem_shared>>) target_semaphore(%arg24 : memref<!tpu.dma_semaphore, #tpu.memory_space<semaphore_mem>>)
    } else {
    }
    %add3A_64 = arith.constant 80 : i32
    %add3A_65 = arith.addi %add3A_64, %arg1 : i32
    %lt3A_66 = arith.constant 125 : i32
    %lt3A_67 = arith.cmpi slt, %add3A_65, %lt3A_66 : i32
    %convert_element_type3A_68 = arith.extui %lt3A_67 : i1 to i32
    %cond3A_69 = arith.constant 0 : i32
    %cond3A_70 = arith.cmpi ne, %convert_element_type3A_68, %cond3A_69 : i32
    scf.if %cond3A_70 {
      %add3A_259 = arith.constant 80 : i32
      %add3A_260 = arith.addi %add3A_259, %arg1 : i32
      %mul3A_261 = arith.constant 80 : i32
      %mul3A_262 = arith.muli %add3A_260, %mul3A_261 : i32
      %multiple_of3A = tpu.assume_multiple %mul3A_262, 8 : i32
      %dma_start3A_263 = arith.constant 0 : i32
      %dma_start3A_264 = arith.constant 0 : i32
      %dma_start3A_265 = tpu.memref_slice %arg13[%dma_start3A_263, %dma_start3A_264] : memref<128x128xf32, #tpu.memory_space<vmem>> -> memref<80x128xf32, #tpu.memory_space<vmem>>
      %dma_start3A_266 = arith.constant 0 : i32
      %dma_start3A_267 = tpu.memref_slice %arg14[%multiple_of3A, %dma_start3A_266] : memref<10000x128xf32, #tpu.memory_space<vmem_shared>> -> memref<80x128xf32, #tpu.memory_space<vmem_shared>>
      %dma_start3A_268 = arith.constant 0 : i32
      %dma_start3A_269 = tpu.memref_slice %arg14[%multiple_of3A, %dma_start3A_268] : memref<10000x128xf32, #tpu.memory_space<vmem_shared>> -> memref<80x128xf32, #tpu.memory_space<vmem_shared>>
      %dma_start3A_270 = arith.constant 0 : i32
      %dma_start3A_271 = arith.constant 0 : i32
      %dma_start3A_272 = tpu.memref_slice %arg13[%dma_start3A_270, %dma_start3A_271] : memref<128x128xf32, #tpu.memory_space<vmem>> -> memref<80x128xf32, #tpu.memory_space<vmem>>
      tpu.enqueue_dma source(%dma_start3A_272 : memref<80x128xf32, #tpu.memory_space<vmem>>) target(%dma_start3A_269 : memref<80x128xf32, #tpu.memory_space<vmem_shared>>) target_semaphore(%arg24 : memref<!tpu.dma_semaphore, #tpu.memory_space<semaphore_mem>>)
    } else {
    }
    %add3A_71 = arith.constant 96 : i32
    %add3A_72 = arith.addi %add3A_71, %arg1 : i32
    %lt3A_73 = arith.constant 125 : i32
    %lt3A_74 = arith.cmpi slt, %add3A_72, %lt3A_73 : i32
    %convert_element_type3A_75 = arith.extui %lt3A_74 : i1 to i32
    %cond3A_76 = arith.constant 0 : i32
    %cond3A_77 = arith.cmpi ne, %convert_element_type3A_75, %cond3A_76 : i32
    scf.if %cond3A_77 {
      %add3A_259 = arith.constant 96 : i32
      %add3A_260 = arith.addi %add3A_259, %arg1 : i32
      %mul3A_261 = arith.constant 80 : i32
      %mul3A_262 = arith.muli %add3A_260, %mul3A_261 : i32
      %multiple_of3A = tpu.assume_multiple %mul3A_262, 8 : i32
      %dma_start3A_263 = arith.constant 0 : i32
      %dma_start3A_264 = arith.constant 0 : i32
      %dma_start3A_265 = tpu.memref_slice %arg13[%dma_start3A_263, %dma_start3A_264] : memref<128x128xf32, #tpu.memory_space<vmem>> -> memref<80x128xf32, #tpu.memory_space<vmem>>
      %dma_start3A_266 = arith.constant 0 : i32
      %dma_start3A_267 = tpu.memref_slice %arg14[%multiple_of3A, %dma_start3A_266] : memref<10000x128xf32, #tpu.memory_space<vmem_shared>> -> memref<80x128xf32, #tpu.memory_space<vmem_shared>>
      %dma_start3A_268 = arith.constant 0 : i32
      %dma_start3A_269 = tpu.memref_slice %arg14[%multiple_of3A, %dma_start3A_268] : memref<10000x128xf32, #tpu.memory_space<vmem_shared>> -> memref<80x128xf32, #tpu.memory_space<vmem_shared>>
      %dma_start3A_270 = arith.constant 0 : i32
      %dma_start3A_271 = arith.constant 0 : i32
      %dma_start3A_272 = tpu.memref_slice %arg13[%dma_start3A_270, %dma_start3A_271] : memref<128x128xf32, #tpu.memory_space<vmem>> -> memref<80x128xf32, #tpu.memory_space<vmem>>
      tpu.enqueue_dma source(%dma_start3A_272 : memref<80x128xf32, #tpu.memory_space<vmem>>) target(%dma_start3A_269 : memref<80x128xf32, #tpu.memory_space<vmem_shared>>) target_semaphore(%arg24 : memref<!tpu.dma_semaphore, #tpu.memory_space<semaphore_mem>>)
    } else {
    }
    %add3A_78 = arith.constant 112 : i32
    %add3A_79 = arith.addi %add3A_78, %arg1 : i32
    %lt3A_80 = arith.constant 125 : i32
    %lt3A_81 = arith.cmpi slt, %add3A_79, %lt3A_80 : i32
    %convert_element_type3A_82 = arith.extui %lt3A_81 : i1 to i32
    %cond3A_83 = arith.constant 0 : i32
    %cond3A_84 = arith.cmpi ne, %convert_element_type3A_82, %cond3A_83 : i32
    scf.if %cond3A_84 {
      %add3A_259 = arith.constant 112 : i32
      %add3A_260 = arith.addi %add3A_259, %arg1 : i32
      %mul3A_261 = arith.constant 80 : i32
      %mul3A_262 = arith.muli %add3A_260, %mul3A_261 : i32
      %multiple_of3A = tpu.assume_multiple %mul3A_262, 8 : i32
      %dma_start3A_263 = arith.constant 0 : i32
      %dma_start3A_264 = arith.constant 0 : i32
      %dma_start3A_265 = tpu.memref_slice %arg13[%dma_start3A_263, %dma_start3A_264] : memref<128x128xf32, #tpu.memory_space<vmem>> -> memref<80x128xf32, #tpu.memory_space<vmem>>
      %dma_start3A_266 = arith.constant 0 : i32
      %dma_start3A_267 = tpu.memref_slice %arg14[%multiple_of3A, %dma_start3A_266] : memref<10000x128xf32, #tpu.memory_space<vmem_shared>> -> memref<80x128xf32, #tpu.memory_space<vmem_shared>>
      %dma_start3A_268 = arith.constant 0 : i32
      %dma_start3A_269 = tpu.memref_slice %arg14[%multiple_of3A, %dma_start3A_268] : memref<10000x128xf32, #tpu.memory_space<vmem_shared>> -> memref<80x128xf32, #tpu.memory_space<vmem_shared>>
      %dma_start3A_270 = arith.constant 0 : i32
      %dma_start3A_271 = arith.constant 0 : i32
      %dma_start3A_272 = tpu.memref_slice %arg13[%dma_start3A_270, %dma_start3A_271] : memref<128x128xf32, #tpu.memory_space<vmem>> -> memref<80x128xf32, #tpu.memory_space<vmem>>
      tpu.enqueue_dma source(%dma_start3A_272 : memref<80x128xf32, #tpu.memory_space<vmem>>) target(%dma_start3A_269 : memref<80x128xf32, #tpu.memory_space<vmem_shared>>) target_semaphore(%arg24 : memref<!tpu.dma_semaphore, #tpu.memory_space<semaphore_mem>>)
    } else {
    }
    %scan3A_85 = arith.constant 0 : i32
    %scan3A_86 = arith.constant 0 : i32
    %scan3A_87 = arith.constant 29 : i32
    %scan3A_88 = arith.addi %scan3A_86, %scan3A_87 : i32
    %scan3A_89 = arith.constant 1 : i32
    scf.for %scan3A_259 = %scan3A_86 to %scan3A_88 step %scan3A_89  : i32 {
      %mul3A_260 = arith.constant 3 : i32
      %mul3A_261 = arith.muli %scan3A_259, %mul3A_260 : i32
      %add3A_262 = arith.constant 0 : i32
      %add3A_263 = arith.addi %mul3A_261, %add3A_262 : i32
      %ge3A = arith.constant 3 : i32
      %ge3A_264 = arith.cmpi sge, %add3A_263, %ge3A : i32
      %sub3A = arith.constant 3 : i32
      %sub3A_265 = arith.subi %add3A_263, %sub3A : i32
      %mul3A_266 = arith.constant 32 : i32
      %mul3A_267 = arith.muli %sub3A_265, %mul3A_266 : i32
      %add3A_268 = arith.addi %mul3A_267, %add3A : i32
      %lt3A_269 = arith.constant 2500 : i32
      %lt3A_270 = arith.cmpi slt, %add3A_268, %lt3A_269 : i32
      %and3A = arith.andi %ge3A_264, %lt3A_270 : i1
      %convert_element_type3A_271 = arith.extui %and3A : i1 to i32
      %cond3A_272 = arith.constant 0 : i32
      %cond3A_273 = arith.cmpi ne, %convert_element_type3A_271, %cond3A_272 : i32
      scf.if %cond3A_273 {
        %dma_wait3A = arith.constant 0 : i32
        %dma_wait3A_371 = arith.constant 0 : i32
        %dma_wait3A_372 = tpu.memref_slice %arg2[%dma_wait3A, %dma_wait3A_371] : memref<10000x128xf32, #tpu.memory_space<hbm>> -> memref<128x128xf32, #tpu.memory_space<hbm>>
        %dma_wait3A_373 = arith.constant 0 : i32
        %dma_wait3A_374 = arith.constant 0 : i32
        %dma_wait3A_375 = tpu.memref_slice %arg2[%dma_wait3A_373, %dma_wait3A_374] : memref<10000x128xf32, #tpu.memory_space<hbm>> -> memref<128x128xf32, #tpu.memory_space<hbm>>
        tpu.wait_dma2 semaphore(%arg21 : memref<!tpu.dma_semaphore, #tpu.memory_space<semaphore_mem>>) src(%dma_wait3A_375 : memref<128x128xf32, #tpu.memory_space<hbm>>) dst(%arg11 : memref<128x128xf32, #tpu.memory_space<vmem>>)
      } else {
      }
      %mul3A_274 = arith.constant 32 : i32
      %mul3A_275 = arith.muli %add3A_263, %mul3A_274 : i32
      %add3A_276 = arith.addi %mul3A_275, %add3A : i32
      %lt3A_277 = arith.constant 2500 : i32
      %lt3A_278 = arith.cmpi slt, %add3A_276, %lt3A_277 : i32
      %convert_element_type3A_279 = arith.extui %lt3A_278 : i1 to i32
      %cond3A_280 = arith.constant 0 : i32
      %cond3A_281 = arith.cmpi ne, %convert_element_type3A_279, %cond3A_280 : i32
      scf.if %cond3A_281 {
        %mul3A_371 = arith.constant 32 : i32
        %mul3A_372 = arith.muli %add3A_263, %mul3A_371 : i32
        %add3A_373 = arith.addi %mul3A_372, %add3A : i32
        %mul3A_374 = arith.constant 128 : i32
        %mul3A_375 = arith.muli %add3A_373, %mul3A_374 : i32
        %dma_wait3A = arith.constant 0 : i32
        %dma_wait3A_376 = tpu.memref_slice %arg3[%dma_wait3A, %mul3A_375] : memref<2x320000xi32, #tpu.memory_space<hbm>> -> memref<1x128xi32, #tpu.memory_space<hbm>>
        %dma_wait3A_377 = tpu.memref_squeeze %dma_wait3A_376 : memref<1x128xi32, #tpu.memory_space<hbm>> -> memref<128xi32, #tpu.memory_space<hbm>>
        %dma_wait3A_378 = tpu.memref_slice %arg3[%dma_wait3A, %mul3A_375] : memref<2x320000xi32, #tpu.memory_space<hbm>> -> memref<1x128xi32, #tpu.memory_space<hbm>>
        %dma_wait3A_379 = tpu.memref_squeeze %dma_wait3A_378 : memref<1x128xi32, #tpu.memory_space<hbm>> -> memref<128xi32, #tpu.memory_space<hbm>>
        tpu.wait_dma2 semaphore(%arg15 : memref<!tpu.dma_semaphore, #tpu.memory_space<semaphore_mem>>) src(%dma_wait3A_379 : memref<128xi32, #tpu.memory_space<hbm>>) dst(%arg5 : memref<128xi32, #tpu.memory_space<vmem>>)
        %dma_start3A_380 = arith.constant 0 : i32
        %dma_start3A_381 = arith.constant 0 : i32
        %dma_start3A_382 = tpu.memref_slice %arg2[%dma_start3A_380, %dma_start3A_381] : memref<10000x128xf32, #tpu.memory_space<hbm>> -> memref<10000x128xf32, #tpu.memory_space<hbm>>
        tpu.enqueue_indirect_dma source(%dma_start3A_382 : memref<10000x128xf32, #tpu.memory_space<hbm>>) target(%arg11 : memref<128x128xf32, #tpu.memory_space<vmem>>) offsets(%arg5 : memref<128xi32, #tpu.memory_space<vmem>>) semaphore(%arg18 : memref<!tpu.dma_semaphore, #tpu.memory_space<semaphore_mem>>)
        %mul3A_383 = arith.constant 32 : i32
        %mul3A_384 = arith.muli %add3A_263, %mul3A_383 : i32
        %add3A_385 = arith.addi %mul3A_384, %add3A : i32
        %mul3A_386 = arith.constant 128 : i32
        %mul3A_387 = arith.muli %add3A_385, %mul3A_386 : i32
        %dma_start3A_388 = arith.constant 1 : i32
        %dma_start3A_389 = tpu.memref_slice %arg3[%dma_start3A_388, %mul3A_387] : memref<2x320000xi32, #tpu.memory_space<hbm>> -> memref<1x128xi32, #tpu.memory_space<hbm>>
        %dma_start3A_390 = tpu.memref_squeeze %dma_start3A_389 : memref<1x128xi32, #tpu.memory_space<hbm>> -> memref<128xi32, #tpu.memory_space<hbm>>
        %dma_start3A_391 = tpu.memref_slice %arg3[%dma_start3A_388, %mul3A_387] : memref<2x320000xi32, #tpu.memory_space<hbm>> -> memref<1x128xi32, #tpu.memory_space<hbm>>
        %dma_start3A_392 = tpu.memref_squeeze %dma_start3A_391 : memref<1x128xi32, #tpu.memory_space<hbm>> -> memref<128xi32, #tpu.memory_space<hbm>>
        tpu.enqueue_dma source(%dma_start3A_392 : memref<128xi32, #tpu.memory_space<hbm>>) target(%arg8 : memref<128xi32, #tpu.memory_space<vmem>>) target_semaphore(%arg21 : memref<!tpu.dma_semaphore, #tpu.memory_space<semaphore_mem>>)
      } else {
      }
      %ge3A_282 = arith.constant 1 : i32
      %ge3A_283 = arith.cmpi sge, %add3A_263, %ge3A_282 : i32
      %sub3A_284 = arith.constant 1 : i32
      %sub3A_285 = arith.subi %add3A_263, %sub3A_284 : i32
      %mul3A_286 = arith.constant 32 : i32
      %mul3A_287 = arith.muli %sub3A_285, %mul3A_286 : i32
      %add3A_288 = arith.addi %mul3A_287, %add3A : i32
      %lt3A_289 = arith.constant 2500 : i32
      %lt3A_290 = arith.cmpi slt, %add3A_288, %lt3A_289 : i32
      %and3A_291 = arith.andi %ge3A_283, %lt3A_290 : i1
      %convert_element_type3A_292 = arith.extui %and3A_291 : i1 to i32
      %cond3A_293 = arith.constant 0 : i32
      %cond3A_294 = arith.cmpi ne, %convert_element_type3A_292, %cond3A_293 : i32
      scf.if %cond3A_294 {
        %dma_wait3A = arith.constant 0 : i32
        %dma_wait3A_371 = arith.constant 0 : i32
        %dma_wait3A_372 = tpu.memref_slice %arg2[%dma_wait3A, %dma_wait3A_371] : memref<10000x128xf32, #tpu.memory_space<hbm>> -> memref<10000x128xf32, #tpu.memory_space<hbm>>
        tpu.wait_indirect_dma semaphore(%arg20 : memref<!tpu.dma_semaphore, #tpu.memory_space<semaphore_mem>>) src(%dma_wait3A_372 : memref<10000x128xf32, #tpu.memory_space<hbm>>) dst(%arg13 : memref<128x128xf32, #tpu.memory_space<vmem>>)
        %eq3A = arith.constant 1 : i32
        %eq3A_373 = arith.cmpi eq, %add3A_263, %eq3A : i32
        %convert_element_type3A_374 = arith.extui %eq3A_373 : i1 to i32
        %cond3A_375 = arith.constant 0 : i32
        %cond3A_376 = arith.cmpi ne, %convert_element_type3A_374, %cond3A_375 : i32
        scf.if %cond3A_376 {
          %add3A_404 = arith.constant 0 : i32
          %add3A_405 = arith.addi %add3A_404, %arg1 : i32
          %lt3A_406 = arith.constant 125 : i32
          %lt3A_407 = arith.cmpi slt, %add3A_405, %lt3A_406 : i32
          %convert_element_type3A_408 = arith.extui %lt3A_407 : i1 to i32
          %cond3A_409 = arith.constant 0 : i32
          %cond3A_410 = arith.cmpi ne, %convert_element_type3A_408, %cond3A_409 : i32
          scf.if %cond3A_410 {
            %add3A_461 = arith.constant 0 : i32
            %add3A_462 = arith.addi %add3A_461, %arg1 : i32
            %mul3A_463 = arith.constant 80 : i32
            %mul3A_464 = arith.muli %add3A_462, %mul3A_463 : i32
            %multiple_of3A = tpu.assume_multiple %mul3A_464, 8 : i32
            %dma_wait3A_465 = arith.constant 0 : i32
            %dma_wait3A_466 = arith.constant 0 : i32
            %dma_wait3A_467 = tpu.memref_slice %arg13[%dma_wait3A_465, %dma_wait3A_466] : memref<128x128xf32, #tpu.memory_space<vmem>> -> memref<80x128xf32, #tpu.memory_space<vmem>>
            %dma_wait3A_468 = arith.constant 0 : i32
            %dma_wait3A_469 = tpu.memref_slice %arg14[%multiple_of3A, %dma_wait3A_468] : memref<10000x128xf32, #tpu.memory_space<vmem_shared>> -> memref<80x128xf32, #tpu.memory_space<vmem_shared>>
            %dma_wait3A_470 = arith.constant 0 : i32
            %dma_wait3A_471 = tpu.memref_slice %arg14[%multiple_of3A, %dma_wait3A_470] : memref<10000x128xf32, #tpu.memory_space<vmem_shared>> -> memref<80x128xf32, #tpu.memory_space<vmem_shared>>
            %dma_wait3A_472 = arith.constant 0 : i32
            %dma_wait3A_473 = arith.constant 0 : i32
            %dma_wait3A_474 = tpu.memref_slice %arg13[%dma_wait3A_472, %dma_wait3A_473] : memref<128x128xf32, #tpu.memory_space<vmem>> -> memref<80x128xf32, #tpu.memory_space<vmem>>
            tpu.wait_dma2 semaphore(%arg24 : memref<!tpu.dma_semaphore, #tpu.memory_space<semaphore_mem>>) src(%dma_wait3A_474 : memref<80x128xf32, #tpu.memory_space<vmem>>) dst(%dma_wait3A_471 : memref<80x128xf32, #tpu.memory_space<vmem_shared>>)
          } else {
          }
          %add3A_411 = arith.constant 16 : i32
          %add3A_412 = arith.addi %add3A_411, %arg1 : i32
          %lt3A_413 = arith.constant 125 : i32
          %lt3A_414 = arith.cmpi slt, %add3A_412, %lt3A_413 : i32
          %convert_element_type3A_415 = arith.extui %lt3A_414 : i1 to i32
          %cond3A_416 = arith.constant 0 : i32
          %cond3A_417 = arith.cmpi ne, %convert_element_type3A_415, %cond3A_416 : i32
          scf.if %cond3A_417 {
            %add3A_461 = arith.constant 16 : i32
            %add3A_462 = arith.addi %add3A_461, %arg1 : i32
            %mul3A_463 = arith.constant 80 : i32
            %mul3A_464 = arith.muli %add3A_462, %mul3A_463 : i32
            %multiple_of3A = tpu.assume_multiple %mul3A_464, 8 : i32
            %dma_wait3A_465 = arith.constant 0 : i32
            %dma_wait3A_466 = arith.constant 0 : i32
            %dma_wait3A_467 = tpu.memref_slice %arg13[%dma_wait3A_465, %dma_wait3A_466] : memref<128x128xf32, #tpu.memory_space<vmem>> -> memref<80x128xf32, #tpu.memory_space<vmem>>
            %dma_wait3A_468 = arith.constant 0 : i32
            %dma_wait3A_469 = tpu.memref_slice %arg14[%multiple_of3A, %dma_wait3A_468] : memref<10000x128xf32, #tpu.memory_space<vmem_shared>> -> memref<80x128xf32, #tpu.memory_space<vmem_shared>>
            %dma_wait3A_470 = arith.constant 0 : i32
            %dma_wait3A_471 = tpu.memref_slice %arg14[%multiple_of3A, %dma_wait3A_470] : memref<10000x128xf32, #tpu.memory_space<vmem_shared>> -> memref<80x128xf32, #tpu.memory_space<vmem_shared>>
            %dma_wait3A_472 = arith.constant 0 : i32
            %dma_wait3A_473 = arith.constant 0 : i32
            %dma_wait3A_474 = tpu.memref_slice %arg13[%dma_wait3A_472, %dma_wait3A_473] : memref<128x128xf32, #tpu.memory_space<vmem>> -> memref<80x128xf32, #tpu.memory_space<vmem>>
            tpu.wait_dma2 semaphore(%arg24 : memref<!tpu.dma_semaphore, #tpu.memory_space<semaphore_mem>>) src(%dma_wait3A_474 : memref<80x128xf32, #tpu.memory_space<vmem>>) dst(%dma_wait3A_471 : memref<80x128xf32, #tpu.memory_space<vmem_shared>>)
          } else {
          }
          %add3A_418 = arith.constant 32 : i32
          %add3A_419 = arith.addi %add3A_418, %arg1 : i32
          %lt3A_420 = arith.constant 125 : i32
          %lt3A_421 = arith.cmpi slt, %add3A_419, %lt3A_420 : i32
          %convert_element_type3A_422 = arith.extui %lt3A_421 : i1 to i32
          %cond3A_423 = arith.constant 0 : i32
          %cond3A_424 = arith.cmpi ne, %convert_element_type3A_422, %cond3A_423 : i32
          scf.if %cond3A_424 {
            %add3A_461 = arith.constant 32 : i32
            %add3A_462 = arith.addi %add3A_461, %arg1 : i32
            %mul3A_463 = arith.constant 80 : i32
            %mul3A_464 = arith.muli %add3A_462, %mul3A_463 : i32
            %multiple_of3A = tpu.assume_multiple %mul3A_464, 8 : i32
            %dma_wait3A_465 = arith.constant 0 : i32
            %dma_wait3A_466 = arith.constant 0 : i32
            %dma_wait3A_467 = tpu.memref_slice %arg13[%dma_wait3A_465, %dma_wait3A_466] : memref<128x128xf32, #tpu.memory_space<vmem>> -> memref<80x128xf32, #tpu.memory_space<vmem>>
            %dma_wait3A_468 = arith.constant 0 : i32
            %dma_wait3A_469 = tpu.memref_slice %arg14[%multiple_of3A, %dma_wait3A_468] : memref<10000x128xf32, #tpu.memory_space<vmem_shared>> -> memref<80x128xf32, #tpu.memory_space<vmem_shared>>
            %dma_wait3A_470 = arith.constant 0 : i32
            %dma_wait3A_471 = tpu.memref_slice %arg14[%multiple_of3A, %dma_wait3A_470] : memref<10000x128xf32, #tpu.memory_space<vmem_shared>> -> memref<80x128xf32, #tpu.memory_space<vmem_shared>>
            %dma_wait3A_472 = arith.constant 0 : i32
            %dma_wait3A_473 = arith.constant 0 : i32
            %dma_wait3A_474 = tpu.memref_slice %arg13[%dma_wait3A_472, %dma_wait3A_473] : memref<128x128xf32, #tpu.memory_space<vmem>> -> memref<80x128xf32, #tpu.memory_space<vmem>>
            tpu.wait_dma2 semaphore(%arg24 : memref<!tpu.dma_semaphore, #tpu.memory_space<semaphore_mem>>) src(%dma_wait3A_474 : memref<80x128xf32, #tpu.memory_space<vmem>>) dst(%dma_wait3A_471 : memref<80x128xf32, #tpu.memory_space<vmem_shared>>)
          } else {
          }
          %add3A_425 = arith.constant 48 : i32
          %add3A_426 = arith.addi %add3A_425, %arg1 : i32
          %lt3A_427 = arith.constant 125 : i32
          %lt3A_428 = arith.cmpi slt, %add3A_426, %lt3A_427 : i32
          %convert_element_type3A_429 = arith.extui %lt3A_428 : i1 to i32
          %cond3A_430 = arith.constant 0 : i32
          %cond3A_431 = arith.cmpi ne, %convert_element_type3A_429, %cond3A_430 : i32
          scf.if %cond3A_431 {
            %add3A_461 = arith.constant 48 : i32
            %add3A_462 = arith.addi %add3A_461, %arg1 : i32
            %mul3A_463 = arith.constant 80 : i32
            %mul3A_464 = arith.muli %add3A_462, %mul3A_463 : i32
            %multiple_of3A = tpu.assume_multiple %mul3A_464, 8 : i32
            %dma_wait3A_465 = arith.constant 0 : i32
            %dma_wait3A_466 = arith.constant 0 : i32
            %dma_wait3A_467 = tpu.memref_slice %arg13[%dma_wait3A_465, %dma_wait3A_466] : memref<128x128xf32, #tpu.memory_space<vmem>> -> memref<80x128xf32, #tpu.memory_space<vmem>>
            %dma_wait3A_468 = arith.constant 0 : i32
            %dma_wait3A_469 = tpu.memref_slice %arg14[%multiple_of3A, %dma_wait3A_468] : memref<10000x128xf32, #tpu.memory_space<vmem_shared>> -> memref<80x128xf32, #tpu.memory_space<vmem_shared>>
            %dma_wait3A_470 = arith.constant 0 : i32
            %dma_wait3A_471 = tpu.memref_slice %arg14[%multiple_of3A, %dma_wait3A_470] : memref<10000x128xf32, #tpu.memory_space<vmem_shared>> -> memref<80x128xf32, #tpu.memory_space<vmem_shared>>
            %dma_wait3A_472 = arith.constant 0 : i32
            %dma_wait3A_473 = arith.constant 0 : i32
            %dma_wait3A_474 = tpu.memref_slice %arg13[%dma_wait3A_472, %dma_wait3A_473] : memref<128x128xf32, #tpu.memory_space<vmem>> -> memref<80x128xf32, #tpu.memory_space<vmem>>
            tpu.wait_dma2 semaphore(%arg24 : memref<!tpu.dma_semaphore, #tpu.memory_space<semaphore_mem>>) src(%dma_wait3A_474 : memref<80x128xf32, #tpu.memory_space<vmem>>) dst(%dma_wait3A_471 : memref<80x128xf32, #tpu.memory_space<vmem_shared>>)
          } else {
          }
          %add3A_432 = arith.constant 64 : i32
          %add3A_433 = arith.addi %add3A_432, %arg1 : i32
          %lt3A_434 = arith.constant 125 : i32
          %lt3A_435 = arith.cmpi slt, %add3A_433, %lt3A_434 : i32
          %convert_element_type3A_436 = arith.extui %lt3A_435 : i1 to i32
          %cond3A_437 = arith.constant 0 : i32
          %cond3A_438 = arith.cmpi ne, %convert_element_type3A_436, %cond3A_437 : i32
          scf.if %cond3A_438 {
            %add3A_461 = arith.constant 64 : i32
            %add3A_462 = arith.addi %add3A_461, %arg1 : i32
            %mul3A_463 = arith.constant 80 : i32
            %mul3A_464 = arith.muli %add3A_462, %mul3A_463 : i32
            %multiple_of3A = tpu.assume_multiple %mul3A_464, 8 : i32
            %dma_wait3A_465 = arith.constant 0 : i32
            %dma_wait3A_466 = arith.constant 0 : i32
            %dma_wait3A_467 = tpu.memref_slice %arg13[%dma_wait3A_465, %dma_wait3A_466] : memref<128x128xf32, #tpu.memory_space<vmem>> -> memref<80x128xf32, #tpu.memory_space<vmem>>
            %dma_wait3A_468 = arith.constant 0 : i32
            %dma_wait3A_469 = tpu.memref_slice %arg14[%multiple_of3A, %dma_wait3A_468] : memref<10000x128xf32, #tpu.memory_space<vmem_shared>> -> memref<80x128xf32, #tpu.memory_space<vmem_shared>>
            %dma_wait3A_470 = arith.constant 0 : i32
            %dma_wait3A_471 = tpu.memref_slice %arg14[%multiple_of3A, %dma_wait3A_470] : memref<10000x128xf32, #tpu.memory_space<vmem_shared>> -> memref<80x128xf32, #tpu.memory_space<vmem_shared>>
            %dma_wait3A_472 = arith.constant 0 : i32
            %dma_wait3A_473 = arith.constant 0 : i32
            %dma_wait3A_474 = tpu.memref_slice %arg13[%dma_wait3A_472, %dma_wait3A_473] : memref<128x128xf32, #tpu.memory_space<vmem>> -> memref<80x128xf32, #tpu.memory_space<vmem>>
            tpu.wait_dma2 semaphore(%arg24 : memref<!tpu.dma_semaphore, #tpu.memory_space<semaphore_mem>>) src(%dma_wait3A_474 : memref<80x128xf32, #tpu.memory_space<vmem>>) dst(%dma_wait3A_471 : memref<80x128xf32, #tpu.memory_space<vmem_shared>>)
          } else {
          }
          %add3A_439 = arith.constant 80 : i32
          %add3A_440 = arith.addi %add3A_439, %arg1 : i32
          %lt3A_441 = arith.constant 125 : i32
          %lt3A_442 = arith.cmpi slt, %add3A_440, %lt3A_441 : i32
          %convert_element_type3A_443 = arith.extui %lt3A_442 : i1 to i32
          %cond3A_444 = arith.constant 0 : i32
          %cond3A_445 = arith.cmpi ne, %convert_element_type3A_443, %cond3A_444 : i32
          scf.if %cond3A_445 {
            %add3A_461 = arith.constant 80 : i32
            %add3A_462 = arith.addi %add3A_461, %arg1 : i32
            %mul3A_463 = arith.constant 80 : i32
            %mul3A_464 = arith.muli %add3A_462, %mul3A_463 : i32
            %multiple_of3A = tpu.assume_multiple %mul3A_464, 8 : i32
            %dma_wait3A_465 = arith.constant 0 : i32
            %dma_wait3A_466 = arith.constant 0 : i32
            %dma_wait3A_467 = tpu.memref_slice %arg13[%dma_wait3A_465, %dma_wait3A_466] : memref<128x128xf32, #tpu.memory_space<vmem>> -> memref<80x128xf32, #tpu.memory_space<vmem>>
            %dma_wait3A_468 = arith.constant 0 : i32
            %dma_wait3A_469 = tpu.memref_slice %arg14[%multiple_of3A, %dma_wait3A_468] : memref<10000x128xf32, #tpu.memory_space<vmem_shared>> -> memref<80x128xf32, #tpu.memory_space<vmem_shared>>
            %dma_wait3A_470 = arith.constant 0 : i32
            %dma_wait3A_471 = tpu.memref_slice %arg14[%multiple_of3A, %dma_wait3A_470] : memref<10000x128xf32, #tpu.memory_space<vmem_shared>> -> memref<80x128xf32, #tpu.memory_space<vmem_shared>>
            %dma_wait3A_472 = arith.constant 0 : i32
            %dma_wait3A_473 = arith.constant 0 : i32
            %dma_wait3A_474 = tpu.memref_slice %arg13[%dma_wait3A_472, %dma_wait3A_473] : memref<128x128xf32, #tpu.memory_space<vmem>> -> memref<80x128xf32, #tpu.memory_space<vmem>>
            tpu.wait_dma2 semaphore(%arg24 : memref<!tpu.dma_semaphore, #tpu.memory_space<semaphore_mem>>) src(%dma_wait3A_474 : memref<80x128xf32, #tpu.memory_space<vmem>>) dst(%dma_wait3A_471 : memref<80x128xf32, #tpu.memory_space<vmem_shared>>)
          } else {
          }
          %add3A_446 = arith.constant 96 : i32
          %add3A_447 = arith.addi %add3A_446, %arg1 : i32
          %lt3A_448 = arith.constant 125 : i32
          %lt3A_449 = arith.cmpi slt, %add3A_447, %lt3A_448 : i32
          %convert_element_type3A_450 = arith.extui %lt3A_449 : i1 to i32
          %cond3A_451 = arith.constant 0 : i32
          %cond3A_452 = arith.cmpi ne, %convert_element_type3A_450, %cond3A_451 : i32
          scf.if %cond3A_452 {
            %add3A_461 = arith.constant 96 : i32
            %add3A_462 = arith.addi %add3A_461, %arg1 : i32
            %mul3A_463 = arith.constant 80 : i32
            %mul3A_464 = arith.muli %add3A_462, %mul3A_463 : i32
            %multiple_of3A = tpu.assume_multiple %mul3A_464, 8 : i32
            %dma_wait3A_465 = arith.constant 0 : i32
            %dma_wait3A_466 = arith.constant 0 : i32
            %dma_wait3A_467 = tpu.memref_slice %arg13[%dma_wait3A_465, %dma_wait3A_466] : memref<128x128xf32, #tpu.memory_space<vmem>> -> memref<80x128xf32, #tpu.memory_space<vmem>>
            %dma_wait3A_468 = arith.constant 0 : i32
            %dma_wait3A_469 = tpu.memref_slice %arg14[%multiple_of3A, %dma_wait3A_468] : memref<10000x128xf32, #tpu.memory_space<vmem_shared>> -> memref<80x128xf32, #tpu.memory_space<vmem_shared>>
            %dma_wait3A_470 = arith.constant 0 : i32
            %dma_wait3A_471 = tpu.memref_slice %arg14[%multiple_of3A, %dma_wait3A_470] : memref<10000x128xf32, #tpu.memory_space<vmem_shared>> -> memref<80x128xf32, #tpu.memory_space<vmem_shared>>
            %dma_wait3A_472 = arith.constant 0 : i32
            %dma_wait3A_473 = arith.constant 0 : i32
            %dma_wait3A_474 = tpu.memref_slice %arg13[%dma_wait3A_472, %dma_wait3A_473] : memref<128x128xf32, #tpu.memory_space<vmem>> -> memref<80x128xf32, #tpu.memory_space<vmem>>
            tpu.wait_dma2 semaphore(%arg24 : memref<!tpu.dma_semaphore, #tpu.memory_space<semaphore_mem>>) src(%dma_wait3A_474 : memref<80x128xf32, #tpu.memory_space<vmem>>) dst(%dma_wait3A_471 : memref<80x128xf32, #tpu.memory_space<vmem_shared>>)
          } else {
          }
          %add3A_453 = arith.constant 112 : i32
          %add3A_454 = arith.addi %add3A_453, %arg1 : i32
          %lt3A_455 = arith.constant 125 : i32
          %lt3A_456 = arith.cmpi slt, %add3A_454, %lt3A_455 : i32
          %convert_element_type3A_457 = arith.extui %lt3A_456 : i1 to i32
          %cond3A_458 = arith.constant 0 : i32
          %cond3A_459 = arith.cmpi ne, %convert_element_type3A_457, %cond3A_458 : i32
          scf.if %cond3A_459 {
            %add3A_461 = arith.constant 112 : i32
            %add3A_462 = arith.addi %add3A_461, %arg1 : i32
            %mul3A_463 = arith.constant 80 : i32
            %mul3A_464 = arith.muli %add3A_462, %mul3A_463 : i32
            %multiple_of3A = tpu.assume_multiple %mul3A_464, 8 : i32
            %dma_wait3A_465 = arith.constant 0 : i32
            %dma_wait3A_466 = arith.constant 0 : i32
            %dma_wait3A_467 = tpu.memref_slice %arg13[%dma_wait3A_465, %dma_wait3A_466] : memref<128x128xf32, #tpu.memory_space<vmem>> -> memref<80x128xf32, #tpu.memory_space<vmem>>
            %dma_wait3A_468 = arith.constant 0 : i32
            %dma_wait3A_469 = tpu.memref_slice %arg14[%multiple_of3A, %dma_wait3A_468] : memref<10000x128xf32, #tpu.memory_space<vmem_shared>> -> memref<80x128xf32, #tpu.memory_space<vmem_shared>>
            %dma_wait3A_470 = arith.constant 0 : i32
            %dma_wait3A_471 = tpu.memref_slice %arg14[%multiple_of3A, %dma_wait3A_470] : memref<10000x128xf32, #tpu.memory_space<vmem_shared>> -> memref<80x128xf32, #tpu.memory_space<vmem_shared>>
            %dma_wait3A_472 = arith.constant 0 : i32
            %dma_wait3A_473 = arith.constant 0 : i32
            %dma_wait3A_474 = tpu.memref_slice %arg13[%dma_wait3A_472, %dma_wait3A_473] : memref<128x128xf32, #tpu.memory_space<vmem>> -> memref<80x128xf32, #tpu.memory_space<vmem>>
            tpu.wait_dma2 semaphore(%arg24 : memref<!tpu.dma_semaphore, #tpu.memory_space<semaphore_mem>>) src(%dma_wait3A_474 : memref<80x128xf32, #tpu.memory_space<vmem>>) dst(%dma_wait3A_471 : memref<80x128xf32, #tpu.memory_space<vmem_shared>>)
          } else {
          }
          %barrier3A_460 = arith.constant 0 : index
          tpu.barrier barrier_id(%barrier3A_460)
        } else {
        }
        %add3A_377 = arith.constant 3 : i32
        %add3A_378 = arith.addi %add3A_263, %add3A_377 : i32
        %sub3A_379 = arith.constant 1 : i32
        %sub3A_380 = arith.subi %add3A_378, %sub3A_379 : i32
        %mul3A_381 = arith.constant 32 : i32
        %mul3A_382 = arith.muli %sub3A_380, %mul3A_381 : i32
        %add3A_383 = arith.addi %mul3A_382, %add3A : i32
        %lt3A_384 = arith.constant 2500 : i32
        %lt3A_385 = arith.cmpi slt, %add3A_383, %lt3A_384 : i32
        %convert_element_type3A_386 = arith.extui %lt3A_385 : i1 to i32
        %cond3A_387 = arith.constant 0 : i32
        %cond3A_388 = arith.cmpi ne, %convert_element_type3A_386, %cond3A_387 : i32
        scf.if %cond3A_388 {
          %add3A_404 = arith.constant 3 : i32
          %add3A_405 = arith.addi %add3A_263, %add3A_404 : i32
          %sub3A_406 = arith.constant 1 : i32
          %sub3A_407 = arith.subi %add3A_405, %sub3A_406 : i32
          %mul3A_408 = arith.constant 32 : i32
          %mul3A_409 = arith.muli %sub3A_407, %mul3A_408 : i32
          %add3A_410 = arith.addi %mul3A_409, %add3A : i32
          %mul3A_411 = arith.constant 128 : i32
          %mul3A_412 = arith.muli %add3A_410, %mul3A_411 : i32
          %dma_start3A_413 = arith.constant 0 : i32
          %dma_start3A_414 = tpu.memref_slice %arg3[%dma_start3A_413, %mul3A_412] : memref<2x320000xi32, #tpu.memory_space<hbm>> -> memref<1x128xi32, #tpu.memory_space<hbm>>
          %dma_start3A_415 = tpu.memref_squeeze %dma_start3A_414 : memref<1x128xi32, #tpu.memory_space<hbm>> -> memref<128xi32, #tpu.memory_space<hbm>>
          %dma_start3A_416 = tpu.memref_slice %arg3[%dma_start3A_413, %mul3A_412] : memref<2x320000xi32, #tpu.memory_space<hbm>> -> memref<1x128xi32, #tpu.memory_space<hbm>>
          %dma_start3A_417 = tpu.memref_squeeze %dma_start3A_416 : memref<1x128xi32, #tpu.memory_space<hbm>> -> memref<128xi32, #tpu.memory_space<hbm>>
          tpu.enqueue_dma source(%dma_start3A_417 : memref<128xi32, #tpu.memory_space<hbm>>) target(%arg7 : memref<128xi32, #tpu.memory_space<vmem>>) target_semaphore(%arg17 : memref<!tpu.dma_semaphore, #tpu.memory_space<semaphore_mem>>)
        } else {
        }
        %sub3A_389 = arith.constant 1 : i32
        %sub3A_390 = arith.subi %add3A_263, %sub3A_389 : i32
        %mul3A_391 = arith.constant 32 : i32
        %mul3A_392 = arith.muli %sub3A_390, %mul3A_391 : i32
        %add3A_393 = arith.addi %mul3A_392, %add3A : i32
        %mul3A_394 = arith.constant 128 : i32
        %mul3A_395 = arith.muli %add3A_393, %mul3A_394 : i32
        %dma_wait3A_396 = arith.constant 1 : i32
        %dma_wait3A_397 = tpu.memref_slice %arg3[%dma_wait3A_396, %mul3A_395] : memref<2x320000xi32, #tpu.memory_space<hbm>> -> memref<1x128xi32, #tpu.memory_space<hbm>>
        %dma_wait3A_398 = tpu.memref_squeeze %dma_wait3A_397 : memref<1x128xi32, #tpu.memory_space<hbm>> -> memref<128xi32, #tpu.memory_space<hbm>>
        %dma_wait3A_399 = tpu.memref_slice %arg3[%dma_wait3A_396, %mul3A_395] : memref<2x320000xi32, #tpu.memory_space<hbm>> -> memref<1x128xi32, #tpu.memory_space<hbm>>
        %dma_wait3A_400 = tpu.memref_squeeze %dma_wait3A_399 : memref<1x128xi32, #tpu.memory_space<hbm>> -> memref<128xi32, #tpu.memory_space<hbm>>
        tpu.wait_dma2 semaphore(%arg23 : memref<!tpu.dma_semaphore, #tpu.memory_space<semaphore_mem>>) src(%dma_wait3A_400 : memref<128xi32, #tpu.memory_space<hbm>>) dst(%arg10 : memref<128xi32, #tpu.memory_space<vmem>>)
        %dma_start3A_401 = arith.constant 0 : i32
        %dma_start3A_402 = arith.constant 0 : i32
        %dma_start3A_403 = tpu.memref_slice %arg14[%dma_start3A_401, %dma_start3A_402] : memref<10000x128xf32, #tpu.memory_space<vmem_shared>> -> memref<10000x128xf32, #tpu.memory_space<vmem_shared>>
        tpu.enqueue_indirect_dma source(%arg13 : memref<128x128xf32, #tpu.memory_space<vmem>>) target(%dma_start3A_403 : memref<10000x128xf32, #tpu.memory_space<vmem_shared>>) offsets(%arg10 : memref<128xi32, #tpu.memory_space<vmem>>) semaphore(%arg23 : memref<!tpu.dma_semaphore, #tpu.memory_space<semaphore_mem>>) {add = true}
      } else {
      }
      %mul3A_295 = arith.constant 3 : i32
      %mul3A_296 = arith.muli %scan3A_259, %mul3A_295 : i32
      %add3A_297 = arith.constant 1 : i32
      %add3A_298 = arith.addi %mul3A_296, %add3A_297 : i32
      %ge3A_299 = arith.constant 3 : i32
      %ge3A_300 = arith.cmpi sge, %add3A_298, %ge3A_299 : i32
      %sub3A_301 = arith.constant 3 : i32
      %sub3A_302 = arith.subi %add3A_298, %sub3A_301 : i32
      %mul3A_303 = arith.constant 32 : i32
      %mul3A_304 = arith.muli %sub3A_302, %mul3A_303 : i32
      %add3A_305 = arith.addi %mul3A_304, %add3A : i32
      %lt3A_306 = arith.constant 2500 : i32
      %lt3A_307 = arith.cmpi slt, %add3A_305, %lt3A_306 : i32
      %and3A_308 = arith.andi %ge3A_300, %lt3A_307 : i1
      %convert_element_type3A_309 = arith.extui %and3A_308 : i1 to i32
      %cond3A_310 = arith.constant 0 : i32
      %cond3A_311 = arith.cmpi ne, %convert_element_type3A_309, %cond3A_310 : i32
      scf.if %cond3A_311 {
        %dma_wait3A = arith.constant 0 : i32
        %dma_wait3A_371 = arith.constant 0 : i32
        %dma_wait3A_372 = tpu.memref_slice %arg2[%dma_wait3A, %dma_wait3A_371] : memref<10000x128xf32, #tpu.memory_space<hbm>> -> memref<128x128xf32, #tpu.memory_space<hbm>>
        %dma_wait3A_373 = arith.constant 0 : i32
        %dma_wait3A_374 = arith.constant 0 : i32
        %dma_wait3A_375 = tpu.memref_slice %arg2[%dma_wait3A_373, %dma_wait3A_374] : memref<10000x128xf32, #tpu.memory_space<hbm>> -> memref<128x128xf32, #tpu.memory_space<hbm>>
        tpu.wait_dma2 semaphore(%arg22 : memref<!tpu.dma_semaphore, #tpu.memory_space<semaphore_mem>>) src(%dma_wait3A_375 : memref<128x128xf32, #tpu.memory_space<hbm>>) dst(%arg12 : memref<128x128xf32, #tpu.memory_space<vmem>>)
      } else {
      }
      %mul3A_312 = arith.constant 32 : i32
      %mul3A_313 = arith.muli %add3A_298, %mul3A_312 : i32
      %add3A_314 = arith.addi %mul3A_313, %add3A : i32
      %lt3A_315 = arith.constant 2500 : i32
      %lt3A_316 = arith.cmpi slt, %add3A_314, %lt3A_315 : i32
      %convert_element_type3A_317 = arith.extui %lt3A_316 : i1 to i32
      %cond3A_318 = arith.constant 0 : i32
      %cond3A_319 = arith.cmpi ne, %convert_element_type3A_317, %cond3A_318 : i32
      scf.if %cond3A_319 {
        %mul3A_371 = arith.constant 32 : i32
        %mul3A_372 = arith.muli %add3A_298, %mul3A_371 : i32
        %add3A_373 = arith.addi %mul3A_372, %add3A : i32
        %mul3A_374 = arith.constant 128 : i32
        %mul3A_375 = arith.muli %add3A_373, %mul3A_374 : i32
        %dma_wait3A = arith.constant 0 : i32
        %dma_wait3A_376 = tpu.memref_slice %arg3[%dma_wait3A, %mul3A_375] : memref<2x320000xi32, #tpu.memory_space<hbm>> -> memref<1x128xi32, #tpu.memory_space<hbm>>
        %dma_wait3A_377 = tpu.memref_squeeze %dma_wait3A_376 : memref<1x128xi32, #tpu.memory_space<hbm>> -> memref<128xi32, #tpu.memory_space<hbm>>
        %dma_wait3A_378 = tpu.memref_slice %arg3[%dma_wait3A, %mul3A_375] : memref<2x320000xi32, #tpu.memory_space<hbm>> -> memref<1x128xi32, #tpu.memory_space<hbm>>
        %dma_wait3A_379 = tpu.memref_squeeze %dma_wait3A_378 : memref<1x128xi32, #tpu.memory_space<hbm>> -> memref<128xi32, #tpu.memory_space<hbm>>
        tpu.wait_dma2 semaphore(%arg16 : memref<!tpu.dma_semaphore, #tpu.memory_space<semaphore_mem>>) src(%dma_wait3A_379 : memref<128xi32, #tpu.memory_space<hbm>>) dst(%arg6 : memref<128xi32, #tpu.memory_space<vmem>>)
        %dma_start3A_380 = arith.constant 0 : i32
        %dma_start3A_381 = arith.constant 0 : i32
        %dma_start3A_382 = tpu.memref_slice %arg2[%dma_start3A_380, %dma_start3A_381] : memref<10000x128xf32, #tpu.memory_space<hbm>> -> memref<10000x128xf32, #tpu.memory_space<hbm>>
        tpu.enqueue_indirect_dma source(%dma_start3A_382 : memref<10000x128xf32, #tpu.memory_space<hbm>>) target(%arg12 : memref<128x128xf32, #tpu.memory_space<vmem>>) offsets(%arg6 : memref<128xi32, #tpu.memory_space<vmem>>) semaphore(%arg19 : memref<!tpu.dma_semaphore, #tpu.memory_space<semaphore_mem>>)
        %mul3A_383 = arith.constant 32 : i32
        %mul3A_384 = arith.muli %add3A_298, %mul3A_383 : i32
        %add3A_385 = arith.addi %mul3A_384, %add3A : i32
        %mul3A_386 = arith.constant 128 : i32
        %mul3A_387 = arith.muli %add3A_385, %mul3A_386 : i32
        %dma_start3A_388 = arith.constant 1 : i32
        %dma_start3A_389 = tpu.memref_slice %arg3[%dma_start3A_388, %mul3A_387] : memref<2x320000xi32, #tpu.memory_space<hbm>> -> memref<1x128xi32, #tpu.memory_space<hbm>>
        %dma_start3A_390 = tpu.memref_squeeze %dma_start3A_389 : memref<1x128xi32, #tpu.memory_space<hbm>> -> memref<128xi32, #tpu.memory_space<hbm>>
        %dma_start3A_391 = tpu.memref_slice %arg3[%dma_start3A_388, %mul3A_387] : memref<2x320000xi32, #tpu.memory_space<hbm>> -> memref<1x128xi32, #tpu.memory_space<hbm>>
        %dma_start3A_392 = tpu.memref_squeeze %dma_start3A_391 : memref<1x128xi32, #tpu.memory_space<hbm>> -> memref<128xi32, #tpu.memory_space<hbm>>
        tpu.enqueue_dma source(%dma_start3A_392 : memref<128xi32, #tpu.memory_space<hbm>>) target(%arg9 : memref<128xi32, #tpu.memory_space<vmem>>) target_semaphore(%arg22 : memref<!tpu.dma_semaphore, #tpu.memory_space<semaphore_mem>>)
      } else {
      }
      %ge3A_320 = arith.constant 1 : i32
      %ge3A_321 = arith.cmpi sge, %add3A_298, %ge3A_320 : i32
      %sub3A_322 = arith.constant 1 : i32
      %sub3A_323 = arith.subi %add3A_298, %sub3A_322 : i32
      %mul3A_324 = arith.constant 32 : i32
      %mul3A_325 = arith.muli %sub3A_323, %mul3A_324 : i32
      %add3A_326 = arith.addi %mul3A_325, %add3A : i32
      %lt3A_327 = arith.constant 2500 : i32
      %lt3A_328 = arith.cmpi slt, %add3A_326, %lt3A_327 : i32
      %and3A_329 = arith.andi %ge3A_321, %lt3A_328 : i1
      %convert_element_type3A_330 = arith.extui %and3A_329 : i1 to i32
      %cond3A_331 = arith.constant 0 : i32
      %cond3A_332 = arith.cmpi ne, %convert_element_type3A_330, %cond3A_331 : i32
      scf.if %cond3A_332 {
        %dma_wait3A = arith.constant 0 : i32
        %dma_wait3A_371 = arith.constant 0 : i32
        %dma_wait3A_372 = tpu.memref_slice %arg2[%dma_wait3A, %dma_wait3A_371] : memref<10000x128xf32, #tpu.memory_space<hbm>> -> memref<10000x128xf32, #tpu.memory_space<hbm>>
        tpu.wait_indirect_dma semaphore(%arg18 : memref<!tpu.dma_semaphore, #tpu.memory_space<semaphore_mem>>) src(%dma_wait3A_372 : memref<10000x128xf32, #tpu.memory_space<hbm>>) dst(%arg11 : memref<128x128xf32, #tpu.memory_space<vmem>>)
        %eq3A = arith.constant 1 : i32
        %eq3A_373 = arith.cmpi eq, %add3A_298, %eq3A : i32
        %convert_element_type3A_374 = arith.extui %eq3A_373 : i1 to i32
        %cond3A_375 = arith.constant 0 : i32
        %cond3A_376 = arith.cmpi ne, %convert_element_type3A_374, %cond3A_375 : i32
        scf.if %cond3A_376 {
          %add3A_404 = arith.constant 0 : i32
          %add3A_405 = arith.addi %add3A_404, %arg1 : i32
          %lt3A_406 = arith.constant 125 : i32
          %lt3A_407 = arith.cmpi slt, %add3A_405, %lt3A_406 : i32
          %convert_element_type3A_408 = arith.extui %lt3A_407 : i1 to i32
          %cond3A_409 = arith.constant 0 : i32
          %cond3A_410 = arith.cmpi ne, %convert_element_type3A_408, %cond3A_409 : i32
          scf.if %cond3A_410 {
            %add3A_461 = arith.constant 0 : i32
            %add3A_462 = arith.addi %add3A_461, %arg1 : i32
            %mul3A_463 = arith.constant 80 : i32
            %mul3A_464 = arith.muli %add3A_462, %mul3A_463 : i32
            %multiple_of3A = tpu.assume_multiple %mul3A_464, 8 : i32
            %dma_wait3A_465 = arith.constant 0 : i32
            %dma_wait3A_466 = arith.constant 0 : i32
            %dma_wait3A_467 = tpu.memref_slice %arg13[%dma_wait3A_465, %dma_wait3A_466] : memref<128x128xf32, #tpu.memory_space<vmem>> -> memref<80x128xf32, #tpu.memory_space<vmem>>
            %dma_wait3A_468 = arith.constant 0 : i32
            %dma_wait3A_469 = tpu.memref_slice %arg14[%multiple_of3A, %dma_wait3A_468] : memref<10000x128xf32, #tpu.memory_space<vmem_shared>> -> memref<80x128xf32, #tpu.memory_space<vmem_shared>>
            %dma_wait3A_470 = arith.constant 0 : i32
            %dma_wait3A_471 = tpu.memref_slice %arg14[%multiple_of3A, %dma_wait3A_470] : memref<10000x128xf32, #tpu.memory_space<vmem_shared>> -> memref<80x128xf32, #tpu.memory_space<vmem_shared>>
            %dma_wait3A_472 = arith.constant 0 : i32
            %dma_wait3A_473 = arith.constant 0 : i32
            %dma_wait3A_474 = tpu.memref_slice %arg13[%dma_wait3A_472, %dma_wait3A_473] : memref<128x128xf32, #tpu.memory_space<vmem>> -> memref<80x128xf32, #tpu.memory_space<vmem>>
            tpu.wait_dma2 semaphore(%arg24 : memref<!tpu.dma_semaphore, #tpu.memory_space<semaphore_mem>>) src(%dma_wait3A_474 : memref<80x128xf32, #tpu.memory_space<vmem>>) dst(%dma_wait3A_471 : memref<80x128xf32, #tpu.memory_space<vmem_shared>>)
          } else {
          }
          %add3A_411 = arith.constant 16 : i32
          %add3A_412 = arith.addi %add3A_411, %arg1 : i32
          %lt3A_413 = arith.constant 125 : i32
          %lt3A_414 = arith.cmpi slt, %add3A_412, %lt3A_413 : i32
          %convert_element_type3A_415 = arith.extui %lt3A_414 : i1 to i32
          %cond3A_416 = arith.constant 0 : i32
          %cond3A_417 = arith.cmpi ne, %convert_element_type3A_415, %cond3A_416 : i32
          scf.if %cond3A_417 {
            %add3A_461 = arith.constant 16 : i32
            %add3A_462 = arith.addi %add3A_461, %arg1 : i32
            %mul3A_463 = arith.constant 80 : i32
            %mul3A_464 = arith.muli %add3A_462, %mul3A_463 : i32
            %multiple_of3A = tpu.assume_multiple %mul3A_464, 8 : i32
            %dma_wait3A_465 = arith.constant 0 : i32
            %dma_wait3A_466 = arith.constant 0 : i32
            %dma_wait3A_467 = tpu.memref_slice %arg13[%dma_wait3A_465, %dma_wait3A_466] : memref<128x128xf32, #tpu.memory_space<vmem>> -> memref<80x128xf32, #tpu.memory_space<vmem>>
            %dma_wait3A_468 = arith.constant 0 : i32
            %dma_wait3A_469 = tpu.memref_slice %arg14[%multiple_of3A, %dma_wait3A_468] : memref<10000x128xf32, #tpu.memory_space<vmem_shared>> -> memref<80x128xf32, #tpu.memory_space<vmem_shared>>
            %dma_wait3A_470 = arith.constant 0 : i32
            %dma_wait3A_471 = tpu.memref_slice %arg14[%multiple_of3A, %dma_wait3A_470] : memref<10000x128xf32, #tpu.memory_space<vmem_shared>> -> memref<80x128xf32, #tpu.memory_space<vmem_shared>>
            %dma_wait3A_472 = arith.constant 0 : i32
            %dma_wait3A_473 = arith.constant 0 : i32
            %dma_wait3A_474 = tpu.memref_slice %arg13[%dma_wait3A_472, %dma_wait3A_473] : memref<128x128xf32, #tpu.memory_space<vmem>> -> memref<80x128xf32, #tpu.memory_space<vmem>>
            tpu.wait_dma2 semaphore(%arg24 : memref<!tpu.dma_semaphore, #tpu.memory_space<semaphore_mem>>) src(%dma_wait3A_474 : memref<80x128xf32, #tpu.memory_space<vmem>>) dst(%dma_wait3A_471 : memref<80x128xf32, #tpu.memory_space<vmem_shared>>)
          } else {
          }
          %add3A_418 = arith.constant 32 : i32
          %add3A_419 = arith.addi %add3A_418, %arg1 : i32
          %lt3A_420 = arith.constant 125 : i32
          %lt3A_421 = arith.cmpi slt, %add3A_419, %lt3A_420 : i32
          %convert_element_type3A_422 = arith.extui %lt3A_421 : i1 to i32
          %cond3A_423 = arith.constant 0 : i32
          %cond3A_424 = arith.cmpi ne, %convert_element_type3A_422, %cond3A_423 : i32
          scf.if %cond3A_424 {
            %add3A_461 = arith.constant 32 : i32
            %add3A_462 = arith.addi %add3A_461, %arg1 : i32
            %mul3A_463 = arith.constant 80 : i32
            %mul3A_464 = arith.muli %add3A_462, %mul3A_463 : i32
            %multiple_of3A = tpu.assume_multiple %mul3A_464, 8 : i32
            %dma_wait3A_465 = arith.constant 0 : i32
            %dma_wait3A_466 = arith.constant 0 : i32
            %dma_wait3A_467 = tpu.memref_slice %arg13[%dma_wait3A_465, %dma_wait3A_466] : memref<128x128xf32, #tpu.memory_space<vmem>> -> memref<80x128xf32, #tpu.memory_space<vmem>>
            %dma_wait3A_468 = arith.constant 0 : i32
            %dma_wait3A_469 = tpu.memref_slice %arg14[%multiple_of3A, %dma_wait3A_468] : memref<10000x128xf32, #tpu.memory_space<vmem_shared>> -> memref<80x128xf32, #tpu.memory_space<vmem_shared>>
            %dma_wait3A_470 = arith.constant 0 : i32
            %dma_wait3A_471 = tpu.memref_slice %arg14[%multiple_of3A, %dma_wait3A_470] : memref<10000x128xf32, #tpu.memory_space<vmem_shared>> -> memref<80x128xf32, #tpu.memory_space<vmem_shared>>
            %dma_wait3A_472 = arith.constant 0 : i32
            %dma_wait3A_473 = arith.constant 0 : i32
            %dma_wait3A_474 = tpu.memref_slice %arg13[%dma_wait3A_472, %dma_wait3A_473] : memref<128x128xf32, #tpu.memory_space<vmem>> -> memref<80x128xf32, #tpu.memory_space<vmem>>
            tpu.wait_dma2 semaphore(%arg24 : memref<!tpu.dma_semaphore, #tpu.memory_space<semaphore_mem>>) src(%dma_wait3A_474 : memref<80x128xf32, #tpu.memory_space<vmem>>) dst(%dma_wait3A_471 : memref<80x128xf32, #tpu.memory_space<vmem_shared>>)
          } else {
          }
          %add3A_425 = arith.constant 48 : i32
          %add3A_426 = arith.addi %add3A_425, %arg1 : i32
          %lt3A_427 = arith.constant 125 : i32
          %lt3A_428 = arith.cmpi slt, %add3A_426, %lt3A_427 : i32
          %convert_element_type3A_429 = arith.extui %lt3A_428 : i1 to i32
          %cond3A_430 = arith.constant 0 : i32
          %cond3A_431 = arith.cmpi ne, %convert_element_type3A_429, %cond3A_430 : i32
          scf.if %cond3A_431 {
            %add3A_461 = arith.constant 48 : i32
            %add3A_462 = arith.addi %add3A_461, %arg1 : i32
            %mul3A_463 = arith.constant 80 : i32
            %mul3A_464 = arith.muli %add3A_462, %mul3A_463 : i32
            %multiple_of3A = tpu.assume_multiple %mul3A_464, 8 : i32
            %dma_wait3A_465 = arith.constant 0 : i32
            %dma_wait3A_466 = arith.constant 0 : i32
            %dma_wait3A_467 = tpu.memref_slice %arg13[%dma_wait3A_465, %dma_wait3A_466] : memref<128x128xf32, #tpu.memory_space<vmem>> -> memref<80x128xf32, #tpu.memory_space<vmem>>
            %dma_wait3A_468 = arith.constant 0 : i32
            %dma_wait3A_469 = tpu.memref_slice %arg14[%multiple_of3A, %dma_wait3A_468] : memref<10000x128xf32, #tpu.memory_space<vmem_shared>> -> memref<80x128xf32, #tpu.memory_space<vmem_shared>>
            %dma_wait3A_470 = arith.constant 0 : i32
            %dma_wait3A_471 = tpu.memref_slice %arg14[%multiple_of3A, %dma_wait3A_470] : memref<10000x128xf32, #tpu.memory_space<vmem_shared>> -> memref<80x128xf32, #tpu.memory_space<vmem_shared>>
            %dma_wait3A_472 = arith.constant 0 : i32
            %dma_wait3A_473 = arith.constant 0 : i32
            %dma_wait3A_474 = tpu.memref_slice %arg13[%dma_wait3A_472, %dma_wait3A_473] : memref<128x128xf32, #tpu.memory_space<vmem>> -> memref<80x128xf32, #tpu.memory_space<vmem>>
            tpu.wait_dma2 semaphore(%arg24 : memref<!tpu.dma_semaphore, #tpu.memory_space<semaphore_mem>>) src(%dma_wait3A_474 : memref<80x128xf32, #tpu.memory_space<vmem>>) dst(%dma_wait3A_471 : memref<80x128xf32, #tpu.memory_space<vmem_shared>>)
          } else {
          }
          %add3A_432 = arith.constant 64 : i32
          %add3A_433 = arith.addi %add3A_432, %arg1 : i32
          %lt3A_434 = arith.constant 125 : i32
          %lt3A_435 = arith.cmpi slt, %add3A_433, %lt3A_434 : i32
          %convert_element_type3A_436 = arith.extui %lt3A_435 : i1 to i32
          %cond3A_437 = arith.constant 0 : i32
          %cond3A_438 = arith.cmpi ne, %convert_element_type3A_436, %cond3A_437 : i32
          scf.if %cond3A_438 {
            %add3A_461 = arith.constant 64 : i32
            %add3A_462 = arith.addi %add3A_461, %arg1 : i32
            %mul3A_463 = arith.constant 80 : i32
            %mul3A_464 = arith.muli %add3A_462, %mul3A_463 : i32
            %multiple_of3A = tpu.assume_multiple %mul3A_464, 8 : i32
            %dma_wait3A_465 = arith.constant 0 : i32
            %dma_wait3A_466 = arith.constant 0 : i32
            %dma_wait3A_467 = tpu.memref_slice %arg13[%dma_wait3A_465, %dma_wait3A_466] : memref<128x128xf32, #tpu.memory_space<vmem>> -> memref<80x128xf32, #tpu.memory_space<vmem>>
            %dma_wait3A_468 = arith.constant 0 : i32
            %dma_wait3A_469 = tpu.memref_slice %arg14[%multiple_of3A, %dma_wait3A_468] : memref<10000x128xf32, #tpu.memory_space<vmem_shared>> -> memref<80x128xf32, #tpu.memory_space<vmem_shared>>
            %dma_wait3A_470 = arith.constant 0 : i32
            %dma_wait3A_471 = tpu.memref_slice %arg14[%multiple_of3A, %dma_wait3A_470] : memref<10000x128xf32, #tpu.memory_space<vmem_shared>> -> memref<80x128xf32, #tpu.memory_space<vmem_shared>>
            %dma_wait3A_472 = arith.constant 0 : i32
            %dma_wait3A_473 = arith.constant 0 : i32
            %dma_wait3A_474 = tpu.memref_slice %arg13[%dma_wait3A_472, %dma_wait3A_473] : memref<128x128xf32, #tpu.memory_space<vmem>> -> memref<80x128xf32, #tpu.memory_space<vmem>>
            tpu.wait_dma2 semaphore(%arg24 : memref<!tpu.dma_semaphore, #tpu.memory_space<semaphore_mem>>) src(%dma_wait3A_474 : memref<80x128xf32, #tpu.memory_space<vmem>>) dst(%dma_wait3A_471 : memref<80x128xf32, #tpu.memory_space<vmem_shared>>)
          } else {
          }
          %add3A_439 = arith.constant 80 : i32
          %add3A_440 = arith.addi %add3A_439, %arg1 : i32
          %lt3A_441 = arith.constant 125 : i32
          %lt3A_442 = arith.cmpi slt, %add3A_440, %lt3A_441 : i32
          %convert_element_type3A_443 = arith.extui %lt3A_442 : i1 to i32
          %cond3A_444 = arith.constant 0 : i32
          %cond3A_445 = arith.cmpi ne, %convert_element_type3A_443, %cond3A_444 : i32
          scf.if %cond3A_445 {
            %add3A_461 = arith.constant 80 : i32
            %add3A_462 = arith.addi %add3A_461, %arg1 : i32
            %mul3A_463 = arith.constant 80 : i32
            %mul3A_464 = arith.muli %add3A_462, %mul3A_463 : i32
            %multiple_of3A = tpu.assume_multiple %mul3A_464, 8 : i32
            %dma_wait3A_465 = arith.constant 0 : i32
            %dma_wait3A_466 = arith.constant 0 : i32
            %dma_wait3A_467 = tpu.memref_slice %arg13[%dma_wait3A_465, %dma_wait3A_466] : memref<128x128xf32, #tpu.memory_space<vmem>> -> memref<80x128xf32, #tpu.memory_space<vmem>>
            %dma_wait3A_468 = arith.constant 0 : i32
            %dma_wait3A_469 = tpu.memref_slice %arg14[%multiple_of3A, %dma_wait3A_468] : memref<10000x128xf32, #tpu.memory_space<vmem_shared>> -> memref<80x128xf32, #tpu.memory_space<vmem_shared>>
            %dma_wait3A_470 = arith.constant 0 : i32
            %dma_wait3A_471 = tpu.memref_slice %arg14[%multiple_of3A, %dma_wait3A_470] : memref<10000x128xf32, #tpu.memory_space<vmem_shared>> -> memref<80x128xf32, #tpu.memory_space<vmem_shared>>
            %dma_wait3A_472 = arith.constant 0 : i32
            %dma_wait3A_473 = arith.constant 0 : i32
            %dma_wait3A_474 = tpu.memref_slice %arg13[%dma_wait3A_472, %dma_wait3A_473] : memref<128x128xf32, #tpu.memory_space<vmem>> -> memref<80x128xf32, #tpu.memory_space<vmem>>
            tpu.wait_dma2 semaphore(%arg24 : memref<!tpu.dma_semaphore, #tpu.memory_space<semaphore_mem>>) src(%dma_wait3A_474 : memref<80x128xf32, #tpu.memory_space<vmem>>) dst(%dma_wait3A_471 : memref<80x128xf32, #tpu.memory_space<vmem_shared>>)
          } else {
          }
          %add3A_446 = arith.constant 96 : i32
          %add3A_447 = arith.addi %add3A_446, %arg1 : i32
          %lt3A_448 = arith.constant 125 : i32
          %lt3A_449 = arith.cmpi slt, %add3A_447, %lt3A_448 : i32
          %convert_element_type3A_450 = arith.extui %lt3A_449 : i1 to i32
          %cond3A_451 = arith.constant 0 : i32
          %cond3A_452 = arith.cmpi ne, %convert_element_type3A_450, %cond3A_451 : i32
          scf.if %cond3A_452 {
            %add3A_461 = arith.constant 96 : i32
            %add3A_462 = arith.addi %add3A_461, %arg1 : i32
            %mul3A_463 = arith.constant 80 : i32
            %mul3A_464 = arith.muli %add3A_462, %mul3A_463 : i32
            %multiple_of3A = tpu.assume_multiple %mul3A_464, 8 : i32
            %dma_wait3A_465 = arith.constant 0 : i32
            %dma_wait3A_466 = arith.constant 0 : i32
            %dma_wait3A_467 = tpu.memref_slice %arg13[%dma_wait3A_465, %dma_wait3A_466] : memref<128x128xf32, #tpu.memory_space<vmem>> -> memref<80x128xf32, #tpu.memory_space<vmem>>
            %dma_wait3A_468 = arith.constant 0 : i32
            %dma_wait3A_469 = tpu.memref_slice %arg14[%multiple_of3A, %dma_wait3A_468] : memref<10000x128xf32, #tpu.memory_space<vmem_shared>> -> memref<80x128xf32, #tpu.memory_space<vmem_shared>>
            %dma_wait3A_470 = arith.constant 0 : i32
            %dma_wait3A_471 = tpu.memref_slice %arg14[%multiple_of3A, %dma_wait3A_470] : memref<10000x128xf32, #tpu.memory_space<vmem_shared>> -> memref<80x128xf32, #tpu.memory_space<vmem_shared>>
            %dma_wait3A_472 = arith.constant 0 : i32
            %dma_wait3A_473 = arith.constant 0 : i32
            %dma_wait3A_474 = tpu.memref_slice %arg13[%dma_wait3A_472, %dma_wait3A_473] : memref<128x128xf32, #tpu.memory_space<vmem>> -> memref<80x128xf32, #tpu.memory_space<vmem>>
            tpu.wait_dma2 semaphore(%arg24 : memref<!tpu.dma_semaphore, #tpu.memory_space<semaphore_mem>>) src(%dma_wait3A_474 : memref<80x128xf32, #tpu.memory_space<vmem>>) dst(%dma_wait3A_471 : memref<80x128xf32, #tpu.memory_space<vmem_shared>>)
          } else {
          }
          %add3A_453 = arith.constant 112 : i32
          %add3A_454 = arith.addi %add3A_453, %arg1 : i32
          %lt3A_455 = arith.constant 125 : i32
          %lt3A_456 = arith.cmpi slt, %add3A_454, %lt3A_455 : i32
          %convert_element_type3A_457 = arith.extui %lt3A_456 : i1 to i32
          %cond3A_458 = arith.constant 0 : i32
          %cond3A_459 = arith.cmpi ne, %convert_element_type3A_457, %cond3A_458 : i32
          scf.if %cond3A_459 {
            %add3A_461 = arith.constant 112 : i32
            %add3A_462 = arith.addi %add3A_461, %arg1 : i32
            %mul3A_463 = arith.constant 80 : i32
            %mul3A_464 = arith.muli %add3A_462, %mul3A_463 : i32
            %multiple_of3A = tpu.assume_multiple %mul3A_464, 8 : i32
            %dma_wait3A_465 = arith.constant 0 : i32
            %dma_wait3A_466 = arith.constant 0 : i32
            %dma_wait3A_467 = tpu.memref_slice %arg13[%dma_wait3A_465, %dma_wait3A_466] : memref<128x128xf32, #tpu.memory_space<vmem>> -> memref<80x128xf32, #tpu.memory_space<vmem>>
            %dma_wait3A_468 = arith.constant 0 : i32
            %dma_wait3A_469 = tpu.memref_slice %arg14[%multiple_of3A, %dma_wait3A_468] : memref<10000x128xf32, #tpu.memory_space<vmem_shared>> -> memref<80x128xf32, #tpu.memory_space<vmem_shared>>
            %dma_wait3A_470 = arith.constant 0 : i32
            %dma_wait3A_471 = tpu.memref_slice %arg14[%multiple_of3A, %dma_wait3A_470] : memref<10000x128xf32, #tpu.memory_space<vmem_shared>> -> memref<80x128xf32, #tpu.memory_space<vmem_shared>>
            %dma_wait3A_472 = arith.constant 0 : i32
            %dma_wait3A_473 = arith.constant 0 : i32
            %dma_wait3A_474 = tpu.memref_slice %arg13[%dma_wait3A_472, %dma_wait3A_473] : memref<128x128xf32, #tpu.memory_space<vmem>> -> memref<80x128xf32, #tpu.memory_space<vmem>>
            tpu.wait_dma2 semaphore(%arg24 : memref<!tpu.dma_semaphore, #tpu.memory_space<semaphore_mem>>) src(%dma_wait3A_474 : memref<80x128xf32, #tpu.memory_space<vmem>>) dst(%dma_wait3A_471 : memref<80x128xf32, #tpu.memory_space<vmem_shared>>)
          } else {
          }
          %barrier3A_460 = arith.constant 0 : index
          tpu.barrier barrier_id(%barrier3A_460)
        } else {
        }
        %add3A_377 = arith.constant 3 : i32
        %add3A_378 = arith.addi %add3A_298, %add3A_377 : i32
        %sub3A_379 = arith.constant 1 : i32
        %sub3A_380 = arith.subi %add3A_378, %sub3A_379 : i32
        %mul3A_381 = arith.constant 32 : i32
        %mul3A_382 = arith.muli %sub3A_380, %mul3A_381 : i32
        %add3A_383 = arith.addi %mul3A_382, %add3A : i32
        %lt3A_384 = arith.constant 2500 : i32
        %lt3A_385 = arith.cmpi slt, %add3A_383, %lt3A_384 : i32
        %convert_element_type3A_386 = arith.extui %lt3A_385 : i1 to i32
        %cond3A_387 = arith.constant 0 : i32
        %cond3A_388 = arith.cmpi ne, %convert_element_type3A_386, %cond3A_387 : i32
        scf.if %cond3A_388 {
          %add3A_404 = arith.constant 3 : i32
          %add3A_405 = arith.addi %add3A_298, %add3A_404 : i32
          %sub3A_406 = arith.constant 1 : i32
          %sub3A_407 = arith.subi %add3A_405, %sub3A_406 : i32
          %mul3A_408 = arith.constant 32 : i32
          %mul3A_409 = arith.muli %sub3A_407, %mul3A_408 : i32
          %add3A_410 = arith.addi %mul3A_409, %add3A : i32
          %mul3A_411 = arith.constant 128 : i32
          %mul3A_412 = arith.muli %add3A_410, %mul3A_411 : i32
          %dma_start3A_413 = arith.constant 0 : i32
          %dma_start3A_414 = tpu.memref_slice %arg3[%dma_start3A_413, %mul3A_412] : memref<2x320000xi32, #tpu.memory_space<hbm>> -> memref<1x128xi32, #tpu.memory_space<hbm>>
          %dma_start3A_415 = tpu.memref_squeeze %dma_start3A_414 : memref<1x128xi32, #tpu.memory_space<hbm>> -> memref<128xi32, #tpu.memory_space<hbm>>
          %dma_start3A_416 = tpu.memref_slice %arg3[%dma_start3A_413, %mul3A_412] : memref<2x320000xi32, #tpu.memory_space<hbm>> -> memref<1x128xi32, #tpu.memory_space<hbm>>
          %dma_start3A_417 = tpu.memref_squeeze %dma_start3A_416 : memref<1x128xi32, #tpu.memory_space<hbm>> -> memref<128xi32, #tpu.memory_space<hbm>>
          tpu.enqueue_dma source(%dma_start3A_417 : memref<128xi32, #tpu.memory_space<hbm>>) target(%arg5 : memref<128xi32, #tpu.memory_space<vmem>>) target_semaphore(%arg15 : memref<!tpu.dma_semaphore, #tpu.memory_space<semaphore_mem>>)
        } else {
        }
        %sub3A_389 = arith.constant 1 : i32
        %sub3A_390 = arith.subi %add3A_298, %sub3A_389 : i32
        %mul3A_391 = arith.constant 32 : i32
        %mul3A_392 = arith.muli %sub3A_390, %mul3A_391 : i32
        %add3A_393 = arith.addi %mul3A_392, %add3A : i32
        %mul3A_394 = arith.constant 128 : i32
        %mul3A_395 = arith.muli %add3A_393, %mul3A_394 : i32
        %dma_wait3A_396 = arith.constant 1 : i32
        %dma_wait3A_397 = tpu.memref_slice %arg3[%dma_wait3A_396, %mul3A_395] : memref<2x320000xi32, #tpu.memory_space<hbm>> -> memref<1x128xi32, #tpu.memory_space<hbm>>
        %dma_wait3A_398 = tpu.memref_squeeze %dma_wait3A_397 : memref<1x128xi32, #tpu.memory_space<hbm>> -> memref<128xi32, #tpu.memory_space<hbm>>
        %dma_wait3A_399 = tpu.memref_slice %arg3[%dma_wait3A_396, %mul3A_395] : memref<2x320000xi32, #tpu.memory_space<hbm>> -> memref<1x128xi32, #tpu.memory_space<hbm>>
        %dma_wait3A_400 = tpu.memref_squeeze %dma_wait3A_399 : memref<1x128xi32, #tpu.memory_space<hbm>> -> memref<128xi32, #tpu.memory_space<hbm>>
        tpu.wait_dma2 semaphore(%arg21 : memref<!tpu.dma_semaphore, #tpu.memory_space<semaphore_mem>>) src(%dma_wait3A_400 : memref<128xi32, #tpu.memory_space<hbm>>) dst(%arg8 : memref<128xi32, #tpu.memory_space<vmem>>)
        %dma_start3A_401 = arith.constant 0 : i32
        %dma_start3A_402 = arith.constant 0 : i32
        %dma_start3A_403 = tpu.memref_slice %arg14[%dma_start3A_401, %dma_start3A_402] : memref<10000x128xf32, #tpu.memory_space<vmem_shared>> -> memref<10000x128xf32, #tpu.memory_space<vmem_shared>>
        tpu.enqueue_indirect_dma source(%arg11 : memref<128x128xf32, #tpu.memory_space<vmem>>) target(%dma_start3A_403 : memref<10000x128xf32, #tpu.memory_space<vmem_shared>>) offsets(%arg8 : memref<128xi32, #tpu.memory_space<vmem>>) semaphore(%arg21 : memref<!tpu.dma_semaphore, #tpu.memory_space<semaphore_mem>>) {add = true}
      } else {
      }
      %mul3A_333 = arith.constant 3 : i32
      %mul3A_334 = arith.muli %scan3A_259, %mul3A_333 : i32
      %add3A_335 = arith.constant 2 : i32
      %add3A_336 = arith.addi %mul3A_334, %add3A_335 : i32
      %ge3A_337 = arith.constant 3 : i32
      %ge3A_338 = arith.cmpi sge, %add3A_336, %ge3A_337 : i32
      %sub3A_339 = arith.constant 3 : i32
      %sub3A_340 = arith.subi %add3A_336, %sub3A_339 : i32
      %mul3A_341 = arith.constant 32 : i32
      %mul3A_342 = arith.muli %sub3A_340, %mul3A_341 : i32
      %add3A_343 = arith.addi %mul3A_342, %add3A : i32
      %lt3A_344 = arith.constant 2500 : i32
      %lt3A_345 = arith.cmpi slt, %add3A_343, %lt3A_344 : i32
      %and3A_346 = arith.andi %ge3A_338, %lt3A_345 : i1
      %convert_element_type3A_347 = arith.extui %and3A_346 : i1 to i32
      %cond3A_348 = arith.constant 0 : i32
      %cond3A_349 = arith.cmpi ne, %convert_element_type3A_347, %cond3A_348 : i32
      scf.if %cond3A_349 {
        %dma_wait3A = arith.constant 0 : i32
        %dma_wait3A_371 = arith.constant 0 : i32
        %dma_wait3A_372 = tpu.memref_slice %arg2[%dma_wait3A, %dma_wait3A_371] : memref<10000x128xf32, #tpu.memory_space<hbm>> -> memref<128x128xf32, #tpu.memory_space<hbm>>
        %dma_wait3A_373 = arith.constant 0 : i32
        %dma_wait3A_374 = arith.constant 0 : i32
        %dma_wait3A_375 = tpu.memref_slice %arg2[%dma_wait3A_373, %dma_wait3A_374] : memref<10000x128xf32, #tpu.memory_space<hbm>> -> memref<128x128xf32, #tpu.memory_space<hbm>>
        tpu.wait_dma2 semaphore(%arg23 : memref<!tpu.dma_semaphore, #tpu.memory_space<semaphore_mem>>) src(%dma_wait3A_375 : memref<128x128xf32, #tpu.memory_space<hbm>>) dst(%arg13 : memref<128x128xf32, #tpu.memory_space<vmem>>)
      } else {
      }
      %mul3A_350 = arith.constant 32 : i32
      %mul3A_351 = arith.muli %add3A_336, %mul3A_350 : i32
      %add3A_352 = arith.addi %mul3A_351, %add3A : i32
      %lt3A_353 = arith.constant 2500 : i32
      %lt3A_354 = arith.cmpi slt, %add3A_352, %lt3A_353 : i32
      %convert_element_type3A_355 = arith.extui %lt3A_354 : i1 to i32
      %cond3A_356 = arith.constant 0 : i32
      %cond3A_357 = arith.cmpi ne, %convert_element_type3A_355, %cond3A_356 : i32
      scf.if %cond3A_357 {
        %mul3A_371 = arith.constant 32 : i32
        %mul3A_372 = arith.muli %add3A_336, %mul3A_371 : i32
        %add3A_373 = arith.addi %mul3A_372, %add3A : i32
        %mul3A_374 = arith.constant 128 : i32
        %mul3A_375 = arith.muli %add3A_373, %mul3A_374 : i32
        %dma_wait3A = arith.constant 0 : i32
        %dma_wait3A_376 = tpu.memref_slice %arg3[%dma_wait3A, %mul3A_375] : memref<2x320000xi32, #tpu.memory_space<hbm>> -> memref<1x128xi32, #tpu.memory_space<hbm>>
        %dma_wait3A_377 = tpu.memref_squeeze %dma_wait3A_376 : memref<1x128xi32, #tpu.memory_space<hbm>> -> memref<128xi32, #tpu.memory_space<hbm>>
        %dma_wait3A_378 = tpu.memref_slice %arg3[%dma_wait3A, %mul3A_375] : memref<2x320000xi32, #tpu.memory_space<hbm>> -> memref<1x128xi32, #tpu.memory_space<hbm>>
        %dma_wait3A_379 = tpu.memref_squeeze %dma_wait3A_378 : memref<1x128xi32, #tpu.memory_space<hbm>> -> memref<128xi32, #tpu.memory_space<hbm>>
        tpu.wait_dma2 semaphore(%arg17 : memref<!tpu.dma_semaphore, #tpu.memory_space<semaphore_mem>>) src(%dma_wait3A_379 : memref<128xi32, #tpu.memory_space<hbm>>) dst(%arg7 : memref<128xi32, #tpu.memory_space<vmem>>)
        %dma_start3A_380 = arith.constant 0 : i32
        %dma_start3A_381 = arith.constant 0 : i32
        %dma_start3A_382 = tpu.memref_slice %arg2[%dma_start3A_380, %dma_start3A_381] : memref<10000x128xf32, #tpu.memory_space<hbm>> -> memref<10000x128xf32, #tpu.memory_space<hbm>>
        tpu.enqueue_indirect_dma source(%dma_start3A_382 : memref<10000x128xf32, #tpu.memory_space<hbm>>) target(%arg13 : memref<128x128xf32, #tpu.memory_space<vmem>>) offsets(%arg7 : memref<128xi32, #tpu.memory_space<vmem>>) semaphore(%arg20 : memref<!tpu.dma_semaphore, #tpu.memory_space<semaphore_mem>>)
        %mul3A_383 = arith.constant 32 : i32
        %mul3A_384 = arith.muli %add3A_336, %mul3A_383 : i32
        %add3A_385 = arith.addi %mul3A_384, %add3A : i32
        %mul3A_386 = arith.constant 128 : i32
        %mul3A_387 = arith.muli %add3A_385, %mul3A_386 : i32
        %dma_start3A_388 = arith.constant 1 : i32
        %dma_start3A_389 = tpu.memref_slice %arg3[%dma_start3A_388, %mul3A_387] : memref<2x320000xi32, #tpu.memory_space<hbm>> -> memref<1x128xi32, #tpu.memory_space<hbm>>
        %dma_start3A_390 = tpu.memref_squeeze %dma_start3A_389 : memref<1x128xi32, #tpu.memory_space<hbm>> -> memref<128xi32, #tpu.memory_space<hbm>>
        %dma_start3A_391 = tpu.memref_slice %arg3[%dma_start3A_388, %mul3A_387] : memref<2x320000xi32, #tpu.memory_space<hbm>> -> memref<1x128xi32, #tpu.memory_space<hbm>>
        %dma_start3A_392 = tpu.memref_squeeze %dma_start3A_391 : memref<1x128xi32, #tpu.memory_space<hbm>> -> memref<128xi32, #tpu.memory_space<hbm>>
        tpu.enqueue_dma source(%dma_start3A_392 : memref<128xi32, #tpu.memory_space<hbm>>) target(%arg10 : memref<128xi32, #tpu.memory_space<vmem>>) target_semaphore(%arg23 : memref<!tpu.dma_semaphore, #tpu.memory_space<semaphore_mem>>)
      } else {
      }
      %ge3A_358 = arith.constant 1 : i32
      %ge3A_359 = arith.cmpi sge, %add3A_336, %ge3A_358 : i32
      %sub3A_360 = arith.constant 1 : i32
      %sub3A_361 = arith.subi %add3A_336, %sub3A_360 : i32
      %mul3A_362 = arith.constant 32 : i32
      %mul3A_363 = arith.muli %sub3A_361, %mul3A_362 : i32
      %add3A_364 = arith.addi %mul3A_363, %add3A : i32
      %lt3A_365 = arith.constant 2500 : i32
      %lt3A_366 = arith.cmpi slt, %add3A_364, %lt3A_365 : i32
      %and3A_367 = arith.andi %ge3A_359, %lt3A_366 : i1
      %convert_element_type3A_368 = arith.extui %and3A_367 : i1 to i32
      %cond3A_369 = arith.constant 0 : i32
      %cond3A_370 = arith.cmpi ne, %convert_element_type3A_368, %cond3A_369 : i32
      scf.if %cond3A_370 {
        %dma_wait3A = arith.constant 0 : i32
        %dma_wait3A_371 = arith.constant 0 : i32
        %dma_wait3A_372 = tpu.memref_slice %arg2[%dma_wait3A, %dma_wait3A_371] : memref<10000x128xf32, #tpu.memory_space<hbm>> -> memref<10000x128xf32, #tpu.memory_space<hbm>>
        tpu.wait_indirect_dma semaphore(%arg19 : memref<!tpu.dma_semaphore, #tpu.memory_space<semaphore_mem>>) src(%dma_wait3A_372 : memref<10000x128xf32, #tpu.memory_space<hbm>>) dst(%arg12 : memref<128x128xf32, #tpu.memory_space<vmem>>)
        %eq3A = arith.constant 1 : i32
        %eq3A_373 = arith.cmpi eq, %add3A_336, %eq3A : i32
        %convert_element_type3A_374 = arith.extui %eq3A_373 : i1 to i32
        %cond3A_375 = arith.constant 0 : i32
        %cond3A_376 = arith.cmpi ne, %convert_element_type3A_374, %cond3A_375 : i32
        scf.if %cond3A_376 {
          %add3A_404 = arith.constant 0 : i32
          %add3A_405 = arith.addi %add3A_404, %arg1 : i32
          %lt3A_406 = arith.constant 125 : i32
          %lt3A_407 = arith.cmpi slt, %add3A_405, %lt3A_406 : i32
          %convert_element_type3A_408 = arith.extui %lt3A_407 : i1 to i32
          %cond3A_409 = arith.constant 0 : i32
          %cond3A_410 = arith.cmpi ne, %convert_element_type3A_408, %cond3A_409 : i32
          scf.if %cond3A_410 {
            %add3A_461 = arith.constant 0 : i32
            %add3A_462 = arith.addi %add3A_461, %arg1 : i32
            %mul3A_463 = arith.constant 80 : i32
            %mul3A_464 = arith.muli %add3A_462, %mul3A_463 : i32
            %multiple_of3A = tpu.assume_multiple %mul3A_464, 8 : i32
            %dma_wait3A_465 = arith.constant 0 : i32
            %dma_wait3A_466 = arith.constant 0 : i32
            %dma_wait3A_467 = tpu.memref_slice %arg13[%dma_wait3A_465, %dma_wait3A_466] : memref<128x128xf32, #tpu.memory_space<vmem>> -> memref<80x128xf32, #tpu.memory_space<vmem>>
            %dma_wait3A_468 = arith.constant 0 : i32
            %dma_wait3A_469 = tpu.memref_slice %arg14[%multiple_of3A, %dma_wait3A_468] : memref<10000x128xf32, #tpu.memory_space<vmem_shared>> -> memref<80x128xf32, #tpu.memory_space<vmem_shared>>
            %dma_wait3A_470 = arith.constant 0 : i32
            %dma_wait3A_471 = tpu.memref_slice %arg14[%multiple_of3A, %dma_wait3A_470] : memref<10000x128xf32, #tpu.memory_space<vmem_shared>> -> memref<80x128xf32, #tpu.memory_space<vmem_shared>>
            %dma_wait3A_472 = arith.constant 0 : i32
            %dma_wait3A_473 = arith.constant 0 : i32
            %dma_wait3A_474 = tpu.memref_slice %arg13[%dma_wait3A_472, %dma_wait3A_473] : memref<128x128xf32, #tpu.memory_space<vmem>> -> memref<80x128xf32, #tpu.memory_space<vmem>>
            tpu.wait_dma2 semaphore(%arg24 : memref<!tpu.dma_semaphore, #tpu.memory_space<semaphore_mem>>) src(%dma_wait3A_474 : memref<80x128xf32, #tpu.memory_space<vmem>>) dst(%dma_wait3A_471 : memref<80x128xf32, #tpu.memory_space<vmem_shared>>)
          } else {
          }
          %add3A_411 = arith.constant 16 : i32
          %add3A_412 = arith.addi %add3A_411, %arg1 : i32
          %lt3A_413 = arith.constant 125 : i32
          %lt3A_414 = arith.cmpi slt, %add3A_412, %lt3A_413 : i32
          %convert_element_type3A_415 = arith.extui %lt3A_414 : i1 to i32
          %cond3A_416 = arith.constant 0 : i32
          %cond3A_417 = arith.cmpi ne, %convert_element_type3A_415, %cond3A_416 : i32
          scf.if %cond3A_417 {
            %add3A_461 = arith.constant 16 : i32
            %add3A_462 = arith.addi %add3A_461, %arg1 : i32
            %mul3A_463 = arith.constant 80 : i32
            %mul3A_464 = arith.muli %add3A_462, %mul3A_463 : i32
            %multiple_of3A = tpu.assume_multiple %mul3A_464, 8 : i32
            %dma_wait3A_465 = arith.constant 0 : i32
            %dma_wait3A_466 = arith.constant 0 : i32
            %dma_wait3A_467 = tpu.memref_slice %arg13[%dma_wait3A_465, %dma_wait3A_466] : memref<128x128xf32, #tpu.memory_space<vmem>> -> memref<80x128xf32, #tpu.memory_space<vmem>>
            %dma_wait3A_468 = arith.constant 0 : i32
            %dma_wait3A_469 = tpu.memref_slice %arg14[%multiple_of3A, %dma_wait3A_468] : memref<10000x128xf32, #tpu.memory_space<vmem_shared>> -> memref<80x128xf32, #tpu.memory_space<vmem_shared>>
            %dma_wait3A_470 = arith.constant 0 : i32
            %dma_wait3A_471 = tpu.memref_slice %arg14[%multiple_of3A, %dma_wait3A_470] : memref<10000x128xf32, #tpu.memory_space<vmem_shared>> -> memref<80x128xf32, #tpu.memory_space<vmem_shared>>
            %dma_wait3A_472 = arith.constant 0 : i32
            %dma_wait3A_473 = arith.constant 0 : i32
            %dma_wait3A_474 = tpu.memref_slice %arg13[%dma_wait3A_472, %dma_wait3A_473] : memref<128x128xf32, #tpu.memory_space<vmem>> -> memref<80x128xf32, #tpu.memory_space<vmem>>
            tpu.wait_dma2 semaphore(%arg24 : memref<!tpu.dma_semaphore, #tpu.memory_space<semaphore_mem>>) src(%dma_wait3A_474 : memref<80x128xf32, #tpu.memory_space<vmem>>) dst(%dma_wait3A_471 : memref<80x128xf32, #tpu.memory_space<vmem_shared>>)
          } else {
          }
          %add3A_418 = arith.constant 32 : i32
          %add3A_419 = arith.addi %add3A_418, %arg1 : i32
          %lt3A_420 = arith.constant 125 : i32
          %lt3A_421 = arith.cmpi slt, %add3A_419, %lt3A_420 : i32
          %convert_element_type3A_422 = arith.extui %lt3A_421 : i1 to i32
          %cond3A_423 = arith.constant 0 : i32
          %cond3A_424 = arith.cmpi ne, %convert_element_type3A_422, %cond3A_423 : i32
          scf.if %cond3A_424 {
            %add3A_461 = arith.constant 32 : i32
            %add3A_462 = arith.addi %add3A_461, %arg1 : i32
            %mul3A_463 = arith.constant 80 : i32
            %mul3A_464 = arith.muli %add3A_462, %mul3A_463 : i32
            %multiple_of3A = tpu.assume_multiple %mul3A_464, 8 : i32
            %dma_wait3A_465 = arith.constant 0 : i32
            %dma_wait3A_466 = arith.constant 0 : i32
            %dma_wait3A_467 = tpu.memref_slice %arg13[%dma_wait3A_465, %dma_wait3A_466] : memref<128x128xf32, #tpu.memory_space<vmem>> -> memref<80x128xf32, #tpu.memory_space<vmem>>
            %dma_wait3A_468 = arith.constant 0 : i32
            %dma_wait3A_469 = tpu.memref_slice %arg14[%multiple_of3A, %dma_wait3A_468] : memref<10000x128xf32, #tpu.memory_space<vmem_shared>> -> memref<80x128xf32, #tpu.memory_space<vmem_shared>>
            %dma_wait3A_470 = arith.constant 0 : i32
            %dma_wait3A_471 = tpu.memref_slice %arg14[%multiple_of3A, %dma_wait3A_470] : memref<10000x128xf32, #tpu.memory_space<vmem_shared>> -> memref<80x128xf32, #tpu.memory_space<vmem_shared>>
            %dma_wait3A_472 = arith.constant 0 : i32
            %dma_wait3A_473 = arith.constant 0 : i32
            %dma_wait3A_474 = tpu.memref_slice %arg13[%dma_wait3A_472, %dma_wait3A_473] : memref<128x128xf32, #tpu.memory_space<vmem>> -> memref<80x128xf32, #tpu.memory_space<vmem>>
            tpu.wait_dma2 semaphore(%arg24 : memref<!tpu.dma_semaphore, #tpu.memory_space<semaphore_mem>>) src(%dma_wait3A_474 : memref<80x128xf32, #tpu.memory_space<vmem>>) dst(%dma_wait3A_471 : memref<80x128xf32, #tpu.memory_space<vmem_shared>>)
          } else {
          }
          %add3A_425 = arith.constant 48 : i32
          %add3A_426 = arith.addi %add3A_425, %arg1 : i32
          %lt3A_427 = arith.constant 125 : i32
          %lt3A_428 = arith.cmpi slt, %add3A_426, %lt3A_427 : i32
          %convert_element_type3A_429 = arith.extui %lt3A_428 : i1 to i32
          %cond3A_430 = arith.constant 0 : i32
          %cond3A_431 = arith.cmpi ne, %convert_element_type3A_429, %cond3A_430 : i32
          scf.if %cond3A_431 {
            %add3A_461 = arith.constant 48 : i32
            %add3A_462 = arith.addi %add3A_461, %arg1 : i32
            %mul3A_463 = arith.constant 80 : i32
            %mul3A_464 = arith.muli %add3A_462, %mul3A_463 : i32
            %multiple_of3A = tpu.assume_multiple %mul3A_464, 8 : i32
            %dma_wait3A_465 = arith.constant 0 : i32
            %dma_wait3A_466 = arith.constant 0 : i32
            %dma_wait3A_467 = tpu.memref_slice %arg13[%dma_wait3A_465, %dma_wait3A_466] : memref<128x128xf32, #tpu.memory_space<vmem>> -> memref<80x128xf32, #tpu.memory_space<vmem>>
            %dma_wait3A_468 = arith.constant 0 : i32
            %dma_wait3A_469 = tpu.memref_slice %arg14[%multiple_of3A, %dma_wait3A_468] : memref<10000x128xf32, #tpu.memory_space<vmem_shared>> -> memref<80x128xf32, #tpu.memory_space<vmem_shared>>
            %dma_wait3A_470 = arith.constant 0 : i32
            %dma_wait3A_471 = tpu.memref_slice %arg14[%multiple_of3A, %dma_wait3A_470] : memref<10000x128xf32, #tpu.memory_space<vmem_shared>> -> memref<80x128xf32, #tpu.memory_space<vmem_shared>>
            %dma_wait3A_472 = arith.constant 0 : i32
            %dma_wait3A_473 = arith.constant 0 : i32
            %dma_wait3A_474 = tpu.memref_slice %arg13[%dma_wait3A_472, %dma_wait3A_473] : memref<128x128xf32, #tpu.memory_space<vmem>> -> memref<80x128xf32, #tpu.memory_space<vmem>>
            tpu.wait_dma2 semaphore(%arg24 : memref<!tpu.dma_semaphore, #tpu.memory_space<semaphore_mem>>) src(%dma_wait3A_474 : memref<80x128xf32, #tpu.memory_space<vmem>>) dst(%dma_wait3A_471 : memref<80x128xf32, #tpu.memory_space<vmem_shared>>)
          } else {
          }
          %add3A_432 = arith.constant 64 : i32
          %add3A_433 = arith.addi %add3A_432, %arg1 : i32
          %lt3A_434 = arith.constant 125 : i32
          %lt3A_435 = arith.cmpi slt, %add3A_433, %lt3A_434 : i32
          %convert_element_type3A_436 = arith.extui %lt3A_435 : i1 to i32
          %cond3A_437 = arith.constant 0 : i32
          %cond3A_438 = arith.cmpi ne, %convert_element_type3A_436, %cond3A_437 : i32
          scf.if %cond3A_438 {
            %add3A_461 = arith.constant 64 : i32
            %add3A_462 = arith.addi %add3A_461, %arg1 : i32
            %mul3A_463 = arith.constant 80 : i32
            %mul3A_464 = arith.muli %add3A_462, %mul3A_463 : i32
            %multiple_of3A = tpu.assume_multiple %mul3A_464, 8 : i32
            %dma_wait3A_465 = arith.constant 0 : i32
            %dma_wait3A_466 = arith.constant 0 : i32
            %dma_wait3A_467 = tpu.memref_slice %arg13[%dma_wait3A_465, %dma_wait3A_466] : memref<128x128xf32, #tpu.memory_space<vmem>> -> memref<80x128xf32, #tpu.memory_space<vmem>>
            %dma_wait3A_468 = arith.constant 0 : i32
            %dma_wait3A_469 = tpu.memref_slice %arg14[%multiple_of3A, %dma_wait3A_468] : memref<10000x128xf32, #tpu.memory_space<vmem_shared>> -> memref<80x128xf32, #tpu.memory_space<vmem_shared>>
            %dma_wait3A_470 = arith.constant 0 : i32
            %dma_wait3A_471 = tpu.memref_slice %arg14[%multiple_of3A, %dma_wait3A_470] : memref<10000x128xf32, #tpu.memory_space<vmem_shared>> -> memref<80x128xf32, #tpu.memory_space<vmem_shared>>
            %dma_wait3A_472 = arith.constant 0 : i32
            %dma_wait3A_473 = arith.constant 0 : i32
            %dma_wait3A_474 = tpu.memref_slice %arg13[%dma_wait3A_472, %dma_wait3A_473] : memref<128x128xf32, #tpu.memory_space<vmem>> -> memref<80x128xf32, #tpu.memory_space<vmem>>
            tpu.wait_dma2 semaphore(%arg24 : memref<!tpu.dma_semaphore, #tpu.memory_space<semaphore_mem>>) src(%dma_wait3A_474 : memref<80x128xf32, #tpu.memory_space<vmem>>) dst(%dma_wait3A_471 : memref<80x128xf32, #tpu.memory_space<vmem_shared>>)
          } else {
          }
          %add3A_439 = arith.constant 80 : i32
          %add3A_440 = arith.addi %add3A_439, %arg1 : i32
          %lt3A_441 = arith.constant 125 : i32
          %lt3A_442 = arith.cmpi slt, %add3A_440, %lt3A_441 : i32
          %convert_element_type3A_443 = arith.extui %lt3A_442 : i1 to i32
          %cond3A_444 = arith.constant 0 : i32
          %cond3A_445 = arith.cmpi ne, %convert_element_type3A_443, %cond3A_444 : i32
          scf.if %cond3A_445 {
            %add3A_461 = arith.constant 80 : i32
            %add3A_462 = arith.addi %add3A_461, %arg1 : i32
            %mul3A_463 = arith.constant 80 : i32
            %mul3A_464 = arith.muli %add3A_462, %mul3A_463 : i32
            %multiple_of3A = tpu.assume_multiple %mul3A_464, 8 : i32
            %dma_wait3A_465 = arith.constant 0 : i32
            %dma_wait3A_466 = arith.constant 0 : i32
            %dma_wait3A_467 = tpu.memref_slice %arg13[%dma_wait3A_465, %dma_wait3A_466] : memref<128x128xf32, #tpu.memory_space<vmem>> -> memref<80x128xf32, #tpu.memory_space<vmem>>
            %dma_wait3A_468 = arith.constant 0 : i32
            %dma_wait3A_469 = tpu.memref_slice %arg14[%multiple_of3A, %dma_wait3A_468] : memref<10000x128xf32, #tpu.memory_space<vmem_shared>> -> memref<80x128xf32, #tpu.memory_space<vmem_shared>>
            %dma_wait3A_470 = arith.constant 0 : i32
            %dma_wait3A_471 = tpu.memref_slice %arg14[%multiple_of3A, %dma_wait3A_470] : memref<10000x128xf32, #tpu.memory_space<vmem_shared>> -> memref<80x128xf32, #tpu.memory_space<vmem_shared>>
            %dma_wait3A_472 = arith.constant 0 : i32
            %dma_wait3A_473 = arith.constant 0 : i32
            %dma_wait3A_474 = tpu.memref_slice %arg13[%dma_wait3A_472, %dma_wait3A_473] : memref<128x128xf32, #tpu.memory_space<vmem>> -> memref<80x128xf32, #tpu.memory_space<vmem>>
            tpu.wait_dma2 semaphore(%arg24 : memref<!tpu.dma_semaphore, #tpu.memory_space<semaphore_mem>>) src(%dma_wait3A_474 : memref<80x128xf32, #tpu.memory_space<vmem>>) dst(%dma_wait3A_471 : memref<80x128xf32, #tpu.memory_space<vmem_shared>>)
          } else {
          }
          %add3A_446 = arith.constant 96 : i32
          %add3A_447 = arith.addi %add3A_446, %arg1 : i32
          %lt3A_448 = arith.constant 125 : i32
          %lt3A_449 = arith.cmpi slt, %add3A_447, %lt3A_448 : i32
          %convert_element_type3A_450 = arith.extui %lt3A_449 : i1 to i32
          %cond3A_451 = arith.constant 0 : i32
          %cond3A_452 = arith.cmpi ne, %convert_element_type3A_450, %cond3A_451 : i32
          scf.if %cond3A_452 {
            %add3A_461 = arith.constant 96 : i32
            %add3A_462 = arith.addi %add3A_461, %arg1 : i32
            %mul3A_463 = arith.constant 80 : i32
            %mul3A_464 = arith.muli %add3A_462, %mul3A_463 : i32
            %multiple_of3A = tpu.assume_multiple %mul3A_464, 8 : i32
            %dma_wait3A_465 = arith.constant 0 : i32
            %dma_wait3A_466 = arith.constant 0 : i32
            %dma_wait3A_467 = tpu.memref_slice %arg13[%dma_wait3A_465, %dma_wait3A_466] : memref<128x128xf32, #tpu.memory_space<vmem>> -> memref<80x128xf32, #tpu.memory_space<vmem>>
            %dma_wait3A_468 = arith.constant 0 : i32
            %dma_wait3A_469 = tpu.memref_slice %arg14[%multiple_of3A, %dma_wait3A_468] : memref<10000x128xf32, #tpu.memory_space<vmem_shared>> -> memref<80x128xf32, #tpu.memory_space<vmem_shared>>
            %dma_wait3A_470 = arith.constant 0 : i32
            %dma_wait3A_471 = tpu.memref_slice %arg14[%multiple_of3A, %dma_wait3A_470] : memref<10000x128xf32, #tpu.memory_space<vmem_shared>> -> memref<80x128xf32, #tpu.memory_space<vmem_shared>>
            %dma_wait3A_472 = arith.constant 0 : i32
            %dma_wait3A_473 = arith.constant 0 : i32
            %dma_wait3A_474 = tpu.memref_slice %arg13[%dma_wait3A_472, %dma_wait3A_473] : memref<128x128xf32, #tpu.memory_space<vmem>> -> memref<80x128xf32, #tpu.memory_space<vmem>>
            tpu.wait_dma2 semaphore(%arg24 : memref<!tpu.dma_semaphore, #tpu.memory_space<semaphore_mem>>) src(%dma_wait3A_474 : memref<80x128xf32, #tpu.memory_space<vmem>>) dst(%dma_wait3A_471 : memref<80x128xf32, #tpu.memory_space<vmem_shared>>)
          } else {
          }
          %add3A_453 = arith.constant 112 : i32
          %add3A_454 = arith.addi %add3A_453, %arg1 : i32
          %lt3A_455 = arith.constant 125 : i32
          %lt3A_456 = arith.cmpi slt, %add3A_454, %lt3A_455 : i32
          %convert_element_type3A_457 = arith.extui %lt3A_456 : i1 to i32
          %cond3A_458 = arith.constant 0 : i32
          %cond3A_459 = arith.cmpi ne, %convert_element_type3A_457, %cond3A_458 : i32
          scf.if %cond3A_459 {
            %add3A_461 = arith.constant 112 : i32
            %add3A_462 = arith.addi %add3A_461, %arg1 : i32
            %mul3A_463 = arith.constant 80 : i32
            %mul3A_464 = arith.muli %add3A_462, %mul3A_463 : i32
            %multiple_of3A = tpu.assume_multiple %mul3A_464, 8 : i32
            %dma_wait3A_465 = arith.constant 0 : i32
            %dma_wait3A_466 = arith.constant 0 : i32
            %dma_wait3A_467 = tpu.memref_slice %arg13[%dma_wait3A_465, %dma_wait3A_466] : memref<128x128xf32, #tpu.memory_space<vmem>> -> memref<80x128xf32, #tpu.memory_space<vmem>>
            %dma_wait3A_468 = arith.constant 0 : i32
            %dma_wait3A_469 = tpu.memref_slice %arg14[%multiple_of3A, %dma_wait3A_468] : memref<10000x128xf32, #tpu.memory_space<vmem_shared>> -> memref<80x128xf32, #tpu.memory_space<vmem_shared>>
            %dma_wait3A_470 = arith.constant 0 : i32
            %dma_wait3A_471 = tpu.memref_slice %arg14[%multiple_of3A, %dma_wait3A_470] : memref<10000x128xf32, #tpu.memory_space<vmem_shared>> -> memref<80x128xf32, #tpu.memory_space<vmem_shared>>
            %dma_wait3A_472 = arith.constant 0 : i32
            %dma_wait3A_473 = arith.constant 0 : i32
            %dma_wait3A_474 = tpu.memref_slice %arg13[%dma_wait3A_472, %dma_wait3A_473] : memref<128x128xf32, #tpu.memory_space<vmem>> -> memref<80x128xf32, #tpu.memory_space<vmem>>
            tpu.wait_dma2 semaphore(%arg24 : memref<!tpu.dma_semaphore, #tpu.memory_space<semaphore_mem>>) src(%dma_wait3A_474 : memref<80x128xf32, #tpu.memory_space<vmem>>) dst(%dma_wait3A_471 : memref<80x128xf32, #tpu.memory_space<vmem_shared>>)
          } else {
          }
          %barrier3A_460 = arith.constant 0 : index
          tpu.barrier barrier_id(%barrier3A_460)
        } else {
        }
        %add3A_377 = arith.constant 3 : i32
        %add3A_378 = arith.addi %add3A_336, %add3A_377 : i32
        %sub3A_379 = arith.constant 1 : i32
        %sub3A_380 = arith.subi %add3A_378, %sub3A_379 : i32
        %mul3A_381 = arith.constant 32 : i32
        %mul3A_382 = arith.muli %sub3A_380, %mul3A_381 : i32
        %add3A_383 = arith.addi %mul3A_382, %add3A : i32
        %lt3A_384 = arith.constant 2500 : i32
        %lt3A_385 = arith.cmpi slt, %add3A_383, %lt3A_384 : i32
        %convert_element_type3A_386 = arith.extui %lt3A_385 : i1 to i32
        %cond3A_387 = arith.constant 0 : i32
        %cond3A_388 = arith.cmpi ne, %convert_element_type3A_386, %cond3A_387 : i32
        scf.if %cond3A_388 {
          %add3A_404 = arith.constant 3 : i32
          %add3A_405 = arith.addi %add3A_336, %add3A_404 : i32
          %sub3A_406 = arith.constant 1 : i32
          %sub3A_407 = arith.subi %add3A_405, %sub3A_406 : i32
          %mul3A_408 = arith.constant 32 : i32
          %mul3A_409 = arith.muli %sub3A_407, %mul3A_408 : i32
          %add3A_410 = arith.addi %mul3A_409, %add3A : i32
          %mul3A_411 = arith.constant 128 : i32
          %mul3A_412 = arith.muli %add3A_410, %mul3A_411 : i32
          %dma_start3A_413 = arith.constant 0 : i32
          %dma_start3A_414 = tpu.memref_slice %arg3[%dma_start3A_413, %mul3A_412] : memref<2x320000xi32, #tpu.memory_space<hbm>> -> memref<1x128xi32, #tpu.memory_space<hbm>>
          %dma_start3A_415 = tpu.memref_squeeze %dma_start3A_414 : memref<1x128xi32, #tpu.memory_space<hbm>> -> memref<128xi32, #tpu.memory_space<hbm>>
          %dma_start3A_416 = tpu.memref_slice %arg3[%dma_start3A_413, %mul3A_412] : memref<2x320000xi32, #tpu.memory_space<hbm>> -> memref<1x128xi32, #tpu.memory_space<hbm>>
          %dma_start3A_417 = tpu.memref_squeeze %dma_start3A_416 : memref<1x128xi32, #tpu.memory_space<hbm>> -> memref<128xi32, #tpu.memory_space<hbm>>
          tpu.enqueue_dma source(%dma_start3A_417 : memref<128xi32, #tpu.memory_space<hbm>>) target(%arg6 : memref<128xi32, #tpu.memory_space<vmem>>) target_semaphore(%arg16 : memref<!tpu.dma_semaphore, #tpu.memory_space<semaphore_mem>>)
        } else {
        }
        %sub3A_389 = arith.constant 1 : i32
        %sub3A_390 = arith.subi %add3A_336, %sub3A_389 : i32
        %mul3A_391 = arith.constant 32 : i32
        %mul3A_392 = arith.muli %sub3A_390, %mul3A_391 : i32
        %add3A_393 = arith.addi %mul3A_392, %add3A : i32
        %mul3A_394 = arith.constant 128 : i32
        %mul3A_395 = arith.muli %add3A_393, %mul3A_394 : i32
        %dma_wait3A_396 = arith.constant 1 : i32
        %dma_wait3A_397 = tpu.memref_slice %arg3[%dma_wait3A_396, %mul3A_395] : memref<2x320000xi32, #tpu.memory_space<hbm>> -> memref<1x128xi32, #tpu.memory_space<hbm>>
        %dma_wait3A_398 = tpu.memref_squeeze %dma_wait3A_397 : memref<1x128xi32, #tpu.memory_space<hbm>> -> memref<128xi32, #tpu.memory_space<hbm>>
        %dma_wait3A_399 = tpu.memref_slice %arg3[%dma_wait3A_396, %mul3A_395] : memref<2x320000xi32, #tpu.memory_space<hbm>> -> memref<1x128xi32, #tpu.memory_space<hbm>>
        %dma_wait3A_400 = tpu.memref_squeeze %dma_wait3A_399 : memref<1x128xi32, #tpu.memory_space<hbm>> -> memref<128xi32, #tpu.memory_space<hbm>>
        tpu.wait_dma2 semaphore(%arg22 : memref<!tpu.dma_semaphore, #tpu.memory_space<semaphore_mem>>) src(%dma_wait3A_400 : memref<128xi32, #tpu.memory_space<hbm>>) dst(%arg9 : memref<128xi32, #tpu.memory_space<vmem>>)
        %dma_start3A_401 = arith.constant 0 : i32
        %dma_start3A_402 = arith.constant 0 : i32
        %dma_start3A_403 = tpu.memref_slice %arg14[%dma_start3A_401, %dma_start3A_402] : memref<10000x128xf32, #tpu.memory_space<vmem_shared>> -> memref<10000x128xf32, #tpu.memory_space<vmem_shared>>
        tpu.enqueue_indirect_dma source(%arg12 : memref<128x128xf32, #tpu.memory_space<vmem>>) target(%dma_start3A_403 : memref<10000x128xf32, #tpu.memory_space<vmem_shared>>) offsets(%arg9 : memref<128xi32, #tpu.memory_space<vmem>>) semaphore(%arg22 : memref<!tpu.dma_semaphore, #tpu.memory_space<semaphore_mem>>) {add = true}
      } else {
      }
    }
    %scan3A_90 = arith.constant 29 : i32
    %barrier3A = arith.constant 0 : index
    tpu.barrier barrier_id(%barrier3A)
    %add3A_91 = arith.constant 0 : i32
    %add3A_92 = arith.addi %add3A_91, %arg1 : i32
    %lt3A_93 = arith.constant 125 : i32
    %lt3A_94 = arith.cmpi slt, %add3A_92, %lt3A_93 : i32
    %convert_element_type3A_95 = arith.extui %lt3A_94 : i1 to i32
    %cond3A_96 = arith.constant 0 : i32
    %cond3A_97 = arith.cmpi ne, %convert_element_type3A_95, %cond3A_96 : i32
    scf.if %cond3A_97 {
      %add3A_259 = arith.constant 0 : i32
      %add3A_260 = arith.addi %add3A_259, %arg1 : i32
      %mul3A_261 = arith.constant 80 : i32
      %mul3A_262 = arith.muli %add3A_260, %mul3A_261 : i32
      %multiple_of3A = tpu.assume_multiple %mul3A_262, 8 : i32
      %dma_start3A_263 = arith.constant 0 : i32
      %dma_start3A_264 = arith.constant 0 : i32
      %dma_start3A_265 = tpu.memref_slice %arg11[%dma_start3A_263, %dma_start3A_264] : memref<128x128xf32, #tpu.memory_space<vmem>> -> memref<80x128xf32, #tpu.memory_space<vmem>>
      %dma_start3A_266 = arith.constant 0 : i32
      %dma_start3A_267 = tpu.memref_slice %arg14[%multiple_of3A, %dma_start3A_266] : memref<10000x128xf32, #tpu.memory_space<vmem_shared>> -> memref<80x128xf32, #tpu.memory_space<vmem_shared>>
      %dma_start3A_268 = arith.constant 0 : i32
      %dma_start3A_269 = arith.constant 0 : i32
      %dma_start3A_270 = tpu.memref_slice %arg11[%dma_start3A_268, %dma_start3A_269] : memref<128x128xf32, #tpu.memory_space<vmem>> -> memref<80x128xf32, #tpu.memory_space<vmem>>
      %dma_start3A_271 = arith.constant 0 : i32
      %dma_start3A_272 = tpu.memref_slice %arg14[%multiple_of3A, %dma_start3A_271] : memref<10000x128xf32, #tpu.memory_space<vmem_shared>> -> memref<80x128xf32, #tpu.memory_space<vmem_shared>>
      tpu.enqueue_dma source(%dma_start3A_272 : memref<80x128xf32, #tpu.memory_space<vmem_shared>>) target(%dma_start3A_270 : memref<80x128xf32, #tpu.memory_space<vmem>>) target_semaphore(%arg18 : memref<!tpu.dma_semaphore, #tpu.memory_space<semaphore_mem>>)
    } else {
    }
    %add3A_98 = arith.constant 16 : i32
    %add3A_99 = arith.addi %add3A_98, %arg1 : i32
    %lt3A_100 = arith.constant 125 : i32
    %lt3A_101 = arith.cmpi slt, %add3A_99, %lt3A_100 : i32
    %convert_element_type3A_102 = arith.extui %lt3A_101 : i1 to i32
    %cond3A_103 = arith.constant 0 : i32
    %cond3A_104 = arith.cmpi ne, %convert_element_type3A_102, %cond3A_103 : i32
    scf.if %cond3A_104 {
      %add3A_259 = arith.constant 16 : i32
      %add3A_260 = arith.addi %add3A_259, %arg1 : i32
      %mul3A_261 = arith.constant 80 : i32
      %mul3A_262 = arith.muli %add3A_260, %mul3A_261 : i32
      %multiple_of3A = tpu.assume_multiple %mul3A_262, 8 : i32
      %dma_start3A_263 = arith.constant 0 : i32
      %dma_start3A_264 = arith.constant 0 : i32
      %dma_start3A_265 = tpu.memref_slice %arg12[%dma_start3A_263, %dma_start3A_264] : memref<128x128xf32, #tpu.memory_space<vmem>> -> memref<80x128xf32, #tpu.memory_space<vmem>>
      %dma_start3A_266 = arith.constant 0 : i32
      %dma_start3A_267 = tpu.memref_slice %arg14[%multiple_of3A, %dma_start3A_266] : memref<10000x128xf32, #tpu.memory_space<vmem_shared>> -> memref<80x128xf32, #tpu.memory_space<vmem_shared>>
      %dma_start3A_268 = arith.constant 0 : i32
      %dma_start3A_269 = arith.constant 0 : i32
      %dma_start3A_270 = tpu.memref_slice %arg12[%dma_start3A_268, %dma_start3A_269] : memref<128x128xf32, #tpu.memory_space<vmem>> -> memref<80x128xf32, #tpu.memory_space<vmem>>
      %dma_start3A_271 = arith.constant 0 : i32
      %dma_start3A_272 = tpu.memref_slice %arg14[%multiple_of3A, %dma_start3A_271] : memref<10000x128xf32, #tpu.memory_space<vmem_shared>> -> memref<80x128xf32, #tpu.memory_space<vmem_shared>>
      tpu.enqueue_dma source(%dma_start3A_272 : memref<80x128xf32, #tpu.memory_space<vmem_shared>>) target(%dma_start3A_270 : memref<80x128xf32, #tpu.memory_space<vmem>>) target_semaphore(%arg19 : memref<!tpu.dma_semaphore, #tpu.memory_space<semaphore_mem>>)
    } else {
    }
    %add3A_105 = arith.constant 0 : i32
    %add3A_106 = arith.addi %add3A_105, %arg1 : i32
    %lt3A_107 = arith.constant 125 : i32
    %lt3A_108 = arith.cmpi slt, %add3A_106, %lt3A_107 : i32
    %convert_element_type3A_109 = arith.extui %lt3A_108 : i1 to i32
    %cond3A_110 = arith.constant 0 : i32
    %cond3A_111 = arith.cmpi ne, %convert_element_type3A_109, %cond3A_110 : i32
    scf.if %cond3A_111 {
      %add3A_259 = arith.constant 0 : i32
      %add3A_260 = arith.addi %add3A_259, %arg1 : i32
      %mul3A_261 = arith.constant 80 : i32
      %mul3A_262 = arith.muli %add3A_260, %mul3A_261 : i32
      %multiple_of3A = tpu.assume_multiple %mul3A_262, 8 : i32
      %dma_wait3A = arith.constant 0 : i32
      %dma_wait3A_263 = arith.constant 0 : i32
      %dma_wait3A_264 = tpu.memref_slice %arg11[%dma_wait3A, %dma_wait3A_263] : memref<128x128xf32, #tpu.memory_space<vmem>> -> memref<80x128xf32, #tpu.memory_space<vmem>>
      %dma_wait3A_265 = arith.constant 0 : i32
      %dma_wait3A_266 = tpu.memref_slice %arg14[%multiple_of3A, %dma_wait3A_265] : memref<10000x128xf32, #tpu.memory_space<vmem_shared>> -> memref<80x128xf32, #tpu.memory_space<vmem_shared>>
      %dma_wait3A_267 = arith.constant 0 : i32
      %dma_wait3A_268 = arith.constant 0 : i32
      %dma_wait3A_269 = tpu.memref_slice %arg11[%dma_wait3A_267, %dma_wait3A_268] : memref<128x128xf32, #tpu.memory_space<vmem>> -> memref<80x128xf32, #tpu.memory_space<vmem>>
      %dma_wait3A_270 = arith.constant 0 : i32
      %dma_wait3A_271 = tpu.memref_slice %arg14[%multiple_of3A, %dma_wait3A_270] : memref<10000x128xf32, #tpu.memory_space<vmem_shared>> -> memref<80x128xf32, #tpu.memory_space<vmem_shared>>
      tpu.wait_dma2 semaphore(%arg18 : memref<!tpu.dma_semaphore, #tpu.memory_space<semaphore_mem>>) src(%dma_wait3A_271 : memref<80x128xf32, #tpu.memory_space<vmem_shared>>) dst(%dma_wait3A_269 : memref<80x128xf32, #tpu.memory_space<vmem>>)
      %add3A_272 = arith.constant 0 : i32
      %add3A_273 = arith.addi %add3A_272, %arg1 : i32
      %mul3A_274 = arith.constant 80 : i32
      %mul3A_275 = arith.muli %add3A_273, %mul3A_274 : i32
      %multiple_of3A_276 = tpu.assume_multiple %mul3A_275, 8 : i32
      %dma_start3A_277 = arith.constant 0 : i32
      %dma_start3A_278 = arith.constant 0 : i32
      %dma_start3A_279 = tpu.memref_slice %arg11[%dma_start3A_277, %dma_start3A_278] : memref<128x128xf32, #tpu.memory_space<vmem>> -> memref<80x128xf32, #tpu.memory_space<vmem>>
      %dma_start3A_280 = arith.constant 0 : i32
      %dma_start3A_281 = tpu.memref_slice %arg4[%arg0, %multiple_of3A_276, %dma_start3A_280] : memref<2x10000x128xf32, #tpu.memory_space<hbm>> -> memref<1x80x128xf32, #tpu.memory_space<hbm>>
      %dma_start3A_282 = tpu.memref_squeeze %dma_start3A_281 : memref<1x80x128xf32, #tpu.memory_space<hbm>> -> memref<80x128xf32, #tpu.memory_space<hbm>>
      %dma_start3A_283 = arith.constant 0 : i32
      %dma_start3A_284 = tpu.memref_slice %arg4[%arg0, %multiple_of3A_276, %dma_start3A_283] : memref<2x10000x128xf32, #tpu.memory_space<hbm>> -> memref<1x80x128xf32, #tpu.memory_space<hbm>>
      %dma_start3A_285 = tpu.memref_squeeze %dma_start3A_284 : memref<1x80x128xf32, #tpu.memory_space<hbm>> -> memref<80x128xf32, #tpu.memory_space<hbm>>
      %dma_start3A_286 = arith.constant 0 : i32
      %dma_start3A_287 = arith.constant 0 : i32
      %dma_start3A_288 = tpu.memref_slice %arg11[%dma_start3A_286, %dma_start3A_287] : memref<128x128xf32, #tpu.memory_space<vmem>> -> memref<80x128xf32, #tpu.memory_space<vmem>>
      tpu.enqueue_dma source(%dma_start3A_288 : memref<80x128xf32, #tpu.memory_space<vmem>>) target(%dma_start3A_285 : memref<80x128xf32, #tpu.memory_space<hbm>>) target_semaphore(%arg21 : memref<!tpu.dma_semaphore, #tpu.memory_space<semaphore_mem>>)
    } else {
    }
    %add3A_112 = arith.constant 32 : i32
    %add3A_113 = arith.addi %add3A_112, %arg1 : i32
    %lt3A_114 = arith.constant 125 : i32
    %lt3A_115 = arith.cmpi slt, %add3A_113, %lt3A_114 : i32
    %convert_element_type3A_116 = arith.extui %lt3A_115 : i1 to i32
    %cond3A_117 = arith.constant 0 : i32
    %cond3A_118 = arith.cmpi ne, %convert_element_type3A_116, %cond3A_117 : i32
    scf.if %cond3A_118 {
      %add3A_259 = arith.constant 32 : i32
      %add3A_260 = arith.addi %add3A_259, %arg1 : i32
      %mul3A_261 = arith.constant 80 : i32
      %mul3A_262 = arith.muli %add3A_260, %mul3A_261 : i32
      %multiple_of3A = tpu.assume_multiple %mul3A_262, 8 : i32
      %dma_start3A_263 = arith.constant 0 : i32
      %dma_start3A_264 = arith.constant 0 : i32
      %dma_start3A_265 = tpu.memref_slice %arg13[%dma_start3A_263, %dma_start3A_264] : memref<128x128xf32, #tpu.memory_space<vmem>> -> memref<80x128xf32, #tpu.memory_space<vmem>>
      %dma_start3A_266 = arith.constant 0 : i32
      %dma_start3A_267 = tpu.memref_slice %arg14[%multiple_of3A, %dma_start3A_266] : memref<10000x128xf32, #tpu.memory_space<vmem_shared>> -> memref<80x128xf32, #tpu.memory_space<vmem_shared>>
      %dma_start3A_268 = arith.constant 0 : i32
      %dma_start3A_269 = arith.constant 0 : i32
      %dma_start3A_270 = tpu.memref_slice %arg13[%dma_start3A_268, %dma_start3A_269] : memref<128x128xf32, #tpu.memory_space<vmem>> -> memref<80x128xf32, #tpu.memory_space<vmem>>
      %dma_start3A_271 = arith.constant 0 : i32
      %dma_start3A_272 = tpu.memref_slice %arg14[%multiple_of3A, %dma_start3A_271] : memref<10000x128xf32, #tpu.memory_space<vmem_shared>> -> memref<80x128xf32, #tpu.memory_space<vmem_shared>>
      tpu.enqueue_dma source(%dma_start3A_272 : memref<80x128xf32, #tpu.memory_space<vmem_shared>>) target(%dma_start3A_270 : memref<80x128xf32, #tpu.memory_space<vmem>>) target_semaphore(%arg20 : memref<!tpu.dma_semaphore, #tpu.memory_space<semaphore_mem>>)
    } else {
    }
    %add3A_119 = arith.constant 16 : i32
    %add3A_120 = arith.addi %add3A_119, %arg1 : i32
    %lt3A_121 = arith.constant 125 : i32
    %lt3A_122 = arith.cmpi slt, %add3A_120, %lt3A_121 : i32
    %convert_element_type3A_123 = arith.extui %lt3A_122 : i1 to i32
    %cond3A_124 = arith.constant 0 : i32
    %cond3A_125 = arith.cmpi ne, %convert_element_type3A_123, %cond3A_124 : i32
    scf.if %cond3A_125 {
      %add3A_259 = arith.constant 16 : i32
      %add3A_260 = arith.addi %add3A_259, %arg1 : i32
      %mul3A_261 = arith.constant 80 : i32
      %mul3A_262 = arith.muli %add3A_260, %mul3A_261 : i32
      %multiple_of3A = tpu.assume_multiple %mul3A_262, 8 : i32
      %dma_wait3A = arith.constant 0 : i32
      %dma_wait3A_263 = arith.constant 0 : i32
      %dma_wait3A_264 = tpu.memref_slice %arg12[%dma_wait3A, %dma_wait3A_263] : memref<128x128xf32, #tpu.memory_space<vmem>> -> memref<80x128xf32, #tpu.memory_space<vmem>>
      %dma_wait3A_265 = arith.constant 0 : i32
      %dma_wait3A_266 = tpu.memref_slice %arg14[%multiple_of3A, %dma_wait3A_265] : memref<10000x128xf32, #tpu.memory_space<vmem_shared>> -> memref<80x128xf32, #tpu.memory_space<vmem_shared>>
      %dma_wait3A_267 = arith.constant 0 : i32
      %dma_wait3A_268 = arith.constant 0 : i32
      %dma_wait3A_269 = tpu.memref_slice %arg12[%dma_wait3A_267, %dma_wait3A_268] : memref<128x128xf32, #tpu.memory_space<vmem>> -> memref<80x128xf32, #tpu.memory_space<vmem>>
      %dma_wait3A_270 = arith.constant 0 : i32
      %dma_wait3A_271 = tpu.memref_slice %arg14[%multiple_of3A, %dma_wait3A_270] : memref<10000x128xf32, #tpu.memory_space<vmem_shared>> -> memref<80x128xf32, #tpu.memory_space<vmem_shared>>
      tpu.wait_dma2 semaphore(%arg19 : memref<!tpu.dma_semaphore, #tpu.memory_space<semaphore_mem>>) src(%dma_wait3A_271 : memref<80x128xf32, #tpu.memory_space<vmem_shared>>) dst(%dma_wait3A_269 : memref<80x128xf32, #tpu.memory_space<vmem>>)
      %add3A_272 = arith.constant 16 : i32
      %add3A_273 = arith.addi %add3A_272, %arg1 : i32
      %mul3A_274 = arith.constant 80 : i32
      %mul3A_275 = arith.muli %add3A_273, %mul3A_274 : i32
      %multiple_of3A_276 = tpu.assume_multiple %mul3A_275, 8 : i32
      %dma_start3A_277 = arith.constant 0 : i32
      %dma_start3A_278 = arith.constant 0 : i32
      %dma_start3A_279 = tpu.memref_slice %arg12[%dma_start3A_277, %dma_start3A_278] : memref<128x128xf32, #tpu.memory_space<vmem>> -> memref<80x128xf32, #tpu.memory_space<vmem>>
      %dma_start3A_280 = arith.constant 0 : i32
      %dma_start3A_281 = tpu.memref_slice %arg4[%arg0, %multiple_of3A_276, %dma_start3A_280] : memref<2x10000x128xf32, #tpu.memory_space<hbm>> -> memref<1x80x128xf32, #tpu.memory_space<hbm>>
      %dma_start3A_282 = tpu.memref_squeeze %dma_start3A_281 : memref<1x80x128xf32, #tpu.memory_space<hbm>> -> memref<80x128xf32, #tpu.memory_space<hbm>>
      %dma_start3A_283 = arith.constant 0 : i32
      %dma_start3A_284 = tpu.memref_slice %arg4[%arg0, %multiple_of3A_276, %dma_start3A_283] : memref<2x10000x128xf32, #tpu.memory_space<hbm>> -> memref<1x80x128xf32, #tpu.memory_space<hbm>>
      %dma_start3A_285 = tpu.memref_squeeze %dma_start3A_284 : memref<1x80x128xf32, #tpu.memory_space<hbm>> -> memref<80x128xf32, #tpu.memory_space<hbm>>
      %dma_start3A_286 = arith.constant 0 : i32
      %dma_start3A_287 = arith.constant 0 : i32
      %dma_start3A_288 = tpu.memref_slice %arg12[%dma_start3A_286, %dma_start3A_287] : memref<128x128xf32, #tpu.memory_space<vmem>> -> memref<80x128xf32, #tpu.memory_space<vmem>>
      tpu.enqueue_dma source(%dma_start3A_288 : memref<80x128xf32, #tpu.memory_space<vmem>>) target(%dma_start3A_285 : memref<80x128xf32, #tpu.memory_space<hbm>>) target_semaphore(%arg22 : memref<!tpu.dma_semaphore, #tpu.memory_space<semaphore_mem>>)
    } else {
    }
    %add3A_126 = arith.constant 0 : i32
    %add3A_127 = arith.addi %add3A_126, %arg1 : i32
    %lt3A_128 = arith.constant 125 : i32
    %lt3A_129 = arith.cmpi slt, %add3A_127, %lt3A_128 : i32
    %convert_element_type3A_130 = arith.extui %lt3A_129 : i1 to i32
    %cond3A_131 = arith.constant 0 : i32
    %cond3A_132 = arith.cmpi ne, %convert_element_type3A_130, %cond3A_131 : i32
    scf.if %cond3A_132 {
      %add3A_259 = arith.constant 0 : i32
      %add3A_260 = arith.addi %add3A_259, %arg1 : i32
      %mul3A_261 = arith.constant 80 : i32
      %mul3A_262 = arith.muli %add3A_260, %mul3A_261 : i32
      %multiple_of3A = tpu.assume_multiple %mul3A_262, 8 : i32
      %dma_wait3A = arith.constant 0 : i32
      %dma_wait3A_263 = arith.constant 0 : i32
      %dma_wait3A_264 = tpu.memref_slice %arg11[%dma_wait3A, %dma_wait3A_263] : memref<128x128xf32, #tpu.memory_space<vmem>> -> memref<80x128xf32, #tpu.memory_space<vmem>>
      %dma_wait3A_265 = arith.constant 0 : i32
      %dma_wait3A_266 = tpu.memref_slice %arg4[%arg0, %multiple_of3A, %dma_wait3A_265] : memref<2x10000x128xf32, #tpu.memory_space<hbm>> -> memref<1x80x128xf32, #tpu.memory_space<hbm>>
      %dma_wait3A_267 = tpu.memref_squeeze %dma_wait3A_266 : memref<1x80x128xf32, #tpu.memory_space<hbm>> -> memref<80x128xf32, #tpu.memory_space<hbm>>
      %dma_wait3A_268 = arith.constant 0 : i32
      %dma_wait3A_269 = tpu.memref_slice %arg4[%arg0, %multiple_of3A, %dma_wait3A_268] : memref<2x10000x128xf32, #tpu.memory_space<hbm>> -> memref<1x80x128xf32, #tpu.memory_space<hbm>>
      %dma_wait3A_270 = tpu.memref_squeeze %dma_wait3A_269 : memref<1x80x128xf32, #tpu.memory_space<hbm>> -> memref<80x128xf32, #tpu.memory_space<hbm>>
      %dma_wait3A_271 = arith.constant 0 : i32
      %dma_wait3A_272 = arith.constant 0 : i32
      %dma_wait3A_273 = tpu.memref_slice %arg11[%dma_wait3A_271, %dma_wait3A_272] : memref<128x128xf32, #tpu.memory_space<vmem>> -> memref<80x128xf32, #tpu.memory_space<vmem>>
      tpu.wait_dma2 semaphore(%arg21 : memref<!tpu.dma_semaphore, #tpu.memory_space<semaphore_mem>>) src(%dma_wait3A_273 : memref<80x128xf32, #tpu.memory_space<vmem>>) dst(%dma_wait3A_270 : memref<80x128xf32, #tpu.memory_space<hbm>>)
    } else {
    }
    %add3A_133 = arith.constant 48 : i32
    %add3A_134 = arith.addi %add3A_133, %arg1 : i32
    %lt3A_135 = arith.constant 125 : i32
    %lt3A_136 = arith.cmpi slt, %add3A_134, %lt3A_135 : i32
    %convert_element_type3A_137 = arith.extui %lt3A_136 : i1 to i32
    %cond3A_138 = arith.constant 0 : i32
    %cond3A_139 = arith.cmpi ne, %convert_element_type3A_137, %cond3A_138 : i32
    scf.if %cond3A_139 {
      %add3A_259 = arith.constant 48 : i32
      %add3A_260 = arith.addi %add3A_259, %arg1 : i32
      %mul3A_261 = arith.constant 80 : i32
      %mul3A_262 = arith.muli %add3A_260, %mul3A_261 : i32
      %multiple_of3A = tpu.assume_multiple %mul3A_262, 8 : i32
      %dma_start3A_263 = arith.constant 0 : i32
      %dma_start3A_264 = arith.constant 0 : i32
      %dma_start3A_265 = tpu.memref_slice %arg11[%dma_start3A_263, %dma_start3A_264] : memref<128x128xf32, #tpu.memory_space<vmem>> -> memref<80x128xf32, #tpu.memory_space<vmem>>
      %dma_start3A_266 = arith.constant 0 : i32
      %dma_start3A_267 = tpu.memref_slice %arg14[%multiple_of3A, %dma_start3A_266] : memref<10000x128xf32, #tpu.memory_space<vmem_shared>> -> memref<80x128xf32, #tpu.memory_space<vmem_shared>>
      %dma_start3A_268 = arith.constant 0 : i32
      %dma_start3A_269 = arith.constant 0 : i32
      %dma_start3A_270 = tpu.memref_slice %arg11[%dma_start3A_268, %dma_start3A_269] : memref<128x128xf32, #tpu.memory_space<vmem>> -> memref<80x128xf32, #tpu.memory_space<vmem>>
      %dma_start3A_271 = arith.constant 0 : i32
      %dma_start3A_272 = tpu.memref_slice %arg14[%multiple_of3A, %dma_start3A_271] : memref<10000x128xf32, #tpu.memory_space<vmem_shared>> -> memref<80x128xf32, #tpu.memory_space<vmem_shared>>
      tpu.enqueue_dma source(%dma_start3A_272 : memref<80x128xf32, #tpu.memory_space<vmem_shared>>) target(%dma_start3A_270 : memref<80x128xf32, #tpu.memory_space<vmem>>) target_semaphore(%arg18 : memref<!tpu.dma_semaphore, #tpu.memory_space<semaphore_mem>>)
    } else {
    }
    %add3A_140 = arith.constant 32 : i32
    %add3A_141 = arith.addi %add3A_140, %arg1 : i32
    %lt3A_142 = arith.constant 125 : i32
    %lt3A_143 = arith.cmpi slt, %add3A_141, %lt3A_142 : i32
    %convert_element_type3A_144 = arith.extui %lt3A_143 : i1 to i32
    %cond3A_145 = arith.constant 0 : i32
    %cond3A_146 = arith.cmpi ne, %convert_element_type3A_144, %cond3A_145 : i32
    scf.if %cond3A_146 {
      %add3A_259 = arith.constant 32 : i32
      %add3A_260 = arith.addi %add3A_259, %arg1 : i32
      %mul3A_261 = arith.constant 80 : i32
      %mul3A_262 = arith.muli %add3A_260, %mul3A_261 : i32
      %multiple_of3A = tpu.assume_multiple %mul3A_262, 8 : i32
      %dma_wait3A = arith.constant 0 : i32
      %dma_wait3A_263 = arith.constant 0 : i32
      %dma_wait3A_264 = tpu.memref_slice %arg13[%dma_wait3A, %dma_wait3A_263] : memref<128x128xf32, #tpu.memory_space<vmem>> -> memref<80x128xf32, #tpu.memory_space<vmem>>
      %dma_wait3A_265 = arith.constant 0 : i32
      %dma_wait3A_266 = tpu.memref_slice %arg14[%multiple_of3A, %dma_wait3A_265] : memref<10000x128xf32, #tpu.memory_space<vmem_shared>> -> memref<80x128xf32, #tpu.memory_space<vmem_shared>>
      %dma_wait3A_267 = arith.constant 0 : i32
      %dma_wait3A_268 = arith.constant 0 : i32
      %dma_wait3A_269 = tpu.memref_slice %arg13[%dma_wait3A_267, %dma_wait3A_268] : memref<128x128xf32, #tpu.memory_space<vmem>> -> memref<80x128xf32, #tpu.memory_space<vmem>>
      %dma_wait3A_270 = arith.constant 0 : i32
      %dma_wait3A_271 = tpu.memref_slice %arg14[%multiple_of3A, %dma_wait3A_270] : memref<10000x128xf32, #tpu.memory_space<vmem_shared>> -> memref<80x128xf32, #tpu.memory_space<vmem_shared>>
      tpu.wait_dma2 semaphore(%arg20 : memref<!tpu.dma_semaphore, #tpu.memory_space<semaphore_mem>>) src(%dma_wait3A_271 : memref<80x128xf32, #tpu.memory_space<vmem_shared>>) dst(%dma_wait3A_269 : memref<80x128xf32, #tpu.memory_space<vmem>>)
      %add3A_272 = arith.constant 32 : i32
      %add3A_273 = arith.addi %add3A_272, %arg1 : i32
      %mul3A_274 = arith.constant 80 : i32
      %mul3A_275 = arith.muli %add3A_273, %mul3A_274 : i32
      %multiple_of3A_276 = tpu.assume_multiple %mul3A_275, 8 : i32
      %dma_start3A_277 = arith.constant 0 : i32
      %dma_start3A_278 = arith.constant 0 : i32
      %dma_start3A_279 = tpu.memref_slice %arg13[%dma_start3A_277, %dma_start3A_278] : memref<128x128xf32, #tpu.memory_space<vmem>> -> memref<80x128xf32, #tpu.memory_space<vmem>>
      %dma_start3A_280 = arith.constant 0 : i32
      %dma_start3A_281 = tpu.memref_slice %arg4[%arg0, %multiple_of3A_276, %dma_start3A_280] : memref<2x10000x128xf32, #tpu.memory_space<hbm>> -> memref<1x80x128xf32, #tpu.memory_space<hbm>>
      %dma_start3A_282 = tpu.memref_squeeze %dma_start3A_281 : memref<1x80x128xf32, #tpu.memory_space<hbm>> -> memref<80x128xf32, #tpu.memory_space<hbm>>
      %dma_start3A_283 = arith.constant 0 : i32
      %dma_start3A_284 = tpu.memref_slice %arg4[%arg0, %multiple_of3A_276, %dma_start3A_283] : memref<2x10000x128xf32, #tpu.memory_space<hbm>> -> memref<1x80x128xf32, #tpu.memory_space<hbm>>
      %dma_start3A_285 = tpu.memref_squeeze %dma_start3A_284 : memref<1x80x128xf32, #tpu.memory_space<hbm>> -> memref<80x128xf32, #tpu.memory_space<hbm>>
      %dma_start3A_286 = arith.constant 0 : i32
      %dma_start3A_287 = arith.constant 0 : i32
      %dma_start3A_288 = tpu.memref_slice %arg13[%dma_start3A_286, %dma_start3A_287] : memref<128x128xf32, #tpu.memory_space<vmem>> -> memref<80x128xf32, #tpu.memory_space<vmem>>
      tpu.enqueue_dma source(%dma_start3A_288 : memref<80x128xf32, #tpu.memory_space<vmem>>) target(%dma_start3A_285 : memref<80x128xf32, #tpu.memory_space<hbm>>) target_semaphore(%arg23 : memref<!tpu.dma_semaphore, #tpu.memory_space<semaphore_mem>>)
    } else {
    }
    %add3A_147 = arith.constant 16 : i32
    %add3A_148 = arith.addi %add3A_147, %arg1 : i32
    %lt3A_149 = arith.constant 125 : i32
    %lt3A_150 = arith.cmpi slt, %add3A_148, %lt3A_149 : i32
    %convert_element_type3A_151 = arith.extui %lt3A_150 : i1 to i32
    %cond3A_152 = arith.constant 0 : i32
    %cond3A_153 = arith.cmpi ne, %convert_element_type3A_151, %cond3A_152 : i32
    scf.if %cond3A_153 {
      %add3A_259 = arith.constant 16 : i32
      %add3A_260 = arith.addi %add3A_259, %arg1 : i32
      %mul3A_261 = arith.constant 80 : i32
      %mul3A_262 = arith.muli %add3A_260, %mul3A_261 : i32
      %multiple_of3A = tpu.assume_multiple %mul3A_262, 8 : i32
      %dma_wait3A = arith.constant 0 : i32
      %dma_wait3A_263 = arith.constant 0 : i32
      %dma_wait3A_264 = tpu.memref_slice %arg12[%dma_wait3A, %dma_wait3A_263] : memref<128x128xf32, #tpu.memory_space<vmem>> -> memref<80x128xf32, #tpu.memory_space<vmem>>
      %dma_wait3A_265 = arith.constant 0 : i32
      %dma_wait3A_266 = tpu.memref_slice %arg4[%arg0, %multiple_of3A, %dma_wait3A_265] : memref<2x10000x128xf32, #tpu.memory_space<hbm>> -> memref<1x80x128xf32, #tpu.memory_space<hbm>>
      %dma_wait3A_267 = tpu.memref_squeeze %dma_wait3A_266 : memref<1x80x128xf32, #tpu.memory_space<hbm>> -> memref<80x128xf32, #tpu.memory_space<hbm>>
      %dma_wait3A_268 = arith.constant 0 : i32
      %dma_wait3A_269 = tpu.memref_slice %arg4[%arg0, %multiple_of3A, %dma_wait3A_268] : memref<2x10000x128xf32, #tpu.memory_space<hbm>> -> memref<1x80x128xf32, #tpu.memory_space<hbm>>
      %dma_wait3A_270 = tpu.memref_squeeze %dma_wait3A_269 : memref<1x80x128xf32, #tpu.memory_space<hbm>> -> memref<80x128xf32, #tpu.memory_space<hbm>>
      %dma_wait3A_271 = arith.constant 0 : i32
      %dma_wait3A_272 = arith.constant 0 : i32
      %dma_wait3A_273 = tpu.memref_slice %arg12[%dma_wait3A_271, %dma_wait3A_272] : memref<128x128xf32, #tpu.memory_space<vmem>> -> memref<80x128xf32, #tpu.memory_space<vmem>>
      tpu.wait_dma2 semaphore(%arg22 : memref<!tpu.dma_semaphore, #tpu.memory_space<semaphore_mem>>) src(%dma_wait3A_273 : memref<80x128xf32, #tpu.memory_space<vmem>>) dst(%dma_wait3A_270 : memref<80x128xf32, #tpu.memory_space<hbm>>)
    } else {
    }
    %add3A_154 = arith.constant 64 : i32
    %add3A_155 = arith.addi %add3A_154, %arg1 : i32
    %lt3A_156 = arith.constant 125 : i32
    %lt3A_157 = arith.cmpi slt, %add3A_155, %lt3A_156 : i32
    %convert_element_type3A_158 = arith.extui %lt3A_157 : i1 to i32
    %cond3A_159 = arith.constant 0 : i32
    %cond3A_160 = arith.cmpi ne, %convert_element_type3A_158, %cond3A_159 : i32
    scf.if %cond3A_160 {
      %add3A_259 = arith.constant 64 : i32
      %add3A_260 = arith.addi %add3A_259, %arg1 : i32
      %mul3A_261 = arith.constant 80 : i32
      %mul3A_262 = arith.muli %add3A_260, %mul3A_261 : i32
      %multiple_of3A = tpu.assume_multiple %mul3A_262, 8 : i32
      %dma_start3A_263 = arith.constant 0 : i32
      %dma_start3A_264 = arith.constant 0 : i32
      %dma_start3A_265 = tpu.memref_slice %arg12[%dma_start3A_263, %dma_start3A_264] : memref<128x128xf32, #tpu.memory_space<vmem>> -> memref<80x128xf32, #tpu.memory_space<vmem>>
      %dma_start3A_266 = arith.constant 0 : i32
      %dma_start3A_267 = tpu.memref_slice %arg14[%multiple_of3A, %dma_start3A_266] : memref<10000x128xf32, #tpu.memory_space<vmem_shared>> -> memref<80x128xf32, #tpu.memory_space<vmem_shared>>
      %dma_start3A_268 = arith.constant 0 : i32
      %dma_start3A_269 = arith.constant 0 : i32
      %dma_start3A_270 = tpu.memref_slice %arg12[%dma_start3A_268, %dma_start3A_269] : memref<128x128xf32, #tpu.memory_space<vmem>> -> memref<80x128xf32, #tpu.memory_space<vmem>>
      %dma_start3A_271 = arith.constant 0 : i32
      %dma_start3A_272 = tpu.memref_slice %arg14[%multiple_of3A, %dma_start3A_271] : memref<10000x128xf32, #tpu.memory_space<vmem_shared>> -> memref<80x128xf32, #tpu.memory_space<vmem_shared>>
      tpu.enqueue_dma source(%dma_start3A_272 : memref<80x128xf32, #tpu.memory_space<vmem_shared>>) target(%dma_start3A_270 : memref<80x128xf32, #tpu.memory_space<vmem>>) target_semaphore(%arg19 : memref<!tpu.dma_semaphore, #tpu.memory_space<semaphore_mem>>)
    } else {
    }
    %add3A_161 = arith.constant 48 : i32
    %add3A_162 = arith.addi %add3A_161, %arg1 : i32
    %lt3A_163 = arith.constant 125 : i32
    %lt3A_164 = arith.cmpi slt, %add3A_162, %lt3A_163 : i32
    %convert_element_type3A_165 = arith.extui %lt3A_164 : i1 to i32
    %cond3A_166 = arith.constant 0 : i32
    %cond3A_167 = arith.cmpi ne, %convert_element_type3A_165, %cond3A_166 : i32
    scf.if %cond3A_167 {
      %add3A_259 = arith.constant 48 : i32
      %add3A_260 = arith.addi %add3A_259, %arg1 : i32
      %mul3A_261 = arith.constant 80 : i32
      %mul3A_262 = arith.muli %add3A_260, %mul3A_261 : i32
      %multiple_of3A = tpu.assume_multiple %mul3A_262, 8 : i32
      %dma_wait3A = arith.constant 0 : i32
      %dma_wait3A_263 = arith.constant 0 : i32
      %dma_wait3A_264 = tpu.memref_slice %arg11[%dma_wait3A, %dma_wait3A_263] : memref<128x128xf32, #tpu.memory_space<vmem>> -> memref<80x128xf32, #tpu.memory_space<vmem>>
      %dma_wait3A_265 = arith.constant 0 : i32
      %dma_wait3A_266 = tpu.memref_slice %arg14[%multiple_of3A, %dma_wait3A_265] : memref<10000x128xf32, #tpu.memory_space<vmem_shared>> -> memref<80x128xf32, #tpu.memory_space<vmem_shared>>
      %dma_wait3A_267 = arith.constant 0 : i32
      %dma_wait3A_268 = arith.constant 0 : i32
      %dma_wait3A_269 = tpu.memref_slice %arg11[%dma_wait3A_267, %dma_wait3A_268] : memref<128x128xf32, #tpu.memory_space<vmem>> -> memref<80x128xf32, #tpu.memory_space<vmem>>
      %dma_wait3A_270 = arith.constant 0 : i32
      %dma_wait3A_271 = tpu.memref_slice %arg14[%multiple_of3A, %dma_wait3A_270] : memref<10000x128xf32, #tpu.memory_space<vmem_shared>> -> memref<80x128xf32, #tpu.memory_space<vmem_shared>>
      tpu.wait_dma2 semaphore(%arg18 : memref<!tpu.dma_semaphore, #tpu.memory_space<semaphore_mem>>) src(%dma_wait3A_271 : memref<80x128xf32, #tpu.memory_space<vmem_shared>>) dst(%dma_wait3A_269 : memref<80x128xf32, #tpu.memory_space<vmem>>)
      %add3A_272 = arith.constant 48 : i32
      %add3A_273 = arith.addi %add3A_272, %arg1 : i32
      %mul3A_274 = arith.constant 80 : i32
      %mul3A_275 = arith.muli %add3A_273, %mul3A_274 : i32
      %multiple_of3A_276 = tpu.assume_multiple %mul3A_275, 8 : i32
      %dma_start3A_277 = arith.constant 0 : i32
      %dma_start3A_278 = arith.constant 0 : i32
      %dma_start3A_279 = tpu.memref_slice %arg11[%dma_start3A_277, %dma_start3A_278] : memref<128x128xf32, #tpu.memory_space<vmem>> -> memref<80x128xf32, #tpu.memory_space<vmem>>
      %dma_start3A_280 = arith.constant 0 : i32
      %dma_start3A_281 = tpu.memref_slice %arg4[%arg0, %multiple_of3A_276, %dma_start3A_280] : memref<2x10000x128xf32, #tpu.memory_space<hbm>> -> memref<1x80x128xf32, #tpu.memory_space<hbm>>
      %dma_start3A_282 = tpu.memref_squeeze %dma_start3A_281 : memref<1x80x128xf32, #tpu.memory_space<hbm>> -> memref<80x128xf32, #tpu.memory_space<hbm>>
      %dma_start3A_283 = arith.constant 0 : i32
      %dma_start3A_284 = tpu.memref_slice %arg4[%arg0, %multiple_of3A_276, %dma_start3A_283] : memref<2x10000x128xf32, #tpu.memory_space<hbm>> -> memref<1x80x128xf32, #tpu.memory_space<hbm>>
      %dma_start3A_285 = tpu.memref_squeeze %dma_start3A_284 : memref<1x80x128xf32, #tpu.memory_space<hbm>> -> memref<80x128xf32, #tpu.memory_space<hbm>>
      %dma_start3A_286 = arith.constant 0 : i32
      %dma_start3A_287 = arith.constant 0 : i32
      %dma_start3A_288 = tpu.memref_slice %arg11[%dma_start3A_286, %dma_start3A_287] : memref<128x128xf32, #tpu.memory_space<vmem>> -> memref<80x128xf32, #tpu.memory_space<vmem>>
      tpu.enqueue_dma source(%dma_start3A_288 : memref<80x128xf32, #tpu.memory_space<vmem>>) target(%dma_start3A_285 : memref<80x128xf32, #tpu.memory_space<hbm>>) target_semaphore(%arg21 : memref<!tpu.dma_semaphore, #tpu.memory_space<semaphore_mem>>)
    } else {
    }
    %add3A_168 = arith.constant 32 : i32
    %add3A_169 = arith.addi %add3A_168, %arg1 : i32
    %lt3A_170 = arith.constant 125 : i32
    %lt3A_171 = arith.cmpi slt, %add3A_169, %lt3A_170 : i32
    %convert_element_type3A_172 = arith.extui %lt3A_171 : i1 to i32
    %cond3A_173 = arith.constant 0 : i32
    %cond3A_174 = arith.cmpi ne, %convert_element_type3A_172, %cond3A_173 : i32
    scf.if %cond3A_174 {
      %add3A_259 = arith.constant 32 : i32
      %add3A_260 = arith.addi %add3A_259, %arg1 : i32
      %mul3A_261 = arith.constant 80 : i32
      %mul3A_262 = arith.muli %add3A_260, %mul3A_261 : i32
      %multiple_of3A = tpu.assume_multiple %mul3A_262, 8 : i32
      %dma_wait3A = arith.constant 0 : i32
      %dma_wait3A_263 = arith.constant 0 : i32
      %dma_wait3A_264 = tpu.memref_slice %arg13[%dma_wait3A, %dma_wait3A_263] : memref<128x128xf32, #tpu.memory_space<vmem>> -> memref<80x128xf32, #tpu.memory_space<vmem>>
      %dma_wait3A_265 = arith.constant 0 : i32
      %dma_wait3A_266 = tpu.memref_slice %arg4[%arg0, %multiple_of3A, %dma_wait3A_265] : memref<2x10000x128xf32, #tpu.memory_space<hbm>> -> memref<1x80x128xf32, #tpu.memory_space<hbm>>
      %dma_wait3A_267 = tpu.memref_squeeze %dma_wait3A_266 : memref<1x80x128xf32, #tpu.memory_space<hbm>> -> memref<80x128xf32, #tpu.memory_space<hbm>>
      %dma_wait3A_268 = arith.constant 0 : i32
      %dma_wait3A_269 = tpu.memref_slice %arg4[%arg0, %multiple_of3A, %dma_wait3A_268] : memref<2x10000x128xf32, #tpu.memory_space<hbm>> -> memref<1x80x128xf32, #tpu.memory_space<hbm>>
      %dma_wait3A_270 = tpu.memref_squeeze %dma_wait3A_269 : memref<1x80x128xf32, #tpu.memory_space<hbm>> -> memref<80x128xf32, #tpu.memory_space<hbm>>
      %dma_wait3A_271 = arith.constant 0 : i32
      %dma_wait3A_272 = arith.constant 0 : i32
      %dma_wait3A_273 = tpu.memref_slice %arg13[%dma_wait3A_271, %dma_wait3A_272] : memref<128x128xf32, #tpu.memory_space<vmem>> -> memref<80x128xf32, #tpu.memory_space<vmem>>
      tpu.wait_dma2 semaphore(%arg23 : memref<!tpu.dma_semaphore, #tpu.memory_space<semaphore_mem>>) src(%dma_wait3A_273 : memref<80x128xf32, #tpu.memory_space<vmem>>) dst(%dma_wait3A_270 : memref<80x128xf32, #tpu.memory_space<hbm>>)
    } else {
    }
    %add3A_175 = arith.constant 80 : i32
    %add3A_176 = arith.addi %add3A_175, %arg1 : i32
    %lt3A_177 = arith.constant 125 : i32
    %lt3A_178 = arith.cmpi slt, %add3A_176, %lt3A_177 : i32
    %convert_element_type3A_179 = arith.extui %lt3A_178 : i1 to i32
    %cond3A_180 = arith.constant 0 : i32
    %cond3A_181 = arith.cmpi ne, %convert_element_type3A_179, %cond3A_180 : i32
    scf.if %cond3A_181 {
      %add3A_259 = arith.constant 80 : i32
      %add3A_260 = arith.addi %add3A_259, %arg1 : i32
      %mul3A_261 = arith.constant 80 : i32
      %mul3A_262 = arith.muli %add3A_260, %mul3A_261 : i32
      %multiple_of3A = tpu.assume_multiple %mul3A_262, 8 : i32
      %dma_start3A_263 = arith.constant 0 : i32
      %dma_start3A_264 = arith.constant 0 : i32
      %dma_start3A_265 = tpu.memref_slice %arg13[%dma_start3A_263, %dma_start3A_264] : memref<128x128xf32, #tpu.memory_space<vmem>> -> memref<80x128xf32, #tpu.memory_space<vmem>>
      %dma_start3A_266 = arith.constant 0 : i32
      %dma_start3A_267 = tpu.memref_slice %arg14[%multiple_of3A, %dma_start3A_266] : memref<10000x128xf32, #tpu.memory_space<vmem_shared>> -> memref<80x128xf32, #tpu.memory_space<vmem_shared>>
      %dma_start3A_268 = arith.constant 0 : i32
      %dma_start3A_269 = arith.constant 0 : i32
      %dma_start3A_270 = tpu.memref_slice %arg13[%dma_start3A_268, %dma_start3A_269] : memref<128x128xf32, #tpu.memory_space<vmem>> -> memref<80x128xf32, #tpu.memory_space<vmem>>
      %dma_start3A_271 = arith.constant 0 : i32
      %dma_start3A_272 = tpu.memref_slice %arg14[%multiple_of3A, %dma_start3A_271] : memref<10000x128xf32, #tpu.memory_space<vmem_shared>> -> memref<80x128xf32, #tpu.memory_space<vmem_shared>>
      tpu.enqueue_dma source(%dma_start3A_272 : memref<80x128xf32, #tpu.memory_space<vmem_shared>>) target(%dma_start3A_270 : memref<80x128xf32, #tpu.memory_space<vmem>>) target_semaphore(%arg20 : memref<!tpu.dma_semaphore, #tpu.memory_space<semaphore_mem>>)
    } else {
    }
    %add3A_182 = arith.constant 64 : i32
    %add3A_183 = arith.addi %add3A_182, %arg1 : i32
    %lt3A_184 = arith.constant 125 : i32
    %lt3A_185 = arith.cmpi slt, %add3A_183, %lt3A_184 : i32
    %convert_element_type3A_186 = arith.extui %lt3A_185 : i1 to i32
    %cond3A_187 = arith.constant 0 : i32
    %cond3A_188 = arith.cmpi ne, %convert_element_type3A_186, %cond3A_187 : i32
    scf.if %cond3A_188 {
      %add3A_259 = arith.constant 64 : i32
      %add3A_260 = arith.addi %add3A_259, %arg1 : i32
      %mul3A_261 = arith.constant 80 : i32
      %mul3A_262 = arith.muli %add3A_260, %mul3A_261 : i32
      %multiple_of3A = tpu.assume_multiple %mul3A_262, 8 : i32
      %dma_wait3A = arith.constant 0 : i32
      %dma_wait3A_263 = arith.constant 0 : i32
      %dma_wait3A_264 = tpu.memref_slice %arg12[%dma_wait3A, %dma_wait3A_263] : memref<128x128xf32, #tpu.memory_space<vmem>> -> memref<80x128xf32, #tpu.memory_space<vmem>>
      %dma_wait3A_265 = arith.constant 0 : i32
      %dma_wait3A_266 = tpu.memref_slice %arg14[%multiple_of3A, %dma_wait3A_265] : memref<10000x128xf32, #tpu.memory_space<vmem_shared>> -> memref<80x128xf32, #tpu.memory_space<vmem_shared>>
      %dma_wait3A_267 = arith.constant 0 : i32
      %dma_wait3A_268 = arith.constant 0 : i32
      %dma_wait3A_269 = tpu.memref_slice %arg12[%dma_wait3A_267, %dma_wait3A_268] : memref<128x128xf32, #tpu.memory_space<vmem>> -> memref<80x128xf32, #tpu.memory_space<vmem>>
      %dma_wait3A_270 = arith.constant 0 : i32
      %dma_wait3A_271 = tpu.memref_slice %arg14[%multiple_of3A, %dma_wait3A_270] : memref<10000x128xf32, #tpu.memory_space<vmem_shared>> -> memref<80x128xf32, #tpu.memory_space<vmem_shared>>
      tpu.wait_dma2 semaphore(%arg19 : memref<!tpu.dma_semaphore, #tpu.memory_space<semaphore_mem>>) src(%dma_wait3A_271 : memref<80x128xf32, #tpu.memory_space<vmem_shared>>) dst(%dma_wait3A_269 : memref<80x128xf32, #tpu.memory_space<vmem>>)
      %add3A_272 = arith.constant 64 : i32
      %add3A_273 = arith.addi %add3A_272, %arg1 : i32
      %mul3A_274 = arith.constant 80 : i32
      %mul3A_275 = arith.muli %add3A_273, %mul3A_274 : i32
      %multiple_of3A_276 = tpu.assume_multiple %mul3A_275, 8 : i32
      %dma_start3A_277 = arith.constant 0 : i32
      %dma_start3A_278 = arith.constant 0 : i32
      %dma_start3A_279 = tpu.memref_slice %arg12[%dma_start3A_277, %dma_start3A_278] : memref<128x128xf32, #tpu.memory_space<vmem>> -> memref<80x128xf32, #tpu.memory_space<vmem>>
      %dma_start3A_280 = arith.constant 0 : i32
      %dma_start3A_281 = tpu.memref_slice %arg4[%arg0, %multiple_of3A_276, %dma_start3A_280] : memref<2x10000x128xf32, #tpu.memory_space<hbm>> -> memref<1x80x128xf32, #tpu.memory_space<hbm>>
      %dma_start3A_282 = tpu.memref_squeeze %dma_start3A_281 : memref<1x80x128xf32, #tpu.memory_space<hbm>> -> memref<80x128xf32, #tpu.memory_space<hbm>>
      %dma_start3A_283 = arith.constant 0 : i32
      %dma_start3A_284 = tpu.memref_slice %arg4[%arg0, %multiple_of3A_276, %dma_start3A_283] : memref<2x10000x128xf32, #tpu.memory_space<hbm>> -> memref<1x80x128xf32, #tpu.memory_space<hbm>>
      %dma_start3A_285 = tpu.memref_squeeze %dma_start3A_284 : memref<1x80x128xf32, #tpu.memory_space<hbm>> -> memref<80x128xf32, #tpu.memory_space<hbm>>
      %dma_start3A_286 = arith.constant 0 : i32
      %dma_start3A_287 = arith.constant 0 : i32
      %dma_start3A_288 = tpu.memref_slice %arg12[%dma_start3A_286, %dma_start3A_287] : memref<128x128xf32, #tpu.memory_space<vmem>> -> memref<80x128xf32, #tpu.memory_space<vmem>>
      tpu.enqueue_dma source(%dma_start3A_288 : memref<80x128xf32, #tpu.memory_space<vmem>>) target(%dma_start3A_285 : memref<80x128xf32, #tpu.memory_space<hbm>>) target_semaphore(%arg22 : memref<!tpu.dma_semaphore, #tpu.memory_space<semaphore_mem>>)
    } else {
    }
    %add3A_189 = arith.constant 48 : i32
    %add3A_190 = arith.addi %add3A_189, %arg1 : i32
    %lt3A_191 = arith.constant 125 : i32
    %lt3A_192 = arith.cmpi slt, %add3A_190, %lt3A_191 : i32
    %convert_element_type3A_193 = arith.extui %lt3A_192 : i1 to i32
    %cond3A_194 = arith.constant 0 : i32
    %cond3A_195 = arith.cmpi ne, %convert_element_type3A_193, %cond3A_194 : i32
    scf.if %cond3A_195 {
      %add3A_259 = arith.constant 48 : i32
      %add3A_260 = arith.addi %add3A_259, %arg1 : i32
      %mul3A_261 = arith.constant 80 : i32
      %mul3A_262 = arith.muli %add3A_260, %mul3A_261 : i32
      %multiple_of3A = tpu.assume_multiple %mul3A_262, 8 : i32
      %dma_wait3A = arith.constant 0 : i32
      %dma_wait3A_263 = arith.constant 0 : i32
      %dma_wait3A_264 = tpu.memref_slice %arg11[%dma_wait3A, %dma_wait3A_263] : memref<128x128xf32, #tpu.memory_space<vmem>> -> memref<80x128xf32, #tpu.memory_space<vmem>>
      %dma_wait3A_265 = arith.constant 0 : i32
      %dma_wait3A_266 = tpu.memref_slice %arg4[%arg0, %multiple_of3A, %dma_wait3A_265] : memref<2x10000x128xf32, #tpu.memory_space<hbm>> -> memref<1x80x128xf32, #tpu.memory_space<hbm>>
      %dma_wait3A_267 = tpu.memref_squeeze %dma_wait3A_266 : memref<1x80x128xf32, #tpu.memory_space<hbm>> -> memref<80x128xf32, #tpu.memory_space<hbm>>
      %dma_wait3A_268 = arith.constant 0 : i32
      %dma_wait3A_269 = tpu.memref_slice %arg4[%arg0, %multiple_of3A, %dma_wait3A_268] : memref<2x10000x128xf32, #tpu.memory_space<hbm>> -> memref<1x80x128xf32, #tpu.memory_space<hbm>>
      %dma_wait3A_270 = tpu.memref_squeeze %dma_wait3A_269 : memref<1x80x128xf32, #tpu.memory_space<hbm>> -> memref<80x128xf32, #tpu.memory_space<hbm>>
      %dma_wait3A_271 = arith.constant 0 : i32
      %dma_wait3A_272 = arith.constant 0 : i32
      %dma_wait3A_273 = tpu.memref_slice %arg11[%dma_wait3A_271, %dma_wait3A_272] : memref<128x128xf32, #tpu.memory_space<vmem>> -> memref<80x128xf32, #tpu.memory_space<vmem>>
      tpu.wait_dma2 semaphore(%arg21 : memref<!tpu.dma_semaphore, #tpu.memory_space<semaphore_mem>>) src(%dma_wait3A_273 : memref<80x128xf32, #tpu.memory_space<vmem>>) dst(%dma_wait3A_270 : memref<80x128xf32, #tpu.memory_space<hbm>>)
    } else {
    }
    %add3A_196 = arith.constant 96 : i32
    %add3A_197 = arith.addi %add3A_196, %arg1 : i32
    %lt3A_198 = arith.constant 125 : i32
    %lt3A_199 = arith.cmpi slt, %add3A_197, %lt3A_198 : i32
    %convert_element_type3A_200 = arith.extui %lt3A_199 : i1 to i32
    %cond3A_201 = arith.constant 0 : i32
    %cond3A_202 = arith.cmpi ne, %convert_element_type3A_200, %cond3A_201 : i32
    scf.if %cond3A_202 {
      %add3A_259 = arith.constant 96 : i32
      %add3A_260 = arith.addi %add3A_259, %arg1 : i32
      %mul3A_261 = arith.constant 80 : i32
      %mul3A_262 = arith.muli %add3A_260, %mul3A_261 : i32
      %multiple_of3A = tpu.assume_multiple %mul3A_262, 8 : i32
      %dma_start3A_263 = arith.constant 0 : i32
      %dma_start3A_264 = arith.constant 0 : i32
      %dma_start3A_265 = tpu.memref_slice %arg11[%dma_start3A_263, %dma_start3A_264] : memref<128x128xf32, #tpu.memory_space<vmem>> -> memref<80x128xf32, #tpu.memory_space<vmem>>
      %dma_start3A_266 = arith.constant 0 : i32
      %dma_start3A_267 = tpu.memref_slice %arg14[%multiple_of3A, %dma_start3A_266] : memref<10000x128xf32, #tpu.memory_space<vmem_shared>> -> memref<80x128xf32, #tpu.memory_space<vmem_shared>>
      %dma_start3A_268 = arith.constant 0 : i32
      %dma_start3A_269 = arith.constant 0 : i32
      %dma_start3A_270 = tpu.memref_slice %arg11[%dma_start3A_268, %dma_start3A_269] : memref<128x128xf32, #tpu.memory_space<vmem>> -> memref<80x128xf32, #tpu.memory_space<vmem>>
      %dma_start3A_271 = arith.constant 0 : i32
      %dma_start3A_272 = tpu.memref_slice %arg14[%multiple_of3A, %dma_start3A_271] : memref<10000x128xf32, #tpu.memory_space<vmem_shared>> -> memref<80x128xf32, #tpu.memory_space<vmem_shared>>
      tpu.enqueue_dma source(%dma_start3A_272 : memref<80x128xf32, #tpu.memory_space<vmem_shared>>) target(%dma_start3A_270 : memref<80x128xf32, #tpu.memory_space<vmem>>) target_semaphore(%arg18 : memref<!tpu.dma_semaphore, #tpu.memory_space<semaphore_mem>>)
    } else {
    }
    %add3A_203 = arith.constant 80 : i32
    %add3A_204 = arith.addi %add3A_203, %arg1 : i32
    %lt3A_205 = arith.constant 125 : i32
    %lt3A_206 = arith.cmpi slt, %add3A_204, %lt3A_205 : i32
    %convert_element_type3A_207 = arith.extui %lt3A_206 : i1 to i32
    %cond3A_208 = arith.constant 0 : i32
    %cond3A_209 = arith.cmpi ne, %convert_element_type3A_207, %cond3A_208 : i32
    scf.if %cond3A_209 {
      %add3A_259 = arith.constant 80 : i32
      %add3A_260 = arith.addi %add3A_259, %arg1 : i32
      %mul3A_261 = arith.constant 80 : i32
      %mul3A_262 = arith.muli %add3A_260, %mul3A_261 : i32
      %multiple_of3A = tpu.assume_multiple %mul3A_262, 8 : i32
      %dma_wait3A = arith.constant 0 : i32
      %dma_wait3A_263 = arith.constant 0 : i32
      %dma_wait3A_264 = tpu.memref_slice %arg13[%dma_wait3A, %dma_wait3A_263] : memref<128x128xf32, #tpu.memory_space<vmem>> -> memref<80x128xf32, #tpu.memory_space<vmem>>
      %dma_wait3A_265 = arith.constant 0 : i32
      %dma_wait3A_266 = tpu.memref_slice %arg14[%multiple_of3A, %dma_wait3A_265] : memref<10000x128xf32, #tpu.memory_space<vmem_shared>> -> memref<80x128xf32, #tpu.memory_space<vmem_shared>>
      %dma_wait3A_267 = arith.constant 0 : i32
      %dma_wait3A_268 = arith.constant 0 : i32
      %dma_wait3A_269 = tpu.memref_slice %arg13[%dma_wait3A_267, %dma_wait3A_268] : memref<128x128xf32, #tpu.memory_space<vmem>> -> memref<80x128xf32, #tpu.memory_space<vmem>>
      %dma_wait3A_270 = arith.constant 0 : i32
      %dma_wait3A_271 = tpu.memref_slice %arg14[%multiple_of3A, %dma_wait3A_270] : memref<10000x128xf32, #tpu.memory_space<vmem_shared>> -> memref<80x128xf32, #tpu.memory_space<vmem_shared>>
      tpu.wait_dma2 semaphore(%arg20 : memref<!tpu.dma_semaphore, #tpu.memory_space<semaphore_mem>>) src(%dma_wait3A_271 : memref<80x128xf32, #tpu.memory_space<vmem_shared>>) dst(%dma_wait3A_269 : memref<80x128xf32, #tpu.memory_space<vmem>>)
      %add3A_272 = arith.constant 80 : i32
      %add3A_273 = arith.addi %add3A_272, %arg1 : i32
      %mul3A_274 = arith.constant 80 : i32
      %mul3A_275 = arith.muli %add3A_273, %mul3A_274 : i32
      %multiple_of3A_276 = tpu.assume_multiple %mul3A_275, 8 : i32
      %dma_start3A_277 = arith.constant 0 : i32
      %dma_start3A_278 = arith.constant 0 : i32
      %dma_start3A_279 = tpu.memref_slice %arg13[%dma_start3A_277, %dma_start3A_278] : memref<128x128xf32, #tpu.memory_space<vmem>> -> memref<80x128xf32, #tpu.memory_space<vmem>>
      %dma_start3A_280 = arith.constant 0 : i32
      %dma_start3A_281 = tpu.memref_slice %arg4[%arg0, %multiple_of3A_276, %dma_start3A_280] : memref<2x10000x128xf32, #tpu.memory_space<hbm>> -> memref<1x80x128xf32, #tpu.memory_space<hbm>>
      %dma_start3A_282 = tpu.memref_squeeze %dma_start3A_281 : memref<1x80x128xf32, #tpu.memory_space<hbm>> -> memref<80x128xf32, #tpu.memory_space<hbm>>
      %dma_start3A_283 = arith.constant 0 : i32
      %dma_start3A_284 = tpu.memref_slice %arg4[%arg0, %multiple_of3A_276, %dma_start3A_283] : memref<2x10000x128xf32, #tpu.memory_space<hbm>> -> memref<1x80x128xf32, #tpu.memory_space<hbm>>
      %dma_start3A_285 = tpu.memref_squeeze %dma_start3A_284 : memref<1x80x128xf32, #tpu.memory_space<hbm>> -> memref<80x128xf32, #tpu.memory_space<hbm>>
      %dma_start3A_286 = arith.constant 0 : i32
      %dma_start3A_287 = arith.constant 0 : i32
      %dma_start3A_288 = tpu.memref_slice %arg13[%dma_start3A_286, %dma_start3A_287] : memref<128x128xf32, #tpu.memory_space<vmem>> -> memref<80x128xf32, #tpu.memory_space<vmem>>
      tpu.enqueue_dma source(%dma_start3A_288 : memref<80x128xf32, #tpu.memory_space<vmem>>) target(%dma_start3A_285 : memref<80x128xf32, #tpu.memory_space<hbm>>) target_semaphore(%arg23 : memref<!tpu.dma_semaphore, #tpu.memory_space<semaphore_mem>>)
    } else {
    }
    %add3A_210 = arith.constant 64 : i32
    %add3A_211 = arith.addi %add3A_210, %arg1 : i32
    %lt3A_212 = arith.constant 125 : i32
    %lt3A_213 = arith.cmpi slt, %add3A_211, %lt3A_212 : i32
    %convert_element_type3A_214 = arith.extui %lt3A_213 : i1 to i32
    %cond3A_215 = arith.constant 0 : i32
    %cond3A_216 = arith.cmpi ne, %convert_element_type3A_214, %cond3A_215 : i32
    scf.if %cond3A_216 {
      %add3A_259 = arith.constant 64 : i32
      %add3A_260 = arith.addi %add3A_259, %arg1 : i32
      %mul3A_261 = arith.constant 80 : i32
      %mul3A_262 = arith.muli %add3A_260, %mul3A_261 : i32
      %multiple_of3A = tpu.assume_multiple %mul3A_262, 8 : i32
      %dma_wait3A = arith.constant 0 : i32
      %dma_wait3A_263 = arith.constant 0 : i32
      %dma_wait3A_264 = tpu.memref_slice %arg12[%dma_wait3A, %dma_wait3A_263] : memref<128x128xf32, #tpu.memory_space<vmem>> -> memref<80x128xf32, #tpu.memory_space<vmem>>
      %dma_wait3A_265 = arith.constant 0 : i32
      %dma_wait3A_266 = tpu.memref_slice %arg4[%arg0, %multiple_of3A, %dma_wait3A_265] : memref<2x10000x128xf32, #tpu.memory_space<hbm>> -> memref<1x80x128xf32, #tpu.memory_space<hbm>>
      %dma_wait3A_267 = tpu.memref_squeeze %dma_wait3A_266 : memref<1x80x128xf32, #tpu.memory_space<hbm>> -> memref<80x128xf32, #tpu.memory_space<hbm>>
      %dma_wait3A_268 = arith.constant 0 : i32
      %dma_wait3A_269 = tpu.memref_slice %arg4[%arg0, %multiple_of3A, %dma_wait3A_268] : memref<2x10000x128xf32, #tpu.memory_space<hbm>> -> memref<1x80x128xf32, #tpu.memory_space<hbm>>
      %dma_wait3A_270 = tpu.memref_squeeze %dma_wait3A_269 : memref<1x80x128xf32, #tpu.memory_space<hbm>> -> memref<80x128xf32, #tpu.memory_space<hbm>>
      %dma_wait3A_271 = arith.constant 0 : i32
      %dma_wait3A_272 = arith.constant 0 : i32
      %dma_wait3A_273 = tpu.memref_slice %arg12[%dma_wait3A_271, %dma_wait3A_272] : memref<128x128xf32, #tpu.memory_space<vmem>> -> memref<80x128xf32, #tpu.memory_space<vmem>>
      tpu.wait_dma2 semaphore(%arg22 : memref<!tpu.dma_semaphore, #tpu.memory_space<semaphore_mem>>) src(%dma_wait3A_273 : memref<80x128xf32, #tpu.memory_space<vmem>>) dst(%dma_wait3A_270 : memref<80x128xf32, #tpu.memory_space<hbm>>)
    } else {
    }
    %add3A_217 = arith.constant 112 : i32
    %add3A_218 = arith.addi %add3A_217, %arg1 : i32
    %lt3A_219 = arith.constant 125 : i32
    %lt3A_220 = arith.cmpi slt, %add3A_218, %lt3A_219 : i32
    %convert_element_type3A_221 = arith.extui %lt3A_220 : i1 to i32
    %cond3A_222 = arith.constant 0 : i32
    %cond3A_223 = arith.cmpi ne, %convert_element_type3A_221, %cond3A_222 : i32
    scf.if %cond3A_223 {
      %add3A_259 = arith.constant 112 : i32
      %add3A_260 = arith.addi %add3A_259, %arg1 : i32
      %mul3A_261 = arith.constant 80 : i32
      %mul3A_262 = arith.muli %add3A_260, %mul3A_261 : i32
      %multiple_of3A = tpu.assume_multiple %mul3A_262, 8 : i32
      %dma_start3A_263 = arith.constant 0 : i32
      %dma_start3A_264 = arith.constant 0 : i32
      %dma_start3A_265 = tpu.memref_slice %arg12[%dma_start3A_263, %dma_start3A_264] : memref<128x128xf32, #tpu.memory_space<vmem>> -> memref<80x128xf32, #tpu.memory_space<vmem>>
      %dma_start3A_266 = arith.constant 0 : i32
      %dma_start3A_267 = tpu.memref_slice %arg14[%multiple_of3A, %dma_start3A_266] : memref<10000x128xf32, #tpu.memory_space<vmem_shared>> -> memref<80x128xf32, #tpu.memory_space<vmem_shared>>
      %dma_start3A_268 = arith.constant 0 : i32
      %dma_start3A_269 = arith.constant 0 : i32
      %dma_start3A_270 = tpu.memref_slice %arg12[%dma_start3A_268, %dma_start3A_269] : memref<128x128xf32, #tpu.memory_space<vmem>> -> memref<80x128xf32, #tpu.memory_space<vmem>>
      %dma_start3A_271 = arith.constant 0 : i32
      %dma_start3A_272 = tpu.memref_slice %arg14[%multiple_of3A, %dma_start3A_271] : memref<10000x128xf32, #tpu.memory_space<vmem_shared>> -> memref<80x128xf32, #tpu.memory_space<vmem_shared>>
      tpu.enqueue_dma source(%dma_start3A_272 : memref<80x128xf32, #tpu.memory_space<vmem_shared>>) target(%dma_start3A_270 : memref<80x128xf32, #tpu.memory_space<vmem>>) target_semaphore(%arg19 : memref<!tpu.dma_semaphore, #tpu.memory_space<semaphore_mem>>)
    } else {
    }
    %add3A_224 = arith.constant 96 : i32
    %add3A_225 = arith.addi %add3A_224, %arg1 : i32
    %lt3A_226 = arith.constant 125 : i32
    %lt3A_227 = arith.cmpi slt, %add3A_225, %lt3A_226 : i32
    %convert_element_type3A_228 = arith.extui %lt3A_227 : i1 to i32
    %cond3A_229 = arith.constant 0 : i32
    %cond3A_230 = arith.cmpi ne, %convert_element_type3A_228, %cond3A_229 : i32
    scf.if %cond3A_230 {
      %add3A_259 = arith.constant 96 : i32
      %add3A_260 = arith.addi %add3A_259, %arg1 : i32
      %mul3A_261 = arith.constant 80 : i32
      %mul3A_262 = arith.muli %add3A_260, %mul3A_261 : i32
      %multiple_of3A = tpu.assume_multiple %mul3A_262, 8 : i32
      %dma_wait3A = arith.constant 0 : i32
      %dma_wait3A_263 = arith.constant 0 : i32
      %dma_wait3A_264 = tpu.memref_slice %arg11[%dma_wait3A, %dma_wait3A_263] : memref<128x128xf32, #tpu.memory_space<vmem>> -> memref<80x128xf32, #tpu.memory_space<vmem>>
      %dma_wait3A_265 = arith.constant 0 : i32
      %dma_wait3A_266 = tpu.memref_slice %arg14[%multiple_of3A, %dma_wait3A_265] : memref<10000x128xf32, #tpu.memory_space<vmem_shared>> -> memref<80x128xf32, #tpu.memory_space<vmem_shared>>
      %dma_wait3A_267 = arith.constant 0 : i32
      %dma_wait3A_268 = arith.constant 0 : i32
      %dma_wait3A_269 = tpu.memref_slice %arg11[%dma_wait3A_267, %dma_wait3A_268] : memref<128x128xf32, #tpu.memory_space<vmem>> -> memref<80x128xf32, #tpu.memory_space<vmem>>
      %dma_wait3A_270 = arith.constant 0 : i32
      %dma_wait3A_271 = tpu.memref_slice %arg14[%multiple_of3A, %dma_wait3A_270] : memref<10000x128xf32, #tpu.memory_space<vmem_shared>> -> memref<80x128xf32, #tpu.memory_space<vmem_shared>>
      tpu.wait_dma2 semaphore(%arg18 : memref<!tpu.dma_semaphore, #tpu.memory_space<semaphore_mem>>) src(%dma_wait3A_271 : memref<80x128xf32, #tpu.memory_space<vmem_shared>>) dst(%dma_wait3A_269 : memref<80x128xf32, #tpu.memory_space<vmem>>)
      %add3A_272 = arith.constant 96 : i32
      %add3A_273 = arith.addi %add3A_272, %arg1 : i32
      %mul3A_274 = arith.constant 80 : i32
      %mul3A_275 = arith.muli %add3A_273, %mul3A_274 : i32
      %multiple_of3A_276 = tpu.assume_multiple %mul3A_275, 8 : i32
      %dma_start3A_277 = arith.constant 0 : i32
      %dma_start3A_278 = arith.constant 0 : i32
      %dma_start3A_279 = tpu.memref_slice %arg11[%dma_start3A_277, %dma_start3A_278] : memref<128x128xf32, #tpu.memory_space<vmem>> -> memref<80x128xf32, #tpu.memory_space<vmem>>
      %dma_start3A_280 = arith.constant 0 : i32
      %dma_start3A_281 = tpu.memref_slice %arg4[%arg0, %multiple_of3A_276, %dma_start3A_280] : memref<2x10000x128xf32, #tpu.memory_space<hbm>> -> memref<1x80x128xf32, #tpu.memory_space<hbm>>
      %dma_start3A_282 = tpu.memref_squeeze %dma_start3A_281 : memref<1x80x128xf32, #tpu.memory_space<hbm>> -> memref<80x128xf32, #tpu.memory_space<hbm>>
      %dma_start3A_283 = arith.constant 0 : i32
      %dma_start3A_284 = tpu.memref_slice %arg4[%arg0, %multiple_of3A_276, %dma_start3A_283] : memref<2x10000x128xf32, #tpu.memory_space<hbm>> -> memref<1x80x128xf32, #tpu.memory_space<hbm>>
      %dma_start3A_285 = tpu.memref_squeeze %dma_start3A_284 : memref<1x80x128xf32, #tpu.memory_space<hbm>> -> memref<80x128xf32, #tpu.memory_space<hbm>>
      %dma_start3A_286 = arith.constant 0 : i32
      %dma_start3A_287 = arith.constant 0 : i32
      %dma_start3A_288 = tpu.memref_slice %arg11[%dma_start3A_286, %dma_start3A_287] : memref<128x128xf32, #tpu.memory_space<vmem>> -> memref<80x128xf32, #tpu.memory_space<vmem>>
      tpu.enqueue_dma source(%dma_start3A_288 : memref<80x128xf32, #tpu.memory_space<vmem>>) target(%dma_start3A_285 : memref<80x128xf32, #tpu.memory_space<hbm>>) target_semaphore(%arg21 : memref<!tpu.dma_semaphore, #tpu.memory_space<semaphore_mem>>)
    } else {
    }
    %add3A_231 = arith.constant 112 : i32
    %add3A_232 = arith.addi %add3A_231, %arg1 : i32
    %lt3A_233 = arith.constant 125 : i32
    %lt3A_234 = arith.cmpi slt, %add3A_232, %lt3A_233 : i32
    %convert_element_type3A_235 = arith.extui %lt3A_234 : i1 to i32
    %cond3A_236 = arith.constant 0 : i32
    %cond3A_237 = arith.cmpi ne, %convert_element_type3A_235, %cond3A_236 : i32
    scf.if %cond3A_237 {
      %add3A_259 = arith.constant 112 : i32
      %add3A_260 = arith.addi %add3A_259, %arg1 : i32
      %mul3A_261 = arith.constant 80 : i32
      %mul3A_262 = arith.muli %add3A_260, %mul3A_261 : i32
      %multiple_of3A = tpu.assume_multiple %mul3A_262, 8 : i32
      %dma_wait3A = arith.constant 0 : i32
      %dma_wait3A_263 = arith.constant 0 : i32
      %dma_wait3A_264 = tpu.memref_slice %arg12[%dma_wait3A, %dma_wait3A_263] : memref<128x128xf32, #tpu.memory_space<vmem>> -> memref<80x128xf32, #tpu.memory_space<vmem>>
      %dma_wait3A_265 = arith.constant 0 : i32
      %dma_wait3A_266 = tpu.memref_slice %arg14[%multiple_of3A, %dma_wait3A_265] : memref<10000x128xf32, #tpu.memory_space<vmem_shared>> -> memref<80x128xf32, #tpu.memory_space<vmem_shared>>
      %dma_wait3A_267 = arith.constant 0 : i32
      %dma_wait3A_268 = arith.constant 0 : i32
      %dma_wait3A_269 = tpu.memref_slice %arg12[%dma_wait3A_267, %dma_wait3A_268] : memref<128x128xf32, #tpu.memory_space<vmem>> -> memref<80x128xf32, #tpu.memory_space<vmem>>
      %dma_wait3A_270 = arith.constant 0 : i32
      %dma_wait3A_271 = tpu.memref_slice %arg14[%multiple_of3A, %dma_wait3A_270] : memref<10000x128xf32, #tpu.memory_space<vmem_shared>> -> memref<80x128xf32, #tpu.memory_space<vmem_shared>>
      tpu.wait_dma2 semaphore(%arg19 : memref<!tpu.dma_semaphore, #tpu.memory_space<semaphore_mem>>) src(%dma_wait3A_271 : memref<80x128xf32, #tpu.memory_space<vmem_shared>>) dst(%dma_wait3A_269 : memref<80x128xf32, #tpu.memory_space<vmem>>)
      %add3A_272 = arith.constant 112 : i32
      %add3A_273 = arith.addi %add3A_272, %arg1 : i32
      %mul3A_274 = arith.constant 80 : i32
      %mul3A_275 = arith.muli %add3A_273, %mul3A_274 : i32
      %multiple_of3A_276 = tpu.assume_multiple %mul3A_275, 8 : i32
      %dma_start3A_277 = arith.constant 0 : i32
      %dma_start3A_278 = arith.constant 0 : i32
      %dma_start3A_279 = tpu.memref_slice %arg12[%dma_start3A_277, %dma_start3A_278] : memref<128x128xf32, #tpu.memory_space<vmem>> -> memref<80x128xf32, #tpu.memory_space<vmem>>
      %dma_start3A_280 = arith.constant 0 : i32
      %dma_start3A_281 = tpu.memref_slice %arg4[%arg0, %multiple_of3A_276, %dma_start3A_280] : memref<2x10000x128xf32, #tpu.memory_space<hbm>> -> memref<1x80x128xf32, #tpu.memory_space<hbm>>
      %dma_start3A_282 = tpu.memref_squeeze %dma_start3A_281 : memref<1x80x128xf32, #tpu.memory_space<hbm>> -> memref<80x128xf32, #tpu.memory_space<hbm>>
      %dma_start3A_283 = arith.constant 0 : i32
      %dma_start3A_284 = tpu.memref_slice %arg4[%arg0, %multiple_of3A_276, %dma_start3A_283] : memref<2x10000x128xf32, #tpu.memory_space<hbm>> -> memref<1x80x128xf32, #tpu.memory_space<hbm>>
      %dma_start3A_285 = tpu.memref_squeeze %dma_start3A_284 : memref<1x80x128xf32, #tpu.memory_space<hbm>> -> memref<80x128xf32, #tpu.memory_space<hbm>>
      %dma_start3A_286 = arith.constant 0 : i32
      %dma_start3A_287 = arith.constant 0 : i32
      %dma_start3A_288 = tpu.memref_slice %arg12[%dma_start3A_286, %dma_start3A_287] : memref<128x128xf32, #tpu.memory_space<vmem>> -> memref<80x128xf32, #tpu.memory_space<vmem>>
      tpu.enqueue_dma source(%dma_start3A_288 : memref<80x128xf32, #tpu.memory_space<vmem>>) target(%dma_start3A_285 : memref<80x128xf32, #tpu.memory_space<hbm>>) target_semaphore(%arg22 : memref<!tpu.dma_semaphore, #tpu.memory_space<semaphore_mem>>)
    } else {
    }
    %add3A_238 = arith.constant 80 : i32
    %add3A_239 = arith.addi %add3A_238, %arg1 : i32
    %lt3A_240 = arith.constant 125 : i32
    %lt3A_241 = arith.cmpi slt, %add3A_239, %lt3A_240 : i32
    %convert_element_type3A_242 = arith.extui %lt3A_241 : i1 to i32
    %cond3A_243 = arith.constant 0 : i32
    %cond3A_244 = arith.cmpi ne, %convert_element_type3A_242, %cond3A_243 : i32
    scf.if %cond3A_244 {
      %add3A_259 = arith.constant 80 : i32
      %add3A_260 = arith.addi %add3A_259, %arg1 : i32
      %mul3A_261 = arith.constant 80 : i32
      %mul3A_262 = arith.muli %add3A_260, %mul3A_261 : i32
      %multiple_of3A = tpu.assume_multiple %mul3A_262, 8 : i32
      %dma_wait3A = arith.constant 0 : i32
      %dma_wait3A_263 = arith.constant 0 : i32
      %dma_wait3A_264 = tpu.memref_slice %arg13[%dma_wait3A, %dma_wait3A_263] : memref<128x128xf32, #tpu.memory_space<vmem>> -> memref<80x128xf32, #tpu.memory_space<vmem>>
      %dma_wait3A_265 = arith.constant 0 : i32
      %dma_wait3A_266 = tpu.memref_slice %arg4[%arg0, %multiple_of3A, %dma_wait3A_265] : memref<2x10000x128xf32, #tpu.memory_space<hbm>> -> memref<1x80x128xf32, #tpu.memory_space<hbm>>
      %dma_wait3A_267 = tpu.memref_squeeze %dma_wait3A_266 : memref<1x80x128xf32, #tpu.memory_space<hbm>> -> memref<80x128xf32, #tpu.memory_space<hbm>>
      %dma_wait3A_268 = arith.constant 0 : i32
      %dma_wait3A_269 = tpu.memref_slice %arg4[%arg0, %multiple_of3A, %dma_wait3A_268] : memref<2x10000x128xf32, #tpu.memory_space<hbm>> -> memref<1x80x128xf32, #tpu.memory_space<hbm>>
      %dma_wait3A_270 = tpu.memref_squeeze %dma_wait3A_269 : memref<1x80x128xf32, #tpu.memory_space<hbm>> -> memref<80x128xf32, #tpu.memory_space<hbm>>
      %dma_wait3A_271 = arith.constant 0 : i32
      %dma_wait3A_272 = arith.constant 0 : i32
      %dma_wait3A_273 = tpu.memref_slice %arg13[%dma_wait3A_271, %dma_wait3A_272] : memref<128x128xf32, #tpu.memory_space<vmem>> -> memref<80x128xf32, #tpu.memory_space<vmem>>
      tpu.wait_dma2 semaphore(%arg23 : memref<!tpu.dma_semaphore, #tpu.memory_space<semaphore_mem>>) src(%dma_wait3A_273 : memref<80x128xf32, #tpu.memory_space<vmem>>) dst(%dma_wait3A_270 : memref<80x128xf32, #tpu.memory_space<hbm>>)
    } else {
    }
    %add3A_245 = arith.constant 96 : i32
    %add3A_246 = arith.addi %add3A_245, %arg1 : i32
    %lt3A_247 = arith.constant 125 : i32
    %lt3A_248 = arith.cmpi slt, %add3A_246, %lt3A_247 : i32
    %convert_element_type3A_249 = arith.extui %lt3A_248 : i1 to i32
    %cond3A_250 = arith.constant 0 : i32
    %cond3A_251 = arith.cmpi ne, %convert_element_type3A_249, %cond3A_250 : i32
    scf.if %cond3A_251 {
      %add3A_259 = arith.constant 96 : i32
      %add3A_260 = arith.addi %add3A_259, %arg1 : i32
      %mul3A_261 = arith.constant 80 : i32
      %mul3A_262 = arith.muli %add3A_260, %mul3A_261 : i32
      %multiple_of3A = tpu.assume_multiple %mul3A_262, 8 : i32
      %dma_wait3A = arith.constant 0 : i32
      %dma_wait3A_263 = arith.constant 0 : i32
      %dma_wait3A_264 = tpu.memref_slice %arg11[%dma_wait3A, %dma_wait3A_263] : memref<128x128xf32, #tpu.memory_space<vmem>> -> memref<80x128xf32, #tpu.memory_space<vmem>>
      %dma_wait3A_265 = arith.constant 0 : i32
      %dma_wait3A_266 = tpu.memref_slice %arg4[%arg0, %multiple_of3A, %dma_wait3A_265] : memref<2x10000x128xf32, #tpu.memory_space<hbm>> -> memref<1x80x128xf32, #tpu.memory_space<hbm>>
      %dma_wait3A_267 = tpu.memref_squeeze %dma_wait3A_266 : memref<1x80x128xf32, #tpu.memory_space<hbm>> -> memref<80x128xf32, #tpu.memory_space<hbm>>
      %dma_wait3A_268 = arith.constant 0 : i32
      %dma_wait3A_269 = tpu.memref_slice %arg4[%arg0, %multiple_of3A, %dma_wait3A_268] : memref<2x10000x128xf32, #tpu.memory_space<hbm>> -> memref<1x80x128xf32, #tpu.memory_space<hbm>>
      %dma_wait3A_270 = tpu.memref_squeeze %dma_wait3A_269 : memref<1x80x128xf32, #tpu.memory_space<hbm>> -> memref<80x128xf32, #tpu.memory_space<hbm>>
      %dma_wait3A_271 = arith.constant 0 : i32
      %dma_wait3A_272 = arith.constant 0 : i32
      %dma_wait3A_273 = tpu.memref_slice %arg11[%dma_wait3A_271, %dma_wait3A_272] : memref<128x128xf32, #tpu.memory_space<vmem>> -> memref<80x128xf32, #tpu.memory_space<vmem>>
      tpu.wait_dma2 semaphore(%arg21 : memref<!tpu.dma_semaphore, #tpu.memory_space<semaphore_mem>>) src(%dma_wait3A_273 : memref<80x128xf32, #tpu.memory_space<vmem>>) dst(%dma_wait3A_270 : memref<80x128xf32, #tpu.memory_space<hbm>>)
    } else {
    }
    %add3A_252 = arith.constant 112 : i32
    %add3A_253 = arith.addi %add3A_252, %arg1 : i32
    %lt3A_254 = arith.constant 125 : i32
    %lt3A_255 = arith.cmpi slt, %add3A_253, %lt3A_254 : i32
    %convert_element_type3A_256 = arith.extui %lt3A_255 : i1 to i32
    %cond3A_257 = arith.constant 0 : i32
    %cond3A_258 = arith.cmpi ne, %convert_element_type3A_256, %cond3A_257 : i32
    scf.if %cond3A_258 {
      %add3A_259 = arith.constant 112 : i32
      %add3A_260 = arith.addi %add3A_259, %arg1 : i32
      %mul3A_261 = arith.constant 80 : i32
      %mul3A_262 = arith.muli %add3A_260, %mul3A_261 : i32
      %multiple_of3A = tpu.assume_multiple %mul3A_262, 8 : i32
      %dma_wait3A = arith.constant 0 : i32
      %dma_wait3A_263 = arith.constant 0 : i32
      %dma_wait3A_264 = tpu.memref_slice %arg12[%dma_wait3A, %dma_wait3A_263] : memref<128x128xf32, #tpu.memory_space<vmem>> -> memref<80x128xf32, #tpu.memory_space<vmem>>
      %dma_wait3A_265 = arith.constant 0 : i32
      %dma_wait3A_266 = tpu.memref_slice %arg4[%arg0, %multiple_of3A, %dma_wait3A_265] : memref<2x10000x128xf32, #tpu.memory_space<hbm>> -> memref<1x80x128xf32, #tpu.memory_space<hbm>>
      %dma_wait3A_267 = tpu.memref_squeeze %dma_wait3A_266 : memref<1x80x128xf32, #tpu.memory_space<hbm>> -> memref<80x128xf32, #tpu.memory_space<hbm>>
      %dma_wait3A_268 = arith.constant 0 : i32
      %dma_wait3A_269 = tpu.memref_slice %arg4[%arg0, %multiple_of3A, %dma_wait3A_268] : memref<2x10000x128xf32, #tpu.memory_space<hbm>> -> memref<1x80x128xf32, #tpu.memory_space<hbm>>
      %dma_wait3A_270 = tpu.memref_squeeze %dma_wait3A_269 : memref<1x80x128xf32, #tpu.memory_space<hbm>> -> memref<80x128xf32, #tpu.memory_space<hbm>>
      %dma_wait3A_271 = arith.constant 0 : i32
      %dma_wait3A_272 = arith.constant 0 : i32
      %dma_wait3A_273 = tpu.memref_slice %arg12[%dma_wait3A_271, %dma_wait3A_272] : memref<128x128xf32, #tpu.memory_space<vmem>> -> memref<80x128xf32, #tpu.memory_space<vmem>>
      tpu.wait_dma2 semaphore(%arg22 : memref<!tpu.dma_semaphore, #tpu.memory_space<semaphore_mem>>) src(%dma_wait3A_273 : memref<80x128xf32, #tpu.memory_space<vmem>>) dst(%dma_wait3A_270 : memref<80x128xf32, #tpu.memory_space<hbm>>)
    } else {
    }
    return
  }
}

#map = affine_map<(d0, d1) -> (0, 0)>
#map1 = affine_map<(d0, d1) -> (0, 0, 0)>
module attributes {stable_mosaic.version = 14 : i64} {
  func.func @_sc_agg(%arg0: i32, %arg1: i32, %arg2: memref<10000x128xf32, #tpu.memory_space<hbm>>, %arg3: memref<2x320000xi32, #tpu.memory_space<hbm>>, %arg4: memref<2x10000x128xf32, #tpu.memory_space<hbm>>, %arg5: memref<128xi32, #tpu.memory_space<vmem>>, %arg6: memref<128xi32, #tpu.memory_space<vmem>>, %arg7: memref<128xi32, #tpu.memory_space<vmem>>, %arg8: memref<128xi32, #tpu.memory_space<vmem>>, %arg9: memref<128xi32, #tpu.memory_space<vmem>>, %arg10: memref<128xi32, #tpu.memory_space<vmem>>, %arg11: memref<128x128xf32, #tpu.memory_space<vmem>>, %arg12: memref<128x128xf32, #tpu.memory_space<vmem>>, %arg13: memref<128x128xf32, #tpu.memory_space<vmem>>, %arg14: memref<10000x128xf32, #tpu.memory_space<vmem_shared>>, %arg15: memref<!tpu.dma_semaphore, #tpu.memory_space<semaphore_mem>>, %arg16: memref<!tpu.dma_semaphore, #tpu.memory_space<semaphore_mem>>, %arg17: memref<!tpu.dma_semaphore, #tpu.memory_space<semaphore_mem>>, %arg18: memref<!tpu.dma_semaphore, #tpu.memory_space<semaphore_mem>>, %arg19: memref<!tpu.dma_semaphore, #tpu.memory_space<semaphore_mem>>, %arg20: memref<!tpu.dma_semaphore, #tpu.memory_space<semaphore_mem>>, %arg21: memref<!tpu.dma_semaphore, #tpu.memory_space<semaphore_mem>>, %arg22: memref<!tpu.dma_semaphore, #tpu.memory_space<semaphore_mem>>, %arg23: memref<!tpu.dma_semaphore, #tpu.memory_space<semaphore_mem>>, %arg24: memref<!tpu.dma_semaphore, #tpu.memory_space<semaphore_mem>>) attributes {dimension_semantics = [#tpu.dimension_semantics<core_parallel>, #tpu.dimension_semantics<subcore_parallel>], iteration_bounds = array<i64: 2, 16>, scalar_prefetch = 0 : i64, scratch_operands = 20 : i64, tpu.core_type = #tpu.core_type<sc_vector_subcore>, window_params = [{transform_indices = #map}, {transform_indices = #map}, {transform_indices = #map1}]} {
    %mul3A = arith.constant 16 : i32
    %mul3A_0 = arith.muli %arg0, %mul3A : i32
    %add3A = arith.addi %mul3A_0, %arg1 : i32
    %add3A_1 = arith.constant 0 : i32
    %add3A_2 = arith.addi %add3A_1, %add3A : i32
    %mul3A_3 = arith.constant 128 : i32
    %mul3A_4 = arith.muli %add3A_2, %mul3A_3 : i32
    %dma_start3A = arith.constant 0 : i32
    %dma_start3A_5 = tpu.memref_slice %arg3[%dma_start3A, %mul3A_4] : memref<2x320000xi32, #tpu.memory_space<hbm>> -> memref<1x128xi32, #tpu.memory_space<hbm>>
    %dma_start3A_6 = tpu.memref_squeeze %dma_start3A_5 : memref<1x128xi32, #tpu.memory_space<hbm>> -> memref<128xi32, #tpu.memory_space<hbm>>
    %dma_start3A_7 = tpu.memref_slice %arg3[%dma_start3A, %mul3A_4] : memref<2x320000xi32, #tpu.memory_space<hbm>> -> memref<1x128xi32, #tpu.memory_space<hbm>>
    %dma_start3A_8 = tpu.memref_squeeze %dma_start3A_7 : memref<1x128xi32, #tpu.memory_space<hbm>> -> memref<128xi32, #tpu.memory_space<hbm>>
    tpu.enqueue_dma source(%dma_start3A_8 : memref<128xi32, #tpu.memory_space<hbm>>) target(%arg5 : memref<128xi32, #tpu.memory_space<vmem>>) target_semaphore(%arg15 : memref<!tpu.dma_semaphore, #tpu.memory_space<semaphore_mem>>)
    %add3A_9 = arith.constant 32 : i32
    %add3A_10 = arith.addi %add3A_9, %add3A : i32
    %mul3A_11 = arith.constant 128 : i32
    %mul3A_12 = arith.muli %add3A_10, %mul3A_11 : i32
    %dma_start3A_13 = arith.constant 0 : i32
    %dma_start3A_14 = tpu.memref_slice %arg3[%dma_start3A_13, %mul3A_12] : memref<2x320000xi32, #tpu.memory_space<hbm>> -> memref<1x128xi32, #tpu.memory_space<hbm>>
    %dma_start3A_15 = tpu.memref_squeeze %dma_start3A_14 : memref<1x128xi32, #tpu.memory_space<hbm>> -> memref<128xi32, #tpu.memory_space<hbm>>
    %dma_start3A_16 = tpu.memref_slice %arg3[%dma_start3A_13, %mul3A_12] : memref<2x320000xi32, #tpu.memory_space<hbm>> -> memref<1x128xi32, #tpu.memory_space<hbm>>
    %dma_start3A_17 = tpu.memref_squeeze %dma_start3A_16 : memref<1x128xi32, #tpu.memory_space<hbm>> -> memref<128xi32, #tpu.memory_space<hbm>>
    tpu.enqueue_dma source(%dma_start3A_17 : memref<128xi32, #tpu.memory_space<hbm>>) target(%arg6 : memref<128xi32, #tpu.memory_space<vmem>>) target_semaphore(%arg16 : memref<!tpu.dma_semaphore, #tpu.memory_space<semaphore_mem>>)
    %add3A_18 = arith.constant 64 : i32
    %add3A_19 = arith.addi %add3A_18, %add3A : i32
    %mul3A_20 = arith.constant 128 : i32
    %mul3A_21 = arith.muli %add3A_19, %mul3A_20 : i32
    %dma_start3A_22 = arith.constant 0 : i32
    %dma_start3A_23 = tpu.memref_slice %arg3[%dma_start3A_22, %mul3A_21] : memref<2x320000xi32, #tpu.memory_space<hbm>> -> memref<1x128xi32, #tpu.memory_space<hbm>>
    %dma_start3A_24 = tpu.memref_squeeze %dma_start3A_23 : memref<1x128xi32, #tpu.memory_space<hbm>> -> memref<128xi32, #tpu.memory_space<hbm>>
    %dma_start3A_25 = tpu.memref_slice %arg3[%dma_start3A_22, %mul3A_21] : memref<2x320000xi32, #tpu.memory_space<hbm>> -> memref<1x128xi32, #tpu.memory_space<hbm>>
    %dma_start3A_26 = tpu.memref_squeeze %dma_start3A_25 : memref<1x128xi32, #tpu.memory_space<hbm>> -> memref<128xi32, #tpu.memory_space<hbm>>
    tpu.enqueue_dma source(%dma_start3A_26 : memref<128xi32, #tpu.memory_space<hbm>>) target(%arg7 : memref<128xi32, #tpu.memory_space<vmem>>) target_semaphore(%arg17 : memref<!tpu.dma_semaphore, #tpu.memory_space<semaphore_mem>>)
    %scan3A = arith.constant 0 : i32
    %scan3A_27 = arith.constant 0 : i32
    %scan3A_28 = arith.constant 80 : i32
    %scan3A_29 = arith.addi %scan3A_27, %scan3A_28 : i32
    %scan3A_30 = arith.constant 1 : i32
    scf.for %scan3A_259 = %scan3A_27 to %scan3A_29 step %scan3A_30  : i32 {
      %broadcast_in_dim3A = arith.constant 0.000000e+00 : f32
      %broadcast_in_dim3A_260 = vector.broadcast %broadcast_in_dim3A : f32 to vector<16xf32>
      %swap3A = arith.index_cast %scan3A_259 : i32 to index
      %swap3A_261 = arith.constant 0 : index
      %swap3A_262 = tpu.vector_load %arg13[%swap3A, %swap3A_261] {strides = array<i32>} : memref<128x128xf32, #tpu.memory_space<vmem>>, vector<1x16xf32>,
      %swap3A_263 = vector.shape_cast %swap3A_262 : vector<1x16xf32> to vector<16xf32>
      %swap3A_264 = vector.shape_cast %broadcast_in_dim3A_260 : vector<16xf32> to vector<1x16xf32>
      tpu.vector_store %arg13[%swap3A, %swap3A_261], %swap3A_264 {strides = array<i32>} : memref<128x128xf32, #tpu.memory_space<vmem>>, vector<1x16xf32>,
      %broadcast_in_dim3A_265 = arith.constant 0.000000e+00 : f32
      %broadcast_in_dim3A_266 = vector.broadcast %broadcast_in_dim3A_265 : f32 to vector<16xf32>
      %swap3A_267 = arith.index_cast %scan3A_259 : i32 to index
      %swap3A_268 = arith.constant 16 : index
      %swap3A_269 = tpu.vector_load %arg13[%swap3A_267, %swap3A_268] {strides = array<i32>} : memref<128x128xf32, #tpu.memory_space<vmem>>, vector<1x16xf32>,
      %swap3A_270 = vector.shape_cast %swap3A_269 : vector<1x16xf32> to vector<16xf32>
      %swap3A_271 = vector.shape_cast %broadcast_in_dim3A_266 : vector<16xf32> to vector<1x16xf32>
      tpu.vector_store %arg13[%swap3A_267, %swap3A_268], %swap3A_271 {strides = array<i32>} : memref<128x128xf32, #tpu.memory_space<vmem>>, vector<1x16xf32>,
      %broadcast_in_dim3A_272 = arith.constant 0.000000e+00 : f32
      %broadcast_in_dim3A_273 = vector.broadcast %broadcast_in_dim3A_272 : f32 to vector<16xf32>
      %swap3A_274 = arith.index_cast %scan3A_259 : i32 to index
      %swap3A_275 = arith.constant 32 : index
      %swap3A_276 = tpu.vector_load %arg13[%swap3A_274, %swap3A_275] {strides = array<i32>} : memref<128x128xf32, #tpu.memory_space<vmem>>, vector<1x16xf32>,
      %swap3A_277 = vector.shape_cast %swap3A_276 : vector<1x16xf32> to vector<16xf32>
      %swap3A_278 = vector.shape_cast %broadcast_in_dim3A_273 : vector<16xf32> to vector<1x16xf32>
      tpu.vector_store %arg13[%swap3A_274, %swap3A_275], %swap3A_278 {strides = array<i32>} : memref<128x128xf32, #tpu.memory_space<vmem>>, vector<1x16xf32>,
      %broadcast_in_dim3A_279 = arith.constant 0.000000e+00 : f32
      %broadcast_in_dim3A_280 = vector.broadcast %broadcast_in_dim3A_279 : f32 to vector<16xf32>
      %swap3A_281 = arith.index_cast %scan3A_259 : i32 to index
      %swap3A_282 = arith.constant 48 : index
      %swap3A_283 = tpu.vector_load %arg13[%swap3A_281, %swap3A_282] {strides = array<i32>} : memref<128x128xf32, #tpu.memory_space<vmem>>, vector<1x16xf32>,
      %swap3A_284 = vector.shape_cast %swap3A_283 : vector<1x16xf32> to vector<16xf32>
      %swap3A_285 = vector.shape_cast %broadcast_in_dim3A_280 : vector<16xf32> to vector<1x16xf32>
      tpu.vector_store %arg13[%swap3A_281, %swap3A_282], %swap3A_285 {strides = array<i32>} : memref<128x128xf32, #tpu.memory_space<vmem>>, vector<1x16xf32>,
      %broadcast_in_dim3A_286 = arith.constant 0.000000e+00 : f32
      %broadcast_in_dim3A_287 = vector.broadcast %broadcast_in_dim3A_286 : f32 to vector<16xf32>
      %swap3A_288 = arith.index_cast %scan3A_259 : i32 to index
      %swap3A_289 = arith.constant 64 : index
      %swap3A_290 = tpu.vector_load %arg13[%swap3A_288, %swap3A_289] {strides = array<i32>} : memref<128x128xf32, #tpu.memory_space<vmem>>, vector<1x16xf32>,
      %swap3A_291 = vector.shape_cast %swap3A_290 : vector<1x16xf32> to vector<16xf32>
      %swap3A_292 = vector.shape_cast %broadcast_in_dim3A_287 : vector<16xf32> to vector<1x16xf32>
      tpu.vector_store %arg13[%swap3A_288, %swap3A_289], %swap3A_292 {strides = array<i32>} : memref<128x128xf32, #tpu.memory_space<vmem>>, vector<1x16xf32>,
      %broadcast_in_dim3A_293 = arith.constant 0.000000e+00 : f32
      %broadcast_in_dim3A_294 = vector.broadcast %broadcast_in_dim3A_293 : f32 to vector<16xf32>
      %swap3A_295 = arith.index_cast %scan3A_259 : i32 to index
      %swap3A_296 = arith.constant 80 : index
      %swap3A_297 = tpu.vector_load %arg13[%swap3A_295, %swap3A_296] {strides = array<i32>} : memref<128x128xf32, #tpu.memory_space<vmem>>, vector<1x16xf32>,
      %swap3A_298 = vector.shape_cast %swap3A_297 : vector<1x16xf32> to vector<16xf32>
      %swap3A_299 = vector.shape_cast %broadcast_in_dim3A_294 : vector<16xf32> to vector<1x16xf32>
      tpu.vector_store %arg13[%swap3A_295, %swap3A_296], %swap3A_299 {strides = array<i32>} : memref<128x128xf32, #tpu.memory_space<vmem>>, vector<1x16xf32>,
      %broadcast_in_dim3A_300 = arith.constant 0.000000e+00 : f32
      %broadcast_in_dim3A_301 = vector.broadcast %broadcast_in_dim3A_300 : f32 to vector<16xf32>
      %swap3A_302 = arith.index_cast %scan3A_259 : i32 to index
      %swap3A_303 = arith.constant 96 : index
      %swap3A_304 = tpu.vector_load %arg13[%swap3A_302, %swap3A_303] {strides = array<i32>} : memref<128x128xf32, #tpu.memory_space<vmem>>, vector<1x16xf32>,
      %swap3A_305 = vector.shape_cast %swap3A_304 : vector<1x16xf32> to vector<16xf32>
      %swap3A_306 = vector.shape_cast %broadcast_in_dim3A_301 : vector<16xf32> to vector<1x16xf32>
      tpu.vector_store %arg13[%swap3A_302, %swap3A_303], %swap3A_306 {strides = array<i32>} : memref<128x128xf32, #tpu.memory_space<vmem>>, vector<1x16xf32>,
      %broadcast_in_dim3A_307 = arith.constant 0.000000e+00 : f32
      %broadcast_in_dim3A_308 = vector.broadcast %broadcast_in_dim3A_307 : f32 to vector<16xf32>
      %swap3A_309 = arith.index_cast %scan3A_259 : i32 to index
      %swap3A_310 = arith.constant 112 : index
      %swap3A_311 = tpu.vector_load %arg13[%swap3A_309, %swap3A_310] {strides = array<i32>} : memref<128x128xf32, #tpu.memory_space<vmem>>, vector<1x16xf32>,
      %swap3A_312 = vector.shape_cast %swap3A_311 : vector<1x16xf32> to vector<16xf32>
      %swap3A_313 = vector.shape_cast %broadcast_in_dim3A_308 : vector<16xf32> to vector<1x16xf32>
      tpu.vector_store %arg13[%swap3A_309, %swap3A_310], %swap3A_313 {strides = array<i32>} : memref<128x128xf32, #tpu.memory_space<vmem>>, vector<1x16xf32>,
    }
    %scan3A_31 = arith.constant 80 : i32
    %add3A_32 = arith.constant 0 : i32
    %add3A_33 = arith.addi %add3A_32, %arg1 : i32
    %lt3A = arith.constant 125 : i32
    %lt3A_34 = arith.cmpi slt, %add3A_33, %lt3A : i32
    %convert_element_type3A = arith.extui %lt3A_34 : i1 to i32
    %cond3A = arith.constant 0 : i32
    %cond3A_35 = arith.cmpi ne, %convert_element_type3A, %cond3A : i32
    scf.if %cond3A_35 {
      %add3A_259 = arith.constant 0 : i32
      %add3A_260 = arith.addi %add3A_259, %arg1 : i32
      %mul3A_261 = arith.constant 80 : i32
      %mul3A_262 = arith.muli %add3A_260, %mul3A_261 : i32
      %multiple_of3A = tpu.assume_multiple %mul3A_262, 8 : i32
      %dma_start3A_263 = arith.constant 0 : i32
      %dma_start3A_264 = arith.constant 0 : i32
      %dma_start3A_265 = tpu.memref_slice %arg13[%dma_start3A_263, %dma_start3A_264] : memref<128x128xf32, #tpu.memory_space<vmem>> -> memref<80x128xf32, #tpu.memory_space<vmem>>
      %dma_start3A_266 = arith.constant 0 : i32
      %dma_start3A_267 = tpu.memref_slice %arg14[%multiple_of3A, %dma_start3A_266] : memref<10000x128xf32, #tpu.memory_space<vmem_shared>> -> memref<80x128xf32, #tpu.memory_space<vmem_shared>>
      %dma_start3A_268 = arith.constant 0 : i32
      %dma_start3A_269 = tpu.memref_slice %arg14[%multiple_of3A, %dma_start3A_268] : memref<10000x128xf32, #tpu.memory_space<vmem_shared>> -> memref<80x128xf32, #tpu.memory_space<vmem_shared>>
      %dma_start3A_270 = arith.constant 0 : i32
      %dma_start3A_271 = arith.constant 0 : i32
      %dma_start3A_272 = tpu.memref_slice %arg13[%dma_start3A_270, %dma_start3A_271] : memref<128x128xf32, #tpu.memory_space<vmem>> -> memref<80x128xf32, #tpu.memory_space<vmem>>
      tpu.enqueue_dma source(%dma_start3A_272 : memref<80x128xf32, #tpu.memory_space<vmem>>) target(%dma_start3A_269 : memref<80x128xf32, #tpu.memory_space<vmem_shared>>) target_semaphore(%arg24 : memref<!tpu.dma_semaphore, #tpu.memory_space<semaphore_mem>>)
    } else {
    }
    %add3A_36 = arith.constant 16 : i32
    %add3A_37 = arith.addi %add3A_36, %arg1 : i32
    %lt3A_38 = arith.constant 125 : i32
    %lt3A_39 = arith.cmpi slt, %add3A_37, %lt3A_38 : i32
    %convert_element_type3A_40 = arith.extui %lt3A_39 : i1 to i32
    %cond3A_41 = arith.constant 0 : i32
    %cond3A_42 = arith.cmpi ne, %convert_element_type3A_40, %cond3A_41 : i32
    scf.if %cond3A_42 {
      %add3A_259 = arith.constant 16 : i32
      %add3A_260 = arith.addi %add3A_259, %arg1 : i32
      %mul3A_261 = arith.constant 80 : i32
      %mul3A_262 = arith.muli %add3A_260, %mul3A_261 : i32
      %multiple_of3A = tpu.assume_multiple %mul3A_262, 8 : i32
      %dma_start3A_263 = arith.constant 0 : i32
      %dma_start3A_264 = arith.constant 0 : i32
      %dma_start3A_265 = tpu.memref_slice %arg13[%dma_start3A_263, %dma_start3A_264] : memref<128x128xf32, #tpu.memory_space<vmem>> -> memref<80x128xf32, #tpu.memory_space<vmem>>
      %dma_start3A_266 = arith.constant 0 : i32
      %dma_start3A_267 = tpu.memref_slice %arg14[%multiple_of3A, %dma_start3A_266] : memref<10000x128xf32, #tpu.memory_space<vmem_shared>> -> memref<80x128xf32, #tpu.memory_space<vmem_shared>>
      %dma_start3A_268 = arith.constant 0 : i32
      %dma_start3A_269 = tpu.memref_slice %arg14[%multiple_of3A, %dma_start3A_268] : memref<10000x128xf32, #tpu.memory_space<vmem_shared>> -> memref<80x128xf32, #tpu.memory_space<vmem_shared>>
      %dma_start3A_270 = arith.constant 0 : i32
      %dma_start3A_271 = arith.constant 0 : i32
      %dma_start3A_272 = tpu.memref_slice %arg13[%dma_start3A_270, %dma_start3A_271] : memref<128x128xf32, #tpu.memory_space<vmem>> -> memref<80x128xf32, #tpu.memory_space<vmem>>
      tpu.enqueue_dma source(%dma_start3A_272 : memref<80x128xf32, #tpu.memory_space<vmem>>) target(%dma_start3A_269 : memref<80x128xf32, #tpu.memory_space<vmem_shared>>) target_semaphore(%arg24 : memref<!tpu.dma_semaphore, #tpu.memory_space<semaphore_mem>>)
    } else {
    }
    %add3A_43 = arith.constant 32 : i32
    %add3A_44 = arith.addi %add3A_43, %arg1 : i32
    %lt3A_45 = arith.constant 125 : i32
    %lt3A_46 = arith.cmpi slt, %add3A_44, %lt3A_45 : i32
    %convert_element_type3A_47 = arith.extui %lt3A_46 : i1 to i32
    %cond3A_48 = arith.constant 0 : i32
    %cond3A_49 = arith.cmpi ne, %convert_element_type3A_47, %cond3A_48 : i32
    scf.if %cond3A_49 {
      %add3A_259 = arith.constant 32 : i32
      %add3A_260 = arith.addi %add3A_259, %arg1 : i32
      %mul3A_261 = arith.constant 80 : i32
      %mul3A_262 = arith.muli %add3A_260, %mul3A_261 : i32
      %multiple_of3A = tpu.assume_multiple %mul3A_262, 8 : i32
      %dma_start3A_263 = arith.constant 0 : i32
      %dma_start3A_264 = arith.constant 0 : i32
      %dma_start3A_265 = tpu.memref_slice %arg13[%dma_start3A_263, %dma_start3A_264] : memref<128x128xf32, #tpu.memory_space<vmem>> -> memref<80x128xf32, #tpu.memory_space<vmem>>
      %dma_start3A_266 = arith.constant 0 : i32
      %dma_start3A_267 = tpu.memref_slice %arg14[%multiple_of3A, %dma_start3A_266] : memref<10000x128xf32, #tpu.memory_space<vmem_shared>> -> memref<80x128xf32, #tpu.memory_space<vmem_shared>>
      %dma_start3A_268 = arith.constant 0 : i32
      %dma_start3A_269 = tpu.memref_slice %arg14[%multiple_of3A, %dma_start3A_268] : memref<10000x128xf32, #tpu.memory_space<vmem_shared>> -> memref<80x128xf32, #tpu.memory_space<vmem_shared>>
      %dma_start3A_270 = arith.constant 0 : i32
      %dma_start3A_271 = arith.constant 0 : i32
      %dma_start3A_272 = tpu.memref_slice %arg13[%dma_start3A_270, %dma_start3A_271] : memref<128x128xf32, #tpu.memory_space<vmem>> -> memref<80x128xf32, #tpu.memory_space<vmem>>
      tpu.enqueue_dma source(%dma_start3A_272 : memref<80x128xf32, #tpu.memory_space<vmem>>) target(%dma_start3A_269 : memref<80x128xf32, #tpu.memory_space<vmem_shared>>) target_semaphore(%arg24 : memref<!tpu.dma_semaphore, #tpu.memory_space<semaphore_mem>>)
    } else {
    }
    %add3A_50 = arith.constant 48 : i32
    %add3A_51 = arith.addi %add3A_50, %arg1 : i32
    %lt3A_52 = arith.constant 125 : i32
    %lt3A_53 = arith.cmpi slt, %add3A_51, %lt3A_52 : i32
    %convert_element_type3A_54 = arith.extui %lt3A_53 : i1 to i32
    %cond3A_55 = arith.constant 0 : i32
    %cond3A_56 = arith.cmpi ne, %convert_element_type3A_54, %cond3A_55 : i32
    scf.if %cond3A_56 {
      %add3A_259 = arith.constant 48 : i32
      %add3A_260 = arith.addi %add3A_259, %arg1 : i32
      %mul3A_261 = arith.constant 80 : i32
      %mul3A_262 = arith.muli %add3A_260, %mul3A_261 : i32
      %multiple_of3A = tpu.assume_multiple %mul3A_262, 8 : i32
      %dma_start3A_263 = arith.constant 0 : i32
      %dma_start3A_264 = arith.constant 0 : i32
      %dma_start3A_265 = tpu.memref_slice %arg13[%dma_start3A_263, %dma_start3A_264] : memref<128x128xf32, #tpu.memory_space<vmem>> -> memref<80x128xf32, #tpu.memory_space<vmem>>
      %dma_start3A_266 = arith.constant 0 : i32
      %dma_start3A_267 = tpu.memref_slice %arg14[%multiple_of3A, %dma_start3A_266] : memref<10000x128xf32, #tpu.memory_space<vmem_shared>> -> memref<80x128xf32, #tpu.memory_space<vmem_shared>>
      %dma_start3A_268 = arith.constant 0 : i32
      %dma_start3A_269 = tpu.memref_slice %arg14[%multiple_of3A, %dma_start3A_268] : memref<10000x128xf32, #tpu.memory_space<vmem_shared>> -> memref<80x128xf32, #tpu.memory_space<vmem_shared>>
      %dma_start3A_270 = arith.constant 0 : i32
      %dma_start3A_271 = arith.constant 0 : i32
      %dma_start3A_272 = tpu.memref_slice %arg13[%dma_start3A_270, %dma_start3A_271] : memref<128x128xf32, #tpu.memory_space<vmem>> -> memref<80x128xf32, #tpu.memory_space<vmem>>
      tpu.enqueue_dma source(%dma_start3A_272 : memref<80x128xf32, #tpu.memory_space<vmem>>) target(%dma_start3A_269 : memref<80x128xf32, #tpu.memory_space<vmem_shared>>) target_semaphore(%arg24 : memref<!tpu.dma_semaphore, #tpu.memory_space<semaphore_mem>>)
    } else {
    }
    %add3A_57 = arith.constant 64 : i32
    %add3A_58 = arith.addi %add3A_57, %arg1 : i32
    %lt3A_59 = arith.constant 125 : i32
    %lt3A_60 = arith.cmpi slt, %add3A_58, %lt3A_59 : i32
    %convert_element_type3A_61 = arith.extui %lt3A_60 : i1 to i32
    %cond3A_62 = arith.constant 0 : i32
    %cond3A_63 = arith.cmpi ne, %convert_element_type3A_61, %cond3A_62 : i32
    scf.if %cond3A_63 {
      %add3A_259 = arith.constant 64 : i32
      %add3A_260 = arith.addi %add3A_259, %arg1 : i32
      %mul3A_261 = arith.constant 80 : i32
      %mul3A_262 = arith.muli %add3A_260, %mul3A_261 : i32
      %multiple_of3A = tpu.assume_multiple %mul3A_262, 8 : i32
      %dma_start3A_263 = arith.constant 0 : i32
      %dma_start3A_264 = arith.constant 0 : i32
      %dma_start3A_265 = tpu.memref_slice %arg13[%dma_start3A_263, %dma_start3A_264] : memref<128x128xf32, #tpu.memory_space<vmem>> -> memref<80x128xf32, #tpu.memory_space<vmem>>
      %dma_start3A_266 = arith.constant 0 : i32
      %dma_start3A_267 = tpu.memref_slice %arg14[%multiple_of3A, %dma_start3A_266] : memref<10000x128xf32, #tpu.memory_space<vmem_shared>> -> memref<80x128xf32, #tpu.memory_space<vmem_shared>>
      %dma_start3A_268 = arith.constant 0 : i32
      %dma_start3A_269 = tpu.memref_slice %arg14[%multiple_of3A, %dma_start3A_268] : memref<10000x128xf32, #tpu.memory_space<vmem_shared>> -> memref<80x128xf32, #tpu.memory_space<vmem_shared>>
      %dma_start3A_270 = arith.constant 0 : i32
      %dma_start3A_271 = arith.constant 0 : i32
      %dma_start3A_272 = tpu.memref_slice %arg13[%dma_start3A_270, %dma_start3A_271] : memref<128x128xf32, #tpu.memory_space<vmem>> -> memref<80x128xf32, #tpu.memory_space<vmem>>
      tpu.enqueue_dma source(%dma_start3A_272 : memref<80x128xf32, #tpu.memory_space<vmem>>) target(%dma_start3A_269 : memref<80x128xf32, #tpu.memory_space<vmem_shared>>) target_semaphore(%arg24 : memref<!tpu.dma_semaphore, #tpu.memory_space<semaphore_mem>>)
    } else {
    }
    %add3A_64 = arith.constant 80 : i32
    %add3A_65 = arith.addi %add3A_64, %arg1 : i32
    %lt3A_66 = arith.constant 125 : i32
    %lt3A_67 = arith.cmpi slt, %add3A_65, %lt3A_66 : i32
    %convert_element_type3A_68 = arith.extui %lt3A_67 : i1 to i32
    %cond3A_69 = arith.constant 0 : i32
    %cond3A_70 = arith.cmpi ne, %convert_element_type3A_68, %cond3A_69 : i32
    scf.if %cond3A_70 {
      %add3A_259 = arith.constant 80 : i32
      %add3A_260 = arith.addi %add3A_259, %arg1 : i32
      %mul3A_261 = arith.constant 80 : i32
      %mul3A_262 = arith.muli %add3A_260, %mul3A_261 : i32
      %multiple_of3A = tpu.assume_multiple %mul3A_262, 8 : i32
      %dma_start3A_263 = arith.constant 0 : i32
      %dma_start3A_264 = arith.constant 0 : i32
      %dma_start3A_265 = tpu.memref_slice %arg13[%dma_start3A_263, %dma_start3A_264] : memref<128x128xf32, #tpu.memory_space<vmem>> -> memref<80x128xf32, #tpu.memory_space<vmem>>
      %dma_start3A_266 = arith.constant 0 : i32
      %dma_start3A_267 = tpu.memref_slice %arg14[%multiple_of3A, %dma_start3A_266] : memref<10000x128xf32, #tpu.memory_space<vmem_shared>> -> memref<80x128xf32, #tpu.memory_space<vmem_shared>>
      %dma_start3A_268 = arith.constant 0 : i32
      %dma_start3A_269 = tpu.memref_slice %arg14[%multiple_of3A, %dma_start3A_268] : memref<10000x128xf32, #tpu.memory_space<vmem_shared>> -> memref<80x128xf32, #tpu.memory_space<vmem_shared>>
      %dma_start3A_270 = arith.constant 0 : i32
      %dma_start3A_271 = arith.constant 0 : i32
      %dma_start3A_272 = tpu.memref_slice %arg13[%dma_start3A_270, %dma_start3A_271] : memref<128x128xf32, #tpu.memory_space<vmem>> -> memref<80x128xf32, #tpu.memory_space<vmem>>
      tpu.enqueue_dma source(%dma_start3A_272 : memref<80x128xf32, #tpu.memory_space<vmem>>) target(%dma_start3A_269 : memref<80x128xf32, #tpu.memory_space<vmem_shared>>) target_semaphore(%arg24 : memref<!tpu.dma_semaphore, #tpu.memory_space<semaphore_mem>>)
    } else {
    }
    %add3A_71 = arith.constant 96 : i32
    %add3A_72 = arith.addi %add3A_71, %arg1 : i32
    %lt3A_73 = arith.constant 125 : i32
    %lt3A_74 = arith.cmpi slt, %add3A_72, %lt3A_73 : i32
    %convert_element_type3A_75 = arith.extui %lt3A_74 : i1 to i32
    %cond3A_76 = arith.constant 0 : i32
    %cond3A_77 = arith.cmpi ne, %convert_element_type3A_75, %cond3A_76 : i32
    scf.if %cond3A_77 {
      %add3A_259 = arith.constant 96 : i32
      %add3A_260 = arith.addi %add3A_259, %arg1 : i32
      %mul3A_261 = arith.constant 80 : i32
      %mul3A_262 = arith.muli %add3A_260, %mul3A_261 : i32
      %multiple_of3A = tpu.assume_multiple %mul3A_262, 8 : i32
      %dma_start3A_263 = arith.constant 0 : i32
      %dma_start3A_264 = arith.constant 0 : i32
      %dma_start3A_265 = tpu.memref_slice %arg13[%dma_start3A_263, %dma_start3A_264] : memref<128x128xf32, #tpu.memory_space<vmem>> -> memref<80x128xf32, #tpu.memory_space<vmem>>
      %dma_start3A_266 = arith.constant 0 : i32
      %dma_start3A_267 = tpu.memref_slice %arg14[%multiple_of3A, %dma_start3A_266] : memref<10000x128xf32, #tpu.memory_space<vmem_shared>> -> memref<80x128xf32, #tpu.memory_space<vmem_shared>>
      %dma_start3A_268 = arith.constant 0 : i32
      %dma_start3A_269 = tpu.memref_slice %arg14[%multiple_of3A, %dma_start3A_268] : memref<10000x128xf32, #tpu.memory_space<vmem_shared>> -> memref<80x128xf32, #tpu.memory_space<vmem_shared>>
      %dma_start3A_270 = arith.constant 0 : i32
      %dma_start3A_271 = arith.constant 0 : i32
      %dma_start3A_272 = tpu.memref_slice %arg13[%dma_start3A_270, %dma_start3A_271] : memref<128x128xf32, #tpu.memory_space<vmem>> -> memref<80x128xf32, #tpu.memory_space<vmem>>
      tpu.enqueue_dma source(%dma_start3A_272 : memref<80x128xf32, #tpu.memory_space<vmem>>) target(%dma_start3A_269 : memref<80x128xf32, #tpu.memory_space<vmem_shared>>) target_semaphore(%arg24 : memref<!tpu.dma_semaphore, #tpu.memory_space<semaphore_mem>>)
    } else {
    }
    %add3A_78 = arith.constant 112 : i32
    %add3A_79 = arith.addi %add3A_78, %arg1 : i32
    %lt3A_80 = arith.constant 125 : i32
    %lt3A_81 = arith.cmpi slt, %add3A_79, %lt3A_80 : i32
    %convert_element_type3A_82 = arith.extui %lt3A_81 : i1 to i32
    %cond3A_83 = arith.constant 0 : i32
    %cond3A_84 = arith.cmpi ne, %convert_element_type3A_82, %cond3A_83 : i32
    scf.if %cond3A_84 {
      %add3A_259 = arith.constant 112 : i32
      %add3A_260 = arith.addi %add3A_259, %arg1 : i32
      %mul3A_261 = arith.constant 80 : i32
      %mul3A_262 = arith.muli %add3A_260, %mul3A_261 : i32
      %multiple_of3A = tpu.assume_multiple %mul3A_262, 8 : i32
      %dma_start3A_263 = arith.constant 0 : i32
      %dma_start3A_264 = arith.constant 0 : i32
      %dma_start3A_265 = tpu.memref_slice %arg13[%dma_start3A_263, %dma_start3A_264] : memref<128x128xf32, #tpu.memory_space<vmem>> -> memref<80x128xf32, #tpu.memory_space<vmem>>
      %dma_start3A_266 = arith.constant 0 : i32
      %dma_start3A_267 = tpu.memref_slice %arg14[%multiple_of3A, %dma_start3A_266] : memref<10000x128xf32, #tpu.memory_space<vmem_shared>> -> memref<80x128xf32, #tpu.memory_space<vmem_shared>>
      %dma_start3A_268 = arith.constant 0 : i32
      %dma_start3A_269 = tpu.memref_slice %arg14[%multiple_of3A, %dma_start3A_268] : memref<10000x128xf32, #tpu.memory_space<vmem_shared>> -> memref<80x128xf32, #tpu.memory_space<vmem_shared>>
      %dma_start3A_270 = arith.constant 0 : i32
      %dma_start3A_271 = arith.constant 0 : i32
      %dma_start3A_272 = tpu.memref_slice %arg13[%dma_start3A_270, %dma_start3A_271] : memref<128x128xf32, #tpu.memory_space<vmem>> -> memref<80x128xf32, #tpu.memory_space<vmem>>
      tpu.enqueue_dma source(%dma_start3A_272 : memref<80x128xf32, #tpu.memory_space<vmem>>) target(%dma_start3A_269 : memref<80x128xf32, #tpu.memory_space<vmem_shared>>) target_semaphore(%arg24 : memref<!tpu.dma_semaphore, #tpu.memory_space<semaphore_mem>>)
    } else {
    }
    %scan3A_85 = arith.constant 0 : i32
    %scan3A_86 = arith.constant 0 : i32
    %scan3A_87 = arith.constant 29 : i32
    %scan3A_88 = arith.addi %scan3A_86, %scan3A_87 : i32
    %scan3A_89 = arith.constant 1 : i32
    scf.for %scan3A_259 = %scan3A_86 to %scan3A_88 step %scan3A_89  : i32 {
      %mul3A_260 = arith.constant 3 : i32
      %mul3A_261 = arith.muli %scan3A_259, %mul3A_260 : i32
      %add3A_262 = arith.constant 0 : i32
      %add3A_263 = arith.addi %mul3A_261, %add3A_262 : i32
      %ge3A = arith.constant 3 : i32
      %ge3A_264 = arith.cmpi sge, %add3A_263, %ge3A : i32
      %sub3A = arith.constant 3 : i32
      %sub3A_265 = arith.subi %add3A_263, %sub3A : i32
      %mul3A_266 = arith.constant 32 : i32
      %mul3A_267 = arith.muli %sub3A_265, %mul3A_266 : i32
      %add3A_268 = arith.addi %mul3A_267, %add3A : i32
      %lt3A_269 = arith.constant 2500 : i32
      %lt3A_270 = arith.cmpi slt, %add3A_268, %lt3A_269 : i32
      %and3A = arith.andi %ge3A_264, %lt3A_270 : i1
      %convert_element_type3A_271 = arith.extui %and3A : i1 to i32
      %cond3A_272 = arith.constant 0 : i32
      %cond3A_273 = arith.cmpi ne, %convert_element_type3A_271, %cond3A_272 : i32
      scf.if %cond3A_273 {
        %dma_wait3A = arith.constant 0 : i32
        %dma_wait3A_371 = arith.constant 0 : i32
        %dma_wait3A_372 = tpu.memref_slice %arg2[%dma_wait3A, %dma_wait3A_371] : memref<10000x128xf32, #tpu.memory_space<hbm>> -> memref<128x128xf32, #tpu.memory_space<hbm>>
        %dma_wait3A_373 = arith.constant 0 : i32
        %dma_wait3A_374 = arith.constant 0 : i32
        %dma_wait3A_375 = tpu.memref_slice %arg2[%dma_wait3A_373, %dma_wait3A_374] : memref<10000x128xf32, #tpu.memory_space<hbm>> -> memref<128x128xf32, #tpu.memory_space<hbm>>
        tpu.wait_dma2 semaphore(%arg21 : memref<!tpu.dma_semaphore, #tpu.memory_space<semaphore_mem>>) src(%dma_wait3A_375 : memref<128x128xf32, #tpu.memory_space<hbm>>) dst(%arg11 : memref<128x128xf32, #tpu.memory_space<vmem>>)
      } else {
      }
      %mul3A_274 = arith.constant 32 : i32
      %mul3A_275 = arith.muli %add3A_263, %mul3A_274 : i32
      %add3A_276 = arith.addi %mul3A_275, %add3A : i32
      %lt3A_277 = arith.constant 2500 : i32
      %lt3A_278 = arith.cmpi slt, %add3A_276, %lt3A_277 : i32
      %convert_element_type3A_279 = arith.extui %lt3A_278 : i1 to i32
      %cond3A_280 = arith.constant 0 : i32
      %cond3A_281 = arith.cmpi ne, %convert_element_type3A_279, %cond3A_280 : i32
      scf.if %cond3A_281 {
        %mul3A_371 = arith.constant 32 : i32
        %mul3A_372 = arith.muli %add3A_263, %mul3A_371 : i32
        %add3A_373 = arith.addi %mul3A_372, %add3A : i32
        %mul3A_374 = arith.constant 128 : i32
        %mul3A_375 = arith.muli %add3A_373, %mul3A_374 : i32
        %dma_wait3A = arith.constant 0 : i32
        %dma_wait3A_376 = tpu.memref_slice %arg3[%dma_wait3A, %mul3A_375] : memref<2x320000xi32, #tpu.memory_space<hbm>> -> memref<1x128xi32, #tpu.memory_space<hbm>>
        %dma_wait3A_377 = tpu.memref_squeeze %dma_wait3A_376 : memref<1x128xi32, #tpu.memory_space<hbm>> -> memref<128xi32, #tpu.memory_space<hbm>>
        %dma_wait3A_378 = tpu.memref_slice %arg3[%dma_wait3A, %mul3A_375] : memref<2x320000xi32, #tpu.memory_space<hbm>> -> memref<1x128xi32, #tpu.memory_space<hbm>>
        %dma_wait3A_379 = tpu.memref_squeeze %dma_wait3A_378 : memref<1x128xi32, #tpu.memory_space<hbm>> -> memref<128xi32, #tpu.memory_space<hbm>>
        tpu.wait_dma2 semaphore(%arg15 : memref<!tpu.dma_semaphore, #tpu.memory_space<semaphore_mem>>) src(%dma_wait3A_379 : memref<128xi32, #tpu.memory_space<hbm>>) dst(%arg5 : memref<128xi32, #tpu.memory_space<vmem>>)
        %dma_start3A_380 = arith.constant 0 : i32
        %dma_start3A_381 = arith.constant 0 : i32
        %dma_start3A_382 = tpu.memref_slice %arg2[%dma_start3A_380, %dma_start3A_381] : memref<10000x128xf32, #tpu.memory_space<hbm>> -> memref<10000x128xf32, #tpu.memory_space<hbm>>
        tpu.enqueue_indirect_dma source(%dma_start3A_382 : memref<10000x128xf32, #tpu.memory_space<hbm>>) target(%arg11 : memref<128x128xf32, #tpu.memory_space<vmem>>) offsets(%arg5 : memref<128xi32, #tpu.memory_space<vmem>>) semaphore(%arg18 : memref<!tpu.dma_semaphore, #tpu.memory_space<semaphore_mem>>)
        %mul3A_383 = arith.constant 32 : i32
        %mul3A_384 = arith.muli %add3A_263, %mul3A_383 : i32
        %add3A_385 = arith.addi %mul3A_384, %add3A : i32
        %mul3A_386 = arith.constant 128 : i32
        %mul3A_387 = arith.muli %add3A_385, %mul3A_386 : i32
        %dma_start3A_388 = arith.constant 1 : i32
        %dma_start3A_389 = tpu.memref_slice %arg3[%dma_start3A_388, %mul3A_387] : memref<2x320000xi32, #tpu.memory_space<hbm>> -> memref<1x128xi32, #tpu.memory_space<hbm>>
        %dma_start3A_390 = tpu.memref_squeeze %dma_start3A_389 : memref<1x128xi32, #tpu.memory_space<hbm>> -> memref<128xi32, #tpu.memory_space<hbm>>
        %dma_start3A_391 = tpu.memref_slice %arg3[%dma_start3A_388, %mul3A_387] : memref<2x320000xi32, #tpu.memory_space<hbm>> -> memref<1x128xi32, #tpu.memory_space<hbm>>
        %dma_start3A_392 = tpu.memref_squeeze %dma_start3A_391 : memref<1x128xi32, #tpu.memory_space<hbm>> -> memref<128xi32, #tpu.memory_space<hbm>>
        tpu.enqueue_dma source(%dma_start3A_392 : memref<128xi32, #tpu.memory_space<hbm>>) target(%arg8 : memref<128xi32, #tpu.memory_space<vmem>>) target_semaphore(%arg21 : memref<!tpu.dma_semaphore, #tpu.memory_space<semaphore_mem>>)
      } else {
      }
      %ge3A_282 = arith.constant 1 : i32
      %ge3A_283 = arith.cmpi sge, %add3A_263, %ge3A_282 : i32
      %sub3A_284 = arith.constant 1 : i32
      %sub3A_285 = arith.subi %add3A_263, %sub3A_284 : i32
      %mul3A_286 = arith.constant 32 : i32
      %mul3A_287 = arith.muli %sub3A_285, %mul3A_286 : i32
      %add3A_288 = arith.addi %mul3A_287, %add3A : i32
      %lt3A_289 = arith.constant 2500 : i32
      %lt3A_290 = arith.cmpi slt, %add3A_288, %lt3A_289 : i32
      %and3A_291 = arith.andi %ge3A_283, %lt3A_290 : i1
      %convert_element_type3A_292 = arith.extui %and3A_291 : i1 to i32
      %cond3A_293 = arith.constant 0 : i32
      %cond3A_294 = arith.cmpi ne, %convert_element_type3A_292, %cond3A_293 : i32
      scf.if %cond3A_294 {
        %dma_wait3A = arith.constant 0 : i32
        %dma_wait3A_371 = arith.constant 0 : i32
        %dma_wait3A_372 = tpu.memref_slice %arg2[%dma_wait3A, %dma_wait3A_371] : memref<10000x128xf32, #tpu.memory_space<hbm>> -> memref<10000x128xf32, #tpu.memory_space<hbm>>
        tpu.wait_indirect_dma semaphore(%arg20 : memref<!tpu.dma_semaphore, #tpu.memory_space<semaphore_mem>>) src(%dma_wait3A_372 : memref<10000x128xf32, #tpu.memory_space<hbm>>) dst(%arg13 : memref<128x128xf32, #tpu.memory_space<vmem>>)
        %eq3A = arith.constant 1 : i32
        %eq3A_373 = arith.cmpi eq, %add3A_263, %eq3A : i32
        %convert_element_type3A_374 = arith.extui %eq3A_373 : i1 to i32
        %cond3A_375 = arith.constant 0 : i32
        %cond3A_376 = arith.cmpi ne, %convert_element_type3A_374, %cond3A_375 : i32
        scf.if %cond3A_376 {
          %add3A_404 = arith.constant 0 : i32
          %add3A_405 = arith.addi %add3A_404, %arg1 : i32
          %lt3A_406 = arith.constant 125 : i32
          %lt3A_407 = arith.cmpi slt, %add3A_405, %lt3A_406 : i32
          %convert_element_type3A_408 = arith.extui %lt3A_407 : i1 to i32
          %cond3A_409 = arith.constant 0 : i32
          %cond3A_410 = arith.cmpi ne, %convert_element_type3A_408, %cond3A_409 : i32
          scf.if %cond3A_410 {
            %add3A_461 = arith.constant 0 : i32
            %add3A_462 = arith.addi %add3A_461, %arg1 : i32
            %mul3A_463 = arith.constant 80 : i32
            %mul3A_464 = arith.muli %add3A_462, %mul3A_463 : i32
            %multiple_of3A = tpu.assume_multiple %mul3A_464, 8 : i32
            %dma_wait3A_465 = arith.constant 0 : i32
            %dma_wait3A_466 = arith.constant 0 : i32
            %dma_wait3A_467 = tpu.memref_slice %arg13[%dma_wait3A_465, %dma_wait3A_466] : memref<128x128xf32, #tpu.memory_space<vmem>> -> memref<80x128xf32, #tpu.memory_space<vmem>>
            %dma_wait3A_468 = arith.constant 0 : i32
            %dma_wait3A_469 = tpu.memref_slice %arg14[%multiple_of3A, %dma_wait3A_468] : memref<10000x128xf32, #tpu.memory_space<vmem_shared>> -> memref<80x128xf32, #tpu.memory_space<vmem_shared>>
            %dma_wait3A_470 = arith.constant 0 : i32
            %dma_wait3A_471 = tpu.memref_slice %arg14[%multiple_of3A, %dma_wait3A_470] : memref<10000x128xf32, #tpu.memory_space<vmem_shared>> -> memref<80x128xf32, #tpu.memory_space<vmem_shared>>
            %dma_wait3A_472 = arith.constant 0 : i32
            %dma_wait3A_473 = arith.constant 0 : i32
            %dma_wait3A_474 = tpu.memref_slice %arg13[%dma_wait3A_472, %dma_wait3A_473] : memref<128x128xf32, #tpu.memory_space<vmem>> -> memref<80x128xf32, #tpu.memory_space<vmem>>
            tpu.wait_dma2 semaphore(%arg24 : memref<!tpu.dma_semaphore, #tpu.memory_space<semaphore_mem>>) src(%dma_wait3A_474 : memref<80x128xf32, #tpu.memory_space<vmem>>) dst(%dma_wait3A_471 : memref<80x128xf32, #tpu.memory_space<vmem_shared>>)
          } else {
          }
          %add3A_411 = arith.constant 16 : i32
          %add3A_412 = arith.addi %add3A_411, %arg1 : i32
          %lt3A_413 = arith.constant 125 : i32
          %lt3A_414 = arith.cmpi slt, %add3A_412, %lt3A_413 : i32
          %convert_element_type3A_415 = arith.extui %lt3A_414 : i1 to i32
          %cond3A_416 = arith.constant 0 : i32
          %cond3A_417 = arith.cmpi ne, %convert_element_type3A_415, %cond3A_416 : i32
          scf.if %cond3A_417 {
            %add3A_461 = arith.constant 16 : i32
            %add3A_462 = arith.addi %add3A_461, %arg1 : i32
            %mul3A_463 = arith.constant 80 : i32
            %mul3A_464 = arith.muli %add3A_462, %mul3A_463 : i32
            %multiple_of3A = tpu.assume_multiple %mul3A_464, 8 : i32
            %dma_wait3A_465 = arith.constant 0 : i32
            %dma_wait3A_466 = arith.constant 0 : i32
            %dma_wait3A_467 = tpu.memref_slice %arg13[%dma_wait3A_465, %dma_wait3A_466] : memref<128x128xf32, #tpu.memory_space<vmem>> -> memref<80x128xf32, #tpu.memory_space<vmem>>
            %dma_wait3A_468 = arith.constant 0 : i32
            %dma_wait3A_469 = tpu.memref_slice %arg14[%multiple_of3A, %dma_wait3A_468] : memref<10000x128xf32, #tpu.memory_space<vmem_shared>> -> memref<80x128xf32, #tpu.memory_space<vmem_shared>>
            %dma_wait3A_470 = arith.constant 0 : i32
            %dma_wait3A_471 = tpu.memref_slice %arg14[%multiple_of3A, %dma_wait3A_470] : memref<10000x128xf32, #tpu.memory_space<vmem_shared>> -> memref<80x128xf32, #tpu.memory_space<vmem_shared>>
            %dma_wait3A_472 = arith.constant 0 : i32
            %dma_wait3A_473 = arith.constant 0 : i32
            %dma_wait3A_474 = tpu.memref_slice %arg13[%dma_wait3A_472, %dma_wait3A_473] : memref<128x128xf32, #tpu.memory_space<vmem>> -> memref<80x128xf32, #tpu.memory_space<vmem>>
            tpu.wait_dma2 semaphore(%arg24 : memref<!tpu.dma_semaphore, #tpu.memory_space<semaphore_mem>>) src(%dma_wait3A_474 : memref<80x128xf32, #tpu.memory_space<vmem>>) dst(%dma_wait3A_471 : memref<80x128xf32, #tpu.memory_space<vmem_shared>>)
          } else {
          }
          %add3A_418 = arith.constant 32 : i32
          %add3A_419 = arith.addi %add3A_418, %arg1 : i32
          %lt3A_420 = arith.constant 125 : i32
          %lt3A_421 = arith.cmpi slt, %add3A_419, %lt3A_420 : i32
          %convert_element_type3A_422 = arith.extui %lt3A_421 : i1 to i32
          %cond3A_423 = arith.constant 0 : i32
          %cond3A_424 = arith.cmpi ne, %convert_element_type3A_422, %cond3A_423 : i32
          scf.if %cond3A_424 {
            %add3A_461 = arith.constant 32 : i32
            %add3A_462 = arith.addi %add3A_461, %arg1 : i32
            %mul3A_463 = arith.constant 80 : i32
            %mul3A_464 = arith.muli %add3A_462, %mul3A_463 : i32
            %multiple_of3A = tpu.assume_multiple %mul3A_464, 8 : i32
            %dma_wait3A_465 = arith.constant 0 : i32
            %dma_wait3A_466 = arith.constant 0 : i32
            %dma_wait3A_467 = tpu.memref_slice %arg13[%dma_wait3A_465, %dma_wait3A_466] : memref<128x128xf32, #tpu.memory_space<vmem>> -> memref<80x128xf32, #tpu.memory_space<vmem>>
            %dma_wait3A_468 = arith.constant 0 : i32
            %dma_wait3A_469 = tpu.memref_slice %arg14[%multiple_of3A, %dma_wait3A_468] : memref<10000x128xf32, #tpu.memory_space<vmem_shared>> -> memref<80x128xf32, #tpu.memory_space<vmem_shared>>
            %dma_wait3A_470 = arith.constant 0 : i32
            %dma_wait3A_471 = tpu.memref_slice %arg14[%multiple_of3A, %dma_wait3A_470] : memref<10000x128xf32, #tpu.memory_space<vmem_shared>> -> memref<80x128xf32, #tpu.memory_space<vmem_shared>>
            %dma_wait3A_472 = arith.constant 0 : i32
            %dma_wait3A_473 = arith.constant 0 : i32
            %dma_wait3A_474 = tpu.memref_slice %arg13[%dma_wait3A_472, %dma_wait3A_473] : memref<128x128xf32, #tpu.memory_space<vmem>> -> memref<80x128xf32, #tpu.memory_space<vmem>>
            tpu.wait_dma2 semaphore(%arg24 : memref<!tpu.dma_semaphore, #tpu.memory_space<semaphore_mem>>) src(%dma_wait3A_474 : memref<80x128xf32, #tpu.memory_space<vmem>>) dst(%dma_wait3A_471 : memref<80x128xf32, #tpu.memory_space<vmem_shared>>)
          } else {
          }
          %add3A_425 = arith.constant 48 : i32
          %add3A_426 = arith.addi %add3A_425, %arg1 : i32
          %lt3A_427 = arith.constant 125 : i32
          %lt3A_428 = arith.cmpi slt, %add3A_426, %lt3A_427 : i32
          %convert_element_type3A_429 = arith.extui %lt3A_428 : i1 to i32
          %cond3A_430 = arith.constant 0 : i32
          %cond3A_431 = arith.cmpi ne, %convert_element_type3A_429, %cond3A_430 : i32
          scf.if %cond3A_431 {
            %add3A_461 = arith.constant 48 : i32
            %add3A_462 = arith.addi %add3A_461, %arg1 : i32
            %mul3A_463 = arith.constant 80 : i32
            %mul3A_464 = arith.muli %add3A_462, %mul3A_463 : i32
            %multiple_of3A = tpu.assume_multiple %mul3A_464, 8 : i32
            %dma_wait3A_465 = arith.constant 0 : i32
            %dma_wait3A_466 = arith.constant 0 : i32
            %dma_wait3A_467 = tpu.memref_slice %arg13[%dma_wait3A_465, %dma_wait3A_466] : memref<128x128xf32, #tpu.memory_space<vmem>> -> memref<80x128xf32, #tpu.memory_space<vmem>>
            %dma_wait3A_468 = arith.constant 0 : i32
            %dma_wait3A_469 = tpu.memref_slice %arg14[%multiple_of3A, %dma_wait3A_468] : memref<10000x128xf32, #tpu.memory_space<vmem_shared>> -> memref<80x128xf32, #tpu.memory_space<vmem_shared>>
            %dma_wait3A_470 = arith.constant 0 : i32
            %dma_wait3A_471 = tpu.memref_slice %arg14[%multiple_of3A, %dma_wait3A_470] : memref<10000x128xf32, #tpu.memory_space<vmem_shared>> -> memref<80x128xf32, #tpu.memory_space<vmem_shared>>
            %dma_wait3A_472 = arith.constant 0 : i32
            %dma_wait3A_473 = arith.constant 0 : i32
            %dma_wait3A_474 = tpu.memref_slice %arg13[%dma_wait3A_472, %dma_wait3A_473] : memref<128x128xf32, #tpu.memory_space<vmem>> -> memref<80x128xf32, #tpu.memory_space<vmem>>
            tpu.wait_dma2 semaphore(%arg24 : memref<!tpu.dma_semaphore, #tpu.memory_space<semaphore_mem>>) src(%dma_wait3A_474 : memref<80x128xf32, #tpu.memory_space<vmem>>) dst(%dma_wait3A_471 : memref<80x128xf32, #tpu.memory_space<vmem_shared>>)
          } else {
          }
          %add3A_432 = arith.constant 64 : i32
          %add3A_433 = arith.addi %add3A_432, %arg1 : i32
          %lt3A_434 = arith.constant 125 : i32
          %lt3A_435 = arith.cmpi slt, %add3A_433, %lt3A_434 : i32
          %convert_element_type3A_436 = arith.extui %lt3A_435 : i1 to i32
          %cond3A_437 = arith.constant 0 : i32
          %cond3A_438 = arith.cmpi ne, %convert_element_type3A_436, %cond3A_437 : i32
          scf.if %cond3A_438 {
            %add3A_461 = arith.constant 64 : i32
            %add3A_462 = arith.addi %add3A_461, %arg1 : i32
            %mul3A_463 = arith.constant 80 : i32
            %mul3A_464 = arith.muli %add3A_462, %mul3A_463 : i32
            %multiple_of3A = tpu.assume_multiple %mul3A_464, 8 : i32
            %dma_wait3A_465 = arith.constant 0 : i32
            %dma_wait3A_466 = arith.constant 0 : i32
            %dma_wait3A_467 = tpu.memref_slice %arg13[%dma_wait3A_465, %dma_wait3A_466] : memref<128x128xf32, #tpu.memory_space<vmem>> -> memref<80x128xf32, #tpu.memory_space<vmem>>
            %dma_wait3A_468 = arith.constant 0 : i32
            %dma_wait3A_469 = tpu.memref_slice %arg14[%multiple_of3A, %dma_wait3A_468] : memref<10000x128xf32, #tpu.memory_space<vmem_shared>> -> memref<80x128xf32, #tpu.memory_space<vmem_shared>>
            %dma_wait3A_470 = arith.constant 0 : i32
            %dma_wait3A_471 = tpu.memref_slice %arg14[%multiple_of3A, %dma_wait3A_470] : memref<10000x128xf32, #tpu.memory_space<vmem_shared>> -> memref<80x128xf32, #tpu.memory_space<vmem_shared>>
            %dma_wait3A_472 = arith.constant 0 : i32
            %dma_wait3A_473 = arith.constant 0 : i32
            %dma_wait3A_474 = tpu.memref_slice %arg13[%dma_wait3A_472, %dma_wait3A_473] : memref<128x128xf32, #tpu.memory_space<vmem>> -> memref<80x128xf32, #tpu.memory_space<vmem>>
            tpu.wait_dma2 semaphore(%arg24 : memref<!tpu.dma_semaphore, #tpu.memory_space<semaphore_mem>>) src(%dma_wait3A_474 : memref<80x128xf32, #tpu.memory_space<vmem>>) dst(%dma_wait3A_471 : memref<80x128xf32, #tpu.memory_space<vmem_shared>>)
          } else {
          }
          %add3A_439 = arith.constant 80 : i32
          %add3A_440 = arith.addi %add3A_439, %arg1 : i32
          %lt3A_441 = arith.constant 125 : i32
          %lt3A_442 = arith.cmpi slt, %add3A_440, %lt3A_441 : i32
          %convert_element_type3A_443 = arith.extui %lt3A_442 : i1 to i32
          %cond3A_444 = arith.constant 0 : i32
          %cond3A_445 = arith.cmpi ne, %convert_element_type3A_443, %cond3A_444 : i32
          scf.if %cond3A_445 {
            %add3A_461 = arith.constant 80 : i32
            %add3A_462 = arith.addi %add3A_461, %arg1 : i32
            %mul3A_463 = arith.constant 80 : i32
            %mul3A_464 = arith.muli %add3A_462, %mul3A_463 : i32
            %multiple_of3A = tpu.assume_multiple %mul3A_464, 8 : i32
            %dma_wait3A_465 = arith.constant 0 : i32
            %dma_wait3A_466 = arith.constant 0 : i32
            %dma_wait3A_467 = tpu.memref_slice %arg13[%dma_wait3A_465, %dma_wait3A_466] : memref<128x128xf32, #tpu.memory_space<vmem>> -> memref<80x128xf32, #tpu.memory_space<vmem>>
            %dma_wait3A_468 = arith.constant 0 : i32
            %dma_wait3A_469 = tpu.memref_slice %arg14[%multiple_of3A, %dma_wait3A_468] : memref<10000x128xf32, #tpu.memory_space<vmem_shared>> -> memref<80x128xf32, #tpu.memory_space<vmem_shared>>
            %dma_wait3A_470 = arith.constant 0 : i32
            %dma_wait3A_471 = tpu.memref_slice %arg14[%multiple_of3A, %dma_wait3A_470] : memref<10000x128xf32, #tpu.memory_space<vmem_shared>> -> memref<80x128xf32, #tpu.memory_space<vmem_shared>>
            %dma_wait3A_472 = arith.constant 0 : i32
            %dma_wait3A_473 = arith.constant 0 : i32
            %dma_wait3A_474 = tpu.memref_slice %arg13[%dma_wait3A_472, %dma_wait3A_473] : memref<128x128xf32, #tpu.memory_space<vmem>> -> memref<80x128xf32, #tpu.memory_space<vmem>>
            tpu.wait_dma2 semaphore(%arg24 : memref<!tpu.dma_semaphore, #tpu.memory_space<semaphore_mem>>) src(%dma_wait3A_474 : memref<80x128xf32, #tpu.memory_space<vmem>>) dst(%dma_wait3A_471 : memref<80x128xf32, #tpu.memory_space<vmem_shared>>)
          } else {
          }
          %add3A_446 = arith.constant 96 : i32
          %add3A_447 = arith.addi %add3A_446, %arg1 : i32
          %lt3A_448 = arith.constant 125 : i32
          %lt3A_449 = arith.cmpi slt, %add3A_447, %lt3A_448 : i32
          %convert_element_type3A_450 = arith.extui %lt3A_449 : i1 to i32
          %cond3A_451 = arith.constant 0 : i32
          %cond3A_452 = arith.cmpi ne, %convert_element_type3A_450, %cond3A_451 : i32
          scf.if %cond3A_452 {
            %add3A_461 = arith.constant 96 : i32
            %add3A_462 = arith.addi %add3A_461, %arg1 : i32
            %mul3A_463 = arith.constant 80 : i32
            %mul3A_464 = arith.muli %add3A_462, %mul3A_463 : i32
            %multiple_of3A = tpu.assume_multiple %mul3A_464, 8 : i32
            %dma_wait3A_465 = arith.constant 0 : i32
            %dma_wait3A_466 = arith.constant 0 : i32
            %dma_wait3A_467 = tpu.memref_slice %arg13[%dma_wait3A_465, %dma_wait3A_466] : memref<128x128xf32, #tpu.memory_space<vmem>> -> memref<80x128xf32, #tpu.memory_space<vmem>>
            %dma_wait3A_468 = arith.constant 0 : i32
            %dma_wait3A_469 = tpu.memref_slice %arg14[%multiple_of3A, %dma_wait3A_468] : memref<10000x128xf32, #tpu.memory_space<vmem_shared>> -> memref<80x128xf32, #tpu.memory_space<vmem_shared>>
            %dma_wait3A_470 = arith.constant 0 : i32
            %dma_wait3A_471 = tpu.memref_slice %arg14[%multiple_of3A, %dma_wait3A_470] : memref<10000x128xf32, #tpu.memory_space<vmem_shared>> -> memref<80x128xf32, #tpu.memory_space<vmem_shared>>
            %dma_wait3A_472 = arith.constant 0 : i32
            %dma_wait3A_473 = arith.constant 0 : i32
            %dma_wait3A_474 = tpu.memref_slice %arg13[%dma_wait3A_472, %dma_wait3A_473] : memref<128x128xf32, #tpu.memory_space<vmem>> -> memref<80x128xf32, #tpu.memory_space<vmem>>
            tpu.wait_dma2 semaphore(%arg24 : memref<!tpu.dma_semaphore, #tpu.memory_space<semaphore_mem>>) src(%dma_wait3A_474 : memref<80x128xf32, #tpu.memory_space<vmem>>) dst(%dma_wait3A_471 : memref<80x128xf32, #tpu.memory_space<vmem_shared>>)
          } else {
          }
          %add3A_453 = arith.constant 112 : i32
          %add3A_454 = arith.addi %add3A_453, %arg1 : i32
          %lt3A_455 = arith.constant 125 : i32
          %lt3A_456 = arith.cmpi slt, %add3A_454, %lt3A_455 : i32
          %convert_element_type3A_457 = arith.extui %lt3A_456 : i1 to i32
          %cond3A_458 = arith.constant 0 : i32
          %cond3A_459 = arith.cmpi ne, %convert_element_type3A_457, %cond3A_458 : i32
          scf.if %cond3A_459 {
            %add3A_461 = arith.constant 112 : i32
            %add3A_462 = arith.addi %add3A_461, %arg1 : i32
            %mul3A_463 = arith.constant 80 : i32
            %mul3A_464 = arith.muli %add3A_462, %mul3A_463 : i32
            %multiple_of3A = tpu.assume_multiple %mul3A_464, 8 : i32
            %dma_wait3A_465 = arith.constant 0 : i32
            %dma_wait3A_466 = arith.constant 0 : i32
            %dma_wait3A_467 = tpu.memref_slice %arg13[%dma_wait3A_465, %dma_wait3A_466] : memref<128x128xf32, #tpu.memory_space<vmem>> -> memref<80x128xf32, #tpu.memory_space<vmem>>
            %dma_wait3A_468 = arith.constant 0 : i32
            %dma_wait3A_469 = tpu.memref_slice %arg14[%multiple_of3A, %dma_wait3A_468] : memref<10000x128xf32, #tpu.memory_space<vmem_shared>> -> memref<80x128xf32, #tpu.memory_space<vmem_shared>>
            %dma_wait3A_470 = arith.constant 0 : i32
            %dma_wait3A_471 = tpu.memref_slice %arg14[%multiple_of3A, %dma_wait3A_470] : memref<10000x128xf32, #tpu.memory_space<vmem_shared>> -> memref<80x128xf32, #tpu.memory_space<vmem_shared>>
            %dma_wait3A_472 = arith.constant 0 : i32
            %dma_wait3A_473 = arith.constant 0 : i32
            %dma_wait3A_474 = tpu.memref_slice %arg13[%dma_wait3A_472, %dma_wait3A_473] : memref<128x128xf32, #tpu.memory_space<vmem>> -> memref<80x128xf32, #tpu.memory_space<vmem>>
            tpu.wait_dma2 semaphore(%arg24 : memref<!tpu.dma_semaphore, #tpu.memory_space<semaphore_mem>>) src(%dma_wait3A_474 : memref<80x128xf32, #tpu.memory_space<vmem>>) dst(%dma_wait3A_471 : memref<80x128xf32, #tpu.memory_space<vmem_shared>>)
          } else {
          }
          %barrier3A_460 = arith.constant 0 : index
          tpu.barrier barrier_id(%barrier3A_460)
        } else {
        }
        %add3A_377 = arith.constant 3 : i32
        %add3A_378 = arith.addi %add3A_263, %add3A_377 : i32
        %sub3A_379 = arith.constant 1 : i32
        %sub3A_380 = arith.subi %add3A_378, %sub3A_379 : i32
        %mul3A_381 = arith.constant 32 : i32
        %mul3A_382 = arith.muli %sub3A_380, %mul3A_381 : i32
        %add3A_383 = arith.addi %mul3A_382, %add3A : i32
        %lt3A_384 = arith.constant 2500 : i32
        %lt3A_385 = arith.cmpi slt, %add3A_383, %lt3A_384 : i32
        %convert_element_type3A_386 = arith.extui %lt3A_385 : i1 to i32
        %cond3A_387 = arith.constant 0 : i32
        %cond3A_388 = arith.cmpi ne, %convert_element_type3A_386, %cond3A_387 : i32
        scf.if %cond3A_388 {
          %add3A_404 = arith.constant 3 : i32
          %add3A_405 = arith.addi %add3A_263, %add3A_404 : i32
          %sub3A_406 = arith.constant 1 : i32
          %sub3A_407 = arith.subi %add3A_405, %sub3A_406 : i32
          %mul3A_408 = arith.constant 32 : i32
          %mul3A_409 = arith.muli %sub3A_407, %mul3A_408 : i32
          %add3A_410 = arith.addi %mul3A_409, %add3A : i32
          %mul3A_411 = arith.constant 128 : i32
          %mul3A_412 = arith.muli %add3A_410, %mul3A_411 : i32
          %dma_start3A_413 = arith.constant 0 : i32
          %dma_start3A_414 = tpu.memref_slice %arg3[%dma_start3A_413, %mul3A_412] : memref<2x320000xi32, #tpu.memory_space<hbm>> -> memref<1x128xi32, #tpu.memory_space<hbm>>
          %dma_start3A_415 = tpu.memref_squeeze %dma_start3A_414 : memref<1x128xi32, #tpu.memory_space<hbm>> -> memref<128xi32, #tpu.memory_space<hbm>>
          %dma_start3A_416 = tpu.memref_slice %arg3[%dma_start3A_413, %mul3A_412] : memref<2x320000xi32, #tpu.memory_space<hbm>> -> memref<1x128xi32, #tpu.memory_space<hbm>>
          %dma_start3A_417 = tpu.memref_squeeze %dma_start3A_416 : memref<1x128xi32, #tpu.memory_space<hbm>> -> memref<128xi32, #tpu.memory_space<hbm>>
          tpu.enqueue_dma source(%dma_start3A_417 : memref<128xi32, #tpu.memory_space<hbm>>) target(%arg7 : memref<128xi32, #tpu.memory_space<vmem>>) target_semaphore(%arg17 : memref<!tpu.dma_semaphore, #tpu.memory_space<semaphore_mem>>)
        } else {
        }
        %sub3A_389 = arith.constant 1 : i32
        %sub3A_390 = arith.subi %add3A_263, %sub3A_389 : i32
        %mul3A_391 = arith.constant 32 : i32
        %mul3A_392 = arith.muli %sub3A_390, %mul3A_391 : i32
        %add3A_393 = arith.addi %mul3A_392, %add3A : i32
        %mul3A_394 = arith.constant 128 : i32
        %mul3A_395 = arith.muli %add3A_393, %mul3A_394 : i32
        %dma_wait3A_396 = arith.constant 1 : i32
        %dma_wait3A_397 = tpu.memref_slice %arg3[%dma_wait3A_396, %mul3A_395] : memref<2x320000xi32, #tpu.memory_space<hbm>> -> memref<1x128xi32, #tpu.memory_space<hbm>>
        %dma_wait3A_398 = tpu.memref_squeeze %dma_wait3A_397 : memref<1x128xi32, #tpu.memory_space<hbm>> -> memref<128xi32, #tpu.memory_space<hbm>>
        %dma_wait3A_399 = tpu.memref_slice %arg3[%dma_wait3A_396, %mul3A_395] : memref<2x320000xi32, #tpu.memory_space<hbm>> -> memref<1x128xi32, #tpu.memory_space<hbm>>
        %dma_wait3A_400 = tpu.memref_squeeze %dma_wait3A_399 : memref<1x128xi32, #tpu.memory_space<hbm>> -> memref<128xi32, #tpu.memory_space<hbm>>
        tpu.wait_dma2 semaphore(%arg23 : memref<!tpu.dma_semaphore, #tpu.memory_space<semaphore_mem>>) src(%dma_wait3A_400 : memref<128xi32, #tpu.memory_space<hbm>>) dst(%arg10 : memref<128xi32, #tpu.memory_space<vmem>>)
        %dma_start3A_401 = arith.constant 0 : i32
        %dma_start3A_402 = arith.constant 0 : i32
        %dma_start3A_403 = tpu.memref_slice %arg14[%dma_start3A_401, %dma_start3A_402] : memref<10000x128xf32, #tpu.memory_space<vmem_shared>> -> memref<10000x128xf32, #tpu.memory_space<vmem_shared>>
        tpu.enqueue_indirect_dma source(%arg13 : memref<128x128xf32, #tpu.memory_space<vmem>>) target(%dma_start3A_403 : memref<10000x128xf32, #tpu.memory_space<vmem_shared>>) offsets(%arg10 : memref<128xi32, #tpu.memory_space<vmem>>) semaphore(%arg23 : memref<!tpu.dma_semaphore, #tpu.memory_space<semaphore_mem>>) {add = true}
      } else {
      }
      %mul3A_295 = arith.constant 3 : i32
      %mul3A_296 = arith.muli %scan3A_259, %mul3A_295 : i32
      %add3A_297 = arith.constant 1 : i32
      %add3A_298 = arith.addi %mul3A_296, %add3A_297 : i32
      %ge3A_299 = arith.constant 3 : i32
      %ge3A_300 = arith.cmpi sge, %add3A_298, %ge3A_299 : i32
      %sub3A_301 = arith.constant 3 : i32
      %sub3A_302 = arith.subi %add3A_298, %sub3A_301 : i32
      %mul3A_303 = arith.constant 32 : i32
      %mul3A_304 = arith.muli %sub3A_302, %mul3A_303 : i32
      %add3A_305 = arith.addi %mul3A_304, %add3A : i32
      %lt3A_306 = arith.constant 2500 : i32
      %lt3A_307 = arith.cmpi slt, %add3A_305, %lt3A_306 : i32
      %and3A_308 = arith.andi %ge3A_300, %lt3A_307 : i1
      %convert_element_type3A_309 = arith.extui %and3A_308 : i1 to i32
      %cond3A_310 = arith.constant 0 : i32
      %cond3A_311 = arith.cmpi ne, %convert_element_type3A_309, %cond3A_310 : i32
      scf.if %cond3A_311 {
        %dma_wait3A = arith.constant 0 : i32
        %dma_wait3A_371 = arith.constant 0 : i32
        %dma_wait3A_372 = tpu.memref_slice %arg2[%dma_wait3A, %dma_wait3A_371] : memref<10000x128xf32, #tpu.memory_space<hbm>> -> memref<128x128xf32, #tpu.memory_space<hbm>>
        %dma_wait3A_373 = arith.constant 0 : i32
        %dma_wait3A_374 = arith.constant 0 : i32
        %dma_wait3A_375 = tpu.memref_slice %arg2[%dma_wait3A_373, %dma_wait3A_374] : memref<10000x128xf32, #tpu.memory_space<hbm>> -> memref<128x128xf32, #tpu.memory_space<hbm>>
        tpu.wait_dma2 semaphore(%arg22 : memref<!tpu.dma_semaphore, #tpu.memory_space<semaphore_mem>>) src(%dma_wait3A_375 : memref<128x128xf32, #tpu.memory_space<hbm>>) dst(%arg12 : memref<128x128xf32, #tpu.memory_space<vmem>>)
      } else {
      }
      %mul3A_312 = arith.constant 32 : i32
      %mul3A_313 = arith.muli %add3A_298, %mul3A_312 : i32
      %add3A_314 = arith.addi %mul3A_313, %add3A : i32
      %lt3A_315 = arith.constant 2500 : i32
      %lt3A_316 = arith.cmpi slt, %add3A_314, %lt3A_315 : i32
      %convert_element_type3A_317 = arith.extui %lt3A_316 : i1 to i32
      %cond3A_318 = arith.constant 0 : i32
      %cond3A_319 = arith.cmpi ne, %convert_element_type3A_317, %cond3A_318 : i32
      scf.if %cond3A_319 {
        %mul3A_371 = arith.constant 32 : i32
        %mul3A_372 = arith.muli %add3A_298, %mul3A_371 : i32
        %add3A_373 = arith.addi %mul3A_372, %add3A : i32
        %mul3A_374 = arith.constant 128 : i32
        %mul3A_375 = arith.muli %add3A_373, %mul3A_374 : i32
        %dma_wait3A = arith.constant 0 : i32
        %dma_wait3A_376 = tpu.memref_slice %arg3[%dma_wait3A, %mul3A_375] : memref<2x320000xi32, #tpu.memory_space<hbm>> -> memref<1x128xi32, #tpu.memory_space<hbm>>
        %dma_wait3A_377 = tpu.memref_squeeze %dma_wait3A_376 : memref<1x128xi32, #tpu.memory_space<hbm>> -> memref<128xi32, #tpu.memory_space<hbm>>
        %dma_wait3A_378 = tpu.memref_slice %arg3[%dma_wait3A, %mul3A_375] : memref<2x320000xi32, #tpu.memory_space<hbm>> -> memref<1x128xi32, #tpu.memory_space<hbm>>
        %dma_wait3A_379 = tpu.memref_squeeze %dma_wait3A_378 : memref<1x128xi32, #tpu.memory_space<hbm>> -> memref<128xi32, #tpu.memory_space<hbm>>
        tpu.wait_dma2 semaphore(%arg16 : memref<!tpu.dma_semaphore, #tpu.memory_space<semaphore_mem>>) src(%dma_wait3A_379 : memref<128xi32, #tpu.memory_space<hbm>>) dst(%arg6 : memref<128xi32, #tpu.memory_space<vmem>>)
        %dma_start3A_380 = arith.constant 0 : i32
        %dma_start3A_381 = arith.constant 0 : i32
        %dma_start3A_382 = tpu.memref_slice %arg2[%dma_start3A_380, %dma_start3A_381] : memref<10000x128xf32, #tpu.memory_space<hbm>> -> memref<10000x128xf32, #tpu.memory_space<hbm>>
        tpu.enqueue_indirect_dma source(%dma_start3A_382 : memref<10000x128xf32, #tpu.memory_space<hbm>>) target(%arg12 : memref<128x128xf32, #tpu.memory_space<vmem>>) offsets(%arg6 : memref<128xi32, #tpu.memory_space<vmem>>) semaphore(%arg19 : memref<!tpu.dma_semaphore, #tpu.memory_space<semaphore_mem>>)
        %mul3A_383 = arith.constant 32 : i32
        %mul3A_384 = arith.muli %add3A_298, %mul3A_383 : i32
        %add3A_385 = arith.addi %mul3A_384, %add3A : i32
        %mul3A_386 = arith.constant 128 : i32
        %mul3A_387 = arith.muli %add3A_385, %mul3A_386 : i32
        %dma_start3A_388 = arith.constant 1 : i32
        %dma_start3A_389 = tpu.memref_slice %arg3[%dma_start3A_388, %mul3A_387] : memref<2x320000xi32, #tpu.memory_space<hbm>> -> memref<1x128xi32, #tpu.memory_space<hbm>>
        %dma_start3A_390 = tpu.memref_squeeze %dma_start3A_389 : memref<1x128xi32, #tpu.memory_space<hbm>> -> memref<128xi32, #tpu.memory_space<hbm>>
        %dma_start3A_391 = tpu.memref_slice %arg3[%dma_start3A_388, %mul3A_387] : memref<2x320000xi32, #tpu.memory_space<hbm>> -> memref<1x128xi32, #tpu.memory_space<hbm>>
        %dma_start3A_392 = tpu.memref_squeeze %dma_start3A_391 : memref<1x128xi32, #tpu.memory_space<hbm>> -> memref<128xi32, #tpu.memory_space<hbm>>
        tpu.enqueue_dma source(%dma_start3A_392 : memref<128xi32, #tpu.memory_space<hbm>>) target(%arg9 : memref<128xi32, #tpu.memory_space<vmem>>) target_semaphore(%arg22 : memref<!tpu.dma_semaphore, #tpu.memory_space<semaphore_mem>>)
      } else {
      }
      %ge3A_320 = arith.constant 1 : i32
      %ge3A_321 = arith.cmpi sge, %add3A_298, %ge3A_320 : i32
      %sub3A_322 = arith.constant 1 : i32
      %sub3A_323 = arith.subi %add3A_298, %sub3A_322 : i32
      %mul3A_324 = arith.constant 32 : i32
      %mul3A_325 = arith.muli %sub3A_323, %mul3A_324 : i32
      %add3A_326 = arith.addi %mul3A_325, %add3A : i32
      %lt3A_327 = arith.constant 2500 : i32
      %lt3A_328 = arith.cmpi slt, %add3A_326, %lt3A_327 : i32
      %and3A_329 = arith.andi %ge3A_321, %lt3A_328 : i1
      %convert_element_type3A_330 = arith.extui %and3A_329 : i1 to i32
      %cond3A_331 = arith.constant 0 : i32
      %cond3A_332 = arith.cmpi ne, %convert_element_type3A_330, %cond3A_331 : i32
      scf.if %cond3A_332 {
        %dma_wait3A = arith.constant 0 : i32
        %dma_wait3A_371 = arith.constant 0 : i32
        %dma_wait3A_372 = tpu.memref_slice %arg2[%dma_wait3A, %dma_wait3A_371] : memref<10000x128xf32, #tpu.memory_space<hbm>> -> memref<10000x128xf32, #tpu.memory_space<hbm>>
        tpu.wait_indirect_dma semaphore(%arg18 : memref<!tpu.dma_semaphore, #tpu.memory_space<semaphore_mem>>) src(%dma_wait3A_372 : memref<10000x128xf32, #tpu.memory_space<hbm>>) dst(%arg11 : memref<128x128xf32, #tpu.memory_space<vmem>>)
        %eq3A = arith.constant 1 : i32
        %eq3A_373 = arith.cmpi eq, %add3A_298, %eq3A : i32
        %convert_element_type3A_374 = arith.extui %eq3A_373 : i1 to i32
        %cond3A_375 = arith.constant 0 : i32
        %cond3A_376 = arith.cmpi ne, %convert_element_type3A_374, %cond3A_375 : i32
        scf.if %cond3A_376 {
          %add3A_404 = arith.constant 0 : i32
          %add3A_405 = arith.addi %add3A_404, %arg1 : i32
          %lt3A_406 = arith.constant 125 : i32
          %lt3A_407 = arith.cmpi slt, %add3A_405, %lt3A_406 : i32
          %convert_element_type3A_408 = arith.extui %lt3A_407 : i1 to i32
          %cond3A_409 = arith.constant 0 : i32
          %cond3A_410 = arith.cmpi ne, %convert_element_type3A_408, %cond3A_409 : i32
          scf.if %cond3A_410 {
            %add3A_461 = arith.constant 0 : i32
            %add3A_462 = arith.addi %add3A_461, %arg1 : i32
            %mul3A_463 = arith.constant 80 : i32
            %mul3A_464 = arith.muli %add3A_462, %mul3A_463 : i32
            %multiple_of3A = tpu.assume_multiple %mul3A_464, 8 : i32
            %dma_wait3A_465 = arith.constant 0 : i32
            %dma_wait3A_466 = arith.constant 0 : i32
            %dma_wait3A_467 = tpu.memref_slice %arg13[%dma_wait3A_465, %dma_wait3A_466] : memref<128x128xf32, #tpu.memory_space<vmem>> -> memref<80x128xf32, #tpu.memory_space<vmem>>
            %dma_wait3A_468 = arith.constant 0 : i32
            %dma_wait3A_469 = tpu.memref_slice %arg14[%multiple_of3A, %dma_wait3A_468] : memref<10000x128xf32, #tpu.memory_space<vmem_shared>> -> memref<80x128xf32, #tpu.memory_space<vmem_shared>>
            %dma_wait3A_470 = arith.constant 0 : i32
            %dma_wait3A_471 = tpu.memref_slice %arg14[%multiple_of3A, %dma_wait3A_470] : memref<10000x128xf32, #tpu.memory_space<vmem_shared>> -> memref<80x128xf32, #tpu.memory_space<vmem_shared>>
            %dma_wait3A_472 = arith.constant 0 : i32
            %dma_wait3A_473 = arith.constant 0 : i32
            %dma_wait3A_474 = tpu.memref_slice %arg13[%dma_wait3A_472, %dma_wait3A_473] : memref<128x128xf32, #tpu.memory_space<vmem>> -> memref<80x128xf32, #tpu.memory_space<vmem>>
            tpu.wait_dma2 semaphore(%arg24 : memref<!tpu.dma_semaphore, #tpu.memory_space<semaphore_mem>>) src(%dma_wait3A_474 : memref<80x128xf32, #tpu.memory_space<vmem>>) dst(%dma_wait3A_471 : memref<80x128xf32, #tpu.memory_space<vmem_shared>>)
          } else {
          }
          %add3A_411 = arith.constant 16 : i32
          %add3A_412 = arith.addi %add3A_411, %arg1 : i32
          %lt3A_413 = arith.constant 125 : i32
          %lt3A_414 = arith.cmpi slt, %add3A_412, %lt3A_413 : i32
          %convert_element_type3A_415 = arith.extui %lt3A_414 : i1 to i32
          %cond3A_416 = arith.constant 0 : i32
          %cond3A_417 = arith.cmpi ne, %convert_element_type3A_415, %cond3A_416 : i32
          scf.if %cond3A_417 {
            %add3A_461 = arith.constant 16 : i32
            %add3A_462 = arith.addi %add3A_461, %arg1 : i32
            %mul3A_463 = arith.constant 80 : i32
            %mul3A_464 = arith.muli %add3A_462, %mul3A_463 : i32
            %multiple_of3A = tpu.assume_multiple %mul3A_464, 8 : i32
            %dma_wait3A_465 = arith.constant 0 : i32
            %dma_wait3A_466 = arith.constant 0 : i32
            %dma_wait3A_467 = tpu.memref_slice %arg13[%dma_wait3A_465, %dma_wait3A_466] : memref<128x128xf32, #tpu.memory_space<vmem>> -> memref<80x128xf32, #tpu.memory_space<vmem>>
            %dma_wait3A_468 = arith.constant 0 : i32
            %dma_wait3A_469 = tpu.memref_slice %arg14[%multiple_of3A, %dma_wait3A_468] : memref<10000x128xf32, #tpu.memory_space<vmem_shared>> -> memref<80x128xf32, #tpu.memory_space<vmem_shared>>
            %dma_wait3A_470 = arith.constant 0 : i32
            %dma_wait3A_471 = tpu.memref_slice %arg14[%multiple_of3A, %dma_wait3A_470] : memref<10000x128xf32, #tpu.memory_space<vmem_shared>> -> memref<80x128xf32, #tpu.memory_space<vmem_shared>>
            %dma_wait3A_472 = arith.constant 0 : i32
            %dma_wait3A_473 = arith.constant 0 : i32
            %dma_wait3A_474 = tpu.memref_slice %arg13[%dma_wait3A_472, %dma_wait3A_473] : memref<128x128xf32, #tpu.memory_space<vmem>> -> memref<80x128xf32, #tpu.memory_space<vmem>>
            tpu.wait_dma2 semaphore(%arg24 : memref<!tpu.dma_semaphore, #tpu.memory_space<semaphore_mem>>) src(%dma_wait3A_474 : memref<80x128xf32, #tpu.memory_space<vmem>>) dst(%dma_wait3A_471 : memref<80x128xf32, #tpu.memory_space<vmem_shared>>)
          } else {
          }
          %add3A_418 = arith.constant 32 : i32
          %add3A_419 = arith.addi %add3A_418, %arg1 : i32
          %lt3A_420 = arith.constant 125 : i32
          %lt3A_421 = arith.cmpi slt, %add3A_419, %lt3A_420 : i32
          %convert_element_type3A_422 = arith.extui %lt3A_421 : i1 to i32
          %cond3A_423 = arith.constant 0 : i32
          %cond3A_424 = arith.cmpi ne, %convert_element_type3A_422, %cond3A_423 : i32
          scf.if %cond3A_424 {
            %add3A_461 = arith.constant 32 : i32
            %add3A_462 = arith.addi %add3A_461, %arg1 : i32
            %mul3A_463 = arith.constant 80 : i32
            %mul3A_464 = arith.muli %add3A_462, %mul3A_463 : i32
            %multiple_of3A = tpu.assume_multiple %mul3A_464, 8 : i32
            %dma_wait3A_465 = arith.constant 0 : i32
            %dma_wait3A_466 = arith.constant 0 : i32
            %dma_wait3A_467 = tpu.memref_slice %arg13[%dma_wait3A_465, %dma_wait3A_466] : memref<128x128xf32, #tpu.memory_space<vmem>> -> memref<80x128xf32, #tpu.memory_space<vmem>>
            %dma_wait3A_468 = arith.constant 0 : i32
            %dma_wait3A_469 = tpu.memref_slice %arg14[%multiple_of3A, %dma_wait3A_468] : memref<10000x128xf32, #tpu.memory_space<vmem_shared>> -> memref<80x128xf32, #tpu.memory_space<vmem_shared>>
            %dma_wait3A_470 = arith.constant 0 : i32
            %dma_wait3A_471 = tpu.memref_slice %arg14[%multiple_of3A, %dma_wait3A_470] : memref<10000x128xf32, #tpu.memory_space<vmem_shared>> -> memref<80x128xf32, #tpu.memory_space<vmem_shared>>
            %dma_wait3A_472 = arith.constant 0 : i32
            %dma_wait3A_473 = arith.constant 0 : i32
            %dma_wait3A_474 = tpu.memref_slice %arg13[%dma_wait3A_472, %dma_wait3A_473] : memref<128x128xf32, #tpu.memory_space<vmem>> -> memref<80x128xf32, #tpu.memory_space<vmem>>
            tpu.wait_dma2 semaphore(%arg24 : memref<!tpu.dma_semaphore, #tpu.memory_space<semaphore_mem>>) src(%dma_wait3A_474 : memref<80x128xf32, #tpu.memory_space<vmem>>) dst(%dma_wait3A_471 : memref<80x128xf32, #tpu.memory_space<vmem_shared>>)
          } else {
          }
          %add3A_425 = arith.constant 48 : i32
          %add3A_426 = arith.addi %add3A_425, %arg1 : i32
          %lt3A_427 = arith.constant 125 : i32
          %lt3A_428 = arith.cmpi slt, %add3A_426, %lt3A_427 : i32
          %convert_element_type3A_429 = arith.extui %lt3A_428 : i1 to i32
          %cond3A_430 = arith.constant 0 : i32
          %cond3A_431 = arith.cmpi ne, %convert_element_type3A_429, %cond3A_430 : i32
          scf.if %cond3A_431 {
            %add3A_461 = arith.constant 48 : i32
            %add3A_462 = arith.addi %add3A_461, %arg1 : i32
            %mul3A_463 = arith.constant 80 : i32
            %mul3A_464 = arith.muli %add3A_462, %mul3A_463 : i32
            %multiple_of3A = tpu.assume_multiple %mul3A_464, 8 : i32
            %dma_wait3A_465 = arith.constant 0 : i32
            %dma_wait3A_466 = arith.constant 0 : i32
            %dma_wait3A_467 = tpu.memref_slice %arg13[%dma_wait3A_465, %dma_wait3A_466] : memref<128x128xf32, #tpu.memory_space<vmem>> -> memref<80x128xf32, #tpu.memory_space<vmem>>
            %dma_wait3A_468 = arith.constant 0 : i32
            %dma_wait3A_469 = tpu.memref_slice %arg14[%multiple_of3A, %dma_wait3A_468] : memref<10000x128xf32, #tpu.memory_space<vmem_shared>> -> memref<80x128xf32, #tpu.memory_space<vmem_shared>>
            %dma_wait3A_470 = arith.constant 0 : i32
            %dma_wait3A_471 = tpu.memref_slice %arg14[%multiple_of3A, %dma_wait3A_470] : memref<10000x128xf32, #tpu.memory_space<vmem_shared>> -> memref<80x128xf32, #tpu.memory_space<vmem_shared>>
            %dma_wait3A_472 = arith.constant 0 : i32
            %dma_wait3A_473 = arith.constant 0 : i32
            %dma_wait3A_474 = tpu.memref_slice %arg13[%dma_wait3A_472, %dma_wait3A_473] : memref<128x128xf32, #tpu.memory_space<vmem>> -> memref<80x128xf32, #tpu.memory_space<vmem>>
            tpu.wait_dma2 semaphore(%arg24 : memref<!tpu.dma_semaphore, #tpu.memory_space<semaphore_mem>>) src(%dma_wait3A_474 : memref<80x128xf32, #tpu.memory_space<vmem>>) dst(%dma_wait3A_471 : memref<80x128xf32, #tpu.memory_space<vmem_shared>>)
          } else {
          }
          %add3A_432 = arith.constant 64 : i32
          %add3A_433 = arith.addi %add3A_432, %arg1 : i32
          %lt3A_434 = arith.constant 125 : i32
          %lt3A_435 = arith.cmpi slt, %add3A_433, %lt3A_434 : i32
          %convert_element_type3A_436 = arith.extui %lt3A_435 : i1 to i32
          %cond3A_437 = arith.constant 0 : i32
          %cond3A_438 = arith.cmpi ne, %convert_element_type3A_436, %cond3A_437 : i32
          scf.if %cond3A_438 {
            %add3A_461 = arith.constant 64 : i32
            %add3A_462 = arith.addi %add3A_461, %arg1 : i32
            %mul3A_463 = arith.constant 80 : i32
            %mul3A_464 = arith.muli %add3A_462, %mul3A_463 : i32
            %multiple_of3A = tpu.assume_multiple %mul3A_464, 8 : i32
            %dma_wait3A_465 = arith.constant 0 : i32
            %dma_wait3A_466 = arith.constant 0 : i32
            %dma_wait3A_467 = tpu.memref_slice %arg13[%dma_wait3A_465, %dma_wait3A_466] : memref<128x128xf32, #tpu.memory_space<vmem>> -> memref<80x128xf32, #tpu.memory_space<vmem>>
            %dma_wait3A_468 = arith.constant 0 : i32
            %dma_wait3A_469 = tpu.memref_slice %arg14[%multiple_of3A, %dma_wait3A_468] : memref<10000x128xf32, #tpu.memory_space<vmem_shared>> -> memref<80x128xf32, #tpu.memory_space<vmem_shared>>
            %dma_wait3A_470 = arith.constant 0 : i32
            %dma_wait3A_471 = tpu.memref_slice %arg14[%multiple_of3A, %dma_wait3A_470] : memref<10000x128xf32, #tpu.memory_space<vmem_shared>> -> memref<80x128xf32, #tpu.memory_space<vmem_shared>>
            %dma_wait3A_472 = arith.constant 0 : i32
            %dma_wait3A_473 = arith.constant 0 : i32
            %dma_wait3A_474 = tpu.memref_slice %arg13[%dma_wait3A_472, %dma_wait3A_473] : memref<128x128xf32, #tpu.memory_space<vmem>> -> memref<80x128xf32, #tpu.memory_space<vmem>>
            tpu.wait_dma2 semaphore(%arg24 : memref<!tpu.dma_semaphore, #tpu.memory_space<semaphore_mem>>) src(%dma_wait3A_474 : memref<80x128xf32, #tpu.memory_space<vmem>>) dst(%dma_wait3A_471 : memref<80x128xf32, #tpu.memory_space<vmem_shared>>)
          } else {
          }
          %add3A_439 = arith.constant 80 : i32
          %add3A_440 = arith.addi %add3A_439, %arg1 : i32
          %lt3A_441 = arith.constant 125 : i32
          %lt3A_442 = arith.cmpi slt, %add3A_440, %lt3A_441 : i32
          %convert_element_type3A_443 = arith.extui %lt3A_442 : i1 to i32
          %cond3A_444 = arith.constant 0 : i32
          %cond3A_445 = arith.cmpi ne, %convert_element_type3A_443, %cond3A_444 : i32
          scf.if %cond3A_445 {
            %add3A_461 = arith.constant 80 : i32
            %add3A_462 = arith.addi %add3A_461, %arg1 : i32
            %mul3A_463 = arith.constant 80 : i32
            %mul3A_464 = arith.muli %add3A_462, %mul3A_463 : i32
            %multiple_of3A = tpu.assume_multiple %mul3A_464, 8 : i32
            %dma_wait3A_465 = arith.constant 0 : i32
            %dma_wait3A_466 = arith.constant 0 : i32
            %dma_wait3A_467 = tpu.memref_slice %arg13[%dma_wait3A_465, %dma_wait3A_466] : memref<128x128xf32, #tpu.memory_space<vmem>> -> memref<80x128xf32, #tpu.memory_space<vmem>>
            %dma_wait3A_468 = arith.constant 0 : i32
            %dma_wait3A_469 = tpu.memref_slice %arg14[%multiple_of3A, %dma_wait3A_468] : memref<10000x128xf32, #tpu.memory_space<vmem_shared>> -> memref<80x128xf32, #tpu.memory_space<vmem_shared>>
            %dma_wait3A_470 = arith.constant 0 : i32
            %dma_wait3A_471 = tpu.memref_slice %arg14[%multiple_of3A, %dma_wait3A_470] : memref<10000x128xf32, #tpu.memory_space<vmem_shared>> -> memref<80x128xf32, #tpu.memory_space<vmem_shared>>
            %dma_wait3A_472 = arith.constant 0 : i32
            %dma_wait3A_473 = arith.constant 0 : i32
            %dma_wait3A_474 = tpu.memref_slice %arg13[%dma_wait3A_472, %dma_wait3A_473] : memref<128x128xf32, #tpu.memory_space<vmem>> -> memref<80x128xf32, #tpu.memory_space<vmem>>
            tpu.wait_dma2 semaphore(%arg24 : memref<!tpu.dma_semaphore, #tpu.memory_space<semaphore_mem>>) src(%dma_wait3A_474 : memref<80x128xf32, #tpu.memory_space<vmem>>) dst(%dma_wait3A_471 : memref<80x128xf32, #tpu.memory_space<vmem_shared>>)
          } else {
          }
          %add3A_446 = arith.constant 96 : i32
          %add3A_447 = arith.addi %add3A_446, %arg1 : i32
          %lt3A_448 = arith.constant 125 : i32
          %lt3A_449 = arith.cmpi slt, %add3A_447, %lt3A_448 : i32
          %convert_element_type3A_450 = arith.extui %lt3A_449 : i1 to i32
          %cond3A_451 = arith.constant 0 : i32
          %cond3A_452 = arith.cmpi ne, %convert_element_type3A_450, %cond3A_451 : i32
          scf.if %cond3A_452 {
            %add3A_461 = arith.constant 96 : i32
            %add3A_462 = arith.addi %add3A_461, %arg1 : i32
            %mul3A_463 = arith.constant 80 : i32
            %mul3A_464 = arith.muli %add3A_462, %mul3A_463 : i32
            %multiple_of3A = tpu.assume_multiple %mul3A_464, 8 : i32
            %dma_wait3A_465 = arith.constant 0 : i32
            %dma_wait3A_466 = arith.constant 0 : i32
            %dma_wait3A_467 = tpu.memref_slice %arg13[%dma_wait3A_465, %dma_wait3A_466] : memref<128x128xf32, #tpu.memory_space<vmem>> -> memref<80x128xf32, #tpu.memory_space<vmem>>
            %dma_wait3A_468 = arith.constant 0 : i32
            %dma_wait3A_469 = tpu.memref_slice %arg14[%multiple_of3A, %dma_wait3A_468] : memref<10000x128xf32, #tpu.memory_space<vmem_shared>> -> memref<80x128xf32, #tpu.memory_space<vmem_shared>>
            %dma_wait3A_470 = arith.constant 0 : i32
            %dma_wait3A_471 = tpu.memref_slice %arg14[%multiple_of3A, %dma_wait3A_470] : memref<10000x128xf32, #tpu.memory_space<vmem_shared>> -> memref<80x128xf32, #tpu.memory_space<vmem_shared>>
            %dma_wait3A_472 = arith.constant 0 : i32
            %dma_wait3A_473 = arith.constant 0 : i32
            %dma_wait3A_474 = tpu.memref_slice %arg13[%dma_wait3A_472, %dma_wait3A_473] : memref<128x128xf32, #tpu.memory_space<vmem>> -> memref<80x128xf32, #tpu.memory_space<vmem>>
            tpu.wait_dma2 semaphore(%arg24 : memref<!tpu.dma_semaphore, #tpu.memory_space<semaphore_mem>>) src(%dma_wait3A_474 : memref<80x128xf32, #tpu.memory_space<vmem>>) dst(%dma_wait3A_471 : memref<80x128xf32, #tpu.memory_space<vmem_shared>>)
          } else {
          }
          %add3A_453 = arith.constant 112 : i32
          %add3A_454 = arith.addi %add3A_453, %arg1 : i32
          %lt3A_455 = arith.constant 125 : i32
          %lt3A_456 = arith.cmpi slt, %add3A_454, %lt3A_455 : i32
          %convert_element_type3A_457 = arith.extui %lt3A_456 : i1 to i32
          %cond3A_458 = arith.constant 0 : i32
          %cond3A_459 = arith.cmpi ne, %convert_element_type3A_457, %cond3A_458 : i32
          scf.if %cond3A_459 {
            %add3A_461 = arith.constant 112 : i32
            %add3A_462 = arith.addi %add3A_461, %arg1 : i32
            %mul3A_463 = arith.constant 80 : i32
            %mul3A_464 = arith.muli %add3A_462, %mul3A_463 : i32
            %multiple_of3A = tpu.assume_multiple %mul3A_464, 8 : i32
            %dma_wait3A_465 = arith.constant 0 : i32
            %dma_wait3A_466 = arith.constant 0 : i32
            %dma_wait3A_467 = tpu.memref_slice %arg13[%dma_wait3A_465, %dma_wait3A_466] : memref<128x128xf32, #tpu.memory_space<vmem>> -> memref<80x128xf32, #tpu.memory_space<vmem>>
            %dma_wait3A_468 = arith.constant 0 : i32
            %dma_wait3A_469 = tpu.memref_slice %arg14[%multiple_of3A, %dma_wait3A_468] : memref<10000x128xf32, #tpu.memory_space<vmem_shared>> -> memref<80x128xf32, #tpu.memory_space<vmem_shared>>
            %dma_wait3A_470 = arith.constant 0 : i32
            %dma_wait3A_471 = tpu.memref_slice %arg14[%multiple_of3A, %dma_wait3A_470] : memref<10000x128xf32, #tpu.memory_space<vmem_shared>> -> memref<80x128xf32, #tpu.memory_space<vmem_shared>>
            %dma_wait3A_472 = arith.constant 0 : i32
            %dma_wait3A_473 = arith.constant 0 : i32
            %dma_wait3A_474 = tpu.memref_slice %arg13[%dma_wait3A_472, %dma_wait3A_473] : memref<128x128xf32, #tpu.memory_space<vmem>> -> memref<80x128xf32, #tpu.memory_space<vmem>>
            tpu.wait_dma2 semaphore(%arg24 : memref<!tpu.dma_semaphore, #tpu.memory_space<semaphore_mem>>) src(%dma_wait3A_474 : memref<80x128xf32, #tpu.memory_space<vmem>>) dst(%dma_wait3A_471 : memref<80x128xf32, #tpu.memory_space<vmem_shared>>)
          } else {
          }
          %barrier3A_460 = arith.constant 0 : index
          tpu.barrier barrier_id(%barrier3A_460)
        } else {
        }
        %add3A_377 = arith.constant 3 : i32
        %add3A_378 = arith.addi %add3A_298, %add3A_377 : i32
        %sub3A_379 = arith.constant 1 : i32
        %sub3A_380 = arith.subi %add3A_378, %sub3A_379 : i32
        %mul3A_381 = arith.constant 32 : i32
        %mul3A_382 = arith.muli %sub3A_380, %mul3A_381 : i32
        %add3A_383 = arith.addi %mul3A_382, %add3A : i32
        %lt3A_384 = arith.constant 2500 : i32
        %lt3A_385 = arith.cmpi slt, %add3A_383, %lt3A_384 : i32
        %convert_element_type3A_386 = arith.extui %lt3A_385 : i1 to i32
        %cond3A_387 = arith.constant 0 : i32
        %cond3A_388 = arith.cmpi ne, %convert_element_type3A_386, %cond3A_387 : i32
        scf.if %cond3A_388 {
          %add3A_404 = arith.constant 3 : i32
          %add3A_405 = arith.addi %add3A_298, %add3A_404 : i32
          %sub3A_406 = arith.constant 1 : i32
          %sub3A_407 = arith.subi %add3A_405, %sub3A_406 : i32
          %mul3A_408 = arith.constant 32 : i32
          %mul3A_409 = arith.muli %sub3A_407, %mul3A_408 : i32
          %add3A_410 = arith.addi %mul3A_409, %add3A : i32
          %mul3A_411 = arith.constant 128 : i32
          %mul3A_412 = arith.muli %add3A_410, %mul3A_411 : i32
          %dma_start3A_413 = arith.constant 0 : i32
          %dma_start3A_414 = tpu.memref_slice %arg3[%dma_start3A_413, %mul3A_412] : memref<2x320000xi32, #tpu.memory_space<hbm>> -> memref<1x128xi32, #tpu.memory_space<hbm>>
          %dma_start3A_415 = tpu.memref_squeeze %dma_start3A_414 : memref<1x128xi32, #tpu.memory_space<hbm>> -> memref<128xi32, #tpu.memory_space<hbm>>
          %dma_start3A_416 = tpu.memref_slice %arg3[%dma_start3A_413, %mul3A_412] : memref<2x320000xi32, #tpu.memory_space<hbm>> -> memref<1x128xi32, #tpu.memory_space<hbm>>
          %dma_start3A_417 = tpu.memref_squeeze %dma_start3A_416 : memref<1x128xi32, #tpu.memory_space<hbm>> -> memref<128xi32, #tpu.memory_space<hbm>>
          tpu.enqueue_dma source(%dma_start3A_417 : memref<128xi32, #tpu.memory_space<hbm>>) target(%arg5 : memref<128xi32, #tpu.memory_space<vmem>>) target_semaphore(%arg15 : memref<!tpu.dma_semaphore, #tpu.memory_space<semaphore_mem>>)
        } else {
        }
        %sub3A_389 = arith.constant 1 : i32
        %sub3A_390 = arith.subi %add3A_298, %sub3A_389 : i32
        %mul3A_391 = arith.constant 32 : i32
        %mul3A_392 = arith.muli %sub3A_390, %mul3A_391 : i32
        %add3A_393 = arith.addi %mul3A_392, %add3A : i32
        %mul3A_394 = arith.constant 128 : i32
        %mul3A_395 = arith.muli %add3A_393, %mul3A_394 : i32
        %dma_wait3A_396 = arith.constant 1 : i32
        %dma_wait3A_397 = tpu.memref_slice %arg3[%dma_wait3A_396, %mul3A_395] : memref<2x320000xi32, #tpu.memory_space<hbm>> -> memref<1x128xi32, #tpu.memory_space<hbm>>
        %dma_wait3A_398 = tpu.memref_squeeze %dma_wait3A_397 : memref<1x128xi32, #tpu.memory_space<hbm>> -> memref<128xi32, #tpu.memory_space<hbm>>
        %dma_wait3A_399 = tpu.memref_slice %arg3[%dma_wait3A_396, %mul3A_395] : memref<2x320000xi32, #tpu.memory_space<hbm>> -> memref<1x128xi32, #tpu.memory_space<hbm>>
        %dma_wait3A_400 = tpu.memref_squeeze %dma_wait3A_399 : memref<1x128xi32, #tpu.memory_space<hbm>> -> memref<128xi32, #tpu.memory_space<hbm>>
        tpu.wait_dma2 semaphore(%arg21 : memref<!tpu.dma_semaphore, #tpu.memory_space<semaphore_mem>>) src(%dma_wait3A_400 : memref<128xi32, #tpu.memory_space<hbm>>) dst(%arg8 : memref<128xi32, #tpu.memory_space<vmem>>)
        %dma_start3A_401 = arith.constant 0 : i32
        %dma_start3A_402 = arith.constant 0 : i32
        %dma_start3A_403 = tpu.memref_slice %arg14[%dma_start3A_401, %dma_start3A_402] : memref<10000x128xf32, #tpu.memory_space<vmem_shared>> -> memref<10000x128xf32, #tpu.memory_space<vmem_shared>>
        tpu.enqueue_indirect_dma source(%arg11 : memref<128x128xf32, #tpu.memory_space<vmem>>) target(%dma_start3A_403 : memref<10000x128xf32, #tpu.memory_space<vmem_shared>>) offsets(%arg8 : memref<128xi32, #tpu.memory_space<vmem>>) semaphore(%arg21 : memref<!tpu.dma_semaphore, #tpu.memory_space<semaphore_mem>>) {add = true}
      } else {
      }
      %mul3A_333 = arith.constant 3 : i32
      %mul3A_334 = arith.muli %scan3A_259, %mul3A_333 : i32
      %add3A_335 = arith.constant 2 : i32
      %add3A_336 = arith.addi %mul3A_334, %add3A_335 : i32
      %ge3A_337 = arith.constant 3 : i32
      %ge3A_338 = arith.cmpi sge, %add3A_336, %ge3A_337 : i32
      %sub3A_339 = arith.constant 3 : i32
      %sub3A_340 = arith.subi %add3A_336, %sub3A_339 : i32
      %mul3A_341 = arith.constant 32 : i32
      %mul3A_342 = arith.muli %sub3A_340, %mul3A_341 : i32
      %add3A_343 = arith.addi %mul3A_342, %add3A : i32
      %lt3A_344 = arith.constant 2500 : i32
      %lt3A_345 = arith.cmpi slt, %add3A_343, %lt3A_344 : i32
      %and3A_346 = arith.andi %ge3A_338, %lt3A_345 : i1
      %convert_element_type3A_347 = arith.extui %and3A_346 : i1 to i32
      %cond3A_348 = arith.constant 0 : i32
      %cond3A_349 = arith.cmpi ne, %convert_element_type3A_347, %cond3A_348 : i32
      scf.if %cond3A_349 {
        %dma_wait3A = arith.constant 0 : i32
        %dma_wait3A_371 = arith.constant 0 : i32
        %dma_wait3A_372 = tpu.memref_slice %arg2[%dma_wait3A, %dma_wait3A_371] : memref<10000x128xf32, #tpu.memory_space<hbm>> -> memref<128x128xf32, #tpu.memory_space<hbm>>
        %dma_wait3A_373 = arith.constant 0 : i32
        %dma_wait3A_374 = arith.constant 0 : i32
        %dma_wait3A_375 = tpu.memref_slice %arg2[%dma_wait3A_373, %dma_wait3A_374] : memref<10000x128xf32, #tpu.memory_space<hbm>> -> memref<128x128xf32, #tpu.memory_space<hbm>>
        tpu.wait_dma2 semaphore(%arg23 : memref<!tpu.dma_semaphore, #tpu.memory_space<semaphore_mem>>) src(%dma_wait3A_375 : memref<128x128xf32, #tpu.memory_space<hbm>>) dst(%arg13 : memref<128x128xf32, #tpu.memory_space<vmem>>)
      } else {
      }
      %mul3A_350 = arith.constant 32 : i32
      %mul3A_351 = arith.muli %add3A_336, %mul3A_350 : i32
      %add3A_352 = arith.addi %mul3A_351, %add3A : i32
      %lt3A_353 = arith.constant 2500 : i32
      %lt3A_354 = arith.cmpi slt, %add3A_352, %lt3A_353 : i32
      %convert_element_type3A_355 = arith.extui %lt3A_354 : i1 to i32
      %cond3A_356 = arith.constant 0 : i32
      %cond3A_357 = arith.cmpi ne, %convert_element_type3A_355, %cond3A_356 : i32
      scf.if %cond3A_357 {
        %mul3A_371 = arith.constant 32 : i32
        %mul3A_372 = arith.muli %add3A_336, %mul3A_371 : i32
        %add3A_373 = arith.addi %mul3A_372, %add3A : i32
        %mul3A_374 = arith.constant 128 : i32
        %mul3A_375 = arith.muli %add3A_373, %mul3A_374 : i32
        %dma_wait3A = arith.constant 0 : i32
        %dma_wait3A_376 = tpu.memref_slice %arg3[%dma_wait3A, %mul3A_375] : memref<2x320000xi32, #tpu.memory_space<hbm>> -> memref<1x128xi32, #tpu.memory_space<hbm>>
        %dma_wait3A_377 = tpu.memref_squeeze %dma_wait3A_376 : memref<1x128xi32, #tpu.memory_space<hbm>> -> memref<128xi32, #tpu.memory_space<hbm>>
        %dma_wait3A_378 = tpu.memref_slice %arg3[%dma_wait3A, %mul3A_375] : memref<2x320000xi32, #tpu.memory_space<hbm>> -> memref<1x128xi32, #tpu.memory_space<hbm>>
        %dma_wait3A_379 = tpu.memref_squeeze %dma_wait3A_378 : memref<1x128xi32, #tpu.memory_space<hbm>> -> memref<128xi32, #tpu.memory_space<hbm>>
        tpu.wait_dma2 semaphore(%arg17 : memref<!tpu.dma_semaphore, #tpu.memory_space<semaphore_mem>>) src(%dma_wait3A_379 : memref<128xi32, #tpu.memory_space<hbm>>) dst(%arg7 : memref<128xi32, #tpu.memory_space<vmem>>)
        %dma_start3A_380 = arith.constant 0 : i32
        %dma_start3A_381 = arith.constant 0 : i32
        %dma_start3A_382 = tpu.memref_slice %arg2[%dma_start3A_380, %dma_start3A_381] : memref<10000x128xf32, #tpu.memory_space<hbm>> -> memref<10000x128xf32, #tpu.memory_space<hbm>>
        tpu.enqueue_indirect_dma source(%dma_start3A_382 : memref<10000x128xf32, #tpu.memory_space<hbm>>) target(%arg13 : memref<128x128xf32, #tpu.memory_space<vmem>>) offsets(%arg7 : memref<128xi32, #tpu.memory_space<vmem>>) semaphore(%arg20 : memref<!tpu.dma_semaphore, #tpu.memory_space<semaphore_mem>>)
        %mul3A_383 = arith.constant 32 : i32
        %mul3A_384 = arith.muli %add3A_336, %mul3A_383 : i32
        %add3A_385 = arith.addi %mul3A_384, %add3A : i32
        %mul3A_386 = arith.constant 128 : i32
        %mul3A_387 = arith.muli %add3A_385, %mul3A_386 : i32
        %dma_start3A_388 = arith.constant 1 : i32
        %dma_start3A_389 = tpu.memref_slice %arg3[%dma_start3A_388, %mul3A_387] : memref<2x320000xi32, #tpu.memory_space<hbm>> -> memref<1x128xi32, #tpu.memory_space<hbm>>
        %dma_start3A_390 = tpu.memref_squeeze %dma_start3A_389 : memref<1x128xi32, #tpu.memory_space<hbm>> -> memref<128xi32, #tpu.memory_space<hbm>>
        %dma_start3A_391 = tpu.memref_slice %arg3[%dma_start3A_388, %mul3A_387] : memref<2x320000xi32, #tpu.memory_space<hbm>> -> memref<1x128xi32, #tpu.memory_space<hbm>>
        %dma_start3A_392 = tpu.memref_squeeze %dma_start3A_391 : memref<1x128xi32, #tpu.memory_space<hbm>> -> memref<128xi32, #tpu.memory_space<hbm>>
        tpu.enqueue_dma source(%dma_start3A_392 : memref<128xi32, #tpu.memory_space<hbm>>) target(%arg10 : memref<128xi32, #tpu.memory_space<vmem>>) target_semaphore(%arg23 : memref<!tpu.dma_semaphore, #tpu.memory_space<semaphore_mem>>)
      } else {
      }
      %ge3A_358 = arith.constant 1 : i32
      %ge3A_359 = arith.cmpi sge, %add3A_336, %ge3A_358 : i32
      %sub3A_360 = arith.constant 1 : i32
      %sub3A_361 = arith.subi %add3A_336, %sub3A_360 : i32
      %mul3A_362 = arith.constant 32 : i32
      %mul3A_363 = arith.muli %sub3A_361, %mul3A_362 : i32
      %add3A_364 = arith.addi %mul3A_363, %add3A : i32
      %lt3A_365 = arith.constant 2500 : i32
      %lt3A_366 = arith.cmpi slt, %add3A_364, %lt3A_365 : i32
      %and3A_367 = arith.andi %ge3A_359, %lt3A_366 : i1
      %convert_element_type3A_368 = arith.extui %and3A_367 : i1 to i32
      %cond3A_369 = arith.constant 0 : i32
      %cond3A_370 = arith.cmpi ne, %convert_element_type3A_368, %cond3A_369 : i32
      scf.if %cond3A_370 {
        %dma_wait3A = arith.constant 0 : i32
        %dma_wait3A_371 = arith.constant 0 : i32
        %dma_wait3A_372 = tpu.memref_slice %arg2[%dma_wait3A, %dma_wait3A_371] : memref<10000x128xf32, #tpu.memory_space<hbm>> -> memref<10000x128xf32, #tpu.memory_space<hbm>>
        tpu.wait_indirect_dma semaphore(%arg19 : memref<!tpu.dma_semaphore, #tpu.memory_space<semaphore_mem>>) src(%dma_wait3A_372 : memref<10000x128xf32, #tpu.memory_space<hbm>>) dst(%arg12 : memref<128x128xf32, #tpu.memory_space<vmem>>)
        %eq3A = arith.constant 1 : i32
        %eq3A_373 = arith.cmpi eq, %add3A_336, %eq3A : i32
        %convert_element_type3A_374 = arith.extui %eq3A_373 : i1 to i32
        %cond3A_375 = arith.constant 0 : i32
        %cond3A_376 = arith.cmpi ne, %convert_element_type3A_374, %cond3A_375 : i32
        scf.if %cond3A_376 {
          %add3A_404 = arith.constant 0 : i32
          %add3A_405 = arith.addi %add3A_404, %arg1 : i32
          %lt3A_406 = arith.constant 125 : i32
          %lt3A_407 = arith.cmpi slt, %add3A_405, %lt3A_406 : i32
          %convert_element_type3A_408 = arith.extui %lt3A_407 : i1 to i32
          %cond3A_409 = arith.constant 0 : i32
          %cond3A_410 = arith.cmpi ne, %convert_element_type3A_408, %cond3A_409 : i32
          scf.if %cond3A_410 {
            %add3A_461 = arith.constant 0 : i32
            %add3A_462 = arith.addi %add3A_461, %arg1 : i32
            %mul3A_463 = arith.constant 80 : i32
            %mul3A_464 = arith.muli %add3A_462, %mul3A_463 : i32
            %multiple_of3A = tpu.assume_multiple %mul3A_464, 8 : i32
            %dma_wait3A_465 = arith.constant 0 : i32
            %dma_wait3A_466 = arith.constant 0 : i32
            %dma_wait3A_467 = tpu.memref_slice %arg13[%dma_wait3A_465, %dma_wait3A_466] : memref<128x128xf32, #tpu.memory_space<vmem>> -> memref<80x128xf32, #tpu.memory_space<vmem>>
            %dma_wait3A_468 = arith.constant 0 : i32
            %dma_wait3A_469 = tpu.memref_slice %arg14[%multiple_of3A, %dma_wait3A_468] : memref<10000x128xf32, #tpu.memory_space<vmem_shared>> -> memref<80x128xf32, #tpu.memory_space<vmem_shared>>
            %dma_wait3A_470 = arith.constant 0 : i32
            %dma_wait3A_471 = tpu.memref_slice %arg14[%multiple_of3A, %dma_wait3A_470] : memref<10000x128xf32, #tpu.memory_space<vmem_shared>> -> memref<80x128xf32, #tpu.memory_space<vmem_shared>>
            %dma_wait3A_472 = arith.constant 0 : i32
            %dma_wait3A_473 = arith.constant 0 : i32
            %dma_wait3A_474 = tpu.memref_slice %arg13[%dma_wait3A_472, %dma_wait3A_473] : memref<128x128xf32, #tpu.memory_space<vmem>> -> memref<80x128xf32, #tpu.memory_space<vmem>>
            tpu.wait_dma2 semaphore(%arg24 : memref<!tpu.dma_semaphore, #tpu.memory_space<semaphore_mem>>) src(%dma_wait3A_474 : memref<80x128xf32, #tpu.memory_space<vmem>>) dst(%dma_wait3A_471 : memref<80x128xf32, #tpu.memory_space<vmem_shared>>)
          } else {
          }
          %add3A_411 = arith.constant 16 : i32
          %add3A_412 = arith.addi %add3A_411, %arg1 : i32
          %lt3A_413 = arith.constant 125 : i32
          %lt3A_414 = arith.cmpi slt, %add3A_412, %lt3A_413 : i32
          %convert_element_type3A_415 = arith.extui %lt3A_414 : i1 to i32
          %cond3A_416 = arith.constant 0 : i32
          %cond3A_417 = arith.cmpi ne, %convert_element_type3A_415, %cond3A_416 : i32
          scf.if %cond3A_417 {
            %add3A_461 = arith.constant 16 : i32
            %add3A_462 = arith.addi %add3A_461, %arg1 : i32
            %mul3A_463 = arith.constant 80 : i32
            %mul3A_464 = arith.muli %add3A_462, %mul3A_463 : i32
            %multiple_of3A = tpu.assume_multiple %mul3A_464, 8 : i32
            %dma_wait3A_465 = arith.constant 0 : i32
            %dma_wait3A_466 = arith.constant 0 : i32
            %dma_wait3A_467 = tpu.memref_slice %arg13[%dma_wait3A_465, %dma_wait3A_466] : memref<128x128xf32, #tpu.memory_space<vmem>> -> memref<80x128xf32, #tpu.memory_space<vmem>>
            %dma_wait3A_468 = arith.constant 0 : i32
            %dma_wait3A_469 = tpu.memref_slice %arg14[%multiple_of3A, %dma_wait3A_468] : memref<10000x128xf32, #tpu.memory_space<vmem_shared>> -> memref<80x128xf32, #tpu.memory_space<vmem_shared>>
            %dma_wait3A_470 = arith.constant 0 : i32
            %dma_wait3A_471 = tpu.memref_slice %arg14[%multiple_of3A, %dma_wait3A_470] : memref<10000x128xf32, #tpu.memory_space<vmem_shared>> -> memref<80x128xf32, #tpu.memory_space<vmem_shared>>
            %dma_wait3A_472 = arith.constant 0 : i32
            %dma_wait3A_473 = arith.constant 0 : i32
            %dma_wait3A_474 = tpu.memref_slice %arg13[%dma_wait3A_472, %dma_wait3A_473] : memref<128x128xf32, #tpu.memory_space<vmem>> -> memref<80x128xf32, #tpu.memory_space<vmem>>
            tpu.wait_dma2 semaphore(%arg24 : memref<!tpu.dma_semaphore, #tpu.memory_space<semaphore_mem>>) src(%dma_wait3A_474 : memref<80x128xf32, #tpu.memory_space<vmem>>) dst(%dma_wait3A_471 : memref<80x128xf32, #tpu.memory_space<vmem_shared>>)
          } else {
          }
          %add3A_418 = arith.constant 32 : i32
          %add3A_419 = arith.addi %add3A_418, %arg1 : i32
          %lt3A_420 = arith.constant 125 : i32
          %lt3A_421 = arith.cmpi slt, %add3A_419, %lt3A_420 : i32
          %convert_element_type3A_422 = arith.extui %lt3A_421 : i1 to i32
          %cond3A_423 = arith.constant 0 : i32
          %cond3A_424 = arith.cmpi ne, %convert_element_type3A_422, %cond3A_423 : i32
          scf.if %cond3A_424 {
            %add3A_461 = arith.constant 32 : i32
            %add3A_462 = arith.addi %add3A_461, %arg1 : i32
            %mul3A_463 = arith.constant 80 : i32
            %mul3A_464 = arith.muli %add3A_462, %mul3A_463 : i32
            %multiple_of3A = tpu.assume_multiple %mul3A_464, 8 : i32
            %dma_wait3A_465 = arith.constant 0 : i32
            %dma_wait3A_466 = arith.constant 0 : i32
            %dma_wait3A_467 = tpu.memref_slice %arg13[%dma_wait3A_465, %dma_wait3A_466] : memref<128x128xf32, #tpu.memory_space<vmem>> -> memref<80x128xf32, #tpu.memory_space<vmem>>
            %dma_wait3A_468 = arith.constant 0 : i32
            %dma_wait3A_469 = tpu.memref_slice %arg14[%multiple_of3A, %dma_wait3A_468] : memref<10000x128xf32, #tpu.memory_space<vmem_shared>> -> memref<80x128xf32, #tpu.memory_space<vmem_shared>>
            %dma_wait3A_470 = arith.constant 0 : i32
            %dma_wait3A_471 = tpu.memref_slice %arg14[%multiple_of3A, %dma_wait3A_470] : memref<10000x128xf32, #tpu.memory_space<vmem_shared>> -> memref<80x128xf32, #tpu.memory_space<vmem_shared>>
            %dma_wait3A_472 = arith.constant 0 : i32
            %dma_wait3A_473 = arith.constant 0 : i32
            %dma_wait3A_474 = tpu.memref_slice %arg13[%dma_wait3A_472, %dma_wait3A_473] : memref<128x128xf32, #tpu.memory_space<vmem>> -> memref<80x128xf32, #tpu.memory_space<vmem>>
            tpu.wait_dma2 semaphore(%arg24 : memref<!tpu.dma_semaphore, #tpu.memory_space<semaphore_mem>>) src(%dma_wait3A_474 : memref<80x128xf32, #tpu.memory_space<vmem>>) dst(%dma_wait3A_471 : memref<80x128xf32, #tpu.memory_space<vmem_shared>>)
          } else {
          }
          %add3A_425 = arith.constant 48 : i32
          %add3A_426 = arith.addi %add3A_425, %arg1 : i32
          %lt3A_427 = arith.constant 125 : i32
          %lt3A_428 = arith.cmpi slt, %add3A_426, %lt3A_427 : i32
          %convert_element_type3A_429 = arith.extui %lt3A_428 : i1 to i32
          %cond3A_430 = arith.constant 0 : i32
          %cond3A_431 = arith.cmpi ne, %convert_element_type3A_429, %cond3A_430 : i32
          scf.if %cond3A_431 {
            %add3A_461 = arith.constant 48 : i32
            %add3A_462 = arith.addi %add3A_461, %arg1 : i32
            %mul3A_463 = arith.constant 80 : i32
            %mul3A_464 = arith.muli %add3A_462, %mul3A_463 : i32
            %multiple_of3A = tpu.assume_multiple %mul3A_464, 8 : i32
            %dma_wait3A_465 = arith.constant 0 : i32
            %dma_wait3A_466 = arith.constant 0 : i32
            %dma_wait3A_467 = tpu.memref_slice %arg13[%dma_wait3A_465, %dma_wait3A_466] : memref<128x128xf32, #tpu.memory_space<vmem>> -> memref<80x128xf32, #tpu.memory_space<vmem>>
            %dma_wait3A_468 = arith.constant 0 : i32
            %dma_wait3A_469 = tpu.memref_slice %arg14[%multiple_of3A, %dma_wait3A_468] : memref<10000x128xf32, #tpu.memory_space<vmem_shared>> -> memref<80x128xf32, #tpu.memory_space<vmem_shared>>
            %dma_wait3A_470 = arith.constant 0 : i32
            %dma_wait3A_471 = tpu.memref_slice %arg14[%multiple_of3A, %dma_wait3A_470] : memref<10000x128xf32, #tpu.memory_space<vmem_shared>> -> memref<80x128xf32, #tpu.memory_space<vmem_shared>>
            %dma_wait3A_472 = arith.constant 0 : i32
            %dma_wait3A_473 = arith.constant 0 : i32
            %dma_wait3A_474 = tpu.memref_slice %arg13[%dma_wait3A_472, %dma_wait3A_473] : memref<128x128xf32, #tpu.memory_space<vmem>> -> memref<80x128xf32, #tpu.memory_space<vmem>>
            tpu.wait_dma2 semaphore(%arg24 : memref<!tpu.dma_semaphore, #tpu.memory_space<semaphore_mem>>) src(%dma_wait3A_474 : memref<80x128xf32, #tpu.memory_space<vmem>>) dst(%dma_wait3A_471 : memref<80x128xf32, #tpu.memory_space<vmem_shared>>)
          } else {
          }
          %add3A_432 = arith.constant 64 : i32
          %add3A_433 = arith.addi %add3A_432, %arg1 : i32
          %lt3A_434 = arith.constant 125 : i32
          %lt3A_435 = arith.cmpi slt, %add3A_433, %lt3A_434 : i32
          %convert_element_type3A_436 = arith.extui %lt3A_435 : i1 to i32
          %cond3A_437 = arith.constant 0 : i32
          %cond3A_438 = arith.cmpi ne, %convert_element_type3A_436, %cond3A_437 : i32
          scf.if %cond3A_438 {
            %add3A_461 = arith.constant 64 : i32
            %add3A_462 = arith.addi %add3A_461, %arg1 : i32
            %mul3A_463 = arith.constant 80 : i32
            %mul3A_464 = arith.muli %add3A_462, %mul3A_463 : i32
            %multiple_of3A = tpu.assume_multiple %mul3A_464, 8 : i32
            %dma_wait3A_465 = arith.constant 0 : i32
            %dma_wait3A_466 = arith.constant 0 : i32
            %dma_wait3A_467 = tpu.memref_slice %arg13[%dma_wait3A_465, %dma_wait3A_466] : memref<128x128xf32, #tpu.memory_space<vmem>> -> memref<80x128xf32, #tpu.memory_space<vmem>>
            %dma_wait3A_468 = arith.constant 0 : i32
            %dma_wait3A_469 = tpu.memref_slice %arg14[%multiple_of3A, %dma_wait3A_468] : memref<10000x128xf32, #tpu.memory_space<vmem_shared>> -> memref<80x128xf32, #tpu.memory_space<vmem_shared>>
            %dma_wait3A_470 = arith.constant 0 : i32
            %dma_wait3A_471 = tpu.memref_slice %arg14[%multiple_of3A, %dma_wait3A_470] : memref<10000x128xf32, #tpu.memory_space<vmem_shared>> -> memref<80x128xf32, #tpu.memory_space<vmem_shared>>
            %dma_wait3A_472 = arith.constant 0 : i32
            %dma_wait3A_473 = arith.constant 0 : i32
            %dma_wait3A_474 = tpu.memref_slice %arg13[%dma_wait3A_472, %dma_wait3A_473] : memref<128x128xf32, #tpu.memory_space<vmem>> -> memref<80x128xf32, #tpu.memory_space<vmem>>
            tpu.wait_dma2 semaphore(%arg24 : memref<!tpu.dma_semaphore, #tpu.memory_space<semaphore_mem>>) src(%dma_wait3A_474 : memref<80x128xf32, #tpu.memory_space<vmem>>) dst(%dma_wait3A_471 : memref<80x128xf32, #tpu.memory_space<vmem_shared>>)
          } else {
          }
          %add3A_439 = arith.constant 80 : i32
          %add3A_440 = arith.addi %add3A_439, %arg1 : i32
          %lt3A_441 = arith.constant 125 : i32
          %lt3A_442 = arith.cmpi slt, %add3A_440, %lt3A_441 : i32
          %convert_element_type3A_443 = arith.extui %lt3A_442 : i1 to i32
          %cond3A_444 = arith.constant 0 : i32
          %cond3A_445 = arith.cmpi ne, %convert_element_type3A_443, %cond3A_444 : i32
          scf.if %cond3A_445 {
            %add3A_461 = arith.constant 80 : i32
            %add3A_462 = arith.addi %add3A_461, %arg1 : i32
            %mul3A_463 = arith.constant 80 : i32
            %mul3A_464 = arith.muli %add3A_462, %mul3A_463 : i32
            %multiple_of3A = tpu.assume_multiple %mul3A_464, 8 : i32
            %dma_wait3A_465 = arith.constant 0 : i32
            %dma_wait3A_466 = arith.constant 0 : i32
            %dma_wait3A_467 = tpu.memref_slice %arg13[%dma_wait3A_465, %dma_wait3A_466] : memref<128x128xf32, #tpu.memory_space<vmem>> -> memref<80x128xf32, #tpu.memory_space<vmem>>
            %dma_wait3A_468 = arith.constant 0 : i32
            %dma_wait3A_469 = tpu.memref_slice %arg14[%multiple_of3A, %dma_wait3A_468] : memref<10000x128xf32, #tpu.memory_space<vmem_shared>> -> memref<80x128xf32, #tpu.memory_space<vmem_shared>>
            %dma_wait3A_470 = arith.constant 0 : i32
            %dma_wait3A_471 = tpu.memref_slice %arg14[%multiple_of3A, %dma_wait3A_470] : memref<10000x128xf32, #tpu.memory_space<vmem_shared>> -> memref<80x128xf32, #tpu.memory_space<vmem_shared>>
            %dma_wait3A_472 = arith.constant 0 : i32
            %dma_wait3A_473 = arith.constant 0 : i32
            %dma_wait3A_474 = tpu.memref_slice %arg13[%dma_wait3A_472, %dma_wait3A_473] : memref<128x128xf32, #tpu.memory_space<vmem>> -> memref<80x128xf32, #tpu.memory_space<vmem>>
            tpu.wait_dma2 semaphore(%arg24 : memref<!tpu.dma_semaphore, #tpu.memory_space<semaphore_mem>>) src(%dma_wait3A_474 : memref<80x128xf32, #tpu.memory_space<vmem>>) dst(%dma_wait3A_471 : memref<80x128xf32, #tpu.memory_space<vmem_shared>>)
          } else {
          }
          %add3A_446 = arith.constant 96 : i32
          %add3A_447 = arith.addi %add3A_446, %arg1 : i32
          %lt3A_448 = arith.constant 125 : i32
          %lt3A_449 = arith.cmpi slt, %add3A_447, %lt3A_448 : i32
          %convert_element_type3A_450 = arith.extui %lt3A_449 : i1 to i32
          %cond3A_451 = arith.constant 0 : i32
          %cond3A_452 = arith.cmpi ne, %convert_element_type3A_450, %cond3A_451 : i32
          scf.if %cond3A_452 {
            %add3A_461 = arith.constant 96 : i32
            %add3A_462 = arith.addi %add3A_461, %arg1 : i32
            %mul3A_463 = arith.constant 80 : i32
            %mul3A_464 = arith.muli %add3A_462, %mul3A_463 : i32
            %multiple_of3A = tpu.assume_multiple %mul3A_464, 8 : i32
            %dma_wait3A_465 = arith.constant 0 : i32
            %dma_wait3A_466 = arith.constant 0 : i32
            %dma_wait3A_467 = tpu.memref_slice %arg13[%dma_wait3A_465, %dma_wait3A_466] : memref<128x128xf32, #tpu.memory_space<vmem>> -> memref<80x128xf32, #tpu.memory_space<vmem>>
            %dma_wait3A_468 = arith.constant 0 : i32
            %dma_wait3A_469 = tpu.memref_slice %arg14[%multiple_of3A, %dma_wait3A_468] : memref<10000x128xf32, #tpu.memory_space<vmem_shared>> -> memref<80x128xf32, #tpu.memory_space<vmem_shared>>
            %dma_wait3A_470 = arith.constant 0 : i32
            %dma_wait3A_471 = tpu.memref_slice %arg14[%multiple_of3A, %dma_wait3A_470] : memref<10000x128xf32, #tpu.memory_space<vmem_shared>> -> memref<80x128xf32, #tpu.memory_space<vmem_shared>>
            %dma_wait3A_472 = arith.constant 0 : i32
            %dma_wait3A_473 = arith.constant 0 : i32
            %dma_wait3A_474 = tpu.memref_slice %arg13[%dma_wait3A_472, %dma_wait3A_473] : memref<128x128xf32, #tpu.memory_space<vmem>> -> memref<80x128xf32, #tpu.memory_space<vmem>>
            tpu.wait_dma2 semaphore(%arg24 : memref<!tpu.dma_semaphore, #tpu.memory_space<semaphore_mem>>) src(%dma_wait3A_474 : memref<80x128xf32, #tpu.memory_space<vmem>>) dst(%dma_wait3A_471 : memref<80x128xf32, #tpu.memory_space<vmem_shared>>)
          } else {
          }
          %add3A_453 = arith.constant 112 : i32
          %add3A_454 = arith.addi %add3A_453, %arg1 : i32
          %lt3A_455 = arith.constant 125 : i32
          %lt3A_456 = arith.cmpi slt, %add3A_454, %lt3A_455 : i32
          %convert_element_type3A_457 = arith.extui %lt3A_456 : i1 to i32
          %cond3A_458 = arith.constant 0 : i32
          %cond3A_459 = arith.cmpi ne, %convert_element_type3A_457, %cond3A_458 : i32
          scf.if %cond3A_459 {
            %add3A_461 = arith.constant 112 : i32
            %add3A_462 = arith.addi %add3A_461, %arg1 : i32
            %mul3A_463 = arith.constant 80 : i32
            %mul3A_464 = arith.muli %add3A_462, %mul3A_463 : i32
            %multiple_of3A = tpu.assume_multiple %mul3A_464, 8 : i32
            %dma_wait3A_465 = arith.constant 0 : i32
            %dma_wait3A_466 = arith.constant 0 : i32
            %dma_wait3A_467 = tpu.memref_slice %arg13[%dma_wait3A_465, %dma_wait3A_466] : memref<128x128xf32, #tpu.memory_space<vmem>> -> memref<80x128xf32, #tpu.memory_space<vmem>>
            %dma_wait3A_468 = arith.constant 0 : i32
            %dma_wait3A_469 = tpu.memref_slice %arg14[%multiple_of3A, %dma_wait3A_468] : memref<10000x128xf32, #tpu.memory_space<vmem_shared>> -> memref<80x128xf32, #tpu.memory_space<vmem_shared>>
            %dma_wait3A_470 = arith.constant 0 : i32
            %dma_wait3A_471 = tpu.memref_slice %arg14[%multiple_of3A, %dma_wait3A_470] : memref<10000x128xf32, #tpu.memory_space<vmem_shared>> -> memref<80x128xf32, #tpu.memory_space<vmem_shared>>
            %dma_wait3A_472 = arith.constant 0 : i32
            %dma_wait3A_473 = arith.constant 0 : i32
            %dma_wait3A_474 = tpu.memref_slice %arg13[%dma_wait3A_472, %dma_wait3A_473] : memref<128x128xf32, #tpu.memory_space<vmem>> -> memref<80x128xf32, #tpu.memory_space<vmem>>
            tpu.wait_dma2 semaphore(%arg24 : memref<!tpu.dma_semaphore, #tpu.memory_space<semaphore_mem>>) src(%dma_wait3A_474 : memref<80x128xf32, #tpu.memory_space<vmem>>) dst(%dma_wait3A_471 : memref<80x128xf32, #tpu.memory_space<vmem_shared>>)
          } else {
          }
          %barrier3A_460 = arith.constant 0 : index
          tpu.barrier barrier_id(%barrier3A_460)
        } else {
        }
        %add3A_377 = arith.constant 3 : i32
        %add3A_378 = arith.addi %add3A_336, %add3A_377 : i32
        %sub3A_379 = arith.constant 1 : i32
        %sub3A_380 = arith.subi %add3A_378, %sub3A_379 : i32
        %mul3A_381 = arith.constant 32 : i32
        %mul3A_382 = arith.muli %sub3A_380, %mul3A_381 : i32
        %add3A_383 = arith.addi %mul3A_382, %add3A : i32
        %lt3A_384 = arith.constant 2500 : i32
        %lt3A_385 = arith.cmpi slt, %add3A_383, %lt3A_384 : i32
        %convert_element_type3A_386 = arith.extui %lt3A_385 : i1 to i32
        %cond3A_387 = arith.constant 0 : i32
        %cond3A_388 = arith.cmpi ne, %convert_element_type3A_386, %cond3A_387 : i32
        scf.if %cond3A_388 {
          %add3A_404 = arith.constant 3 : i32
          %add3A_405 = arith.addi %add3A_336, %add3A_404 : i32
          %sub3A_406 = arith.constant 1 : i32
          %sub3A_407 = arith.subi %add3A_405, %sub3A_406 : i32
          %mul3A_408 = arith.constant 32 : i32
          %mul3A_409 = arith.muli %sub3A_407, %mul3A_408 : i32
          %add3A_410 = arith.addi %mul3A_409, %add3A : i32
          %mul3A_411 = arith.constant 128 : i32
          %mul3A_412 = arith.muli %add3A_410, %mul3A_411 : i32
          %dma_start3A_413 = arith.constant 0 : i32
          %dma_start3A_414 = tpu.memref_slice %arg3[%dma_start3A_413, %mul3A_412] : memref<2x320000xi32, #tpu.memory_space<hbm>> -> memref<1x128xi32, #tpu.memory_space<hbm>>
          %dma_start3A_415 = tpu.memref_squeeze %dma_start3A_414 : memref<1x128xi32, #tpu.memory_space<hbm>> -> memref<128xi32, #tpu.memory_space<hbm>>
          %dma_start3A_416 = tpu.memref_slice %arg3[%dma_start3A_413, %mul3A_412] : memref<2x320000xi32, #tpu.memory_space<hbm>> -> memref<1x128xi32, #tpu.memory_space<hbm>>
          %dma_start3A_417 = tpu.memref_squeeze %dma_start3A_416 : memref<1x128xi32, #tpu.memory_space<hbm>> -> memref<128xi32, #tpu.memory_space<hbm>>
          tpu.enqueue_dma source(%dma_start3A_417 : memref<128xi32, #tpu.memory_space<hbm>>) target(%arg6 : memref<128xi32, #tpu.memory_space<vmem>>) target_semaphore(%arg16 : memref<!tpu.dma_semaphore, #tpu.memory_space<semaphore_mem>>)
        } else {
        }
        %sub3A_389 = arith.constant 1 : i32
        %sub3A_390 = arith.subi %add3A_336, %sub3A_389 : i32
        %mul3A_391 = arith.constant 32 : i32
        %mul3A_392 = arith.muli %sub3A_390, %mul3A_391 : i32
        %add3A_393 = arith.addi %mul3A_392, %add3A : i32
        %mul3A_394 = arith.constant 128 : i32
        %mul3A_395 = arith.muli %add3A_393, %mul3A_394 : i32
        %dma_wait3A_396 = arith.constant 1 : i32
        %dma_wait3A_397 = tpu.memref_slice %arg3[%dma_wait3A_396, %mul3A_395] : memref<2x320000xi32, #tpu.memory_space<hbm>> -> memref<1x128xi32, #tpu.memory_space<hbm>>
        %dma_wait3A_398 = tpu.memref_squeeze %dma_wait3A_397 : memref<1x128xi32, #tpu.memory_space<hbm>> -> memref<128xi32, #tpu.memory_space<hbm>>
        %dma_wait3A_399 = tpu.memref_slice %arg3[%dma_wait3A_396, %mul3A_395] : memref<2x320000xi32, #tpu.memory_space<hbm>> -> memref<1x128xi32, #tpu.memory_space<hbm>>
        %dma_wait3A_400 = tpu.memref_squeeze %dma_wait3A_399 : memref<1x128xi32, #tpu.memory_space<hbm>> -> memref<128xi32, #tpu.memory_space<hbm>>
        tpu.wait_dma2 semaphore(%arg22 : memref<!tpu.dma_semaphore, #tpu.memory_space<semaphore_mem>>) src(%dma_wait3A_400 : memref<128xi32, #tpu.memory_space<hbm>>) dst(%arg9 : memref<128xi32, #tpu.memory_space<vmem>>)
        %dma_start3A_401 = arith.constant 0 : i32
        %dma_start3A_402 = arith.constant 0 : i32
        %dma_start3A_403 = tpu.memref_slice %arg14[%dma_start3A_401, %dma_start3A_402] : memref<10000x128xf32, #tpu.memory_space<vmem_shared>> -> memref<10000x128xf32, #tpu.memory_space<vmem_shared>>
        tpu.enqueue_indirect_dma source(%arg12 : memref<128x128xf32, #tpu.memory_space<vmem>>) target(%dma_start3A_403 : memref<10000x128xf32, #tpu.memory_space<vmem_shared>>) offsets(%arg9 : memref<128xi32, #tpu.memory_space<vmem>>) semaphore(%arg22 : memref<!tpu.dma_semaphore, #tpu.memory_space<semaphore_mem>>) {add = true}
      } else {
      }
    }
    %scan3A_90 = arith.constant 29 : i32
    %barrier3A = arith.constant 0 : index
    tpu.barrier barrier_id(%barrier3A)
    %add3A_91 = arith.constant 0 : i32
    %add3A_92 = arith.addi %add3A_91, %arg1 : i32
    %lt3A_93 = arith.constant 125 : i32
    %lt3A_94 = arith.cmpi slt, %add3A_92, %lt3A_93 : i32
    %convert_element_type3A_95 = arith.extui %lt3A_94 : i1 to i32
    %cond3A_96 = arith.constant 0 : i32
    %cond3A_97 = arith.cmpi ne, %convert_element_type3A_95, %cond3A_96 : i32
    scf.if %cond3A_97 {
      %add3A_259 = arith.constant 0 : i32
      %add3A_260 = arith.addi %add3A_259, %arg1 : i32
      %mul3A_261 = arith.constant 80 : i32
      %mul3A_262 = arith.muli %add3A_260, %mul3A_261 : i32
      %multiple_of3A = tpu.assume_multiple %mul3A_262, 8 : i32
      %dma_start3A_263 = arith.constant 0 : i32
      %dma_start3A_264 = arith.constant 0 : i32
      %dma_start3A_265 = tpu.memref_slice %arg11[%dma_start3A_263, %dma_start3A_264] : memref<128x128xf32, #tpu.memory_space<vmem>> -> memref<80x128xf32, #tpu.memory_space<vmem>>
      %dma_start3A_266 = arith.constant 0 : i32
      %dma_start3A_267 = tpu.memref_slice %arg14[%multiple_of3A, %dma_start3A_266] : memref<10000x128xf32, #tpu.memory_space<vmem_shared>> -> memref<80x128xf32, #tpu.memory_space<vmem_shared>>
      %dma_start3A_268 = arith.constant 0 : i32
      %dma_start3A_269 = arith.constant 0 : i32
      %dma_start3A_270 = tpu.memref_slice %arg11[%dma_start3A_268, %dma_start3A_269] : memref<128x128xf32, #tpu.memory_space<vmem>> -> memref<80x128xf32, #tpu.memory_space<vmem>>
      %dma_start3A_271 = arith.constant 0 : i32
      %dma_start3A_272 = tpu.memref_slice %arg14[%multiple_of3A, %dma_start3A_271] : memref<10000x128xf32, #tpu.memory_space<vmem_shared>> -> memref<80x128xf32, #tpu.memory_space<vmem_shared>>
      tpu.enqueue_dma source(%dma_start3A_272 : memref<80x128xf32, #tpu.memory_space<vmem_shared>>) target(%dma_start3A_270 : memref<80x128xf32, #tpu.memory_space<vmem>>) target_semaphore(%arg18 : memref<!tpu.dma_semaphore, #tpu.memory_space<semaphore_mem>>)
    } else {
    }
    %add3A_98 = arith.constant 16 : i32
    %add3A_99 = arith.addi %add3A_98, %arg1 : i32
    %lt3A_100 = arith.constant 125 : i32
    %lt3A_101 = arith.cmpi slt, %add3A_99, %lt3A_100 : i32
    %convert_element_type3A_102 = arith.extui %lt3A_101 : i1 to i32
    %cond3A_103 = arith.constant 0 : i32
    %cond3A_104 = arith.cmpi ne, %convert_element_type3A_102, %cond3A_103 : i32
    scf.if %cond3A_104 {
      %add3A_259 = arith.constant 16 : i32
      %add3A_260 = arith.addi %add3A_259, %arg1 : i32
      %mul3A_261 = arith.constant 80 : i32
      %mul3A_262 = arith.muli %add3A_260, %mul3A_261 : i32
      %multiple_of3A = tpu.assume_multiple %mul3A_262, 8 : i32
      %dma_start3A_263 = arith.constant 0 : i32
      %dma_start3A_264 = arith.constant 0 : i32
      %dma_start3A_265 = tpu.memref_slice %arg12[%dma_start3A_263, %dma_start3A_264] : memref<128x128xf32, #tpu.memory_space<vmem>> -> memref<80x128xf32, #tpu.memory_space<vmem>>
      %dma_start3A_266 = arith.constant 0 : i32
      %dma_start3A_267 = tpu.memref_slice %arg14[%multiple_of3A, %dma_start3A_266] : memref<10000x128xf32, #tpu.memory_space<vmem_shared>> -> memref<80x128xf32, #tpu.memory_space<vmem_shared>>
      %dma_start3A_268 = arith.constant 0 : i32
      %dma_start3A_269 = arith.constant 0 : i32
      %dma_start3A_270 = tpu.memref_slice %arg12[%dma_start3A_268, %dma_start3A_269] : memref<128x128xf32, #tpu.memory_space<vmem>> -> memref<80x128xf32, #tpu.memory_space<vmem>>
      %dma_start3A_271 = arith.constant 0 : i32
      %dma_start3A_272 = tpu.memref_slice %arg14[%multiple_of3A, %dma_start3A_271] : memref<10000x128xf32, #tpu.memory_space<vmem_shared>> -> memref<80x128xf32, #tpu.memory_space<vmem_shared>>
      tpu.enqueue_dma source(%dma_start3A_272 : memref<80x128xf32, #tpu.memory_space<vmem_shared>>) target(%dma_start3A_270 : memref<80x128xf32, #tpu.memory_space<vmem>>) target_semaphore(%arg19 : memref<!tpu.dma_semaphore, #tpu.memory_space<semaphore_mem>>)
    } else {
    }
    %add3A_105 = arith.constant 0 : i32
    %add3A_106 = arith.addi %add3A_105, %arg1 : i32
    %lt3A_107 = arith.constant 125 : i32
    %lt3A_108 = arith.cmpi slt, %add3A_106, %lt3A_107 : i32
    %convert_element_type3A_109 = arith.extui %lt3A_108 : i1 to i32
    %cond3A_110 = arith.constant 0 : i32
    %cond3A_111 = arith.cmpi ne, %convert_element_type3A_109, %cond3A_110 : i32
    scf.if %cond3A_111 {
      %add3A_259 = arith.constant 0 : i32
      %add3A_260 = arith.addi %add3A_259, %arg1 : i32
      %mul3A_261 = arith.constant 80 : i32
      %mul3A_262 = arith.muli %add3A_260, %mul3A_261 : i32
      %multiple_of3A = tpu.assume_multiple %mul3A_262, 8 : i32
      %dma_wait3A = arith.constant 0 : i32
      %dma_wait3A_263 = arith.constant 0 : i32
      %dma_wait3A_264 = tpu.memref_slice %arg11[%dma_wait3A, %dma_wait3A_263] : memref<128x128xf32, #tpu.memory_space<vmem>> -> memref<80x128xf32, #tpu.memory_space<vmem>>
      %dma_wait3A_265 = arith.constant 0 : i32
      %dma_wait3A_266 = tpu.memref_slice %arg14[%multiple_of3A, %dma_wait3A_265] : memref<10000x128xf32, #tpu.memory_space<vmem_shared>> -> memref<80x128xf32, #tpu.memory_space<vmem_shared>>
      %dma_wait3A_267 = arith.constant 0 : i32
      %dma_wait3A_268 = arith.constant 0 : i32
      %dma_wait3A_269 = tpu.memref_slice %arg11[%dma_wait3A_267, %dma_wait3A_268] : memref<128x128xf32, #tpu.memory_space<vmem>> -> memref<80x128xf32, #tpu.memory_space<vmem>>
      %dma_wait3A_270 = arith.constant 0 : i32
      %dma_wait3A_271 = tpu.memref_slice %arg14[%multiple_of3A, %dma_wait3A_270] : memref<10000x128xf32, #tpu.memory_space<vmem_shared>> -> memref<80x128xf32, #tpu.memory_space<vmem_shared>>
      tpu.wait_dma2 semaphore(%arg18 : memref<!tpu.dma_semaphore, #tpu.memory_space<semaphore_mem>>) src(%dma_wait3A_271 : memref<80x128xf32, #tpu.memory_space<vmem_shared>>) dst(%dma_wait3A_269 : memref<80x128xf32, #tpu.memory_space<vmem>>)
      %add3A_272 = arith.constant 0 : i32
      %add3A_273 = arith.addi %add3A_272, %arg1 : i32
      %mul3A_274 = arith.constant 80 : i32
      %mul3A_275 = arith.muli %add3A_273, %mul3A_274 : i32
      %multiple_of3A_276 = tpu.assume_multiple %mul3A_275, 8 : i32
      %dma_start3A_277 = arith.constant 0 : i32
      %dma_start3A_278 = arith.constant 0 : i32
      %dma_start3A_279 = tpu.memref_slice %arg11[%dma_start3A_277, %dma_start3A_278] : memref<128x128xf32, #tpu.memory_space<vmem>> -> memref<80x128xf32, #tpu.memory_space<vmem>>
      %dma_start3A_280 = arith.constant 0 : i32
      %dma_start3A_281 = tpu.memref_slice %arg4[%arg0, %multiple_of3A_276, %dma_start3A_280] : memref<2x10000x128xf32, #tpu.memory_space<hbm>> -> memref<1x80x128xf32, #tpu.memory_space<hbm>>
      %dma_start3A_282 = tpu.memref_squeeze %dma_start3A_281 : memref<1x80x128xf32, #tpu.memory_space<hbm>> -> memref<80x128xf32, #tpu.memory_space<hbm>>
      %dma_start3A_283 = arith.constant 0 : i32
      %dma_start3A_284 = tpu.memref_slice %arg4[%arg0, %multiple_of3A_276, %dma_start3A_283] : memref<2x10000x128xf32, #tpu.memory_space<hbm>> -> memref<1x80x128xf32, #tpu.memory_space<hbm>>
      %dma_start3A_285 = tpu.memref_squeeze %dma_start3A_284 : memref<1x80x128xf32, #tpu.memory_space<hbm>> -> memref<80x128xf32, #tpu.memory_space<hbm>>
      %dma_start3A_286 = arith.constant 0 : i32
      %dma_start3A_287 = arith.constant 0 : i32
      %dma_start3A_288 = tpu.memref_slice %arg11[%dma_start3A_286, %dma_start3A_287] : memref<128x128xf32, #tpu.memory_space<vmem>> -> memref<80x128xf32, #tpu.memory_space<vmem>>
      tpu.enqueue_dma source(%dma_start3A_288 : memref<80x128xf32, #tpu.memory_space<vmem>>) target(%dma_start3A_285 : memref<80x128xf32, #tpu.memory_space<hbm>>) target_semaphore(%arg21 : memref<!tpu.dma_semaphore, #tpu.memory_space<semaphore_mem>>)
    } else {
    }
    %add3A_112 = arith.constant 32 : i32
    %add3A_113 = arith.addi %add3A_112, %arg1 : i32
    %lt3A_114 = arith.constant 125 : i32
    %lt3A_115 = arith.cmpi slt, %add3A_113, %lt3A_114 : i32
    %convert_element_type3A_116 = arith.extui %lt3A_115 : i1 to i32
    %cond3A_117 = arith.constant 0 : i32
    %cond3A_118 = arith.cmpi ne, %convert_element_type3A_116, %cond3A_117 : i32
    scf.if %cond3A_118 {
      %add3A_259 = arith.constant 32 : i32
      %add3A_260 = arith.addi %add3A_259, %arg1 : i32
      %mul3A_261 = arith.constant 80 : i32
      %mul3A_262 = arith.muli %add3A_260, %mul3A_261 : i32
      %multiple_of3A = tpu.assume_multiple %mul3A_262, 8 : i32
      %dma_start3A_263 = arith.constant 0 : i32
      %dma_start3A_264 = arith.constant 0 : i32
      %dma_start3A_265 = tpu.memref_slice %arg13[%dma_start3A_263, %dma_start3A_264] : memref<128x128xf32, #tpu.memory_space<vmem>> -> memref<80x128xf32, #tpu.memory_space<vmem>>
      %dma_start3A_266 = arith.constant 0 : i32
      %dma_start3A_267 = tpu.memref_slice %arg14[%multiple_of3A, %dma_start3A_266] : memref<10000x128xf32, #tpu.memory_space<vmem_shared>> -> memref<80x128xf32, #tpu.memory_space<vmem_shared>>
      %dma_start3A_268 = arith.constant 0 : i32
      %dma_start3A_269 = arith.constant 0 : i32
      %dma_start3A_270 = tpu.memref_slice %arg13[%dma_start3A_268, %dma_start3A_269] : memref<128x128xf32, #tpu.memory_space<vmem>> -> memref<80x128xf32, #tpu.memory_space<vmem>>
      %dma_start3A_271 = arith.constant 0 : i32
      %dma_start3A_272 = tpu.memref_slice %arg14[%multiple_of3A, %dma_start3A_271] : memref<10000x128xf32, #tpu.memory_space<vmem_shared>> -> memref<80x128xf32, #tpu.memory_space<vmem_shared>>
      tpu.enqueue_dma source(%dma_start3A_272 : memref<80x128xf32, #tpu.memory_space<vmem_shared>>) target(%dma_start3A_270 : memref<80x128xf32, #tpu.memory_space<vmem>>) target_semaphore(%arg20 : memref<!tpu.dma_semaphore, #tpu.memory_space<semaphore_mem>>)
    } else {
    }
    %add3A_119 = arith.constant 16 : i32
    %add3A_120 = arith.addi %add3A_119, %arg1 : i32
    %lt3A_121 = arith.constant 125 : i32
    %lt3A_122 = arith.cmpi slt, %add3A_120, %lt3A_121 : i32
    %convert_element_type3A_123 = arith.extui %lt3A_122 : i1 to i32
    %cond3A_124 = arith.constant 0 : i32
    %cond3A_125 = arith.cmpi ne, %convert_element_type3A_123, %cond3A_124 : i32
    scf.if %cond3A_125 {
      %add3A_259 = arith.constant 16 : i32
      %add3A_260 = arith.addi %add3A_259, %arg1 : i32
      %mul3A_261 = arith.constant 80 : i32
      %mul3A_262 = arith.muli %add3A_260, %mul3A_261 : i32
      %multiple_of3A = tpu.assume_multiple %mul3A_262, 8 : i32
      %dma_wait3A = arith.constant 0 : i32
      %dma_wait3A_263 = arith.constant 0 : i32
      %dma_wait3A_264 = tpu.memref_slice %arg12[%dma_wait3A, %dma_wait3A_263] : memref<128x128xf32, #tpu.memory_space<vmem>> -> memref<80x128xf32, #tpu.memory_space<vmem>>
      %dma_wait3A_265 = arith.constant 0 : i32
      %dma_wait3A_266 = tpu.memref_slice %arg14[%multiple_of3A, %dma_wait3A_265] : memref<10000x128xf32, #tpu.memory_space<vmem_shared>> -> memref<80x128xf32, #tpu.memory_space<vmem_shared>>
      %dma_wait3A_267 = arith.constant 0 : i32
      %dma_wait3A_268 = arith.constant 0 : i32
      %dma_wait3A_269 = tpu.memref_slice %arg12[%dma_wait3A_267, %dma_wait3A_268] : memref<128x128xf32, #tpu.memory_space<vmem>> -> memref<80x128xf32, #tpu.memory_space<vmem>>
      %dma_wait3A_270 = arith.constant 0 : i32
      %dma_wait3A_271 = tpu.memref_slice %arg14[%multiple_of3A, %dma_wait3A_270] : memref<10000x128xf32, #tpu.memory_space<vmem_shared>> -> memref<80x128xf32, #tpu.memory_space<vmem_shared>>
      tpu.wait_dma2 semaphore(%arg19 : memref<!tpu.dma_semaphore, #tpu.memory_space<semaphore_mem>>) src(%dma_wait3A_271 : memref<80x128xf32, #tpu.memory_space<vmem_shared>>) dst(%dma_wait3A_269 : memref<80x128xf32, #tpu.memory_space<vmem>>)
      %add3A_272 = arith.constant 16 : i32
      %add3A_273 = arith.addi %add3A_272, %arg1 : i32
      %mul3A_274 = arith.constant 80 : i32
      %mul3A_275 = arith.muli %add3A_273, %mul3A_274 : i32
      %multiple_of3A_276 = tpu.assume_multiple %mul3A_275, 8 : i32
      %dma_start3A_277 = arith.constant 0 : i32
      %dma_start3A_278 = arith.constant 0 : i32
      %dma_start3A_279 = tpu.memref_slice %arg12[%dma_start3A_277, %dma_start3A_278] : memref<128x128xf32, #tpu.memory_space<vmem>> -> memref<80x128xf32, #tpu.memory_space<vmem>>
      %dma_start3A_280 = arith.constant 0 : i32
      %dma_start3A_281 = tpu.memref_slice %arg4[%arg0, %multiple_of3A_276, %dma_start3A_280] : memref<2x10000x128xf32, #tpu.memory_space<hbm>> -> memref<1x80x128xf32, #tpu.memory_space<hbm>>
      %dma_start3A_282 = tpu.memref_squeeze %dma_start3A_281 : memref<1x80x128xf32, #tpu.memory_space<hbm>> -> memref<80x128xf32, #tpu.memory_space<hbm>>
      %dma_start3A_283 = arith.constant 0 : i32
      %dma_start3A_284 = tpu.memref_slice %arg4[%arg0, %multiple_of3A_276, %dma_start3A_283] : memref<2x10000x128xf32, #tpu.memory_space<hbm>> -> memref<1x80x128xf32, #tpu.memory_space<hbm>>
      %dma_start3A_285 = tpu.memref_squeeze %dma_start3A_284 : memref<1x80x128xf32, #tpu.memory_space<hbm>> -> memref<80x128xf32, #tpu.memory_space<hbm>>
      %dma_start3A_286 = arith.constant 0 : i32
      %dma_start3A_287 = arith.constant 0 : i32
      %dma_start3A_288 = tpu.memref_slice %arg12[%dma_start3A_286, %dma_start3A_287] : memref<128x128xf32, #tpu.memory_space<vmem>> -> memref<80x128xf32, #tpu.memory_space<vmem>>
      tpu.enqueue_dma source(%dma_start3A_288 : memref<80x128xf32, #tpu.memory_space<vmem>>) target(%dma_start3A_285 : memref<80x128xf32, #tpu.memory_space<hbm>>) target_semaphore(%arg22 : memref<!tpu.dma_semaphore, #tpu.memory_space<semaphore_mem>>)
    } else {
    }
    %add3A_126 = arith.constant 0 : i32
    %add3A_127 = arith.addi %add3A_126, %arg1 : i32
    %lt3A_128 = arith.constant 125 : i32
    %lt3A_129 = arith.cmpi slt, %add3A_127, %lt3A_128 : i32
    %convert_element_type3A_130 = arith.extui %lt3A_129 : i1 to i32
    %cond3A_131 = arith.constant 0 : i32
    %cond3A_132 = arith.cmpi ne, %convert_element_type3A_130, %cond3A_131 : i32
    scf.if %cond3A_132 {
      %add3A_259 = arith.constant 0 : i32
      %add3A_260 = arith.addi %add3A_259, %arg1 : i32
      %mul3A_261 = arith.constant 80 : i32
      %mul3A_262 = arith.muli %add3A_260, %mul3A_261 : i32
      %multiple_of3A = tpu.assume_multiple %mul3A_262, 8 : i32
      %dma_wait3A = arith.constant 0 : i32
      %dma_wait3A_263 = arith.constant 0 : i32
      %dma_wait3A_264 = tpu.memref_slice %arg11[%dma_wait3A, %dma_wait3A_263] : memref<128x128xf32, #tpu.memory_space<vmem>> -> memref<80x128xf32, #tpu.memory_space<vmem>>
      %dma_wait3A_265 = arith.constant 0 : i32
      %dma_wait3A_266 = tpu.memref_slice %arg4[%arg0, %multiple_of3A, %dma_wait3A_265] : memref<2x10000x128xf32, #tpu.memory_space<hbm>> -> memref<1x80x128xf32, #tpu.memory_space<hbm>>
      %dma_wait3A_267 = tpu.memref_squeeze %dma_wait3A_266 : memref<1x80x128xf32, #tpu.memory_space<hbm>> -> memref<80x128xf32, #tpu.memory_space<hbm>>
      %dma_wait3A_268 = arith.constant 0 : i32
      %dma_wait3A_269 = tpu.memref_slice %arg4[%arg0, %multiple_of3A, %dma_wait3A_268] : memref<2x10000x128xf32, #tpu.memory_space<hbm>> -> memref<1x80x128xf32, #tpu.memory_space<hbm>>
      %dma_wait3A_270 = tpu.memref_squeeze %dma_wait3A_269 : memref<1x80x128xf32, #tpu.memory_space<hbm>> -> memref<80x128xf32, #tpu.memory_space<hbm>>
      %dma_wait3A_271 = arith.constant 0 : i32
      %dma_wait3A_272 = arith.constant 0 : i32
      %dma_wait3A_273 = tpu.memref_slice %arg11[%dma_wait3A_271, %dma_wait3A_272] : memref<128x128xf32, #tpu.memory_space<vmem>> -> memref<80x128xf32, #tpu.memory_space<vmem>>
      tpu.wait_dma2 semaphore(%arg21 : memref<!tpu.dma_semaphore, #tpu.memory_space<semaphore_mem>>) src(%dma_wait3A_273 : memref<80x128xf32, #tpu.memory_space<vmem>>) dst(%dma_wait3A_270 : memref<80x128xf32, #tpu.memory_space<hbm>>)
    } else {
    }
    %add3A_133 = arith.constant 48 : i32
    %add3A_134 = arith.addi %add3A_133, %arg1 : i32
    %lt3A_135 = arith.constant 125 : i32
    %lt3A_136 = arith.cmpi slt, %add3A_134, %lt3A_135 : i32
    %convert_element_type3A_137 = arith.extui %lt3A_136 : i1 to i32
    %cond3A_138 = arith.constant 0 : i32
    %cond3A_139 = arith.cmpi ne, %convert_element_type3A_137, %cond3A_138 : i32
    scf.if %cond3A_139 {
      %add3A_259 = arith.constant 48 : i32
      %add3A_260 = arith.addi %add3A_259, %arg1 : i32
      %mul3A_261 = arith.constant 80 : i32
      %mul3A_262 = arith.muli %add3A_260, %mul3A_261 : i32
      %multiple_of3A = tpu.assume_multiple %mul3A_262, 8 : i32
      %dma_start3A_263 = arith.constant 0 : i32
      %dma_start3A_264 = arith.constant 0 : i32
      %dma_start3A_265 = tpu.memref_slice %arg11[%dma_start3A_263, %dma_start3A_264] : memref<128x128xf32, #tpu.memory_space<vmem>> -> memref<80x128xf32, #tpu.memory_space<vmem>>
      %dma_start3A_266 = arith.constant 0 : i32
      %dma_start3A_267 = tpu.memref_slice %arg14[%multiple_of3A, %dma_start3A_266] : memref<10000x128xf32, #tpu.memory_space<vmem_shared>> -> memref<80x128xf32, #tpu.memory_space<vmem_shared>>
      %dma_start3A_268 = arith.constant 0 : i32
      %dma_start3A_269 = arith.constant 0 : i32
      %dma_start3A_270 = tpu.memref_slice %arg11[%dma_start3A_268, %dma_start3A_269] : memref<128x128xf32, #tpu.memory_space<vmem>> -> memref<80x128xf32, #tpu.memory_space<vmem>>
      %dma_start3A_271 = arith.constant 0 : i32
      %dma_start3A_272 = tpu.memref_slice %arg14[%multiple_of3A, %dma_start3A_271] : memref<10000x128xf32, #tpu.memory_space<vmem_shared>> -> memref<80x128xf32, #tpu.memory_space<vmem_shared>>
      tpu.enqueue_dma source(%dma_start3A_272 : memref<80x128xf32, #tpu.memory_space<vmem_shared>>) target(%dma_start3A_270 : memref<80x128xf32, #tpu.memory_space<vmem>>) target_semaphore(%arg18 : memref<!tpu.dma_semaphore, #tpu.memory_space<semaphore_mem>>)
    } else {
    }
    %add3A_140 = arith.constant 32 : i32
    %add3A_141 = arith.addi %add3A_140, %arg1 : i32
    %lt3A_142 = arith.constant 125 : i32
    %lt3A_143 = arith.cmpi slt, %add3A_141, %lt3A_142 : i32
    %convert_element_type3A_144 = arith.extui %lt3A_143 : i1 to i32
    %cond3A_145 = arith.constant 0 : i32
    %cond3A_146 = arith.cmpi ne, %convert_element_type3A_144, %cond3A_145 : i32
    scf.if %cond3A_146 {
      %add3A_259 = arith.constant 32 : i32
      %add3A_260 = arith.addi %add3A_259, %arg1 : i32
      %mul3A_261 = arith.constant 80 : i32
      %mul3A_262 = arith.muli %add3A_260, %mul3A_261 : i32
      %multiple_of3A = tpu.assume_multiple %mul3A_262, 8 : i32
      %dma_wait3A = arith.constant 0 : i32
      %dma_wait3A_263 = arith.constant 0 : i32
      %dma_wait3A_264 = tpu.memref_slice %arg13[%dma_wait3A, %dma_wait3A_263] : memref<128x128xf32, #tpu.memory_space<vmem>> -> memref<80x128xf32, #tpu.memory_space<vmem>>
      %dma_wait3A_265 = arith.constant 0 : i32
      %dma_wait3A_266 = tpu.memref_slice %arg14[%multiple_of3A, %dma_wait3A_265] : memref<10000x128xf32, #tpu.memory_space<vmem_shared>> -> memref<80x128xf32, #tpu.memory_space<vmem_shared>>
      %dma_wait3A_267 = arith.constant 0 : i32
      %dma_wait3A_268 = arith.constant 0 : i32
      %dma_wait3A_269 = tpu.memref_slice %arg13[%dma_wait3A_267, %dma_wait3A_268] : memref<128x128xf32, #tpu.memory_space<vmem>> -> memref<80x128xf32, #tpu.memory_space<vmem>>
      %dma_wait3A_270 = arith.constant 0 : i32
      %dma_wait3A_271 = tpu.memref_slice %arg14[%multiple_of3A, %dma_wait3A_270] : memref<10000x128xf32, #tpu.memory_space<vmem_shared>> -> memref<80x128xf32, #tpu.memory_space<vmem_shared>>
      tpu.wait_dma2 semaphore(%arg20 : memref<!tpu.dma_semaphore, #tpu.memory_space<semaphore_mem>>) src(%dma_wait3A_271 : memref<80x128xf32, #tpu.memory_space<vmem_shared>>) dst(%dma_wait3A_269 : memref<80x128xf32, #tpu.memory_space<vmem>>)
      %add3A_272 = arith.constant 32 : i32
      %add3A_273 = arith.addi %add3A_272, %arg1 : i32
      %mul3A_274 = arith.constant 80 : i32
      %mul3A_275 = arith.muli %add3A_273, %mul3A_274 : i32
      %multiple_of3A_276 = tpu.assume_multiple %mul3A_275, 8 : i32
      %dma_start3A_277 = arith.constant 0 : i32
      %dma_start3A_278 = arith.constant 0 : i32
      %dma_start3A_279 = tpu.memref_slice %arg13[%dma_start3A_277, %dma_start3A_278] : memref<128x128xf32, #tpu.memory_space<vmem>> -> memref<80x128xf32, #tpu.memory_space<vmem>>
      %dma_start3A_280 = arith.constant 0 : i32
      %dma_start3A_281 = tpu.memref_slice %arg4[%arg0, %multiple_of3A_276, %dma_start3A_280] : memref<2x10000x128xf32, #tpu.memory_space<hbm>> -> memref<1x80x128xf32, #tpu.memory_space<hbm>>
      %dma_start3A_282 = tpu.memref_squeeze %dma_start3A_281 : memref<1x80x128xf32, #tpu.memory_space<hbm>> -> memref<80x128xf32, #tpu.memory_space<hbm>>
      %dma_start3A_283 = arith.constant 0 : i32
      %dma_start3A_284 = tpu.memref_slice %arg4[%arg0, %multiple_of3A_276, %dma_start3A_283] : memref<2x10000x128xf32, #tpu.memory_space<hbm>> -> memref<1x80x128xf32, #tpu.memory_space<hbm>>
      %dma_start3A_285 = tpu.memref_squeeze %dma_start3A_284 : memref<1x80x128xf32, #tpu.memory_space<hbm>> -> memref<80x128xf32, #tpu.memory_space<hbm>>
      %dma_start3A_286 = arith.constant 0 : i32
      %dma_start3A_287 = arith.constant 0 : i32
      %dma_start3A_288 = tpu.memref_slice %arg13[%dma_start3A_286, %dma_start3A_287] : memref<128x128xf32, #tpu.memory_space<vmem>> -> memref<80x128xf32, #tpu.memory_space<vmem>>
      tpu.enqueue_dma source(%dma_start3A_288 : memref<80x128xf32, #tpu.memory_space<vmem>>) target(%dma_start3A_285 : memref<80x128xf32, #tpu.memory_space<hbm>>) target_semaphore(%arg23 : memref<!tpu.dma_semaphore, #tpu.memory_space<semaphore_mem>>)
    } else {
    }
    %add3A_147 = arith.constant 16 : i32
    %add3A_148 = arith.addi %add3A_147, %arg1 : i32
    %lt3A_149 = arith.constant 125 : i32
    %lt3A_150 = arith.cmpi slt, %add3A_148, %lt3A_149 : i32
    %convert_element_type3A_151 = arith.extui %lt3A_150 : i1 to i32
    %cond3A_152 = arith.constant 0 : i32
    %cond3A_153 = arith.cmpi ne, %convert_element_type3A_151, %cond3A_152 : i32
    scf.if %cond3A_153 {
      %add3A_259 = arith.constant 16 : i32
      %add3A_260 = arith.addi %add3A_259, %arg1 : i32
      %mul3A_261 = arith.constant 80 : i32
      %mul3A_262 = arith.muli %add3A_260, %mul3A_261 : i32
      %multiple_of3A = tpu.assume_multiple %mul3A_262, 8 : i32
      %dma_wait3A = arith.constant 0 : i32
      %dma_wait3A_263 = arith.constant 0 : i32
      %dma_wait3A_264 = tpu.memref_slice %arg12[%dma_wait3A, %dma_wait3A_263] : memref<128x128xf32, #tpu.memory_space<vmem>> -> memref<80x128xf32, #tpu.memory_space<vmem>>
      %dma_wait3A_265 = arith.constant 0 : i32
      %dma_wait3A_266 = tpu.memref_slice %arg4[%arg0, %multiple_of3A, %dma_wait3A_265] : memref<2x10000x128xf32, #tpu.memory_space<hbm>> -> memref<1x80x128xf32, #tpu.memory_space<hbm>>
      %dma_wait3A_267 = tpu.memref_squeeze %dma_wait3A_266 : memref<1x80x128xf32, #tpu.memory_space<hbm>> -> memref<80x128xf32, #tpu.memory_space<hbm>>
      %dma_wait3A_268 = arith.constant 0 : i32
      %dma_wait3A_269 = tpu.memref_slice %arg4[%arg0, %multiple_of3A, %dma_wait3A_268] : memref<2x10000x128xf32, #tpu.memory_space<hbm>> -> memref<1x80x128xf32, #tpu.memory_space<hbm>>
      %dma_wait3A_270 = tpu.memref_squeeze %dma_wait3A_269 : memref<1x80x128xf32, #tpu.memory_space<hbm>> -> memref<80x128xf32, #tpu.memory_space<hbm>>
      %dma_wait3A_271 = arith.constant 0 : i32
      %dma_wait3A_272 = arith.constant 0 : i32
      %dma_wait3A_273 = tpu.memref_slice %arg12[%dma_wait3A_271, %dma_wait3A_272] : memref<128x128xf32, #tpu.memory_space<vmem>> -> memref<80x128xf32, #tpu.memory_space<vmem>>
      tpu.wait_dma2 semaphore(%arg22 : memref<!tpu.dma_semaphore, #tpu.memory_space<semaphore_mem>>) src(%dma_wait3A_273 : memref<80x128xf32, #tpu.memory_space<vmem>>) dst(%dma_wait3A_270 : memref<80x128xf32, #tpu.memory_space<hbm>>)
    } else {
    }
    %add3A_154 = arith.constant 64 : i32
    %add3A_155 = arith.addi %add3A_154, %arg1 : i32
    %lt3A_156 = arith.constant 125 : i32
    %lt3A_157 = arith.cmpi slt, %add3A_155, %lt3A_156 : i32
    %convert_element_type3A_158 = arith.extui %lt3A_157 : i1 to i32
    %cond3A_159 = arith.constant 0 : i32
    %cond3A_160 = arith.cmpi ne, %convert_element_type3A_158, %cond3A_159 : i32
    scf.if %cond3A_160 {
      %add3A_259 = arith.constant 64 : i32
      %add3A_260 = arith.addi %add3A_259, %arg1 : i32
      %mul3A_261 = arith.constant 80 : i32
      %mul3A_262 = arith.muli %add3A_260, %mul3A_261 : i32
      %multiple_of3A = tpu.assume_multiple %mul3A_262, 8 : i32
      %dma_start3A_263 = arith.constant 0 : i32
      %dma_start3A_264 = arith.constant 0 : i32
      %dma_start3A_265 = tpu.memref_slice %arg12[%dma_start3A_263, %dma_start3A_264] : memref<128x128xf32, #tpu.memory_space<vmem>> -> memref<80x128xf32, #tpu.memory_space<vmem>>
      %dma_start3A_266 = arith.constant 0 : i32
      %dma_start3A_267 = tpu.memref_slice %arg14[%multiple_of3A, %dma_start3A_266] : memref<10000x128xf32, #tpu.memory_space<vmem_shared>> -> memref<80x128xf32, #tpu.memory_space<vmem_shared>>
      %dma_start3A_268 = arith.constant 0 : i32
      %dma_start3A_269 = arith.constant 0 : i32
      %dma_start3A_270 = tpu.memref_slice %arg12[%dma_start3A_268, %dma_start3A_269] : memref<128x128xf32, #tpu.memory_space<vmem>> -> memref<80x128xf32, #tpu.memory_space<vmem>>
      %dma_start3A_271 = arith.constant 0 : i32
      %dma_start3A_272 = tpu.memref_slice %arg14[%multiple_of3A, %dma_start3A_271] : memref<10000x128xf32, #tpu.memory_space<vmem_shared>> -> memref<80x128xf32, #tpu.memory_space<vmem_shared>>
      tpu.enqueue_dma source(%dma_start3A_272 : memref<80x128xf32, #tpu.memory_space<vmem_shared>>) target(%dma_start3A_270 : memref<80x128xf32, #tpu.memory_space<vmem>>) target_semaphore(%arg19 : memref<!tpu.dma_semaphore, #tpu.memory_space<semaphore_mem>>)
    } else {
    }
    %add3A_161 = arith.constant 48 : i32
    %add3A_162 = arith.addi %add3A_161, %arg1 : i32
    %lt3A_163 = arith.constant 125 : i32
    %lt3A_164 = arith.cmpi slt, %add3A_162, %lt3A_163 : i32
    %convert_element_type3A_165 = arith.extui %lt3A_164 : i1 to i32
    %cond3A_166 = arith.constant 0 : i32
    %cond3A_167 = arith.cmpi ne, %convert_element_type3A_165, %cond3A_166 : i32
    scf.if %cond3A_167 {
      %add3A_259 = arith.constant 48 : i32
      %add3A_260 = arith.addi %add3A_259, %arg1 : i32
      %mul3A_261 = arith.constant 80 : i32
      %mul3A_262 = arith.muli %add3A_260, %mul3A_261 : i32
      %multiple_of3A = tpu.assume_multiple %mul3A_262, 8 : i32
      %dma_wait3A = arith.constant 0 : i32
      %dma_wait3A_263 = arith.constant 0 : i32
      %dma_wait3A_264 = tpu.memref_slice %arg11[%dma_wait3A, %dma_wait3A_263] : memref<128x128xf32, #tpu.memory_space<vmem>> -> memref<80x128xf32, #tpu.memory_space<vmem>>
      %dma_wait3A_265 = arith.constant 0 : i32
      %dma_wait3A_266 = tpu.memref_slice %arg14[%multiple_of3A, %dma_wait3A_265] : memref<10000x128xf32, #tpu.memory_space<vmem_shared>> -> memref<80x128xf32, #tpu.memory_space<vmem_shared>>
      %dma_wait3A_267 = arith.constant 0 : i32
      %dma_wait3A_268 = arith.constant 0 : i32
      %dma_wait3A_269 = tpu.memref_slice %arg11[%dma_wait3A_267, %dma_wait3A_268] : memref<128x128xf32, #tpu.memory_space<vmem>> -> memref<80x128xf32, #tpu.memory_space<vmem>>
      %dma_wait3A_270 = arith.constant 0 : i32
      %dma_wait3A_271 = tpu.memref_slice %arg14[%multiple_of3A, %dma_wait3A_270] : memref<10000x128xf32, #tpu.memory_space<vmem_shared>> -> memref<80x128xf32, #tpu.memory_space<vmem_shared>>
      tpu.wait_dma2 semaphore(%arg18 : memref<!tpu.dma_semaphore, #tpu.memory_space<semaphore_mem>>) src(%dma_wait3A_271 : memref<80x128xf32, #tpu.memory_space<vmem_shared>>) dst(%dma_wait3A_269 : memref<80x128xf32, #tpu.memory_space<vmem>>)
      %add3A_272 = arith.constant 48 : i32
      %add3A_273 = arith.addi %add3A_272, %arg1 : i32
      %mul3A_274 = arith.constant 80 : i32
      %mul3A_275 = arith.muli %add3A_273, %mul3A_274 : i32
      %multiple_of3A_276 = tpu.assume_multiple %mul3A_275, 8 : i32
      %dma_start3A_277 = arith.constant 0 : i32
      %dma_start3A_278 = arith.constant 0 : i32
      %dma_start3A_279 = tpu.memref_slice %arg11[%dma_start3A_277, %dma_start3A_278] : memref<128x128xf32, #tpu.memory_space<vmem>> -> memref<80x128xf32, #tpu.memory_space<vmem>>
      %dma_start3A_280 = arith.constant 0 : i32
      %dma_start3A_281 = tpu.memref_slice %arg4[%arg0, %multiple_of3A_276, %dma_start3A_280] : memref<2x10000x128xf32, #tpu.memory_space<hbm>> -> memref<1x80x128xf32, #tpu.memory_space<hbm>>
      %dma_start3A_282 = tpu.memref_squeeze %dma_start3A_281 : memref<1x80x128xf32, #tpu.memory_space<hbm>> -> memref<80x128xf32, #tpu.memory_space<hbm>>
      %dma_start3A_283 = arith.constant 0 : i32
      %dma_start3A_284 = tpu.memref_slice %arg4[%arg0, %multiple_of3A_276, %dma_start3A_283] : memref<2x10000x128xf32, #tpu.memory_space<hbm>> -> memref<1x80x128xf32, #tpu.memory_space<hbm>>
      %dma_start3A_285 = tpu.memref_squeeze %dma_start3A_284 : memref<1x80x128xf32, #tpu.memory_space<hbm>> -> memref<80x128xf32, #tpu.memory_space<hbm>>
      %dma_start3A_286 = arith.constant 0 : i32
      %dma_start3A_287 = arith.constant 0 : i32
      %dma_start3A_288 = tpu.memref_slice %arg11[%dma_start3A_286, %dma_start3A_287] : memref<128x128xf32, #tpu.memory_space<vmem>> -> memref<80x128xf32, #tpu.memory_space<vmem>>
      tpu.enqueue_dma source(%dma_start3A_288 : memref<80x128xf32, #tpu.memory_space<vmem>>) target(%dma_start3A_285 : memref<80x128xf32, #tpu.memory_space<hbm>>) target_semaphore(%arg21 : memref<!tpu.dma_semaphore, #tpu.memory_space<semaphore_mem>>)
    } else {
    }
    %add3A_168 = arith.constant 32 : i32
    %add3A_169 = arith.addi %add3A_168, %arg1 : i32
    %lt3A_170 = arith.constant 125 : i32
    %lt3A_171 = arith.cmpi slt, %add3A_169, %lt3A_170 : i32
    %convert_element_type3A_172 = arith.extui %lt3A_171 : i1 to i32
    %cond3A_173 = arith.constant 0 : i32
    %cond3A_174 = arith.cmpi ne, %convert_element_type3A_172, %cond3A_173 : i32
    scf.if %cond3A_174 {
      %add3A_259 = arith.constant 32 : i32
      %add3A_260 = arith.addi %add3A_259, %arg1 : i32
      %mul3A_261 = arith.constant 80 : i32
      %mul3A_262 = arith.muli %add3A_260, %mul3A_261 : i32
      %multiple_of3A = tpu.assume_multiple %mul3A_262, 8 : i32
      %dma_wait3A = arith.constant 0 : i32
      %dma_wait3A_263 = arith.constant 0 : i32
      %dma_wait3A_264 = tpu.memref_slice %arg13[%dma_wait3A, %dma_wait3A_263] : memref<128x128xf32, #tpu.memory_space<vmem>> -> memref<80x128xf32, #tpu.memory_space<vmem>>
      %dma_wait3A_265 = arith.constant 0 : i32
      %dma_wait3A_266 = tpu.memref_slice %arg4[%arg0, %multiple_of3A, %dma_wait3A_265] : memref<2x10000x128xf32, #tpu.memory_space<hbm>> -> memref<1x80x128xf32, #tpu.memory_space<hbm>>
      %dma_wait3A_267 = tpu.memref_squeeze %dma_wait3A_266 : memref<1x80x128xf32, #tpu.memory_space<hbm>> -> memref<80x128xf32, #tpu.memory_space<hbm>>
      %dma_wait3A_268 = arith.constant 0 : i32
      %dma_wait3A_269 = tpu.memref_slice %arg4[%arg0, %multiple_of3A, %dma_wait3A_268] : memref<2x10000x128xf32, #tpu.memory_space<hbm>> -> memref<1x80x128xf32, #tpu.memory_space<hbm>>
      %dma_wait3A_270 = tpu.memref_squeeze %dma_wait3A_269 : memref<1x80x128xf32, #tpu.memory_space<hbm>> -> memref<80x128xf32, #tpu.memory_space<hbm>>
      %dma_wait3A_271 = arith.constant 0 : i32
      %dma_wait3A_272 = arith.constant 0 : i32
      %dma_wait3A_273 = tpu.memref_slice %arg13[%dma_wait3A_271, %dma_wait3A_272] : memref<128x128xf32, #tpu.memory_space<vmem>> -> memref<80x128xf32, #tpu.memory_space<vmem>>
      tpu.wait_dma2 semaphore(%arg23 : memref<!tpu.dma_semaphore, #tpu.memory_space<semaphore_mem>>) src(%dma_wait3A_273 : memref<80x128xf32, #tpu.memory_space<vmem>>) dst(%dma_wait3A_270 : memref<80x128xf32, #tpu.memory_space<hbm>>)
    } else {
    }
    %add3A_175 = arith.constant 80 : i32
    %add3A_176 = arith.addi %add3A_175, %arg1 : i32
    %lt3A_177 = arith.constant 125 : i32
    %lt3A_178 = arith.cmpi slt, %add3A_176, %lt3A_177 : i32
    %convert_element_type3A_179 = arith.extui %lt3A_178 : i1 to i32
    %cond3A_180 = arith.constant 0 : i32
    %cond3A_181 = arith.cmpi ne, %convert_element_type3A_179, %cond3A_180 : i32
    scf.if %cond3A_181 {
      %add3A_259 = arith.constant 80 : i32
      %add3A_260 = arith.addi %add3A_259, %arg1 : i32
      %mul3A_261 = arith.constant 80 : i32
      %mul3A_262 = arith.muli %add3A_260, %mul3A_261 : i32
      %multiple_of3A = tpu.assume_multiple %mul3A_262, 8 : i32
      %dma_start3A_263 = arith.constant 0 : i32
      %dma_start3A_264 = arith.constant 0 : i32
      %dma_start3A_265 = tpu.memref_slice %arg13[%dma_start3A_263, %dma_start3A_264] : memref<128x128xf32, #tpu.memory_space<vmem>> -> memref<80x128xf32, #tpu.memory_space<vmem>>
      %dma_start3A_266 = arith.constant 0 : i32
      %dma_start3A_267 = tpu.memref_slice %arg14[%multiple_of3A, %dma_start3A_266] : memref<10000x128xf32, #tpu.memory_space<vmem_shared>> -> memref<80x128xf32, #tpu.memory_space<vmem_shared>>
      %dma_start3A_268 = arith.constant 0 : i32
      %dma_start3A_269 = arith.constant 0 : i32
      %dma_start3A_270 = tpu.memref_slice %arg13[%dma_start3A_268, %dma_start3A_269] : memref<128x128xf32, #tpu.memory_space<vmem>> -> memref<80x128xf32, #tpu.memory_space<vmem>>
      %dma_start3A_271 = arith.constant 0 : i32
      %dma_start3A_272 = tpu.memref_slice %arg14[%multiple_of3A, %dma_start3A_271] : memref<10000x128xf32, #tpu.memory_space<vmem_shared>> -> memref<80x128xf32, #tpu.memory_space<vmem_shared>>
      tpu.enqueue_dma source(%dma_start3A_272 : memref<80x128xf32, #tpu.memory_space<vmem_shared>>) target(%dma_start3A_270 : memref<80x128xf32, #tpu.memory_space<vmem>>) target_semaphore(%arg20 : memref<!tpu.dma_semaphore, #tpu.memory_space<semaphore_mem>>)
    } else {
    }
    %add3A_182 = arith.constant 64 : i32
    %add3A_183 = arith.addi %add3A_182, %arg1 : i32
    %lt3A_184 = arith.constant 125 : i32
    %lt3A_185 = arith.cmpi slt, %add3A_183, %lt3A_184 : i32
    %convert_element_type3A_186 = arith.extui %lt3A_185 : i1 to i32
    %cond3A_187 = arith.constant 0 : i32
    %cond3A_188 = arith.cmpi ne, %convert_element_type3A_186, %cond3A_187 : i32
    scf.if %cond3A_188 {
      %add3A_259 = arith.constant 64 : i32
      %add3A_260 = arith.addi %add3A_259, %arg1 : i32
      %mul3A_261 = arith.constant 80 : i32
      %mul3A_262 = arith.muli %add3A_260, %mul3A_261 : i32
      %multiple_of3A = tpu.assume_multiple %mul3A_262, 8 : i32
      %dma_wait3A = arith.constant 0 : i32
      %dma_wait3A_263 = arith.constant 0 : i32
      %dma_wait3A_264 = tpu.memref_slice %arg12[%dma_wait3A, %dma_wait3A_263] : memref<128x128xf32, #tpu.memory_space<vmem>> -> memref<80x128xf32, #tpu.memory_space<vmem>>
      %dma_wait3A_265 = arith.constant 0 : i32
      %dma_wait3A_266 = tpu.memref_slice %arg14[%multiple_of3A, %dma_wait3A_265] : memref<10000x128xf32, #tpu.memory_space<vmem_shared>> -> memref<80x128xf32, #tpu.memory_space<vmem_shared>>
      %dma_wait3A_267 = arith.constant 0 : i32
      %dma_wait3A_268 = arith.constant 0 : i32
      %dma_wait3A_269 = tpu.memref_slice %arg12[%dma_wait3A_267, %dma_wait3A_268] : memref<128x128xf32, #tpu.memory_space<vmem>> -> memref<80x128xf32, #tpu.memory_space<vmem>>
      %dma_wait3A_270 = arith.constant 0 : i32
      %dma_wait3A_271 = tpu.memref_slice %arg14[%multiple_of3A, %dma_wait3A_270] : memref<10000x128xf32, #tpu.memory_space<vmem_shared>> -> memref<80x128xf32, #tpu.memory_space<vmem_shared>>
      tpu.wait_dma2 semaphore(%arg19 : memref<!tpu.dma_semaphore, #tpu.memory_space<semaphore_mem>>) src(%dma_wait3A_271 : memref<80x128xf32, #tpu.memory_space<vmem_shared>>) dst(%dma_wait3A_269 : memref<80x128xf32, #tpu.memory_space<vmem>>)
      %add3A_272 = arith.constant 64 : i32
      %add3A_273 = arith.addi %add3A_272, %arg1 : i32
      %mul3A_274 = arith.constant 80 : i32
      %mul3A_275 = arith.muli %add3A_273, %mul3A_274 : i32
      %multiple_of3A_276 = tpu.assume_multiple %mul3A_275, 8 : i32
      %dma_start3A_277 = arith.constant 0 : i32
      %dma_start3A_278 = arith.constant 0 : i32
      %dma_start3A_279 = tpu.memref_slice %arg12[%dma_start3A_277, %dma_start3A_278] : memref<128x128xf32, #tpu.memory_space<vmem>> -> memref<80x128xf32, #tpu.memory_space<vmem>>
      %dma_start3A_280 = arith.constant 0 : i32
      %dma_start3A_281 = tpu.memref_slice %arg4[%arg0, %multiple_of3A_276, %dma_start3A_280] : memref<2x10000x128xf32, #tpu.memory_space<hbm>> -> memref<1x80x128xf32, #tpu.memory_space<hbm>>
      %dma_start3A_282 = tpu.memref_squeeze %dma_start3A_281 : memref<1x80x128xf32, #tpu.memory_space<hbm>> -> memref<80x128xf32, #tpu.memory_space<hbm>>
      %dma_start3A_283 = arith.constant 0 : i32
      %dma_start3A_284 = tpu.memref_slice %arg4[%arg0, %multiple_of3A_276, %dma_start3A_283] : memref<2x10000x128xf32, #tpu.memory_space<hbm>> -> memref<1x80x128xf32, #tpu.memory_space<hbm>>
      %dma_start3A_285 = tpu.memref_squeeze %dma_start3A_284 : memref<1x80x128xf32, #tpu.memory_space<hbm>> -> memref<80x128xf32, #tpu.memory_space<hbm>>
      %dma_start3A_286 = arith.constant 0 : i32
      %dma_start3A_287 = arith.constant 0 : i32
      %dma_start3A_288 = tpu.memref_slice %arg12[%dma_start3A_286, %dma_start3A_287] : memref<128x128xf32, #tpu.memory_space<vmem>> -> memref<80x128xf32, #tpu.memory_space<vmem>>
      tpu.enqueue_dma source(%dma_start3A_288 : memref<80x128xf32, #tpu.memory_space<vmem>>) target(%dma_start3A_285 : memref<80x128xf32, #tpu.memory_space<hbm>>) target_semaphore(%arg22 : memref<!tpu.dma_semaphore, #tpu.memory_space<semaphore_mem>>)
    } else {
    }
    %add3A_189 = arith.constant 48 : i32
    %add3A_190 = arith.addi %add3A_189, %arg1 : i32
    %lt3A_191 = arith.constant 125 : i32
    %lt3A_192 = arith.cmpi slt, %add3A_190, %lt3A_191 : i32
    %convert_element_type3A_193 = arith.extui %lt3A_192 : i1 to i32
    %cond3A_194 = arith.constant 0 : i32
    %cond3A_195 = arith.cmpi ne, %convert_element_type3A_193, %cond3A_194 : i32
    scf.if %cond3A_195 {
      %add3A_259 = arith.constant 48 : i32
      %add3A_260 = arith.addi %add3A_259, %arg1 : i32
      %mul3A_261 = arith.constant 80 : i32
      %mul3A_262 = arith.muli %add3A_260, %mul3A_261 : i32
      %multiple_of3A = tpu.assume_multiple %mul3A_262, 8 : i32
      %dma_wait3A = arith.constant 0 : i32
      %dma_wait3A_263 = arith.constant 0 : i32
      %dma_wait3A_264 = tpu.memref_slice %arg11[%dma_wait3A, %dma_wait3A_263] : memref<128x128xf32, #tpu.memory_space<vmem>> -> memref<80x128xf32, #tpu.memory_space<vmem>>
      %dma_wait3A_265 = arith.constant 0 : i32
      %dma_wait3A_266 = tpu.memref_slice %arg4[%arg0, %multiple_of3A, %dma_wait3A_265] : memref<2x10000x128xf32, #tpu.memory_space<hbm>> -> memref<1x80x128xf32, #tpu.memory_space<hbm>>
      %dma_wait3A_267 = tpu.memref_squeeze %dma_wait3A_266 : memref<1x80x128xf32, #tpu.memory_space<hbm>> -> memref<80x128xf32, #tpu.memory_space<hbm>>
      %dma_wait3A_268 = arith.constant 0 : i32
      %dma_wait3A_269 = tpu.memref_slice %arg4[%arg0, %multiple_of3A, %dma_wait3A_268] : memref<2x10000x128xf32, #tpu.memory_space<hbm>> -> memref<1x80x128xf32, #tpu.memory_space<hbm>>
      %dma_wait3A_270 = tpu.memref_squeeze %dma_wait3A_269 : memref<1x80x128xf32, #tpu.memory_space<hbm>> -> memref<80x128xf32, #tpu.memory_space<hbm>>
      %dma_wait3A_271 = arith.constant 0 : i32
      %dma_wait3A_272 = arith.constant 0 : i32
      %dma_wait3A_273 = tpu.memref_slice %arg11[%dma_wait3A_271, %dma_wait3A_272] : memref<128x128xf32, #tpu.memory_space<vmem>> -> memref<80x128xf32, #tpu.memory_space<vmem>>
      tpu.wait_dma2 semaphore(%arg21 : memref<!tpu.dma_semaphore, #tpu.memory_space<semaphore_mem>>) src(%dma_wait3A_273 : memref<80x128xf32, #tpu.memory_space<vmem>>) dst(%dma_wait3A_270 : memref<80x128xf32, #tpu.memory_space<hbm>>)
    } else {
    }
    %add3A_196 = arith.constant 96 : i32
    %add3A_197 = arith.addi %add3A_196, %arg1 : i32
    %lt3A_198 = arith.constant 125 : i32
    %lt3A_199 = arith.cmpi slt, %add3A_197, %lt3A_198 : i32
    %convert_element_type3A_200 = arith.extui %lt3A_199 : i1 to i32
    %cond3A_201 = arith.constant 0 : i32
    %cond3A_202 = arith.cmpi ne, %convert_element_type3A_200, %cond3A_201 : i32
    scf.if %cond3A_202 {
      %add3A_259 = arith.constant 96 : i32
      %add3A_260 = arith.addi %add3A_259, %arg1 : i32
      %mul3A_261 = arith.constant 80 : i32
      %mul3A_262 = arith.muli %add3A_260, %mul3A_261 : i32
      %multiple_of3A = tpu.assume_multiple %mul3A_262, 8 : i32
      %dma_start3A_263 = arith.constant 0 : i32
      %dma_start3A_264 = arith.constant 0 : i32
      %dma_start3A_265 = tpu.memref_slice %arg11[%dma_start3A_263, %dma_start3A_264] : memref<128x128xf32, #tpu.memory_space<vmem>> -> memref<80x128xf32, #tpu.memory_space<vmem>>
      %dma_start3A_266 = arith.constant 0 : i32
      %dma_start3A_267 = tpu.memref_slice %arg14[%multiple_of3A, %dma_start3A_266] : memref<10000x128xf32, #tpu.memory_space<vmem_shared>> -> memref<80x128xf32, #tpu.memory_space<vmem_shared>>
      %dma_start3A_268 = arith.constant 0 : i32
      %dma_start3A_269 = arith.constant 0 : i32
      %dma_start3A_270 = tpu.memref_slice %arg11[%dma_start3A_268, %dma_start3A_269] : memref<128x128xf32, #tpu.memory_space<vmem>> -> memref<80x128xf32, #tpu.memory_space<vmem>>
      %dma_start3A_271 = arith.constant 0 : i32
      %dma_start3A_272 = tpu.memref_slice %arg14[%multiple_of3A, %dma_start3A_271] : memref<10000x128xf32, #tpu.memory_space<vmem_shared>> -> memref<80x128xf32, #tpu.memory_space<vmem_shared>>
      tpu.enqueue_dma source(%dma_start3A_272 : memref<80x128xf32, #tpu.memory_space<vmem_shared>>) target(%dma_start3A_270 : memref<80x128xf32, #tpu.memory_space<vmem>>) target_semaphore(%arg18 : memref<!tpu.dma_semaphore, #tpu.memory_space<semaphore_mem>>)
    } else {
    }
    %add3A_203 = arith.constant 80 : i32
    %add3A_204 = arith.addi %add3A_203, %arg1 : i32
    %lt3A_205 = arith.constant 125 : i32
    %lt3A_206 = arith.cmpi slt, %add3A_204, %lt3A_205 : i32
    %convert_element_type3A_207 = arith.extui %lt3A_206 : i1 to i32
    %cond3A_208 = arith.constant 0 : i32
    %cond3A_209 = arith.cmpi ne, %convert_element_type3A_207, %cond3A_208 : i32
    scf.if %cond3A_209 {
      %add3A_259 = arith.constant 80 : i32
      %add3A_260 = arith.addi %add3A_259, %arg1 : i32
      %mul3A_261 = arith.constant 80 : i32
      %mul3A_262 = arith.muli %add3A_260, %mul3A_261 : i32
      %multiple_of3A = tpu.assume_multiple %mul3A_262, 8 : i32
      %dma_wait3A = arith.constant 0 : i32
      %dma_wait3A_263 = arith.constant 0 : i32
      %dma_wait3A_264 = tpu.memref_slice %arg13[%dma_wait3A, %dma_wait3A_263] : memref<128x128xf32, #tpu.memory_space<vmem>> -> memref<80x128xf32, #tpu.memory_space<vmem>>
      %dma_wait3A_265 = arith.constant 0 : i32
      %dma_wait3A_266 = tpu.memref_slice %arg14[%multiple_of3A, %dma_wait3A_265] : memref<10000x128xf32, #tpu.memory_space<vmem_shared>> -> memref<80x128xf32, #tpu.memory_space<vmem_shared>>
      %dma_wait3A_267 = arith.constant 0 : i32
      %dma_wait3A_268 = arith.constant 0 : i32
      %dma_wait3A_269 = tpu.memref_slice %arg13[%dma_wait3A_267, %dma_wait3A_268] : memref<128x128xf32, #tpu.memory_space<vmem>> -> memref<80x128xf32, #tpu.memory_space<vmem>>
      %dma_wait3A_270 = arith.constant 0 : i32
      %dma_wait3A_271 = tpu.memref_slice %arg14[%multiple_of3A, %dma_wait3A_270] : memref<10000x128xf32, #tpu.memory_space<vmem_shared>> -> memref<80x128xf32, #tpu.memory_space<vmem_shared>>
      tpu.wait_dma2 semaphore(%arg20 : memref<!tpu.dma_semaphore, #tpu.memory_space<semaphore_mem>>) src(%dma_wait3A_271 : memref<80x128xf32, #tpu.memory_space<vmem_shared>>) dst(%dma_wait3A_269 : memref<80x128xf32, #tpu.memory_space<vmem>>)
      %add3A_272 = arith.constant 80 : i32
      %add3A_273 = arith.addi %add3A_272, %arg1 : i32
      %mul3A_274 = arith.constant 80 : i32
      %mul3A_275 = arith.muli %add3A_273, %mul3A_274 : i32
      %multiple_of3A_276 = tpu.assume_multiple %mul3A_275, 8 : i32
      %dma_start3A_277 = arith.constant 0 : i32
      %dma_start3A_278 = arith.constant 0 : i32
      %dma_start3A_279 = tpu.memref_slice %arg13[%dma_start3A_277, %dma_start3A_278] : memref<128x128xf32, #tpu.memory_space<vmem>> -> memref<80x128xf32, #tpu.memory_space<vmem>>
      %dma_start3A_280 = arith.constant 0 : i32
      %dma_start3A_281 = tpu.memref_slice %arg4[%arg0, %multiple_of3A_276, %dma_start3A_280] : memref<2x10000x128xf32, #tpu.memory_space<hbm>> -> memref<1x80x128xf32, #tpu.memory_space<hbm>>
      %dma_start3A_282 = tpu.memref_squeeze %dma_start3A_281 : memref<1x80x128xf32, #tpu.memory_space<hbm>> -> memref<80x128xf32, #tpu.memory_space<hbm>>
      %dma_start3A_283 = arith.constant 0 : i32
      %dma_start3A_284 = tpu.memref_slice %arg4[%arg0, %multiple_of3A_276, %dma_start3A_283] : memref<2x10000x128xf32, #tpu.memory_space<hbm>> -> memref<1x80x128xf32, #tpu.memory_space<hbm>>
      %dma_start3A_285 = tpu.memref_squeeze %dma_start3A_284 : memref<1x80x128xf32, #tpu.memory_space<hbm>> -> memref<80x128xf32, #tpu.memory_space<hbm>>
      %dma_start3A_286 = arith.constant 0 : i32
      %dma_start3A_287 = arith.constant 0 : i32
      %dma_start3A_288 = tpu.memref_slice %arg13[%dma_start3A_286, %dma_start3A_287] : memref<128x128xf32, #tpu.memory_space<vmem>> -> memref<80x128xf32, #tpu.memory_space<vmem>>
      tpu.enqueue_dma source(%dma_start3A_288 : memref<80x128xf32, #tpu.memory_space<vmem>>) target(%dma_start3A_285 : memref<80x128xf32, #tpu.memory_space<hbm>>) target_semaphore(%arg23 : memref<!tpu.dma_semaphore, #tpu.memory_space<semaphore_mem>>)
    } else {
    }
    %add3A_210 = arith.constant 64 : i32
    %add3A_211 = arith.addi %add3A_210, %arg1 : i32
    %lt3A_212 = arith.constant 125 : i32
    %lt3A_213 = arith.cmpi slt, %add3A_211, %lt3A_212 : i32
    %convert_element_type3A_214 = arith.extui %lt3A_213 : i1 to i32
    %cond3A_215 = arith.constant 0 : i32
    %cond3A_216 = arith.cmpi ne, %convert_element_type3A_214, %cond3A_215 : i32
    scf.if %cond3A_216 {
      %add3A_259 = arith.constant 64 : i32
      %add3A_260 = arith.addi %add3A_259, %arg1 : i32
      %mul3A_261 = arith.constant 80 : i32
      %mul3A_262 = arith.muli %add3A_260, %mul3A_261 : i32
      %multiple_of3A = tpu.assume_multiple %mul3A_262, 8 : i32
      %dma_wait3A = arith.constant 0 : i32
      %dma_wait3A_263 = arith.constant 0 : i32
      %dma_wait3A_264 = tpu.memref_slice %arg12[%dma_wait3A, %dma_wait3A_263] : memref<128x128xf32, #tpu.memory_space<vmem>> -> memref<80x128xf32, #tpu.memory_space<vmem>>
      %dma_wait3A_265 = arith.constant 0 : i32
      %dma_wait3A_266 = tpu.memref_slice %arg4[%arg0, %multiple_of3A, %dma_wait3A_265] : memref<2x10000x128xf32, #tpu.memory_space<hbm>> -> memref<1x80x128xf32, #tpu.memory_space<hbm>>
      %dma_wait3A_267 = tpu.memref_squeeze %dma_wait3A_266 : memref<1x80x128xf32, #tpu.memory_space<hbm>> -> memref<80x128xf32, #tpu.memory_space<hbm>>
      %dma_wait3A_268 = arith.constant 0 : i32
      %dma_wait3A_269 = tpu.memref_slice %arg4[%arg0, %multiple_of3A, %dma_wait3A_268] : memref<2x10000x128xf32, #tpu.memory_space<hbm>> -> memref<1x80x128xf32, #tpu.memory_space<hbm>>
      %dma_wait3A_270 = tpu.memref_squeeze %dma_wait3A_269 : memref<1x80x128xf32, #tpu.memory_space<hbm>> -> memref<80x128xf32, #tpu.memory_space<hbm>>
      %dma_wait3A_271 = arith.constant 0 : i32
      %dma_wait3A_272 = arith.constant 0 : i32
      %dma_wait3A_273 = tpu.memref_slice %arg12[%dma_wait3A_271, %dma_wait3A_272] : memref<128x128xf32, #tpu.memory_space<vmem>> -> memref<80x128xf32, #tpu.memory_space<vmem>>
      tpu.wait_dma2 semaphore(%arg22 : memref<!tpu.dma_semaphore, #tpu.memory_space<semaphore_mem>>) src(%dma_wait3A_273 : memref<80x128xf32, #tpu.memory_space<vmem>>) dst(%dma_wait3A_270 : memref<80x128xf32, #tpu.memory_space<hbm>>)
    } else {
    }
    %add3A_217 = arith.constant 112 : i32
    %add3A_218 = arith.addi %add3A_217, %arg1 : i32
    %lt3A_219 = arith.constant 125 : i32
    %lt3A_220 = arith.cmpi slt, %add3A_218, %lt3A_219 : i32
    %convert_element_type3A_221 = arith.extui %lt3A_220 : i1 to i32
    %cond3A_222 = arith.constant 0 : i32
    %cond3A_223 = arith.cmpi ne, %convert_element_type3A_221, %cond3A_222 : i32
    scf.if %cond3A_223 {
      %add3A_259 = arith.constant 112 : i32
      %add3A_260 = arith.addi %add3A_259, %arg1 : i32
      %mul3A_261 = arith.constant 80 : i32
      %mul3A_262 = arith.muli %add3A_260, %mul3A_261 : i32
      %multiple_of3A = tpu.assume_multiple %mul3A_262, 8 : i32
      %dma_start3A_263 = arith.constant 0 : i32
      %dma_start3A_264 = arith.constant 0 : i32
      %dma_start3A_265 = tpu.memref_slice %arg12[%dma_start3A_263, %dma_start3A_264] : memref<128x128xf32, #tpu.memory_space<vmem>> -> memref<80x128xf32, #tpu.memory_space<vmem>>
      %dma_start3A_266 = arith.constant 0 : i32
      %dma_start3A_267 = tpu.memref_slice %arg14[%multiple_of3A, %dma_start3A_266] : memref<10000x128xf32, #tpu.memory_space<vmem_shared>> -> memref<80x128xf32, #tpu.memory_space<vmem_shared>>
      %dma_start3A_268 = arith.constant 0 : i32
      %dma_start3A_269 = arith.constant 0 : i32
      %dma_start3A_270 = tpu.memref_slice %arg12[%dma_start3A_268, %dma_start3A_269] : memref<128x128xf32, #tpu.memory_space<vmem>> -> memref<80x128xf32, #tpu.memory_space<vmem>>
      %dma_start3A_271 = arith.constant 0 : i32
      %dma_start3A_272 = tpu.memref_slice %arg14[%multiple_of3A, %dma_start3A_271] : memref<10000x128xf32, #tpu.memory_space<vmem_shared>> -> memref<80x128xf32, #tpu.memory_space<vmem_shared>>
      tpu.enqueue_dma source(%dma_start3A_272 : memref<80x128xf32, #tpu.memory_space<vmem_shared>>) target(%dma_start3A_270 : memref<80x128xf32, #tpu.memory_space<vmem>>) target_semaphore(%arg19 : memref<!tpu.dma_semaphore, #tpu.memory_space<semaphore_mem>>)
    } else {
    }
    %add3A_224 = arith.constant 96 : i32
    %add3A_225 = arith.addi %add3A_224, %arg1 : i32
    %lt3A_226 = arith.constant 125 : i32
    %lt3A_227 = arith.cmpi slt, %add3A_225, %lt3A_226 : i32
    %convert_element_type3A_228 = arith.extui %lt3A_227 : i1 to i32
    %cond3A_229 = arith.constant 0 : i32
    %cond3A_230 = arith.cmpi ne, %convert_element_type3A_228, %cond3A_229 : i32
    scf.if %cond3A_230 {
      %add3A_259 = arith.constant 96 : i32
      %add3A_260 = arith.addi %add3A_259, %arg1 : i32
      %mul3A_261 = arith.constant 80 : i32
      %mul3A_262 = arith.muli %add3A_260, %mul3A_261 : i32
      %multiple_of3A = tpu.assume_multiple %mul3A_262, 8 : i32
      %dma_wait3A = arith.constant 0 : i32
      %dma_wait3A_263 = arith.constant 0 : i32
      %dma_wait3A_264 = tpu.memref_slice %arg11[%dma_wait3A, %dma_wait3A_263] : memref<128x128xf32, #tpu.memory_space<vmem>> -> memref<80x128xf32, #tpu.memory_space<vmem>>
      %dma_wait3A_265 = arith.constant 0 : i32
      %dma_wait3A_266 = tpu.memref_slice %arg14[%multiple_of3A, %dma_wait3A_265] : memref<10000x128xf32, #tpu.memory_space<vmem_shared>> -> memref<80x128xf32, #tpu.memory_space<vmem_shared>>
      %dma_wait3A_267 = arith.constant 0 : i32
      %dma_wait3A_268 = arith.constant 0 : i32
      %dma_wait3A_269 = tpu.memref_slice %arg11[%dma_wait3A_267, %dma_wait3A_268] : memref<128x128xf32, #tpu.memory_space<vmem>> -> memref<80x128xf32, #tpu.memory_space<vmem>>
      %dma_wait3A_270 = arith.constant 0 : i32
      %dma_wait3A_271 = tpu.memref_slice %arg14[%multiple_of3A, %dma_wait3A_270] : memref<10000x128xf32, #tpu.memory_space<vmem_shared>> -> memref<80x128xf32, #tpu.memory_space<vmem_shared>>
      tpu.wait_dma2 semaphore(%arg18 : memref<!tpu.dma_semaphore, #tpu.memory_space<semaphore_mem>>) src(%dma_wait3A_271 : memref<80x128xf32, #tpu.memory_space<vmem_shared>>) dst(%dma_wait3A_269 : memref<80x128xf32, #tpu.memory_space<vmem>>)
      %add3A_272 = arith.constant 96 : i32
      %add3A_273 = arith.addi %add3A_272, %arg1 : i32
      %mul3A_274 = arith.constant 80 : i32
      %mul3A_275 = arith.muli %add3A_273, %mul3A_274 : i32
      %multiple_of3A_276 = tpu.assume_multiple %mul3A_275, 8 : i32
      %dma_start3A_277 = arith.constant 0 : i32
      %dma_start3A_278 = arith.constant 0 : i32
      %dma_start3A_279 = tpu.memref_slice %arg11[%dma_start3A_277, %dma_start3A_278] : memref<128x128xf32, #tpu.memory_space<vmem>> -> memref<80x128xf32, #tpu.memory_space<vmem>>
      %dma_start3A_280 = arith.constant 0 : i32
      %dma_start3A_281 = tpu.memref_slice %arg4[%arg0, %multiple_of3A_276, %dma_start3A_280] : memref<2x10000x128xf32, #tpu.memory_space<hbm>> -> memref<1x80x128xf32, #tpu.memory_space<hbm>>
      %dma_start3A_282 = tpu.memref_squeeze %dma_start3A_281 : memref<1x80x128xf32, #tpu.memory_space<hbm>> -> memref<80x128xf32, #tpu.memory_space<hbm>>
      %dma_start3A_283 = arith.constant 0 : i32
      %dma_start3A_284 = tpu.memref_slice %arg4[%arg0, %multiple_of3A_276, %dma_start3A_283] : memref<2x10000x128xf32, #tpu.memory_space<hbm>> -> memref<1x80x128xf32, #tpu.memory_space<hbm>>
      %dma_start3A_285 = tpu.memref_squeeze %dma_start3A_284 : memref<1x80x128xf32, #tpu.memory_space<hbm>> -> memref<80x128xf32, #tpu.memory_space<hbm>>
      %dma_start3A_286 = arith.constant 0 : i32
      %dma_start3A_287 = arith.constant 0 : i32
      %dma_start3A_288 = tpu.memref_slice %arg11[%dma_start3A_286, %dma_start3A_287] : memref<128x128xf32, #tpu.memory_space<vmem>> -> memref<80x128xf32, #tpu.memory_space<vmem>>
      tpu.enqueue_dma source(%dma_start3A_288 : memref<80x128xf32, #tpu.memory_space<vmem>>) target(%dma_start3A_285 : memref<80x128xf32, #tpu.memory_space<hbm>>) target_semaphore(%arg21 : memref<!tpu.dma_semaphore, #tpu.memory_space<semaphore_mem>>)
    } else {
    }
    %add3A_231 = arith.constant 112 : i32
    %add3A_232 = arith.addi %add3A_231, %arg1 : i32
    %lt3A_233 = arith.constant 125 : i32
    %lt3A_234 = arith.cmpi slt, %add3A_232, %lt3A_233 : i32
    %convert_element_type3A_235 = arith.extui %lt3A_234 : i1 to i32
    %cond3A_236 = arith.constant 0 : i32
    %cond3A_237 = arith.cmpi ne, %convert_element_type3A_235, %cond3A_236 : i32
    scf.if %cond3A_237 {
      %add3A_259 = arith.constant 112 : i32
      %add3A_260 = arith.addi %add3A_259, %arg1 : i32
      %mul3A_261 = arith.constant 80 : i32
      %mul3A_262 = arith.muli %add3A_260, %mul3A_261 : i32
      %multiple_of3A = tpu.assume_multiple %mul3A_262, 8 : i32
      %dma_wait3A = arith.constant 0 : i32
      %dma_wait3A_263 = arith.constant 0 : i32
      %dma_wait3A_264 = tpu.memref_slice %arg12[%dma_wait3A, %dma_wait3A_263] : memref<128x128xf32, #tpu.memory_space<vmem>> -> memref<80x128xf32, #tpu.memory_space<vmem>>
      %dma_wait3A_265 = arith.constant 0 : i32
      %dma_wait3A_266 = tpu.memref_slice %arg14[%multiple_of3A, %dma_wait3A_265] : memref<10000x128xf32, #tpu.memory_space<vmem_shared>> -> memref<80x128xf32, #tpu.memory_space<vmem_shared>>
      %dma_wait3A_267 = arith.constant 0 : i32
      %dma_wait3A_268 = arith.constant 0 : i32
      %dma_wait3A_269 = tpu.memref_slice %arg12[%dma_wait3A_267, %dma_wait3A_268] : memref<128x128xf32, #tpu.memory_space<vmem>> -> memref<80x128xf32, #tpu.memory_space<vmem>>
      %dma_wait3A_270 = arith.constant 0 : i32
      %dma_wait3A_271 = tpu.memref_slice %arg14[%multiple_of3A, %dma_wait3A_270] : memref<10000x128xf32, #tpu.memory_space<vmem_shared>> -> memref<80x128xf32, #tpu.memory_space<vmem_shared>>
      tpu.wait_dma2 semaphore(%arg19 : memref<!tpu.dma_semaphore, #tpu.memory_space<semaphore_mem>>) src(%dma_wait3A_271 : memref<80x128xf32, #tpu.memory_space<vmem_shared>>) dst(%dma_wait3A_269 : memref<80x128xf32, #tpu.memory_space<vmem>>)
      %add3A_272 = arith.constant 112 : i32
      %add3A_273 = arith.addi %add3A_272, %arg1 : i32
      %mul3A_274 = arith.constant 80 : i32
      %mul3A_275 = arith.muli %add3A_273, %mul3A_274 : i32
      %multiple_of3A_276 = tpu.assume_multiple %mul3A_275, 8 : i32
      %dma_start3A_277 = arith.constant 0 : i32
      %dma_start3A_278 = arith.constant 0 : i32
      %dma_start3A_279 = tpu.memref_slice %arg12[%dma_start3A_277, %dma_start3A_278] : memref<128x128xf32, #tpu.memory_space<vmem>> -> memref<80x128xf32, #tpu.memory_space<vmem>>
      %dma_start3A_280 = arith.constant 0 : i32
      %dma_start3A_281 = tpu.memref_slice %arg4[%arg0, %multiple_of3A_276, %dma_start3A_280] : memref<2x10000x128xf32, #tpu.memory_space<hbm>> -> memref<1x80x128xf32, #tpu.memory_space<hbm>>
      %dma_start3A_282 = tpu.memref_squeeze %dma_start3A_281 : memref<1x80x128xf32, #tpu.memory_space<hbm>> -> memref<80x128xf32, #tpu.memory_space<hbm>>
      %dma_start3A_283 = arith.constant 0 : i32
      %dma_start3A_284 = tpu.memref_slice %arg4[%arg0, %multiple_of3A_276, %dma_start3A_283] : memref<2x10000x128xf32, #tpu.memory_space<hbm>> -> memref<1x80x128xf32, #tpu.memory_space<hbm>>
      %dma_start3A_285 = tpu.memref_squeeze %dma_start3A_284 : memref<1x80x128xf32, #tpu.memory_space<hbm>> -> memref<80x128xf32, #tpu.memory_space<hbm>>
      %dma_start3A_286 = arith.constant 0 : i32
      %dma_start3A_287 = arith.constant 0 : i32
      %dma_start3A_288 = tpu.memref_slice %arg12[%dma_start3A_286, %dma_start3A_287] : memref<128x128xf32, #tpu.memory_space<vmem>> -> memref<80x128xf32, #tpu.memory_space<vmem>>
      tpu.enqueue_dma source(%dma_start3A_288 : memref<80x128xf32, #tpu.memory_space<vmem>>) target(%dma_start3A_285 : memref<80x128xf32, #tpu.memory_space<hbm>>) target_semaphore(%arg22 : memref<!tpu.dma_semaphore, #tpu.memory_space<semaphore_mem>>)
    } else {
    }
    %add3A_238 = arith.constant 80 : i32
    %add3A_239 = arith.addi %add3A_238, %arg1 : i32
    %lt3A_240 = arith.constant 125 : i32
    %lt3A_241 = arith.cmpi slt, %add3A_239, %lt3A_240 : i32
    %convert_element_type3A_242 = arith.extui %lt3A_241 : i1 to i32
    %cond3A_243 = arith.constant 0 : i32
    %cond3A_244 = arith.cmpi ne, %convert_element_type3A_242, %cond3A_243 : i32
    scf.if %cond3A_244 {
      %add3A_259 = arith.constant 80 : i32
      %add3A_260 = arith.addi %add3A_259, %arg1 : i32
      %mul3A_261 = arith.constant 80 : i32
      %mul3A_262 = arith.muli %add3A_260, %mul3A_261 : i32
      %multiple_of3A = tpu.assume_multiple %mul3A_262, 8 : i32
      %dma_wait3A = arith.constant 0 : i32
      %dma_wait3A_263 = arith.constant 0 : i32
      %dma_wait3A_264 = tpu.memref_slice %arg13[%dma_wait3A, %dma_wait3A_263] : memref<128x128xf32, #tpu.memory_space<vmem>> -> memref<80x128xf32, #tpu.memory_space<vmem>>
      %dma_wait3A_265 = arith.constant 0 : i32
      %dma_wait3A_266 = tpu.memref_slice %arg4[%arg0, %multiple_of3A, %dma_wait3A_265] : memref<2x10000x128xf32, #tpu.memory_space<hbm>> -> memref<1x80x128xf32, #tpu.memory_space<hbm>>
      %dma_wait3A_267 = tpu.memref_squeeze %dma_wait3A_266 : memref<1x80x128xf32, #tpu.memory_space<hbm>> -> memref<80x128xf32, #tpu.memory_space<hbm>>
      %dma_wait3A_268 = arith.constant 0 : i32
      %dma_wait3A_269 = tpu.memref_slice %arg4[%arg0, %multiple_of3A, %dma_wait3A_268] : memref<2x10000x128xf32, #tpu.memory_space<hbm>> -> memref<1x80x128xf32, #tpu.memory_space<hbm>>
      %dma_wait3A_270 = tpu.memref_squeeze %dma_wait3A_269 : memref<1x80x128xf32, #tpu.memory_space<hbm>> -> memref<80x128xf32, #tpu.memory_space<hbm>>
      %dma_wait3A_271 = arith.constant 0 : i32
      %dma_wait3A_272 = arith.constant 0 : i32
      %dma_wait3A_273 = tpu.memref_slice %arg13[%dma_wait3A_271, %dma_wait3A_272] : memref<128x128xf32, #tpu.memory_space<vmem>> -> memref<80x128xf32, #tpu.memory_space<vmem>>
      tpu.wait_dma2 semaphore(%arg23 : memref<!tpu.dma_semaphore, #tpu.memory_space<semaphore_mem>>) src(%dma_wait3A_273 : memref<80x128xf32, #tpu.memory_space<vmem>>) dst(%dma_wait3A_270 : memref<80x128xf32, #tpu.memory_space<hbm>>)
    } else {
    }
    %add3A_245 = arith.constant 96 : i32
    %add3A_246 = arith.addi %add3A_245, %arg1 : i32
    %lt3A_247 = arith.constant 125 : i32
    %lt3A_248 = arith.cmpi slt, %add3A_246, %lt3A_247 : i32
    %convert_element_type3A_249 = arith.extui %lt3A_248 : i1 to i32
    %cond3A_250 = arith.constant 0 : i32
    %cond3A_251 = arith.cmpi ne, %convert_element_type3A_249, %cond3A_250 : i32
    scf.if %cond3A_251 {
      %add3A_259 = arith.constant 96 : i32
      %add3A_260 = arith.addi %add3A_259, %arg1 : i32
      %mul3A_261 = arith.constant 80 : i32
      %mul3A_262 = arith.muli %add3A_260, %mul3A_261 : i32
      %multiple_of3A = tpu.assume_multiple %mul3A_262, 8 : i32
      %dma_wait3A = arith.constant 0 : i32
      %dma_wait3A_263 = arith.constant 0 : i32
      %dma_wait3A_264 = tpu.memref_slice %arg11[%dma_wait3A, %dma_wait3A_263] : memref<128x128xf32, #tpu.memory_space<vmem>> -> memref<80x128xf32, #tpu.memory_space<vmem>>
      %dma_wait3A_265 = arith.constant 0 : i32
      %dma_wait3A_266 = tpu.memref_slice %arg4[%arg0, %multiple_of3A, %dma_wait3A_265] : memref<2x10000x128xf32, #tpu.memory_space<hbm>> -> memref<1x80x128xf32, #tpu.memory_space<hbm>>
      %dma_wait3A_267 = tpu.memref_squeeze %dma_wait3A_266 : memref<1x80x128xf32, #tpu.memory_space<hbm>> -> memref<80x128xf32, #tpu.memory_space<hbm>>
      %dma_wait3A_268 = arith.constant 0 : i32
      %dma_wait3A_269 = tpu.memref_slice %arg4[%arg0, %multiple_of3A, %dma_wait3A_268] : memref<2x10000x128xf32, #tpu.memory_space<hbm>> -> memref<1x80x128xf32, #tpu.memory_space<hbm>>
      %dma_wait3A_270 = tpu.memref_squeeze %dma_wait3A_269 : memref<1x80x128xf32, #tpu.memory_space<hbm>> -> memref<80x128xf32, #tpu.memory_space<hbm>>
      %dma_wait3A_271 = arith.constant 0 : i32
      %dma_wait3A_272 = arith.constant 0 : i32
      %dma_wait3A_273 = tpu.memref_slice %arg11[%dma_wait3A_271, %dma_wait3A_272] : memref<128x128xf32, #tpu.memory_space<vmem>> -> memref<80x128xf32, #tpu.memory_space<vmem>>
      tpu.wait_dma2 semaphore(%arg21 : memref<!tpu.dma_semaphore, #tpu.memory_space<semaphore_mem>>) src(%dma_wait3A_273 : memref<80x128xf32, #tpu.memory_space<vmem>>) dst(%dma_wait3A_270 : memref<80x128xf32, #tpu.memory_space<hbm>>)
    } else {
    }
    %add3A_252 = arith.constant 112 : i32
    %add3A_253 = arith.addi %add3A_252, %arg1 : i32
    %lt3A_254 = arith.constant 125 : i32
    %lt3A_255 = arith.cmpi slt, %add3A_253, %lt3A_254 : i32
    %convert_element_type3A_256 = arith.extui %lt3A_255 : i1 to i32
    %cond3A_257 = arith.constant 0 : i32
    %cond3A_258 = arith.cmpi ne, %convert_element_type3A_256, %cond3A_257 : i32
    scf.if %cond3A_258 {
      %add3A_259 = arith.constant 112 : i32
      %add3A_260 = arith.addi %add3A_259, %arg1 : i32
      %mul3A_261 = arith.constant 80 : i32
      %mul3A_262 = arith.muli %add3A_260, %mul3A_261 : i32
      %multiple_of3A = tpu.assume_multiple %mul3A_262, 8 : i32
      %dma_wait3A = arith.constant 0 : i32
      %dma_wait3A_263 = arith.constant 0 : i32
      %dma_wait3A_264 = tpu.memref_slice %arg12[%dma_wait3A, %dma_wait3A_263] : memref<128x128xf32, #tpu.memory_space<vmem>> -> memref<80x128xf32, #tpu.memory_space<vmem>>
      %dma_wait3A_265 = arith.constant 0 : i32
      %dma_wait3A_266 = tpu.memref_slice %arg4[%arg0, %multiple_of3A, %dma_wait3A_265] : memref<2x10000x128xf32, #tpu.memory_space<hbm>> -> memref<1x80x128xf32, #tpu.memory_space<hbm>>
      %dma_wait3A_267 = tpu.memref_squeeze %dma_wait3A_266 : memref<1x80x128xf32, #tpu.memory_space<hbm>> -> memref<80x128xf32, #tpu.memory_space<hbm>>
      %dma_wait3A_268 = arith.constant 0 : i32
      %dma_wait3A_269 = tpu.memref_slice %arg4[%arg0, %multiple_of3A, %dma_wait3A_268] : memref<2x10000x128xf32, #tpu.memory_space<hbm>> -> memref<1x80x128xf32, #tpu.memory_space<hbm>>
      %dma_wait3A_270 = tpu.memref_squeeze %dma_wait3A_269 : memref<1x80x128xf32, #tpu.memory_space<hbm>> -> memref<80x128xf32, #tpu.memory_space<hbm>>
      %dma_wait3A_271 = arith.constant 0 : i32
      %dma_wait3A_272 = arith.constant 0 : i32
      %dma_wait3A_273 = tpu.memref_slice %arg12[%dma_wait3A_271, %dma_wait3A_272] : memref<128x128xf32, #tpu.memory_space<vmem>> -> memref<80x128xf32, #tpu.memory_space<vmem>>
      tpu.wait_dma2 semaphore(%arg22 : memref<!tpu.dma_semaphore, #tpu.memory_space<semaphore_mem>>) src(%dma_wait3A_273 : memref<80x128xf32, #tpu.memory_space<vmem>>) dst(%dma_wait3A_270 : memref<80x128xf32, #tpu.memory_space<hbm>>)
    } else {
    }
    return
  }
}

module attributes {stable_mosaic.version = 14 : i64} {
  func.func @_mlp2_body(%arg0: i32, %arg1: memref<5000x128xf32, #tpu.memory_space<vmem>>, %arg2: memref<1x5000x128xf32, #tpu.memory_space<vmem>>, %arg3: memref<1x5000x128xf32, #tpu.memory_space<vmem>>, %arg4: memref<128x128xf32, #tpu.memory_space<vmem>>, %arg5: memref<1x128xf32, #tpu.memory_space<vmem>>, %arg6: memref<128x128xf32, #tpu.memory_space<vmem>>, %arg7: memref<1x128xf32, #tpu.memory_space<vmem>>, %arg8: memref<128x128xf32, #tpu.memory_space<vmem>>, %arg9: memref<1x128xf32, #tpu.memory_space<vmem>>, %arg10: memref<1x128xf32, #tpu.memory_space<vmem>>, %arg11: memref<1x128xf32, #tpu.memory_space<vmem>>) attributes {dimension_semantics = [#tpu.dimension_semantics<arbitrary>], iteration_bounds = array<i64: 2>, scalar_prefetch = 0 : i64, scratch_operands = 1 : i64, tpu.core_type = #tpu.core_type<tc>, window_params = [{transform_indices = @transform_0, window_bounds = array<i64: 5000, 128>}, {transform_indices = @transform_1, window_bounds = array<i64: 1, 5000, 128>}, {transform_indices = @transform_2, window_bounds = array<i64: 1, 5000, 128>}, {pipeline_mode = #tpu.pipeline_mode<synchronous>, transform_indices = @transform_3, window_bounds = array<i64: 128, 128>}, {pipeline_mode = #tpu.pipeline_mode<synchronous>, transform_indices = @transform_4, window_bounds = array<i64: 1, 128>}, {pipeline_mode = #tpu.pipeline_mode<synchronous>, transform_indices = @transform_5, window_bounds = array<i64: 128, 128>}, {pipeline_mode = #tpu.pipeline_mode<synchronous>, transform_indices = @transform_6, window_bounds = array<i64: 1, 128>}, {pipeline_mode = #tpu.pipeline_mode<synchronous>, transform_indices = @transform_7, window_bounds = array<i64: 128, 128>}, {pipeline_mode = #tpu.pipeline_mode<synchronous>, transform_indices = @transform_8, window_bounds = array<i64: 1, 128>}, {pipeline_mode = #tpu.pipeline_mode<synchronous>, transform_indices = @transform_9, window_bounds = array<i64: 1, 128>}]} {
    %get3A = arith.constant 0 : index
    %get3A_0 = arith.constant 0 : index
    %get3A_1 = vector.load %arg1[%get3A, %get3A_0] : memref<5000x128xf32, #tpu.memory_space<vmem>>, vector<5000x128xf32>
    %get3A_2 = arith.constant 0 : index
    %get3A_3 = arith.constant 0 : index
    %get3A_4 = arith.constant 0 : index
    %get3A_5 = vector.load %arg2[%get3A_2, %get3A_3, %get3A_4] : memref<1x5000x128xf32, #tpu.memory_space<vmem>>, vector<1x5000x128xf32>
    %get3A_6 = vector.shape_cast %get3A_5 : vector<1x5000x128xf32> to vector<5000x128xf32>
    %add3A = arith.addf %get3A_1, %get3A_6 : vector<5000x128xf32>
    %get3A_7 = arith.constant 0 : index
    %get3A_8 = arith.constant 0 : index
    %get3A_9 = arith.constant 0 : index
    %get3A_10 = vector.load %arg3[%get3A_7, %get3A_8, %get3A_9] : memref<1x5000x128xf32, #tpu.memory_space<vmem>>, vector<1x5000x128xf32>
    %get3A_11 = vector.shape_cast %get3A_10 : vector<1x5000x128xf32> to vector<5000x128xf32>
    %add3A_12 = arith.addf %add3A, %get3A_11 : vector<5000x128xf32>
    %get3A_13 = arith.constant 0 : index
    %get3A_14 = arith.constant 0 : index
    %get3A_15 = vector.load %arg4[%get3A_13, %get3A_14] : memref<128x128xf32, #tpu.memory_space<vmem>>, vector<128x128xf32>
    %dot_general3A = arith.constant dense<0.000000e+00> : vector<5000x128xf32>
    %dot_general3A_16 = tpu.matmul %add3A_12, %get3A_15, %dot_general3A {dimension_numbers = #tpu.dot_dimension_numbers<[1], [0], [0], [1], [0, 0, 1, 1], [], []>, transpose_lhs_hint = false} : vector<5000x128xf32>, vector<128x128xf32>, vector<5000x128xf32> -> vector<5000x128xf32>
    %get3A_17 = arith.constant 0 : index
    %get3A_18 = arith.constant 0 : index
    %get3A_19 = vector.load %arg5[%get3A_17, %get3A_18] : memref<1x128xf32, #tpu.memory_space<vmem>>, vector<1x128xf32>
    %add3A_20 = vector.broadcast %get3A_19 : vector<1x128xf32> to vector<5000x128xf32>
    %add3A_21 = arith.addf %dot_general3A_16, %add3A_20 : vector<5000x128xf32>
    %max3A = arith.constant 0.000000e+00 : f32
    %max3A_22 = vector.broadcast %max3A : f32 to vector<5000x128xf32>
    %max3A_23 = arith.maximumf %add3A_21, %max3A_22 : vector<5000x128xf32>
    %reduce_sum3A = arith.constant dense<0.000000e+00> : vector<128xf32>
    %reduce_sum3A_24 = vector.multi_reduction <add>, %max3A_23, %reduce_sum3A [0] : vector<5000x128xf32> to vector<128xf32>
    %broadcast_in_dim3A = vector.shape_cast %reduce_sum3A_24 : vector<128xf32> to vector<1x128xf32>
    %eq3A = arith.constant 0 : i32
    %eq3A_25 = arith.cmpi eq, %arg0, %eq3A : i32
    %convert_element_type3A = arith.extui %eq3A_25 : i1 to i32
    %cond3A = arith.constant 0 : i32
    %cond3A_26 = arith.cmpi ne, %convert_element_type3A, %cond3A : i32
    scf.if %cond3A_26 {
      %broadcast_in_dim3A_38 = arith.constant 0.000000e+00 : f32
      %broadcast_in_dim3A_39 = vector.broadcast %broadcast_in_dim3A_38 : f32 to vector<1x128xf32>
      %swap3A_40 = arith.constant 0 : index
      %swap3A_41 = arith.constant 0 : index
      %swap3A_42 = vector.load %arg11[%swap3A_40, %swap3A_41] : memref<1x128xf32, #tpu.memory_space<vmem>>, vector<1x128xf32>
      tpu.vector_store %arg11[%swap3A_40, %swap3A_41], %broadcast_in_dim3A_39 {strides = array<i32>} : memref<1x128xf32, #tpu.memory_space<vmem>>, vector<1x128xf32>,
    } else {
    }
    %get3A_27 = arith.constant 0 : index
    %get3A_28 = arith.constant 0 : index
    %get3A_29 = vector.load %arg11[%get3A_27, %get3A_28] : memref<1x128xf32, #tpu.memory_space<vmem>>, vector<1x128xf32>
    %add3A_30 = arith.addf %get3A_29, %broadcast_in_dim3A : vector<1x128xf32>
    %swap3A = arith.constant 0 : index
    %swap3A_31 = arith.constant 0 : index
    %swap3A_32 = vector.load %arg11[%swap3A, %swap3A_31] : memref<1x128xf32, #tpu.memory_space<vmem>>, vector<1x128xf32>
    tpu.vector_store %arg11[%swap3A, %swap3A_31], %add3A_30 {strides = array<i32>} : memref<1x128xf32, #tpu.memory_space<vmem>>, vector<1x128xf32>,
    %eq3A_33 = arith.constant 1 : i32
    %eq3A_34 = arith.cmpi eq, %arg0, %eq3A_33 : i32
    %convert_element_type3A_35 = arith.extui %eq3A_34 : i1 to i32
    %cond3A_36 = arith.constant 0 : i32
    %cond3A_37 = arith.cmpi ne, %convert_element_type3A_35, %cond3A_36 : i32
    scf.if %cond3A_37 {
      %get3A_38 = arith.constant 0 : index
      %get3A_39 = arith.constant 0 : index
      %get3A_40 = vector.load %arg11[%get3A_38, %get3A_39] : memref<1x128xf32, #tpu.memory_space<vmem>>, vector<1x128xf32>
      %mul3A = arith.constant 9.99999974E-5 : f32
      %mul3A_41 = vector.broadcast %mul3A : f32 to vector<1x128xf32>
      %mul3A_42 = arith.mulf %get3A_40, %mul3A_41 : vector<1x128xf32>
      %get3A_43 = arith.constant 0 : index
      %get3A_44 = arith.constant 0 : index
      %get3A_45 = vector.load %arg6[%get3A_43, %get3A_44] : memref<128x128xf32, #tpu.memory_space<vmem>>, vector<128x128xf32>
      %dot_general3A_46 = arith.constant dense<0.000000e+00> : vector<1x128xf32>
      %dot_general3A_47 = tpu.matmul %mul3A_42, %get3A_45, %dot_general3A_46 {dimension_numbers = #tpu.dot_dimension_numbers<[1], [0], [0], [1], [0, 0, 1, 1], [], []>, transpose_lhs_hint = false} : vector<1x128xf32>, vector<128x128xf32>, vector<1x128xf32> -> vector<1x128xf32>
      %get3A_48 = arith.constant 0 : index
      %get3A_49 = arith.constant 0 : index
      %get3A_50 = vector.load %arg7[%get3A_48, %get3A_49] : memref<1x128xf32, #tpu.memory_space<vmem>>, vector<1x128xf32>
      %add3A_51 = arith.addf %dot_general3A_47, %get3A_50 : vector<1x128xf32>
      %get3A_52 = arith.constant 0 : index
      %get3A_53 = arith.constant 0 : index
      %get3A_54 = vector.load %arg8[%get3A_52, %get3A_53] : memref<128x128xf32, #tpu.memory_space<vmem>>, vector<128x128xf32>
      %dot_general3A_55 = arith.constant dense<0.000000e+00> : vector<1x128xf32>
      %dot_general3A_56 = tpu.matmul %add3A_51, %get3A_54, %dot_general3A_55 {dimension_numbers = #tpu.dot_dimension_numbers<[1], [0], [0], [1], [0, 0, 1, 1], [], []>, transpose_lhs_hint = false} : vector<1x128xf32>, vector<128x128xf32>, vector<1x128xf32> -> vector<1x128xf32>
      %get3A_57 = arith.constant 0 : index
      %get3A_58 = arith.constant 0 : index
      %get3A_59 = vector.load %arg9[%get3A_57, %get3A_58] : memref<1x128xf32, #tpu.memory_space<vmem>>, vector<1x128xf32>
      %add3A_60 = arith.addf %dot_general3A_56, %get3A_59 : vector<1x128xf32>
      %swap3A_61 = arith.constant 0 : index
      %swap3A_62 = arith.constant 0 : index
      %swap3A_63 = vector.load %arg10[%swap3A_61, %swap3A_62] : memref<1x128xf32, #tpu.memory_space<vmem>>, vector<1x128xf32>
      tpu.vector_store %arg10[%swap3A_61, %swap3A_62], %add3A_60 {strides = array<i32>} : memref<1x128xf32, #tpu.memory_space<vmem>>, vector<1x128xf32>,
    } else {
    }
    return
  }
  func.func @transform_0(%arg0: i32) -> (i32, i32) {
    %c0_i32 = arith.constant 0 : i32
    %c0_i32_0 = arith.constant 0 : i32
    return %arg0, %c0_i32 : i32, i32
  }
  func.func @transform_1(%arg0: i32) -> (i32, i32, i32) {
    %c0_i32 = arith.constant 0 : i32
    %c0_i32_0 = arith.constant 0 : i32
    %c0_i32_1 = arith.constant 0 : i32
    return %c0_i32, %arg0, %c0_i32_0 : i32, i32, i32
  }
  func.func @transform_2(%arg0: i32) -> (i32, i32, i32) {
    %c1_i32 = arith.constant 1 : i32
    %c0_i32 = arith.constant 0 : i32
    %c0_i32_0 = arith.constant 0 : i32
    return %c1_i32, %arg0, %c0_i32 : i32, i32, i32
  }
  func.func @transform_3(%arg0: i32) -> (i32, i32) {
    %c0_i32 = arith.constant 0 : i32
    %c0_i32_0 = arith.constant 0 : i32
    %c0_i32_1 = arith.constant 0 : i32
    return %c0_i32, %c0_i32_0 : i32, i32
  }
  func.func @transform_4(%arg0: i32) -> (i32, i32) {
    %c0_i32 = arith.constant 0 : i32
    %c0_i32_0 = arith.constant 0 : i32
    %c0_i32_1 = arith.constant 0 : i32
    return %c0_i32, %c0_i32_0 : i32, i32
  }
  func.func @transform_5(%arg0: i32) -> (i32, i32) {
    %c0_i32 = arith.constant 0 : i32
    %c0_i32_0 = arith.constant 0 : i32
    %c0_i32_1 = arith.constant 0 : i32
    return %c0_i32, %c0_i32_0 : i32, i32
  }
  func.func @transform_6(%arg0: i32) -> (i32, i32) {
    %c0_i32 = arith.constant 0 : i32
    %c0_i32_0 = arith.constant 0 : i32
    %c0_i32_1 = arith.constant 0 : i32
    return %c0_i32, %c0_i32_0 : i32, i32
  }
  func.func @transform_7(%arg0: i32) -> (i32, i32) {
    %c0_i32 = arith.constant 0 : i32
    %c0_i32_0 = arith.constant 0 : i32
    %c0_i32_1 = arith.constant 0 : i32
    return %c0_i32, %c0_i32_0 : i32, i32
  }
  func.func @transform_8(%arg0: i32) -> (i32, i32) {
    %c0_i32 = arith.constant 0 : i32
    %c0_i32_0 = arith.constant 0 : i32
    %c0_i32_1 = arith.constant 0 : i32
    return %c0_i32, %c0_i32_0 : i32, i32
  }
  func.func @transform_9(%arg0: i32) -> (i32, i32) {
    %c0_i32 = arith.constant 0 : i32
    %c0_i32_0 = arith.constant 0 : i32
    %c0_i32_1 = arith.constant 0 : i32
    return %c0_i32, %c0_i32_0 : i32, i32
  }
}

module attributes {stable_mosaic.version = 14 : i64} {
  func.func @_mlp1_body(%arg0: i32, %arg1: memref<5000x128xf32, #tpu.memory_space<vmem>>, %arg2: memref<1x5000x128xf32, #tpu.memory_space<vmem>>, %arg3: memref<1x5000x128xf32, #tpu.memory_space<vmem>>, %arg4: memref<128x128xf32, #tpu.memory_space<vmem>>, %arg5: memref<1x128xf32, #tpu.memory_space<vmem>>, %arg6: memref<128x128xf32, #tpu.memory_space<vmem>>, %arg7: memref<1x128xf32, #tpu.memory_space<vmem>>, %arg8: memref<5000x128xf32, #tpu.memory_space<vmem>>) attributes {dimension_semantics = [#tpu.dimension_semantics<arbitrary>], iteration_bounds = array<i64: 2>, scalar_prefetch = 0 : i64, scratch_operands = 0 : i64, tpu.core_type = #tpu.core_type<tc>, window_params = [{transform_indices = @transform_0, window_bounds = array<i64: 5000, 128>}, {transform_indices = @transform_1, window_bounds = array<i64: 1, 5000, 128>}, {transform_indices = @transform_2, window_bounds = array<i64: 1, 5000, 128>}, {pipeline_mode = #tpu.pipeline_mode<synchronous>, transform_indices = @transform_3, window_bounds = array<i64: 128, 128>}, {pipeline_mode = #tpu.pipeline_mode<synchronous>, transform_indices = @transform_4, window_bounds = array<i64: 1, 128>}, {pipeline_mode = #tpu.pipeline_mode<synchronous>, transform_indices = @transform_5, window_bounds = array<i64: 128, 128>}, {pipeline_mode = #tpu.pipeline_mode<synchronous>, transform_indices = @transform_6, window_bounds = array<i64: 1, 128>}, {transform_indices = @transform_7, window_bounds = array<i64: 5000, 128>}]} {
    %get3A = arith.constant 0 : index
    %get3A_0 = arith.constant 0 : index
    %get3A_1 = vector.load %arg1[%get3A, %get3A_0] : memref<5000x128xf32, #tpu.memory_space<vmem>>, vector<5000x128xf32>
    %get3A_2 = arith.constant 0 : index
    %get3A_3 = arith.constant 0 : index
    %get3A_4 = arith.constant 0 : index
    %get3A_5 = vector.load %arg2[%get3A_2, %get3A_3, %get3A_4] : memref<1x5000x128xf32, #tpu.memory_space<vmem>>, vector<1x5000x128xf32>
    %get3A_6 = vector.shape_cast %get3A_5 : vector<1x5000x128xf32> to vector<5000x128xf32>
    %add3A = arith.addf %get3A_1, %get3A_6 : vector<5000x128xf32>
    %get3A_7 = arith.constant 0 : index
    %get3A_8 = arith.constant 0 : index
    %get3A_9 = arith.constant 0 : index
    %get3A_10 = vector.load %arg3[%get3A_7, %get3A_8, %get3A_9] : memref<1x5000x128xf32, #tpu.memory_space<vmem>>, vector<1x5000x128xf32>
    %get3A_11 = vector.shape_cast %get3A_10 : vector<1x5000x128xf32> to vector<5000x128xf32>
    %add3A_12 = arith.addf %add3A, %get3A_11 : vector<5000x128xf32>
    %get3A_13 = arith.constant 0 : index
    %get3A_14 = arith.constant 0 : index
    %get3A_15 = vector.load %arg4[%get3A_13, %get3A_14] : memref<128x128xf32, #tpu.memory_space<vmem>>, vector<128x128xf32>
    %dot_general3A = arith.constant dense<0.000000e+00> : vector<5000x128xf32>
    %dot_general3A_16 = tpu.matmul %add3A_12, %get3A_15, %dot_general3A {dimension_numbers = #tpu.dot_dimension_numbers<[1], [0], [0], [1], [0, 0, 1, 1], [], []>, transpose_lhs_hint = false} : vector<5000x128xf32>, vector<128x128xf32>, vector<5000x128xf32> -> vector<5000x128xf32>
    %get3A_17 = arith.constant 0 : index
    %get3A_18 = arith.constant 0 : index
    %get3A_19 = vector.load %arg5[%get3A_17, %get3A_18] : memref<1x128xf32, #tpu.memory_space<vmem>>, vector<1x128xf32>
    %add3A_20 = vector.broadcast %get3A_19 : vector<1x128xf32> to vector<5000x128xf32>
    %add3A_21 = arith.addf %dot_general3A_16, %add3A_20 : vector<5000x128xf32>
    %max3A = arith.constant 0.000000e+00 : f32
    %max3A_22 = vector.broadcast %max3A : f32 to vector<5000x128xf32>
    %max3A_23 = arith.maximumf %add3A_21, %max3A_22 : vector<5000x128xf32>
    %get3A_24 = arith.constant 0 : index
    %get3A_25 = arith.constant 0 : index
    %get3A_26 = vector.load %arg6[%get3A_24, %get3A_25] : memref<128x128xf32, #tpu.memory_space<vmem>>, vector<128x128xf32>
    %dot_general3A_27 = arith.constant dense<0.000000e+00> : vector<5000x128xf32>
    %dot_general3A_28 = tpu.matmul %max3A_23, %get3A_26, %dot_general3A_27 {dimension_numbers = #tpu.dot_dimension_numbers<[1], [0], [0], [1], [0, 0, 1, 1], [], []>, transpose_lhs_hint = false} : vector<5000x128xf32>, vector<128x128xf32>, vector<5000x128xf32> -> vector<5000x128xf32>
    %get3A_29 = arith.constant 0 : index
    %get3A_30 = arith.constant 0 : index
    %get3A_31 = vector.load %arg7[%get3A_29, %get3A_30] : memref<1x128xf32, #tpu.memory_space<vmem>>, vector<1x128xf32>
    %add3A_32 = vector.broadcast %get3A_31 : vector<1x128xf32> to vector<5000x128xf32>
    %add3A_33 = arith.addf %dot_general3A_28, %add3A_32 : vector<5000x128xf32>
    %swap3A = arith.constant 0 : index
    %swap3A_34 = arith.constant 0 : index
    %swap3A_35 = vector.load %arg8[%swap3A, %swap3A_34] : memref<5000x128xf32, #tpu.memory_space<vmem>>, vector<5000x128xf32>
    tpu.vector_store %arg8[%swap3A, %swap3A_34], %add3A_33 {strides = array<i32>} : memref<5000x128xf32, #tpu.memory_space<vmem>>, vector<5000x128xf32>,
    return
  }
  func.func @transform_0(%arg0: i32) -> (i32, i32) {
    %c0_i32 = arith.constant 0 : i32
    %c0_i32_0 = arith.constant 0 : i32
    return %arg0, %c0_i32 : i32, i32
  }
  func.func @transform_1(%arg0: i32) -> (i32, i32, i32) {
    %c0_i32 = arith.constant 0 : i32
    %c0_i32_0 = arith.constant 0 : i32
    %c0_i32_1 = arith.constant 0 : i32
    return %c0_i32, %arg0, %c0_i32_0 : i32, i32, i32
  }
  func.func @transform_2(%arg0: i32) -> (i32, i32, i32) {
    %c1_i32 = arith.constant 1 : i32
    %c0_i32 = arith.constant 0 : i32
    %c0_i32_0 = arith.constant 0 : i32
    return %c1_i32, %arg0, %c0_i32 : i32, i32, i32
  }
  func.func @transform_3(%arg0: i32) -> (i32, i32) {
    %c0_i32 = arith.constant 0 : i32
    %c0_i32_0 = arith.constant 0 : i32
    %c0_i32_1 = arith.constant 0 : i32
    return %c0_i32, %c0_i32_0 : i32, i32
  }
  func.func @transform_4(%arg0: i32) -> (i32, i32) {
    %c0_i32 = arith.constant 0 : i32
    %c0_i32_0 = arith.constant 0 : i32
    %c0_i32_1 = arith.constant 0 : i32
    return %c0_i32, %c0_i32_0 : i32, i32
  }
  func.func @transform_5(%arg0: i32) -> (i32, i32) {
    %c0_i32 = arith.constant 0 : i32
    %c0_i32_0 = arith.constant 0 : i32
    %c0_i32_1 = arith.constant 0 : i32
    return %c0_i32, %c0_i32_0 : i32, i32
  }
  func.func @transform_6(%arg0: i32) -> (i32, i32) {
    %c0_i32 = arith.constant 0 : i32
    %c0_i32_0 = arith.constant 0 : i32
    %c0_i32_1 = arith.constant 0 : i32
    return %c0_i32, %c0_i32_0 : i32, i32
  }
  func.func @transform_7(%arg0: i32) -> (i32, i32) {
    %c0_i32 = arith.constant 0 : i32
    %c0_i32_0 = arith.constant 0 : i32
    return %arg0, %c0_i32 : i32, i32
  }
}

</mosaic_0001>

<sc_bundles>
// kernel: kernel.6.cloned.1.call-start
scs
__scs_entry_jumppad:
0x0: {  	(pc) =	sbr.rel $0x88, $3  }
0x1: {  	(tag) =	ssettag $0x0;
	lr =	simm.s32 $0x1  }
0x2: {  	[smem:$0x3F95] =	sst lr;
	_ =	strace $0xD0000000  }
0x3: {  	_ = 	snop  }
0x4: {  	_ = 	snop  }
0x5: {  	_ = 	snop  }
0x6: {  	_ = 	snop  }
0x7: {  	_ = 	snop  }
__scs_overlays_trampoline_lowered:
0x8: {  	[smem:$0x3FA4] =	sst s0  }
0x9: {  	[smem:$0x3FA5] =	sst s1  }
0xa: {  	[smem:$0x3FA6] =	sst s2  }
0xb: {  	[smem:$0x3FA7] =	sst s3  }
0xc: {  	[smem:$0x3FA8] =	sst s4  }
0xd: {  	[smem:$0x3FA9] =	sst s5  }
0xe: {  	[smem:$0x3FAA] =	sst s6  }
0xf: {  	[smem:$0x3FAB] =	sst s7  }
0x10: {  	[smem:$0x3FAC] =	sst s8  }
0x11: {  	[smem:$0x3FAD] =	sst s9;
	s0 =	simm.s32 @!p0 $0x0  }
0x12: {  	s1 =	sld [smem:$0x3F93];
	s0 =	simm.s32 @p0 $0x1  }
0x13: {  	[smem:$0x3FAE] =	sst s0;
	s0 =	simm.s32 @!p1 $0x0  }
0x14: {  	s2 =	sld [smem:$0x3F92];
	s0 =	simm.s32 @p1 $0x1  }
0x15: {  	[smem:$0x3FAF] =	sst s0;
	s0 =	simm.s32 @!p2 $0x0  }
0x16: {  	s3 =	sld [smem:$0x3FDB];
	s0 =	simm.s32 @p2 $0x1  }
0x17: {  	s4 =	simm.s32 $0x1BF5;
	[smem:$0x3FB1] =	sst s0  }
0x18: {  	s0 =	sld [smem:$0x3F94];
	_ =	swait.ge [sflag:s4], $0x0  }
0x19: {  	s7 =	sld [smem:$0x3F95]  }
0x1a: {  	s8 =	sadd.s32 $0xFFFFE003, lr  }
0x1b: {  	s9 =	sadd.s32 $0xFFFFFEF7, lr;
	s5 =	simm.s32 $0xFFFFFFFF;
	p2 =	slt.u32 s8, $0xFFFFF086  }
0x1c: {  	p1 =	slt.u32 s9, $0xF7A;
	s5 =	simm.s32 @!p2 $0x0  }
0x1d: {  	s5 =	simm.s32 @p1 $0x1;
	p0 =	seq.s32 s7, s2  }
0x1e: {  	s7 =	smul.u32 @!p0 $0xF7A, s2;
	p2 =	seq.s32 @!p0 s5, $0x0  }
0x1f: {  	s9 =	smul.u32 $0xF7A, s1;
	s8 =	simm.s32 @!p0 $0x1BF5;
	p2 =	por !p2, p0  }
0x20: {  	[sflag:s8] =	ssyncset.s32 @!p0 $0xFFFFF086;
	s6 =	sadd.s32 @!p0 s3, s7;
	s7 =	simm.s32 @!p0 $0x108  }
0x21: {  	s3 =	sadd.s32 s3, s9;
	s6 =	sadd.s32 @!p0 $0x88, s6;
	s7 =	simm.s32 @p2 $0x1082  }
0x22: {  	[simem:s7], [sflag:s8] =	dma.local @!p0 [hbm:s6], $0xF7A  }
0x23: {  	s9 =	sor.u32 $0xD0000000, s2;
	s6 =	simm.s32 $0x108;
	_ =	swait.ge @!p0 [sflag:s8], $0x0  }
0x24: {  	s3 =	sadd.s32 $0x88, s3;
	s6 =	simm.s32 @!p1 $0x1082;
	[sflag:s4] =	ssyncset.s32 $0xFFFFF086  }
0x25: {  	[simem:s6], [sflag:s4] =	dma.local [hbm:s3], $0xF7A  }
0x26: {  	[smem:$0x3F95] =	sst s1;
	(tag) =	ssettag s2;
	_ =	strace s9  }
0x27: {  	s1 =	sld [smem:$0x3FA5]  }
0x28: {  	s2 =	sld [smem:$0x3FA6]  }
0x29: {  	s4 =	sld [smem:$0x3FA8]  }
0x2a: {  	p0 =	seq.s32 s5, $0x0;
	s5 =	sld [smem:$0x3FA9]  }
0x2b: {  	s6 =	sld [smem:$0x3FAA]  }
0x2c: {  	s7 =	sld [smem:$0x3FAB]  }
0x2d: {  	s3 =	simm.s32 $0x108;
	s8 =	sld [smem:$0x3FAC]  }
0x2e: {  	s3 =	simm.s32 @!p0 $0x1082;
	s9 =	sld [smem:$0x3FAD]  }
0x2f: {  	lr =	sadd.s32 s0, s3;
	s0 =	sld [smem:$0x3FA4]  }
0x30: {  	s3 =	sld [smem:$0x3FA7]  }
0x31: {  	[smem:$0x3FB0] =	sst s10  }
0x32: {  	s10 =	sld [smem:$0x3FAE];
	_ =	sdelay $0x3  }
0x33: {  	p0 =	seq.s32 s10, $0x1;
	s10 =	sld [smem:$0x3FB0];
	_ =	sdelay $0x3  }
0x34: {  	[smem:$0x3FB0] =	sst s10  }
0x35: {  	s10 =	sld [smem:$0x3FAF];
	_ =	sdelay $0x3  }
0x36: {  	p1 =	seq.s32 s10, $0x1;
	s10 =	sld [smem:$0x3FB0];
	_ =	sdelay $0x3  }
0x37: {  	[smem:$0x3FB0] =	sst s10  }
0x38: {  	s10 =	sld [smem:$0x3FB1]  }
0x39: {  	_ = 	snop;
	(pc) =	sbr.ind lr, $3  }
0x3a: {  	_ = 	snop  }
0x3b: {  	_ = 	snop  }
0x3c: {  	p2 =	seq.s32 s10, $0x1;
	s10 =	sld [smem:$0x3FB0]  }
0x3d: {  	_ =	shalt  }
0x3e: {  	_ =	shalt  }
0x3f: {  	_ =	shalt  }
0x40: {  	_ =	shalt  }
0x41: {  	_ =	shalt  }
0x42: {  	_ =	shalt  }
0x43: {  	_ =	shalt  }
0x44: {  	_ =	shalt  }
0x45: {  	_ =	shalt  }
0x46: {  	_ =	shalt  }
0x47: {  	_ =	shalt  }
0x48: {  	_ =	shalt  }
0x49: {  	_ =	shalt  }
0x4a: {  	_ =	shalt  }
0x4b: {  	_ =	shalt  }
0x4c: {  	_ =	shalt  }
0x4d: {  	_ =	shalt  }
0x4e: {  	_ =	shalt  }
0x4f: {  	_ =	shalt  }
0x50: {  	_ =	shalt  }
0x51: {  	_ =	shalt  }
0x52: {  	_ =	shalt  }
0x53: {  	_ =	shalt  }
0x54: {  	_ =	shalt  }
0x55: {  	_ =	shalt  }
0x56: {  	_ =	shalt  }
0x57: {  	_ =	shalt  }
0x58: {  	_ =	shalt  }
0x59: {  	_ =	shalt  }
0x5a: {  	_ =	shalt  }
0x5b: {  	_ =	shalt  }
0x5c: {  	_ =	shalt  }
0x5d: {  	_ =	shalt  }
0x5e: {  	_ =	shalt  }
0x5f: {  	_ =	shalt  }
0x60: {  	_ =	shalt  }
0x61: {  	_ =	shalt  }
0x62: {  	_ =	shalt  }
0x63: {  	_ =	shalt  }
0x64: {  	_ =	shalt  }
0x65: {  	_ =	shalt  }
0x66: {  	_ =	shalt  }
0x67: {  	_ =	shalt  }
0x68: {  	_ =	shalt  }
0x69: {  	_ =	shalt  }
0x6a: {  	_ =	shalt  }
0x6b: {  	_ =	shalt  }
0x6c: {  	_ =	shalt  }
0x6d: {  	_ =	shalt  }
0x6e: {  	_ =	shalt  }
0x6f: {  	_ =	shalt  }
0x70: {  	_ =	shalt  }
0x71: {  	_ =	shalt  }
0x72: {  	_ =	shalt  }
0x73: {  	_ =	shalt  }
0x74: {  	_ =	shalt  }
0x75: {  	_ =	shalt  }
0x76: {  	_ =	shalt  }
0x77: {  	_ =	shalt  }
0x78: {  	_ =	shalt  }
0x79: {  	_ =	shalt  }
0x7a: {  	_ =	shalt  }
0x7b: {  	_ =	shalt  }
0x7c: {  	_ =	shalt  }
0x7d: {  	_ =	shalt  }
0x7e: {  	_ =	shalt  }
0x7f: {  	_ =	shalt  }
0x80: {  	_ =	shalt  }
0x81: {  	_ =	shalt  }
0x82: {  	_ =	shalt  }
0x83: {  	_ =	shalt  }
0x84: {  	_ =	shalt  }
0x85: {  	_ =	shalt  }
0x86: {  	_ =	shalt  }
0x87: {  	_ =	shalt  }
.Lfunc_end0:
.L_simem_size_0:
called_computation_lowered:
.L_overlay_start_0:
0x88: {  	s2 =	sld [smem:$0x3FD9]  }
0x89: {  	s3 =	sld [smem:$0x3FFE];
	_ =	sdelay $0x1  }
0x8a: {  	s1 =	srdreg.scid  }
0x8b: {  	s0 =	sand.u32 $0x1, s1  }
0x8c: {  	s17 =	sshll.u32 s0, $0xA;
	s2 =	sadd.s32 s3, s2  }
0x8d: {  	s2 =	sadd.s32 s2, s17  }
0x8e: {  	[smem:$0x3FBC] =	sst s2  }
0x8f: {  	_ = 	snop  }
0x90: {  	s2 =	sld [smem:$0x3FC9]  }
0x91: {  	s18 =	sld [smem:$0x3FC8];
	(tm) =	ssettm $0x1  }
0x92: {  	s4 =	sld [smem:$0x3FFB];
	_ =	sdelay $0x3  }
0x93: {  	_ =	strace s4  }
0x94: {  	s4 =	sld [smem:$0x3FFC];
	_ =	sdelay $0x3  }
0x95: {  	_ =	strace s4  }
0x96: {  	s4 =	sld [smem:$0x3FFD];
	_ =	sdelay $0x3  }
0x97: {  	_ =	strace s4  }
0x98: {  	_ =	strace $0x8FFFFFFF  }
0x99: {  	s19 =	sld [smem:$0x3FDB];
	_ =	sdelay $0x1  }
0x9a: {  	s5 =	simm.s32 $_scs_section_size  }
0x9b: {  	s6 =	simm.s32 $_size__tile_overlayer_lowered;
	s7 =	simm.s32 $_tile_overlayer_lowered  }
0x9c: {  	s22 =	simm.s32 $0x1BFF;
	s21 =	sshll.u32 s7, $0x1;
	s4 =	sadd.s32 s5, s19  }
0x9d: {  	s8 =	simm.s32 $0x0;
	s20 =	sshll.u32 s6, $0x1;
	s6 =	sadd.s32 s21, s4  }
0x9e: {  	[timem:s8], [sflag:s22] =	dma.local [hbm:s6], s20  }
0x9f: {  	_ =	swait.ge [sflag:s22], s20  }
0xa0: {  	s5 =	ssub.s32 $0x0, s20;
	[sflag:s22] =	ssyncset.done $0x0  }
0xa1: {  	[sflag:s22] =	ssyncadd.s32 s5;
	_ =	sdelay $0x1  }
0xa2: {  	s23 =	simm.s32 $0x1B8B  }
0xa3: {  	_ =	swait.ge [sflag:s23], $0x1  }
0xa4: {  	[sflag:s23] =	ssyncset.done $0x0  }
0xa5: {  	s25 =	simm.s32 $0x1B8E;
	s24 =	sld [smem:$0x3FFE];
	[sflag:s23] =	ssyncadd.s32 $0xFFFFFFFF  }
0xa6: {  	s26 =	simm.s32 $execute0_lowered;
	[smem:$0x3FD2] =	sst s25  }
0xa7: {  	s6 =	sshll.u32 s26, $0x1;
	_ =	strace $0x80000046;
	[dreg:$0x1] =	wrdreg $0xFFFFFFFF  }
0xa8: {  	s28 =	simm.s32 $_size_execute0_lowered;
	s4 =	sadd.s32 s4, s6;
	[dreg:$0x0] =	wrdreg $0x0  }
0xa9: {  	s6 =	sshll.u32 s28, $0x1;
	[dreg:$0x2] =	wrdreg s4  }
0xaa: {  	[dreg:$0x3] =	wrdreg s6  }
0xab: {  	[dreg:$0x4] =	wrdreg $0xC0  }
0xac: {  	_ =	task [dreg:s8], $0x5FFFF  }
0xad: {  	[dreg:$0x1] =	wrdreg $0xFFFFFFFF  }
0xae: {  	[dreg:$0x0] =	wrdreg $0x60  }
0xaf: {  	[dreg:$0x2] =	wrdreg s2  }
0xb0: {  	[dreg:$0x3] =	wrdreg s18  }
0xb1: {  	[dreg:$0x4] =	wrdreg s24  }
0xb2: {  	[dreg:$0x5] =	wrdreg $0xC3000  }
0xb3: {  	[dreg:$0x6] =	wrdreg $0x9  }
0xb4: {  	_ =	task.clear_ibuf [dreg:s8], $0x7FFFF;
	_ =	strace $0x90000046  }
0xb5: {  	s29 =	simm.s32 $0x9;
	_ =	strace $0x80000048  }
0xb6: {  	_ =	swait.ge [sflag:s29], $0x1  }
0xb7: {  	[sflag:s29] =	ssyncadd.s32 $0xFFFFFFFF  }
0xb8: {  	_ =	strace $0x90000048  }
0xb9: {  	_ =	sfence  }
0xba: {  	s30 =	sld [smem:$0x0];
	_ =	sdelay $0x2  }
0xbb: {  	s31 =	sshll.u32 s1, $0xD;
	s1 =	sshrl.u32 s1, $0x2  }
0xbc: {  	s3 =	sand.u32 $0x4000, s31;
	s1 =	sadd.s32 s1, s30  }
0xbd: {  	s0 =	sor.u32 s3, s0;
	s1 =	sshll.u32 s1, $0x11  }
0xbe: {  	s0 =	sor.u32 s1, s0  }
0xbf: {  	s0 =	sadd.s32 $0x8F2B, s0  }
0xc0: {  	[sflag:s0] =	ssyncadd.remote.s32 $0x1  }
0xc1: {  	_ =	sfence.sel $0xFFFF  }
0xc2: {  	[dreg:$0x0] =	wrdreg $0xFFFFFFFF;
	(pc) =	sbr.abs _section_cstart, $3  }
0xc3: {  	[dreg:$0x1] =	wrdreg $0xFFFFFFFF  }
0xc4: {  	_ =	task.clear_ibuf [dreg:s8], $0x2FFFF;
	_ =	strace $0x9FFFFFFF  }
0xc5: {  	(tm) =	ssettm $0x7FFFFFFF  }
tec
execute0_lowered:
.L_overlay_start_1:
0x0: {  	(tag) =	ssettag $0x1  }
0x1: {  	s1 =	rddreg [dreg:$0x0]  }
0x2: {  	s6 =	rddreg [dreg:$0x1]  }
0x3: {  	s0 =	rddreg [dreg:$0x2]  }
0x4: {  	s2 =	rddreg [dreg:$0x3];
	s3 =	simm.s32 $0x0  }
0x5: {  	s4 =	srdreg.scid;
	s30 =	simm.s32 $0x8300;
	s31 =	simm.s32 $0x300  }
0x6: {  	s28 =	simm.s32 $0x4;
	s29 =	simm.s32 $0x5;
	[smem:$0x7FF] =	sst s3  }
0x7: {  	s7 =	sand.u32 $0x1, s4;
	s8 =	sadd.s32 $0x2600, s0;
	s4 =	stileid.u32  }
0x8: {  	_ =	strace $0x80000047;
	s5 =	ssub.s32 $0x2, s7;
	s9 =	smul.u32 $0x138800, s7  }
0x9: {  	s15 =	sshll.u32 s7, $0x4;
	s10 =	sor.u32 $0x10, s4;
	s11 =	smul.u32 $0x2800, s4  }
0xa: {  	s12 =	sor.u32 $0x20, s4;
	s13 =	sor.u32 $0x30, s4;
	s17 =	sor.u32 $0x60, s4  }
0xb: {  	s19 =	sor.u32 $0x70, s4;
	s7 =	sshll.u32 s7, $0x9;
	s16 =	smul.u32 $0x2800, s10  }
0xc: {  	p1 =	sgt.u32 s4, $0xC;
	s14 =	sshrl.u32 s5, $0x1;
	s18 =	smul.u32 $0x2800, s12  }
0xd: {  	s21 =	smul.u32 $0x2800, s13;
	s0 =	ssub.s32 s5, s14;
	s5 =	sor.u32 s4, s15  }
0xe: {  	s14 =	sor.u32 $0x40, s4;
	s15 =	sor.u32 $0x50, s4;
	s11 =	sadd.s32 s11, s9  }
0xf: {  	s11 =	sshrl.u32 s11, $0x3;
	s16 =	sadd.s32 s9, s16;
	s23 =	smul.u32 $0x2800, s14  }
0x10: {  	s20 =	sadd.s32 s9, s18;
	s24 =	sadd.s32 s9, s21;
	s25 =	smul.u32 $0x2800, s15  }
0x11: {  	s0 =	smax.u32 s0, $0x1;
	s11 =	sadd.s32 s8, s11;
	s22 =	sshrl.u32 s20, $0x3  }
0x12: {  	s20 =	smul.u32 $0x2800, s17;
	[dreg:$0x17] =	wrdreg s0;
	s0 =	simm.s32 @!p1 $0x0  }
0x13: {  	[dreg:$0x8] =	wrdreg s11;
	s11 =	sshrl.u32 s16, $0x3;
	s16 =	sadd.s32 s9, s23  }
0x14: {  	s18 =	sadd.s32 s9, s25;
	s25 =	ssub.s32 $0xA24, s5;
	s0 =	simm.s32 @p1 $0x1  }
0x15: {  	s11 =	sadd.s32 s8, s11;
	s26 =	sshrl.u32 s16, $0x3;
	[dreg:$0x5] =	wrdreg s25  }
0x16: {  	s16 =	sshrl.u32 s18, $0x3;
	s21 =	sadd.s32 s9, s20;
	[smem:$0x7FD] =	sst s0  }
0x17: {  	s18 =	sshll.u32 s5, $0x5;
	[dreg:$0x9] =	wrdreg s11;
	s11 =	sadd.s32 s8, s22  }
0x18: {  	s20 =	smul.u32 $0xA000, s4;
	s23 =	sadd.s32 s8, s16;
	[dreg:$0xa] =	wrdreg s11  }
0x19: {  	s22 =	smul.u32 $0x2800, s19;
	s16 =	ssub.s32 $0xA04, s5;
	[dreg:$0xd] =	wrdreg s23  }
0x1a: {  	s11 =	sshrl.u32 s24, $0x3;
	s24 =	sshrl.u32 s21, $0x3;
	[dreg:$0x7] =	wrdreg s16  }
0x1b: {  	s16 =	sadd.s32 s6, s18;
	s21 =	smul.u32 $0xA000, s10;
	s6 =	sadd.s32 s7, s6  }
0x1c: {  	s23 =	sshll.u32 s4, $0x5;
	s11 =	sadd.s32 s8, s11;
	s9 =	sadd.s32 s9, s22  }
0x1d: {  	s22 =	smul.u32 $0xA000, s12;
	s6 =	sadd.s32 s23, s6;
	[dreg:$0x10] =	wrdreg s16  }
0x1e: {  	s25 =	sadd.s32 $0x400, s16;
	s12 =	smul.u32 $0xA000, s15;
	[dreg:$0xb] =	wrdreg s11  }
0x1f: {  	s11 =	sadd.s32 s8, s26;
	s26 =	ssub.s32 $0x9E4, s5;
	[dreg:$0x11] =	wrdreg s25  }
0x20: {  	[dreg:$0xc] =	wrdreg s11;
	s11 =	sadd.s32 s8, s24;
	s24 =	smul.u32 $0xA000, s13  }
0x21: {  	s9 =	sshrl.u32 s9, $0x3;
	[dreg:$0x6] =	wrdreg s26;
	s26 =	smul.u32 $0xA000, s14  }
0x22: {  	s8 =	sadd.s32 s8, s9;
	s9 =	sshrl.u32 s21, $0x2;
	s13 =	smul.u32 $0xA000, s17  }
0x23: {  	s10 =	sshrl.u32 s22, $0x2;
	s22 =	smul.u32 $0xA000, s19;
	[dreg:$0xe] =	wrdreg s11  }
0x24: {  	s23 =	sshrl.u32 s12, $0x2;
	[dreg:$0xf] =	wrdreg s8;
	s8 =	sshrl.u32 s20, $0x2  }
0x25: {  	s14 =	sadd.s32 s9, s2;
	s15 =	sadd.s32 s10, s2;
	s20 =	sadd.s32 s23, s2  }
0x26: {  	s10 =	simm.s32 $0x0;
	s18 =	sadd.s32 s8, s2;
	s21 =	sshrl.u32 s24, $0x2  }
0x27: {  	s7 =	sshrl.u32 s26, $0x2;
	s26 =	sadd.s32 $0x800, s16;
	[dreg:$0x14] =	wrdreg s20  }
0x28: {  	s24 =	sshrl.u32 s13, $0x2;
	s17 =	sadd.s32 s21, s2;
	[dreg:$0x18] =	wrdreg s26  }
0x29: {  	s25 =	sshrl.u32 s22, $0x2;
	s19 =	sadd.s32 s7, s2;
	[dreg:$0x12] =	wrdreg s17  }
0x2a: {  	s8 =	simm.s32 $0x8;
	s21 =	sadd.s32 s24, s2;
	[dreg:$0x13] =	wrdreg s19  }
0x2b: {  	s24 =	sadd.s32 s25, s2;
	s25 =	sadd.s32 $0x1000, s6;
	[dreg:$0x15] =	wrdreg s21  }
0x2c: {  	v0 =	vimm.f32 $0.0e+00;
	s6 =	simm.s32 $0x7;
	s7 =	simm.s32 $0x6;
	[dreg:$0x16] =	wrdreg s24  }
.LBB2_1:
0x2d: {  	s9 =	rddreg [dreg:$0x10]  }
0x2e: {  	s22 =	rddreg [dreg:$0x11]  }
0x2f: {  	[tilespmem:s3], [sflag:$0x1] =	stream.linear.gather [hbm4b:s9+s3], $0x80, $0x38;
	[tilespmem:$0x1FB80] =	vst v63  }
0x30: {  	s0 =	simm.s32 $0x80;
	s23 =	rddreg [dreg:$0x18]  }
0x31: {  	[tilespmem:s0], [sflag:$0x2] =	stream.linear.gather [hbm4b:s22+s3], $0x80, $0x38;
	[tilespmem:$0x1FB80] =	vst v63  }
0x32: {  	s26 =	simm.s32 $0x100;
	s11 =	simm.s32 $0x200;
	s9 =	simm.s32 $0x0  }
0x33: {  	[tilespmem:s26], [sflag:$0x3] =	stream.linear.gather [hbm4b:s23+s3], $0x80, $0x38;
	[tilespmem:$0x1FB80] =	vst v63  }
.LBB2_2:
0x34: {  	p0 =	sne.s32 s11, $0x9E00;
	[tilespmem:s9+$0x8370] =	vst v0  }
0x35: {  	[tilespmem:s9+$0x8300] =	vst v0  }
0x36: {  	[tilespmem:s9+$0x8310] =	vst v0  }
.Ltmp0:
0x37: {  	[tilespmem:s9+$0x8320] =	vst v0;
	(pc) =	sbr.rel @p0 .LBB2_2-.Ltmp0, $4  }
0x38: {  	[tilespmem:s9+$0x8330] =	vst v0  }
0x39: {  	[tilespmem:s9+$0x8340] =	vst v0  }
0x3a: {  	[tilespmem:s9+$0x8350] =	vst v0  }
0x3b: {  	[tilespmem:s9+$0x8360] =	vst v0;
	s9 =	sshra.s32 s11, $0x2;
	s11 =	sadd.s32 $0x200, s11  }
0x3c: {  	[tilespmem:s9+$0x8370] =	vst v0  }
0x3d: {  	[tilespmem:s9+$0x8300] =	vst v0  }
0x3e: {  	[tilespmem:s9+$0x8310] =	vst v0  }
0x3f: {  	[tilespmem:s9+$0x8320] =	vst v0  }
0x40: {  	[tilespmem:s9+$0x8330] =	vst v0  }
0x41: {  	[tilespmem:s9+$0x8340] =	vst v0  }
0x42: {  	[tilespmem:s9+$0x8350] =	vst v0  }
0x43: {  	[tilespmem:s9+$0x8360] =	vst v0  }
0x44: {  	[spmem:s18] =	stream.linear.scatter [tilespmem:s30], [sflag:$0xA], $0x2800, $0x38;
	[tilespmem:$0x1FB80] =	vst v63  }
0x45: {  	_ = 	snop  }
0x46: {  	[spmem:s14] =	stream.linear.scatter [tilespmem:s30], [sflag:$0xA], $0x2800, $0x38;
	[tilespmem:$0x1FB80] =	vst v63  }
0x47: {  	_ = 	snop  }
0x48: {  	[spmem:s15] =	stream.linear.scatter [tilespmem:s30], [sflag:$0xA], $0x2800, $0x38;
	[tilespmem:$0x1FB80] =	vst v63  }
0x49: {  	_ = 	snop  }
0x4a: {  	[spmem:s17] =	stream.linear.scatter [tilespmem:s30], [sflag:$0xA], $0x2800, $0x38;
	[tilespmem:$0x1FB80] =	vst v63  }
0x4b: {  	_ = 	snop  }
0x4c: {  	[spmem:s19] =	stream.linear.scatter [tilespmem:s30], [sflag:$0xA], $0x2800, $0x38;
	[tilespmem:$0x1FB80] =	vst v63  }
0x4d: {  	_ = 	snop  }
0x4e: {  	[spmem:s20] =	stream.linear.scatter [tilespmem:s30], [sflag:$0xA], $0x2800, $0x38;
	[tilespmem:$0x1FB80] =	vst v63  }
0x4f: {  	_ = 	snop  }
0x50: {  	[spmem:s21] =	stream.linear.scatter [tilespmem:s30], [sflag:$0xA], $0x2800, $0x38;
	[tilespmem:$0x1FB80] =	vst v63  }
0x51: {  	s9 =	simm.s32 @!p1 $0x8300  }
0x52: {  	[spmem:s24] =	stream.linear.scatter @!p1 [tilespmem:s9], [sflag:$0xA], $0x2800, $0x38;
	[tilespmem:$0x1FB80] =	vst v63  }
0x53: {  	s11 =	rddreg [dreg:$0x5];
	p1 =	por $0x1, $0x1  }
0x54: {  	p0 =	sle.u32 @!p1 s11, $0x0  }
0x55: {  	p2 =	por p0, p1  }
0x56: {  	s11 =	simm.s32 @!p2 $0x7  }
0x57: {  	s21 =	sadd.s32 $0x0, s5;
	_ =	swait.ge @!p2 [sflag:s11], $0x4000  }
0x58: {  	p0 =	sgt.u32 s21, $0x9C3;
	[sflag:s11] =	ssyncset.done @!p2 $0x0  }
0x59: {  	s23 =	smov.u32 s14;
	s12 =	simm.s32 @!p0 $0x1;
	[sflag:s11] =	ssyncadd.s32 @!p2 $0xFFFFC000  }
0x5a: {  	p6 =	por $0x0, $0x0;
	s14 =	simm.s32 @!p0 $0x0;
	_ =	swait.ge @!p0 [sflag:s12], $0x80  }
0x5b: {  	s11 =	simm.s32 @!p0 $0x300;
	[sflag:s12] =	ssyncset.done @!p0 $0x0;
	s13 =	rddreg [dreg:$0x6]  }
0x5c: {  	[sflag:s12] =	ssyncadd.s32 @!p0 $0xFFFFFF80;
	s12 =	simm.s32 @!p0 $0x80;
	p3 =	sgt.u32 s13, $0x0  }
0x5d: {  	[tilespmem:s11], [sflag:$0x4] =	stream.indirect.gather @!p0 [hbm4b:s1+s12], $0x80, s14, s12, $0xb8;
	[tilespmem:$0x1FB80] =	vst v63  }
0x5e: {  	p2 =	por !p6, !p3  }
0x5f: {  	p2 =	por !p2, !p2  }
0x60: {  	s13 =	sadd.s32 @p2 $0x0, s5  }
0x61: {  	s0 =	smov.u32 s15;
	s17 =	sadd.s32 @!p0 $0xFFFFF010, s25;
	s16 =	sadd.s32 @p2 $0x40, s13  }
0x62: {  	s15 =	simm.s32 @p2 $0x6;
	s13 =	simm.s32 @!p0 $0x180;
	p3 =	sgt.u32 @p2 s16, $0x9C3  }
0x63: {  	[tilespmem:s13], [sflag:$0x7] =	stream.linear.gather @!p0 [hbm4b:s17+s14], $0x80, $0x38;
	[tilespmem:$0x1FB80] =	vst v63  }
0x64: {  	_ =	swait.ge @p2 [sflag:s15], $0x4000;
	p3 =	por p3, !p2  }
0x65: {  	[sflag:s15] =	ssyncset.done @p2 $0x0;
	s14 =	sadd.s32 @!p3 $0xFFFFF800, s25;
	s16 =	simm.s32 @!p3 $0x100  }
0x66: {  	s17 =	simm.s32 @!p3 $0x0;
	[sflag:s15] =	ssyncadd.s32 @p2 $0xFFFFC000;
	s15 =	simm.s32 @p2 $0x9  }
0x67: {  	[tilespmem:s16], [sflag:$0x3] =	stream.linear.gather @!p3 [hbm4b:s14+s17], $0x80, $0x38;
	[tilespmem:$0x1FB80] =	vst v63  }
0x68: {  	s22 =	smov.u32 s18;
	s18 =	simm.s32 @p2 $0x280;
	_ =	swait.ge @p2 [sflag:s15], $0x80  }
0x69: {  	s14 =	simm.s32 @p2 $0x8300;
	[sflag:s15] =	ssyncset.done @p2 $0x0;
	s16 =	rddreg [dreg:$0x7]  }
0x6a: {  	s17 =	simm.s32 @p2 $0x80;
	[sflag:s15] =	ssyncadd.s32 @p2 $0xFFFFFF80;
	p3 =	sle.u32 @!p1 s16, $0x0  }
0x6b: {  	[spmem:s2] =	stream.indirect.scatter.add.f32 @p2 [tilespmem:s14], [sflag:$0x9], $0x80, s18, s17, $0xb8;
	[tilespmem:$0x1FB80] =	vst v63  }
0x6c: {  	p3 =	por p3, p1  }
0x6d: {  	s14 =	simm.s32 @!p3 $0x8  }
0x6e: {  	s26 =	sadd.s32 $0x20, s21;
	_ =	swait.ge @!p3 [sflag:s14], $0x4000  }
0x6f: {  	p1 =	sgt.u32 s26, $0x9C3;
	[sflag:s14] =	ssyncset.done @!p3 $0x0  }
0x70: {  	s16 =	simm.s32 @!p1 $0x2;
	[sflag:s14] =	ssyncadd.s32 @!p3 $0xFFFFC000  }
0x71: {  	_ =	swait.ge @!p1 [sflag:s16], $0x80  }
0x72: {  	[sflag:s16] =	ssyncset.done @!p1 $0x0  }
0x73: {  	s26 =	simm.s32 @!p1 $0x80;
	s14 =	simm.s32 @!p1 $0x4300;
	[sflag:s16] =	ssyncadd.s32 @!p1 $0xFFFFFF80  }
0x74: {  	[tilespmem:s14], [sflag:$0x5] =	stream.indirect.gather @!p1 [hbm4b:s1+s26], $0x80, s26, s26, $0xb8;
	[tilespmem:$0x1FB80] =	vst v63  }
0x75: {  	s24 =	simm.s32 @!p1 $0x200;
	s17 =	simm.s32 @!p1 $0x0;
	s16 =	sadd.s32 @!p1 $0xFFFFF410, s25  }
0x76: {  	[tilespmem:s24], [sflag:$0x8] =	stream.linear.gather @!p1 [hbm4b:s16+s17], $0x80, $0x38;
	[tilespmem:$0x1FB80] =	vst v63  }
0x77: {  	s16 =	simm.s32 @!p0 $0x4  }
0x78: {  	p4 =	por @!p0 $0x0, $0x0;
	_ =	swait.ge @!p0 [sflag:s16], $0x4000  }
0x79: {  	p3 =	por p4, p0;
	[sflag:s16] =	ssyncset.done @!p0 $0x0  }
0x7a: {  	s17 =	simm.s32 @!p3 $0xA;
	[sflag:s16] =	ssyncadd.s32 @!p0 $0xFFFFC000  }
0x7b: {  	_ =	swait.ge @!p3 [sflag:s17], $0x2800  }
0x7c: {  	[sflag:s17] =	ssyncset.done @!p3 $0x0  }
0x7d: {  	[sflag:s17] =	ssyncadd.s32 @!p3 $0xFFFFD800  }
0x7e: {  	_ =	swait.ge @!p3 [sflag:s17], $0x2800  }
0x7f: {  	[sflag:s17] =	ssyncset.done @!p3 $0x0  }
0x80: {  	[sflag:s17] =	ssyncadd.s32 @!p3 $0xFFFFD800  }
0x81: {  	_ =	swait.ge @!p3 [sflag:s17], $0x2800  }
0x82: {  	[sflag:s17] =	ssyncset.done @!p3 $0x0  }
0x83: {  	[sflag:s17] =	ssyncadd.s32 @!p3 $0xFFFFD800  }
0x84: {  	_ =	swait.ge @!p3 [sflag:s17], $0x2800  }
0x85: {  	[sflag:s17] =	ssyncset.done @!p3 $0x0  }
0x86: {  	[sflag:s17] =	ssyncadd.s32 @!p3 $0xFFFFD800  }
0x87: {  	_ =	swait.ge @!p3 [sflag:s17], $0x2800  }
0x88: {  	[sflag:s17] =	ssyncset.done @!p3 $0x0  }
0x89: {  	[sflag:s17] =	ssyncadd.s32 @!p3 $0xFFFFD800  }
0x8a: {  	_ =	swait.ge @!p3 [sflag:s17], $0x2800  }
0x8b: {  	[sflag:s17] =	ssyncset.done @!p3 $0x0  }
0x8c: {  	p5 =	sgt.u32 @!p3 s4, $0xC;
	[sflag:s17] =	ssyncadd.s32 @!p3 $0xFFFFD800  }
0x8d: {  	p4 =	por @!p0 p5, p4;
	_ =	swait.ge @!p3 [sflag:s17], $0x2800  }
0x8e: {  	p4 =	por p4, p0;
	[sflag:s17] =	ssyncset.done @!p3 $0x0  }
0x8f: {  	s16 =	sadd.s32 @!p0 $0x0, s5;
	[sflag:s17] =	ssyncadd.s32 @!p3 $0xFFFFD800;
	s17 =	simm.s32 @!p4 $0xA  }
0x90: {  	s16 =	sadd.s32 @!p0 $0x60, s16;
	_ =	swait.ge @!p4 [sflag:s17], $0x2800  }
0x91: {  	p5 =	sgt.u32 @!p0 s16, $0x9C3;
	[sflag:s17] =	ssyncset.done @!p4 $0x0  }
0x92: {  	[sflag:s17] =	ssyncadd.s32 @!p4 $0xFFFFD800;
	p4 =	por p5, p0  }
0x93: {  	[bflag:$0x0] =	sbarrier.arrive @!p3 $0xFFFF;
	s16 =	sadd.s32 @!p4 $0xFFFFFC00, s25;
	s17 =	simm.s32 @!p4 $0x0  }
0x94: {  	[tilespmem:s17], [sflag:$0x1] =	stream.linear.gather @!p4 [hbm4b:s16+s17], $0x80, $0x38;
	[tilespmem:$0x1FB80] =	vst v63  }
0x95: {  	s16 =	simm.s32 @!p0 $0x7  }
0x96: {  	_ =	swait.ge @!p0 [sflag:s16], $0x80  }
0x97: {  	[sflag:s16] =	ssyncset.done @!p0 $0x0  }
0x98: {  	[sflag:s16] =	ssyncadd.s32 @!p0 $0xFFFFFF80  }
0x99: {  	[spmem:s2] =	stream.indirect.scatter.add.f32 @!p0 [tilespmem:s11], [sflag:$0x7], $0x80, s13, s12, $0xb8;
	[tilespmem:$0x1FB80] =	vst v63  }
0x9a: {  	s9 =	sadd.s32 $0x40, s21;
	_ =	swait.ge @p2 [sflag:s15], $0x4000  }
0x9b: {  	p0 =	sgt.u32 s9, $0x9C3;
	[sflag:s15] =	ssyncset.done @p2 $0x0  }
0x9c: {  	s9 =	simm.s32 @!p0 $0x3;
	[sflag:s15] =	ssyncadd.s32 @p2 $0xFFFFC000  }
0x9d: {  	_ =	swait.ge @!p0 [sflag:s9], $0x80  }
0x9e: {  	s11 =	sadd.s32 @!p1 $0x0, s5;
	s12 =	simm.s32 @!p0 $0x8300;
	[sflag:s9] =	ssyncset.done @!p0 $0x0  }
0x9f: {  	s13 =	simm.s32 @!p0 $0x80;
	[sflag:s9] =	ssyncadd.s32 @!p0 $0xFFFFFF80;
	s9 =	simm.s32 @!p0 $0x100  }
0xa0: {  	[tilespmem:s12], [sflag:$0x6] =	stream.indirect.gather @!p0 [hbm4b:s1+s13], $0x80, s9, s13, $0xb8;
	[tilespmem:$0x1FB80] =	vst v63  }
0xa1: {  	s9 =	simm.s32 @!p0 $0x280;
	s12 =	sadd.s32 @!p0 $0xFFFFF810, s25;
	s13 =	simm.s32 @!p0 $0x0  }
0xa2: {  	[tilespmem:s9], [sflag:$0x9] =	stream.linear.gather @!p0 [hbm4b:s12+s13], $0x80, $0x38;
	[tilespmem:$0x1FB80] =	vst v63  }
0xa3: {  	s9 =	sadd.s32 @!p1 $0x80, s11;
	s11 =	simm.s32 @!p1 $0x5  }
0xa4: {  	p0 =	sgt.u32 @!p1 s9, $0x9C3;
	_ =	swait.ge @!p1 [sflag:s11], $0x4000  }
0xa5: {  	p0 =	por p0, p1;
	[sflag:s11] =	ssyncset.done @!p1 $0x0  }
0xa6: {  	s9 =	simm.s32 @!p0 $0x0;
	s12 =	simm.s32 @!p0 $0x80;
	[sflag:s11] =	ssyncadd.s32 @!p1 $0xFFFFC000  }
0xa7: {  	[tilespmem:s12], [sflag:$0x2] =	stream.linear.gather @!p0 [hbm4b:s25+s9], $0x80, $0x38;
	[tilespmem:$0x1FB80] =	vst v63  }
0xa8: {  	s15 =	simm.s32 $0xC0;
	s9 =	simm.s32 @!p1 $0x8  }
0xa9: {  	s13 =	simm.s32 $0x60;
	s11 =	sadd.s32 $0xC00, s25;
	_ =	swait.ge @!p1 [sflag:s9], $0x80  }
.LBB2_4:
0xaa: {  	s19 =	smov.u32 s15;
	s15 =	sadd.s32 $0x60, s15  }
0xab: {  	s12 =	rddreg [dreg:$0x5];
	[sflag:s9] =	ssyncset.done @!p1 $0x0;
	p0 =	sne.s32 s15, $0xAE0  }
0xac: {  	p6 =	seq.s32 s13, $0x0;
	[sflag:s9] =	ssyncadd.s32 @!p1 $0xFFFFFF80;
	s16 =	simm.s32 @!p0 $0x0  }
0xad: {  	[spmem:s2] =	stream.indirect.scatter.add.f32 @!p1 [tilespmem:s14], [sflag:$0x8], $0x80, s24, s26, $0xb8;
	[tilespmem:$0x1FB80] =	vst v63  }
0xae: {  	s16 =	simm.s32 @p0 $0x1;
	p0 =	sge.u32 @!p6 s13, s12  }
0xaf: {  	p0 =	por p0, p6  }
0xb0: {  	s18 =	sadd.s32 s13, s5;
	[smem:$0x7FC] =	sst s16;
	s9 =	simm.s32 @!p0 $0x7  }
0xb1: {  	p4 =	sne.s32 s13, $0x0;
	p3 =	sgt.u32 s18, $0x9C3;
	_ =	swait.ge @!p0 [sflag:s9], $0x4000  }
0xb2: {  	s14 =	sadd.s32 $0x20, s18;
	s17 =	sadd.s32 @!p3 s13, s5;
	[sflag:s9] =	ssyncset.done @!p0 $0x0  }
0xb3: {  	s24 =	simm.s32 @!p3 $0x0;
	s16 =	simm.s32 @!p3 $0x1;
	[sflag:s9] =	ssyncadd.s32 @!p0 $0xFFFFC000  }
0xb4: {  	s12 =	simm.s32 @!p3 $0x300;
	s17 =	sadd.s32 @!p3 $0x60, s17;
	_ =	swait.ge @!p3 [sflag:s16], $0x80  }
0xb5: {  	s9 =	sadd.s32 $0x40, s18;
	[sflag:s16] =	ssyncset.done @!p3 $0x0;
	s18 =	rddreg [dreg:$0x6]  }
0xb6: {  	[sflag:s16] =	ssyncadd.s32 @!p3 $0xFFFFFF80;
	s16 =	simm.s32 @!p3 $0x80;
	p5 =	slt.u32 s13, s18  }
0xb7: {  	[tilespmem:s12], [sflag:$0x4] =	stream.indirect.gather @!p3 [hbm4b:s1+s16], $0x80, s24, s16, $0xb8;
	[tilespmem:$0x1FB80] =	vst v63  }
0xb8: {  	p1 =	sgt.u32 @!p3 s17, $0x9C3;
	p0 =	por !p4, !p5  }
0xb9: {  	p4 =	por !p0, !p0;
	p0 =	por p1, p3  }
0xba: {  	s20 =	sadd.s32 @!p3 $0xFFFFF010, s11;
	s17 =	simm.s32 @!p0 $0x0;
	s26 =	sadd.s32 @p4 s13, s5  }
0xbb: {  	s18 =	simm.s32 @p4 $0x6;
	s17 =	simm.s32 @p0 $0x1;
	s26 =	sadd.s32 @p4 $0x40, s26  }
0xbc: {  	[smem:$0x7FB] =	sst s17;
	s17 =	simm.s32 @!p3 $0x180;
	p0 =	sgt.u32 @p4 s26, $0x9C3  }
0xbd: {  	[tilespmem:s17], [sflag:$0x7] =	stream.linear.gather @!p3 [hbm4b:s20+s24], $0x80, $0x38;
	[tilespmem:$0x1FB80] =	vst v63  }
0xbe: {  	p0 =	por p0, !p4;
	_ =	swait.ge @p4 [sflag:s18], $0x4000  }
0xbf: {  	s20 =	sadd.s32 @!p0 $0xFFFFF800, s11;
	s24 =	simm.s32 @!p0 $0x100;
	[sflag:s18] =	ssyncset.done @p4 $0x0  }
0xc0: {  	s26 =	simm.s32 @!p0 $0x0;
	[sflag:s18] =	ssyncadd.s32 @p4 $0xFFFFC000;
	s18 =	simm.s32 @p4 $0x9  }
0xc1: {  	[tilespmem:s24], [sflag:$0x3] =	stream.linear.gather @!p0 [hbm4b:s20+s26], $0x80, $0x38;
	[tilespmem:$0x1FB80] =	vst v63  }
0xc2: {  	s21 =	simm.s32 @p4 $0x280;
	_ =	swait.ge @p4 [sflag:s18], $0x80  }
0xc3: {  	s20 =	simm.s32 @p4 $0x8300;
	[sflag:s18] =	ssyncset.done @p4 $0x0;
	s24 =	rddreg [dreg:$0x7]  }
0xc4: {  	s26 =	simm.s32 @p4 $0x80;
	[sflag:s18] =	ssyncadd.s32 @p4 $0xFFFFFF80;
	p0 =	sge.u32 @!p6 s13, s24  }
0xc5: {  	[spmem:s2] =	stream.indirect.scatter.add.f32 @p4 [tilespmem:s20], [sflag:$0x9], $0x80, s21, s26, $0xb8;
	[tilespmem:$0x1FB80] =	vst v63  }
0xc6: {  	p0 =	por p0, p6  }
0xc7: {  	s20 =	simm.s32 @!p0 $0x8  }
0xc8: {  	_ =	swait.ge @!p0 [sflag:s20], $0x4000  }
0xc9: {  	p2 =	sne.s32 @!p3 s13, $0x0;
	p1 =	sgt.u32 s14, $0x9C3;
	[sflag:s20] =	ssyncset.done @!p0 $0x0  }
0xca: {  	s13 =	sadd.s32 @!p1 s13, s5;
	s21 =	simm.s32 @!p1 $0x2;
	[sflag:s20] =	ssyncadd.s32 @!p0 $0xFFFFC000  }
0xcb: {  	s24 =	simm.s32 @!p1 $0x200;
	s14 =	sadd.s32 @!p1 $0x80, s13;
	_ =	swait.ge @!p1 [sflag:s21], $0x80  }
0xcc: {  	s13 =	smov.u32 s19;
	s26 =	simm.s32 @!p1 $0x80;
	[sflag:s21] =	ssyncset.done @!p1 $0x0  }
0xcd: {  	p0 =	sgt.u32 @!p1 s14, $0x9C3;
	s14 =	simm.s32 @!p1 $0x4300;
	[sflag:s21] =	ssyncadd.s32 @!p1 $0xFFFFFF80  }
0xce: {  	[tilespmem:s14], [sflag:$0x5] =	stream.indirect.gather @!p1 [hbm4b:s1+s26], $0x80, s26, s26, $0xb8;
	[tilespmem:$0x1FB80] =	vst v63  }
0xcf: {  	s19 =	sadd.s32 @!p1 $0xFFFFF410, s11;
	s20 =	simm.s32 @!p1 $0x0;
	s21 =	simm.s32 @!p3 $0x4  }
0xd0: {  	[tilespmem:s24], [sflag:$0x8] =	stream.linear.gather @!p1 [hbm4b:s19+s20], $0x80, $0x38;
	[tilespmem:$0x1FB80] =	vst v63  }
0xd1: {  	_ =	swait.ge @!p3 [sflag:s21], $0x4000  }
0xd2: {  	p6 =	por p0, p1;
	p0 =	por p2, p3;
	[sflag:s21] =	ssyncset.done @!p3 $0x0  }
0xd3: {  	s19 =	simm.s32 @!p0 $0xA;
	[sflag:s21] =	ssyncadd.s32 @!p3 $0xFFFFC000  }
0xd4: {  	_ =	swait.ge @!p0 [sflag:s19], $0x2800  }
0xd5: {  	[sflag:s19] =	ssyncset.done @!p0 $0x0  }
0xd6: {  	[sflag:s19] =	ssyncadd.s32 @!p0 $0xFFFFD800  }
0xd7: {  	_ =	swait.ge @!p0 [sflag:s19], $0x2800  }
0xd8: {  	[sflag:s19] =	ssyncset.done @!p0 $0x0  }
0xd9: {  	[sflag:s19] =	ssyncadd.s32 @!p0 $0xFFFFD800  }
0xda: {  	_ =	swait.ge @!p0 [sflag:s19], $0x2800  }
0xdb: {  	[sflag:s19] =	ssyncset.done @!p0 $0x0  }
0xdc: {  	[sflag:s19] =	ssyncadd.s32 @!p0 $0xFFFFD800  }
0xdd: {  	_ =	swait.ge @!p0 [sflag:s19], $0x2800  }
0xde: {  	[sflag:s19] =	ssyncset.done @!p0 $0x0  }
0xdf: {  	[sflag:s19] =	ssyncadd.s32 @!p0 $0xFFFFD800  }
0xe0: {  	_ =	swait.ge @!p0 [sflag:s19], $0x2800  }
0xe1: {  	[sflag:s19] =	ssyncset.done @!p0 $0x0  }
0xe2: {  	[sflag:s19] =	ssyncadd.s32 @!p0 $0xFFFFD800  }
0xe3: {  	_ =	swait.ge @!p0 [sflag:s19], $0x2800  }
0xe4: {  	[sflag:s19] =	ssyncset.done @!p0 $0x0  }
0xe5: {  	p5 =	sgt.u32 @!p0 s4, $0xC;
	[sflag:s19] =	ssyncadd.s32 @!p0 $0xFFFFD800  }
0xe6: {  	p2 =	por @!p3 p5, p2;
	_ =	swait.ge @!p0 [sflag:s19], $0x2800  }
0xe7: {  	p2 =	por p2, p3;
	[sflag:s19] =	ssyncset.done @!p0 $0x0  }
0xe8: {  	s20 =	simm.s32 @!p2 $0xA;
	[sflag:s19] =	ssyncadd.s32 @!p0 $0xFFFFD800  }
0xe9: {  	_ =	swait.ge @!p2 [sflag:s20], $0x2800  }
0xea: {  	[sflag:s20] =	ssyncset.done @!p2 $0x0  }
0xeb: {  	[sflag:s20] =	ssyncadd.s32 @!p2 $0xFFFFD800;
	s20 =	sld [smem:$0x7FB];
	_ =	sdelay $0x2  }
0xec: {  	s21 =	simm.s32 @!p3 $0x7;
	p2 =	seq.s32 s20, $0x1  }
0xed: {  	[bflag:$0x0] =	sbarrier.arrive @!p0 $0xFFFF;
	s19 =	sadd.s32 @!p2 $0xFFFFFC00, s11;
	s20 =	simm.s32 @!p2 $0x0  }
0xee: {  	[tilespmem:s20], [sflag:$0x1] =	stream.linear.gather @!p2 [hbm4b:s19+s20], $0x80, $0x38;
	[tilespmem:$0x1FB80] =	vst v63  }
0xef: {  	_ =	swait.ge @!p3 [sflag:s21], $0x80  }
0xf0: {  	[sflag:s21] =	ssyncset.done @!p3 $0x0  }
0xf1: {  	[sflag:s21] =	ssyncadd.s32 @!p3 $0xFFFFFF80  }
0xf2: {  	[spmem:s2] =	stream.indirect.scatter.add.f32 @!p3 [tilespmem:s12], [sflag:$0x7], $0x80, s17, s16, $0xb8;
	[tilespmem:$0x1FB80] =	vst v63  }
0xf3: {  	_ =	swait.ge @p4 [sflag:s18], $0x4000  }
0xf4: {  	p0 =	sgt.u32 s9, $0x9C3;
	[sflag:s18] =	ssyncset.done @p4 $0x0  }
0xf5: {  	s9 =	simm.s32 @!p0 $0x3;
	[sflag:s18] =	ssyncadd.s32 @p4 $0xFFFFC000  }
0xf6: {  	_ =	swait.ge @!p0 [sflag:s9], $0x80  }
0xf7: {  	s19 =	simm.s32 @!p0 $0x0;
	s12 =	simm.s32 @!p0 $0x8300;
	[sflag:s9] =	ssyncset.done @!p0 $0x0  }
0xf8: {  	s17 =	simm.s32 @!p0 $0x80;
	s18 =	simm.s32 @!p0 $0x100;
	[sflag:s9] =	ssyncadd.s32 @!p0 $0xFFFFFF80  }
0xf9: {  	[tilespmem:s12], [sflag:$0x6] =	stream.indirect.gather @!p0 [hbm4b:s1+s17], $0x80, s18, s17, $0xb8;
	[tilespmem:$0x1FB80] =	vst v63  }
0xfa: {  	s16 =	simm.s32 @!p0 $0x280;
	s9 =	sadd.s32 @!p0 $0xFFFFF810, s11;
	s12 =	simm.s32 @!p1 $0x5  }
0xfb: {  	[tilespmem:s16], [sflag:$0x9] =	stream.linear.gather @!p0 [hbm4b:s9+s19], $0x80, $0x38;
	[tilespmem:$0x1FB80] =	vst v63  }
0xfc: {  	_ =	swait.ge @!p1 [sflag:s12], $0x4000  }
0xfd: {  	s17 =	simm.s32 @!p6 $0x80;
	[sflag:s12] =	ssyncset.done @!p1 $0x0  }
0xfe: {  	s16 =	simm.s32 @!p6 $0x0;
	s9 =	simm.s32 @!p1 $0x8;
	[sflag:s12] =	ssyncadd.s32 @!p1 $0xFFFFC000  }
0xff: {  	[tilespmem:s17], [sflag:$0x2] =	stream.linear.gather @!p6 [hbm4b:s11+s16], $0x80, $0x38;
	[tilespmem:$0x1FB80] =	vst v63  }
0x100: {  	_ =	swait.ge @!p1 [sflag:s9], $0x80  }
0x101: {  	s21 =	sld [smem:$0x7FC];
	_ =	sdelay $0x2  }
0x102: {  	p0 =	seq.s32 s21, $0x1  }
.Ltmp1:
0x103: {  	_ = 	snop;
	(pc) =	sbr.rel @p0 .LBB2_4-.Ltmp1, $2  }
0x104: {  	_ =	sdelay $0x2  }
0x105: {  	s11 =	sadd.s32 $0xC00, s11  }
0x106: {  	s12 =	rddreg [dreg:$0x5];
	[sflag:s9] =	ssyncset.done @!p1 $0x0;
	p2 =	seq.s32 s13, $0x0  }
0x107: {  	[sflag:s9] =	ssyncadd.s32 @!p1 $0xFFFFFF80;
	p0 =	sge.u32 @!p2 s13, s12  }
0x108: {  	[spmem:s2] =	stream.indirect.scatter.add.f32 @!p1 [tilespmem:s14], [sflag:$0x8], $0x80, s24, s26, $0xb8;
	[tilespmem:$0x1FB80] =	vst v63  }
0x109: {  	p1 =	por p0, p2  }
0x10a: {  	s12 =	simm.s32 @!p1 $0x7  }
0x10b: {  	s24 =	sadd.s32 s13, s5;
	_ =	swait.ge @!p1 [sflag:s12], $0x4000  }
0x10c: {  	p0 =	sgt.u32 s24, $0x9C3;
	[sflag:s12] =	ssyncset.done @!p1 $0x0  }
0x10d: {  	s14 =	simm.s32 @!p0 $0x1;
	[sflag:s12] =	ssyncadd.s32 @!p1 $0xFFFFC000  }
0x10e: {  	p6 =	sne.s32 s13, $0x0;
	s16 =	simm.s32 @!p0 $0x0;
	_ =	swait.ge @!p0 [sflag:s14], $0x80  }
0x10f: {  	s12 =	simm.s32 @!p0 $0x300;
	[sflag:s14] =	ssyncset.done @!p0 $0x0;
	s15 =	rddreg [dreg:$0x6]  }
0x110: {  	[sflag:s14] =	ssyncadd.s32 @!p0 $0xFFFFFF80;
	s14 =	simm.s32 @!p0 $0x80;
	p3 =	slt.u32 s13, s15  }
0x111: {  	[tilespmem:s12], [sflag:$0x4] =	stream.indirect.gather @!p0 [hbm4b:s1+s14], $0x80, s16, s14, $0xb8;
	[tilespmem:$0x1FB80] =	vst v63  }
0x112: {  	p1 =	por !p6, !p3  }
0x113: {  	s19 =	sadd.s32 @!p0 $0xFFFFF010, s11;
	p1 =	por !p1, !p1  }
0x114: {  	s17 =	simm.s32 @!p0 $0x180;
	s15 =	sadd.s32 @p1 s13, s5;
	s18 =	simm.s32 @p1 $0x6  }
0x115: {  	[tilespmem:s17], [sflag:$0x7] =	stream.linear.gather @!p0 [hbm4b:s19+s16], $0x80, $0x38;
	[tilespmem:$0x1FB80] =	vst v63  }
0x116: {  	s15 =	sadd.s32 @p1 $0x40, s15;
	_ =	swait.ge @p1 [sflag:s18], $0x4000  }
0x117: {  	p3 =	sgt.u32 @p1 s15, $0x9C3;
	[sflag:s18] =	ssyncset.done @p1 $0x0  }
0x118: {  	s19 =	simm.s32 @p1 $0x9;
	p3 =	por p3, !p1;
	[sflag:s18] =	ssyncadd.s32 @p1 $0xFFFFC000  }
0x119: {  	s15 =	sadd.s32 @!p3 $0xFFFFF800, s11;
	s16 =	simm.s32 @!p3 $0x100;
	s18 =	simm.s32 @!p3 $0x0  }
0x11a: {  	[tilespmem:s16], [sflag:$0x3] =	stream.linear.gather @!p3 [hbm4b:s15+s18], $0x80, $0x38;
	[tilespmem:$0x1FB80] =	vst v63  }
0x11b: {  	s20 =	simm.s32 @p1 $0x280;
	_ =	swait.ge @p1 [sflag:s19], $0x80  }
0x11c: {  	s15 =	simm.s32 @p1 $0x8300;
	[sflag:s19] =	ssyncset.done @p1 $0x0;
	s16 =	rddreg [dreg:$0x7]  }
0x11d: {  	s18 =	simm.s32 @p1 $0x80;
	[sflag:s19] =	ssyncadd.s32 @p1 $0xFFFFFF80;
	p3 =	sge.u32 @!p2 s13, s16  }
0x11e: {  	[spmem:s2] =	stream.indirect.scatter.add.f32 @p1 [tilespmem:s15], [sflag:$0x9], $0x80, s20, s18, $0xb8;
	[tilespmem:$0x1FB80] =	vst v63  }
0x11f: {  	p3 =	por p3, p2  }
0x120: {  	s15 =	simm.s32 @!p3 $0x8  }
0x121: {  	s26 =	sadd.s32 $0x20, s24;
	_ =	swait.ge @!p3 [sflag:s15], $0x4000  }
0x122: {  	p2 =	sgt.u32 s26, $0x9C3;
	[sflag:s15] =	ssyncset.done @!p3 $0x0  }
0x123: {  	s18 =	simm.s32 @!p2 $0x2;
	[sflag:s15] =	ssyncadd.s32 @!p3 $0xFFFFC000  }
0x124: {  	_ =	swait.ge @!p2 [sflag:s18], $0x80  }
0x125: {  	[sflag:s18] =	ssyncset.done @!p2 $0x0  }
0x126: {  	s16 =	simm.s32 @!p2 $0x4300;
	s15 =	simm.s32 @!p2 $0x80;
	[sflag:s18] =	ssyncadd.s32 @!p2 $0xFFFFFF80  }
0x127: {  	[tilespmem:s16], [sflag:$0x5] =	stream.indirect.gather @!p2 [hbm4b:s1+s15], $0x80, s15, s15, $0xb8;
	[tilespmem:$0x1FB80] =	vst v63  }
0x128: {  	s20 =	sadd.s32 @!p2 $0xFFFFF410, s11;
	s21 =	simm.s32 @!p2 $0x0;
	s18 =	simm.s32 @!p2 $0x200  }
0x129: {  	[tilespmem:s18], [sflag:$0x8] =	stream.linear.gather @!p2 [hbm4b:s20+s21], $0x80, $0x38;
	[tilespmem:$0x1FB80] =	vst v63  }
0x12a: {  	s20 =	simm.s32 @!p0 $0x4  }
0x12b: {  	p4 =	sne.s32 @!p0 s13, $0x0;
	_ =	swait.ge @!p0 [sflag:s20], $0x4000  }
0x12c: {  	p3 =	por p4, p0;
	[sflag:s20] =	ssyncset.done @!p0 $0x0  }
0x12d: {  	s21 =	simm.s32 @!p3 $0xA;
	[sflag:s20] =	ssyncadd.s32 @!p0 $0xFFFFC000  }
0x12e: {  	_ =	swait.ge @!p3 [sflag:s21], $0x2800  }
0x12f: {  	[sflag:s21] =	ssyncset.done @!p3 $0x0  }
0x130: {  	[sflag:s21] =	ssyncadd.s32 @!p3 $0xFFFFD800  }
0x131: {  	_ =	swait.ge @!p3 [sflag:s21], $0x2800  }
0x132: {  	[sflag:s21] =	ssyncset.done @!p3 $0x0  }
0x133: {  	[sflag:s21] =	ssyncadd.s32 @!p3 $0xFFFFD800  }
0x134: {  	_ =	swait.ge @!p3 [sflag:s21], $0x2800  }
0x135: {  	[sflag:s21] =	ssyncset.done @!p3 $0x0  }
0x136: {  	[sflag:s21] =	ssyncadd.s32 @!p3 $0xFFFFD800  }
0x137: {  	_ =	swait.ge @!p3 [sflag:s21], $0x2800  }
0x138: {  	[sflag:s21] =	ssyncset.done @!p3 $0x0  }
0x139: {  	[sflag:s21] =	ssyncadd.s32 @!p3 $0xFFFFD800  }
0x13a: {  	_ =	swait.ge @!p3 [sflag:s21], $0x2800  }
0x13b: {  	[sflag:s21] =	ssyncset.done @!p3 $0x0  }
0x13c: {  	[sflag:s21] =	ssyncadd.s32 @!p3 $0xFFFFD800  }
0x13d: {  	_ =	swait.ge @!p3 [sflag:s21], $0x2800  }
0x13e: {  	[sflag:s21] =	ssyncset.done @!p3 $0x0  }
0x13f: {  	p5 =	sgt.u32 @!p3 s4, $0xC;
	[sflag:s21] =	ssyncadd.s32 @!p3 $0xFFFFD800  }
0x140: {  	p4 =	por @!p0 p5, p4;
	_ =	swait.ge @!p3 [sflag:s21], $0x2800  }
0x141: {  	p4 =	por p4, p0;
	[sflag:s21] =	ssyncset.done @!p3 $0x0  }
0x142: {  	s20 =	sadd.s32 @!p0 s13, s5;
	[sflag:s21] =	ssyncadd.s32 @!p3 $0xFFFFD800;
	s21 =	simm.s32 @!p4 $0xA  }
0x143: {  	s20 =	sadd.s32 @!p0 $0x60, s20;
	_ =	swait.ge @!p4 [sflag:s21], $0x2800  }
0x144: {  	p5 =	sgt.u32 @!p0 s20, $0x9C3;
	[sflag:s21] =	ssyncset.done @!p4 $0x0  }
0x145: {  	[sflag:s21] =	ssyncadd.s32 @!p4 $0xFFFFD800;
	p4 =	por p5, p0  }
0x146: {  	[bflag:$0x0] =	sbarrier.arrive @!p3 $0xFFFF;
	s20 =	sadd.s32 @!p4 $0xFFFFFC00, s11;
	s21 =	simm.s32 @!p4 $0x0  }
0x147: {  	[tilespmem:s21], [sflag:$0x1] =	stream.linear.gather @!p4 [hbm4b:s20+s21], $0x80, $0x38;
	[tilespmem:$0x1FB80] =	vst v63  }
0x148: {  	s20 =	simm.s32 @!p0 $0x7  }
0x149: {  	_ =	swait.ge @!p0 [sflag:s20], $0x80  }
0x14a: {  	[sflag:s20] =	ssyncset.done @!p0 $0x0  }
0x14b: {  	[sflag:s20] =	ssyncadd.s32 @!p0 $0xFFFFFF80  }
0x14c: {  	[spmem:s2] =	stream.indirect.scatter.add.f32 @!p0 [tilespmem:s12], [sflag:$0x7], $0x80, s17, s14, $0xb8;
	[tilespmem:$0x1FB80] =	vst v63  }
0x14d: {  	s9 =	sadd.s32 $0x40, s24;
	_ =	swait.ge @p1 [sflag:s19], $0x4000  }
0x14e: {  	p0 =	sgt.u32 s9, $0x9C3;
	[sflag:s19] =	ssyncset.done @p1 $0x0  }
0x14f: {  	s9 =	simm.s32 @!p0 $0x3;
	[sflag:s19] =	ssyncadd.s32 @p1 $0xFFFFC000  }
0x150: {  	_ =	swait.ge @!p0 [sflag:s9], $0x80  }
0x151: {  	s12 =	simm.s32 @!p0 $0x8300;
	[sflag:s9] =	ssyncset.done @!p0 $0x0  }
0x152: {  	s14 =	simm.s32 @!p0 $0x80;
	[sflag:s9] =	ssyncadd.s32 @!p0 $0xFFFFFF80;
	s9 =	simm.s32 @!p0 $0x100  }
0x153: {  	[tilespmem:s12], [sflag:$0x6] =	stream.indirect.gather @!p0 [hbm4b:s1+s14], $0x80, s9, s14, $0xb8;
	[tilespmem:$0x1FB80] =	vst v63  }
0x154: {  	s9 =	simm.s32 @!p0 $0x280;
	s12 =	sadd.s32 @!p0 $0xFFFFF810, s11;
	s14 =	simm.s32 @!p0 $0x0  }
0x155: {  	[tilespmem:s9], [sflag:$0x9] =	stream.linear.gather @!p0 [hbm4b:s12+s14], $0x80, $0x38;
	[tilespmem:$0x1FB80] =	vst v63  }
0x156: {  	s9 =	sadd.s32 @!p2 s13, s5  }
0x157: {  	s12 =	simm.s32 @!p2 $0x5;
	s9 =	sadd.s32 @!p2 $0x80, s9  }
0x158: {  	_ =	swait.ge @!p2 [sflag:s12], $0x4000;
	p0 =	sgt.u32 @!p2 s9, $0x9C3  }
0x159: {  	[sflag:s12] =	ssyncset.done @!p2 $0x0;
	p0 =	por p0, p2  }
0x15a: {  	[sflag:s12] =	ssyncadd.s32 @!p2 $0xFFFFC000;
	s9 =	simm.s32 @!p0 $0x0;
	s12 =	simm.s32 @!p0 $0x80  }
0x15b: {  	[tilespmem:s12], [sflag:$0x2] =	stream.linear.gather @!p0 [hbm4b:s11+s9], $0x80, $0x38;
	[tilespmem:$0x1FB80] =	vst v63  }
0x15c: {  	s9 =	simm.s32 @!p2 $0x8  }
0x15d: {  	_ =	swait.ge @!p2 [sflag:s9], $0x80  }
0x15e: {  	[sflag:s9] =	ssyncset.done @!p2 $0x0  }
0x15f: {  	[sflag:s9] =	ssyncadd.s32 @!p2 $0xFFFFFF80  }
0x160: {  	[spmem:s2] =	stream.indirect.scatter.add.f32 @!p2 [tilespmem:s16], [sflag:$0x8], $0x80, s18, s15, $0xb8;
	[tilespmem:$0x1FB80] =	vst v63  }
0x161: {  	[bflag:$0x0] =	sbarrier.arrive $0xFFFF  }
0x162: {  	[tilespmem:s31], [sflag:$0x4] =	stream.linear.gather [spmem:s22], $0x2800, $0x38;
	[tilespmem:$0x1FB80] =	vst v63  }
0x163: {  	s13 =	simm.s32 $0x4300  }
0x164: {  	[tilespmem:s13], [sflag:$0x5] =	stream.linear.gather [spmem:s23], $0x2800, $0x38;
	[tilespmem:$0x1FB80] =	vst v63  }
0x165: {  	_ =	swait.ge [sflag:s28], $0x2800  }
0x166: {  	[sflag:s28] =	ssyncset.done $0x0  }
0x167: {  	s16 =	rddreg [dreg:$0x8];
	[sflag:s28] =	ssyncadd.s32 $0xFFFFD800  }
0x168: {  	[hbm4b:s16+s3] =	stream.linear.scatter [tilespmem:s31], [sflag:$0x7], $0x2800, $0x38;
	[tilespmem:$0x1FB80] =	vst v63  }
0x169: {  	_ = 	snop  }
0x16a: {  	[tilespmem:s30], [sflag:$0x6] =	stream.linear.gather [spmem:s0], $0x2800, $0x38;
	[tilespmem:$0x1FB80] =	vst v63  }
0x16b: {  	_ =	swait.ge [sflag:s29], $0x2800  }
0x16c: {  	[sflag:s29] =	ssyncset.done $0x0  }
0x16d: {  	s17 =	rddreg [dreg:$0x9];
	[sflag:s29] =	ssyncadd.s32 $0xFFFFD800  }
0x16e: {  	[hbm4b:s17+s3] =	stream.linear.scatter [tilespmem:s13], [sflag:$0x8], $0x2800, $0x38;
	[tilespmem:$0x1FB80] =	vst v63  }
0x16f: {  	_ =	swait.ge [sflag:s6], $0x2800  }
0x170: {  	[sflag:s6] =	ssyncset.done $0x0  }
0x171: {  	s17 =	rddreg [dreg:$0x12];
	[sflag:s6] =	ssyncadd.s32 $0xFFFFD800  }
0x172: {  	[tilespmem:s31], [sflag:$0x4] =	stream.linear.gather [spmem:s17], $0x2800, $0x38;
	[tilespmem:$0x1FB80] =	vst v63  }
0x173: {  	_ =	swait.ge [sflag:s7], $0x2800  }
0x174: {  	[sflag:s7] =	ssyncset.done $0x0  }
0x175: {  	s19 =	rddreg [dreg:$0xa];
	[sflag:s7] =	ssyncadd.s32 $0xFFFFD800  }
0x176: {  	[hbm4b:s19+s3] =	stream.linear.scatter [tilespmem:s30], [sflag:$0x9], $0x2800, $0x38;
	[tilespmem:$0x1FB80] =	vst v63  }
0x177: {  	_ =	swait.ge [sflag:s8], $0x2800  }
0x178: {  	[sflag:s8] =	ssyncset.done $0x0  }
0x179: {  	s19 =	rddreg [dreg:$0x13];
	[sflag:s8] =	ssyncadd.s32 $0xFFFFD800  }
0x17a: {  	[tilespmem:s13], [sflag:$0x5] =	stream.linear.gather [spmem:s19], $0x2800, $0x38;
	[tilespmem:$0x1FB80] =	vst v63  }
0x17b: {  	_ =	swait.ge [sflag:s28], $0x2800  }
0x17c: {  	[sflag:s28] =	ssyncset.done $0x0  }
0x17d: {  	s21 =	simm.s32 $0x9;
	s20 =	rddreg [dreg:$0xb];
	[sflag:s28] =	ssyncadd.s32 $0xFFFFD800  }
0x17e: {  	[hbm4b:s20+s3] =	stream.linear.scatter [tilespmem:s31], [sflag:$0x7], $0x2800, $0x38;
	[tilespmem:$0x1FB80] =	vst v63  }
0x17f: {  	_ =	swait.ge [sflag:s21], $0x2800  }
0x180: {  	[sflag:s21] =	ssyncset.done $0x0  }
0x181: {  	s20 =	rddreg [dreg:$0x14];
	[sflag:s21] =	ssyncadd.s32 $0xFFFFD800  }
0x182: {  	[tilespmem:s30], [sflag:$0x6] =	stream.linear.gather [spmem:s20], $0x2800, $0x38;
	[tilespmem:$0x1FB80] =	vst v63  }
0x183: {  	_ =	swait.ge [sflag:s29], $0x2800  }
0x184: {  	[sflag:s29] =	ssyncset.done $0x0  }
0x185: {  	s18 =	smov.u32 s22;
	s22 =	rddreg [dreg:$0xc];
	[sflag:s29] =	ssyncadd.s32 $0xFFFFD800  }
0x186: {  	[hbm4b:s22+s3] =	stream.linear.scatter [tilespmem:s13], [sflag:$0x8], $0x2800, $0x38;
	[tilespmem:$0x1FB80] =	vst v63  }
0x187: {  	_ =	swait.ge [sflag:s6], $0x2800  }
0x188: {  	[sflag:s6] =	ssyncset.done $0x0  }
0x189: {  	s21 =	rddreg [dreg:$0x15];
	[sflag:s6] =	ssyncadd.s32 $0xFFFFD800  }
0x18a: {  	[tilespmem:s31], [sflag:$0x4] =	stream.linear.gather [spmem:s21], $0x2800, $0x38;
	[tilespmem:$0x1FB80] =	vst v63  }
0x18b: {  	_ =	swait.ge [sflag:s7], $0x2800  }
0x18c: {  	[sflag:s7] =	ssyncset.done $0x0  }
0x18d: {  	s14 =	smov.u32 s23;
	s23 =	rddreg [dreg:$0xd];
	[sflag:s7] =	ssyncadd.s32 $0xFFFFD800  }
0x18e: {  	[hbm4b:s23+s3] =	stream.linear.scatter [tilespmem:s30], [sflag:$0x9], $0x2800, $0x38;
	[tilespmem:$0x1FB80] =	vst v63  }
0x18f: {  	_ =	swait.ge [sflag:s8], $0x2800  }
0x190: {  	s24 =	sld [smem:$0x7FD];
	_ =	sdelay $0x2  }
0x191: {  	[sflag:s8] =	ssyncset.done $0x0;
	p1 =	seq.s32 s24, $0x1  }
0x192: {  	[sflag:s8] =	ssyncadd.s32 $0xFFFFD800;
	s9 =	simm.s32 @p1 $0x4  }
0x193: {  	_ =	swait.ge @p1 [sflag:s9], $0x2800  }
0x194: {  	s11 =	simm.s32 @p1 $0x300;
	[sflag:s9] =	ssyncset.done @p1 $0x0  }
0x195: {  	s13 =	rddreg [dreg:$0xe];
	[sflag:s9] =	ssyncadd.s32 @p1 $0xFFFFD800;
	s9 =	simm.s32 @p1 $0x0  }
0x196: {  	[hbm4b:s13+s9] =	stream.linear.scatter @p1 [tilespmem:s11], [sflag:$0x7], $0x2800, $0x38;
	[tilespmem:$0x1FB80] =	vst v63  }
0x197: {  	s24 =	rddreg [dreg:$0x16];
	s9 =	simm.s32 @!p1 $0x4300;
	s11 =	simm.s32 @!p1 $0x4  }
0x198: {  	[tilespmem:s9], [sflag:$0x5] =	stream.linear.gather @!p1 [spmem:s24], $0x2800, $0x38;
	[tilespmem:$0x1FB80] =	vst v63  }
0x199: {  	_ =	swait.ge @!p1 [sflag:s11], $0x2800  }
0x19a: {  	[sflag:s11] =	ssyncset.done @!p1 $0x0  }
0x19b: {  	s12 =	simm.s32 @!p1 $0x300;
	[sflag:s11] =	ssyncadd.s32 @!p1 $0xFFFFD800;
	s11 =	simm.s32 @!p1 $0x0  }
0x19c: {  	[hbm4b:s13+s11] =	stream.linear.scatter @!p1 [tilespmem:s12], [sflag:$0x7], $0x2800, $0x38;
	[tilespmem:$0x1FB80] =	vst v63  }
0x19d: {  	s12 =	simm.s32 @!p1 $0x5  }
0x19e: {  	_ =	swait.ge @!p1 [sflag:s12], $0x2800  }
0x19f: {  	[sflag:s12] =	ssyncset.done @!p1 $0x0  }
0x1a0: {  	[sflag:s12] =	ssyncadd.s32 @!p1 $0xFFFFD800;
	s12 =	rddreg [dreg:$0xf]  }
0x1a1: {  	[hbm4b:s12+s11] =	stream.linear.scatter @!p1 [tilespmem:s9], [sflag:$0x8], $0x2800, $0x38;
	[tilespmem:$0x1FB80] =	vst v63  }
0x1a2: {  	s9 =	simm.s32 @!p1 $0x9  }
0x1a3: {  	_ =	swait.ge @!p1 [sflag:s9], $0x2800  }
0x1a4: {  	s11 =	simm.s32 @!p1 $0x7;
	[sflag:s9] =	ssyncset.done @!p1 $0x0  }
0x1a5: {  	s11 =	simm.s32 @p1 $0x9;
	[sflag:s9] =	ssyncadd.s32 @!p1 $0xFFFFD800  }
0x1a6: {  	_ =	swait.ge [sflag:s11], $0x2800  }
0x1a7: {  	s9 =	simm.s32 @!p1 $0x8;
	[sflag:s11] =	ssyncset.done $0x0  }
0x1a8: {  	s9 =	simm.s32 @p1 $0x7;
	[sflag:s11] =	ssyncadd.s32 $0xFFFFD800  }
0x1a9: {  	_ =	swait.ge [sflag:s9], $0x2800  }
0x1aa: {  	s10 =	sadd.s32 $0x1, s10;
	s26 =	rddreg [dreg:$0x17]  }
0x1ab: {  	p0 =	sne.s32 s10, s26  }
.Ltmp2:
0x1ac: {  	_ = 	snop;
	(pc) =	sbr.rel @p0 .LBB2_1-.Ltmp2, $3  }
0x1ad: {  	_ =	sdelay $0x1  }
0x1ae: {  	[sflag:s9] =	ssyncset.done $0x0  }
0x1af: {  	s15 =	smov.u32 s0;
	[sflag:s9] =	ssyncadd.s32 $0xFFFFD800  }
0x1b0: {  	_ =	sfence.sel $0x180000  }
0x1b1: {  	[bflag:$0x0] =	sbarrier.arrive $0xFFFF  }
0x1b2: {  	_ =	strace $0x90000047  }
0x1b3: {  	[bflag:$0x2] =	sbarrier.arrive $0xFFFF  }
0x1b4: {  	p0 =	sne.s32 s4, $0x0;
	s0 =	rddreg [dreg:$0x4]  }
0x1b5: {  	s0 =	sadd.s32 @!p0 $0x100000, s0  }
0x1b6: {  	[sflag:s0] =	ssyncadd.tile.s32 @!p0 $0x1;
	_ =	shalt  }
.Lfunc_end2:
_tile_overlayer_lowered:
.L_overlay_start_2:
0x1b7: {  	(tag) =	ssettag $0x2  }
0x1b8: {  	s0 =	rddreg [dreg:$0x0];
	s2 =	stileid.u32  }
0x1b9: {  	s1 =	rddreg [dreg:$0x1];
	p0 =	sne.s32 s2, $0x0  }
0x1ba: {  	s3 =	rddreg [dreg:$0x2];
	[bflag:$0x3] =	sbarrier.arrive $0xFFFF;
	s2 =	simm.s32 @!p0 $0x1C0B  }
0x1bb: {  	[timem:s3], [sflag:s2] =	dma.local @!p0 [hbm:s0], s1  }
0x1bc: {  	s0 =	simm.s32 @!p0 $0xB  }
0x1bd: {  	_ =	swait.ge @!p0 [sflag:s0], s1  }
0x1be: {  	s1 =	ssub.s32 @!p0 $0x0, s1;
	[sflag:s0] =	ssyncset.done @!p0 $0x0  }
0x1bf: {  	[sflag:s0] =	ssyncadd.s32 @!p0 s1  }
0x1c0: {  	[bflag:$0x3] =	sbarrier.arrive $0xFFFF  }
0x1c1: {  	_ =	shalt  }

// kernel: kernel.9.cloned.1.call-start
scs
__scs_entry_jumppad:
0x0: {  	(pc) =	sbr.rel $0x88, $3  }
0x1: {  	(tag) =	ssettag $0x0;
	lr =	simm.s32 $0x1  }
0x2: {  	[smem:$0x3F95] =	sst lr;
	_ =	strace $0xD0000000  }
0x3: {  	_ = 	snop  }
0x4: {  	_ = 	snop  }
0x5: {  	_ = 	snop  }
0x6: {  	_ = 	snop  }
0x7: {  	_ = 	snop  }
__scs_overlays_trampoline_lowered:
0x8: {  	[smem:$0x3FA4] =	sst s0  }
0x9: {  	[smem:$0x3FA5] =	sst s1  }
0xa: {  	[smem:$0x3FA6] =	sst s2  }
0xb: {  	[smem:$0x3FA7] =	sst s3  }
0xc: {  	[smem:$0x3FA8] =	sst s4  }
0xd: {  	[smem:$0x3FA9] =	sst s5  }
0xe: {  	[smem:$0x3FAA] =	sst s6  }
0xf: {  	[smem:$0x3FAB] =	sst s7  }
0x10: {  	[smem:$0x3FAC] =	sst s8  }
0x11: {  	[smem:$0x3FAD] =	sst s9;
	s0 =	simm.s32 @!p0 $0x0  }
0x12: {  	s1 =	sld [smem:$0x3F93];
	s0 =	simm.s32 @p0 $0x1  }
0x13: {  	[smem:$0x3FAE] =	sst s0;
	s0 =	simm.s32 @!p1 $0x0  }
0x14: {  	s2 =	sld [smem:$0x3F92];
	s0 =	simm.s32 @p1 $0x1  }
0x15: {  	[smem:$0x3FAF] =	sst s0;
	s0 =	simm.s32 @!p2 $0x0  }
0x16: {  	s3 =	sld [smem:$0x3FDB];
	s0 =	simm.s32 @p2 $0x1  }
0x17: {  	s4 =	simm.s32 $0x1BF5;
	[smem:$0x3FB1] =	sst s0  }
0x18: {  	s0 =	sld [smem:$0x3F94];
	_ =	swait.ge [sflag:s4], $0x0  }
0x19: {  	s7 =	sld [smem:$0x3F95]  }
0x1a: {  	s8 =	sadd.s32 $0xFFFFE003, lr  }
0x1b: {  	s9 =	sadd.s32 $0xFFFFFEF7, lr;
	s5 =	simm.s32 $0xFFFFFFFF;
	p2 =	slt.u32 s8, $0xFFFFF086  }
0x1c: {  	p1 =	slt.u32 s9, $0xF7A;
	s5 =	simm.s32 @!p2 $0x0  }
0x1d: {  	s5 =	simm.s32 @p1 $0x1;
	p0 =	seq.s32 s7, s2  }
0x1e: {  	s7 =	smul.u32 @!p0 $0xF7A, s2;
	p2 =	seq.s32 @!p0 s5, $0x0  }
0x1f: {  	s9 =	smul.u32 $0xF7A, s1;
	s8 =	simm.s32 @!p0 $0x1BF5;
	p2 =	por !p2, p0  }
0x20: {  	[sflag:s8] =	ssyncset.s32 @!p0 $0xFFFFF086;
	s6 =	sadd.s32 @!p0 s3, s7;
	s7 =	simm.s32 @!p0 $0x108  }
0x21: {  	s3 =	sadd.s32 s3, s9;
	s6 =	sadd.s32 @!p0 $0x88, s6;
	s7 =	simm.s32 @p2 $0x1082  }
0x22: {  	[simem:s7], [sflag:s8] =	dma.local @!p0 [hbm:s6], $0xF7A  }
0x23: {  	s9 =	sor.u32 $0xD0000000, s2;
	s6 =	simm.s32 $0x108;
	_ =	swait.ge @!p0 [sflag:s8], $0x0  }
0x24: {  	s3 =	sadd.s32 $0x88, s3;
	s6 =	simm.s32 @!p1 $0x1082;
	[sflag:s4] =	ssyncset.s32 $0xFFFFF086  }
0x25: {  	[simem:s6], [sflag:s4] =	dma.local [hbm:s3], $0xF7A  }
0x26: {  	[smem:$0x3F95] =	sst s1;
	(tag) =	ssettag s2;
	_ =	strace s9  }
0x27: {  	s1 =	sld [smem:$0x3FA5]  }
0x28: {  	s2 =	sld [smem:$0x3FA6]  }
0x29: {  	s4 =	sld [smem:$0x3FA8]  }
0x2a: {  	p0 =	seq.s32 s5, $0x0;
	s5 =	sld [smem:$0x3FA9]  }
0x2b: {  	s6 =	sld [smem:$0x3FAA]  }
0x2c: {  	s7 =	sld [smem:$0x3FAB]  }
0x2d: {  	s3 =	simm.s32 $0x108;
	s8 =	sld [smem:$0x3FAC]  }
0x2e: {  	s3 =	simm.s32 @!p0 $0x1082;
	s9 =	sld [smem:$0x3FAD]  }
0x2f: {  	lr =	sadd.s32 s0, s3;
	s0 =	sld [smem:$0x3FA4]  }
0x30: {  	s3 =	sld [smem:$0x3FA7]  }
0x31: {  	[smem:$0x3FB0] =	sst s10  }
0x32: {  	s10 =	sld [smem:$0x3FAE];
	_ =	sdelay $0x3  }
0x33: {  	p0 =	seq.s32 s10, $0x1;
	s10 =	sld [smem:$0x3FB0];
	_ =	sdelay $0x3  }
0x34: {  	[smem:$0x3FB0] =	sst s10  }
0x35: {  	s10 =	sld [smem:$0x3FAF];
	_ =	sdelay $0x3  }
0x36: {  	p1 =	seq.s32 s10, $0x1;
	s10 =	sld [smem:$0x3FB0];
	_ =	sdelay $0x3  }
0x37: {  	[smem:$0x3FB0] =	sst s10  }
0x38: {  	s10 =	sld [smem:$0x3FB1]  }
0x39: {  	_ = 	snop;
	(pc) =	sbr.ind lr, $3  }
0x3a: {  	_ = 	snop  }
0x3b: {  	_ = 	snop  }
0x3c: {  	p2 =	seq.s32 s10, $0x1;
	s10 =	sld [smem:$0x3FB0]  }
0x3d: {  	_ =	shalt  }
0x3e: {  	_ =	shalt  }
0x3f: {  	_ =	shalt  }
0x40: {  	_ =	shalt  }
0x41: {  	_ =	shalt  }
0x42: {  	_ =	shalt  }
0x43: {  	_ =	shalt  }
0x44: {  	_ =	shalt  }
0x45: {  	_ =	shalt  }
0x46: {  	_ =	shalt  }
0x47: {  	_ =	shalt  }
0x48: {  	_ =	shalt  }
0x49: {  	_ =	shalt  }
0x4a: {  	_ =	shalt  }
0x4b: {  	_ =	shalt  }
0x4c: {  	_ =	shalt  }
0x4d: {  	_ =	shalt  }
0x4e: {  	_ =	shalt  }
0x4f: {  	_ =	shalt  }
0x50: {  	_ =	shalt  }
0x51: {  	_ =	shalt  }
0x52: {  	_ =	shalt  }
0x53: {  	_ =	shalt  }
0x54: {  	_ =	shalt  }
0x55: {  	_ =	shalt  }
0x56: {  	_ =	shalt  }
0x57: {  	_ =	shalt  }
0x58: {  	_ =	shalt  }
0x59: {  	_ =	shalt  }
0x5a: {  	_ =	shalt  }
0x5b: {  	_ =	shalt  }
0x5c: {  	_ =	shalt  }
0x5d: {  	_ =	shalt  }
0x5e: {  	_ =	shalt  }
0x5f: {  	_ =	shalt  }
0x60: {  	_ =	shalt  }
0x61: {  	_ =	shalt  }
0x62: {  	_ =	shalt  }
0x63: {  	_ =	shalt  }
0x64: {  	_ =	shalt  }
0x65: {  	_ =	shalt  }
0x66: {  	_ =	shalt  }
0x67: {  	_ =	shalt  }
0x68: {  	_ =	shalt  }
0x69: {  	_ =	shalt  }
0x6a: {  	_ =	shalt  }
0x6b: {  	_ =	shalt  }
0x6c: {  	_ =	shalt  }
0x6d: {  	_ =	shalt  }
0x6e: {  	_ =	shalt  }
0x6f: {  	_ =	shalt  }
0x70: {  	_ =	shalt  }
0x71: {  	_ =	shalt  }
0x72: {  	_ =	shalt  }
0x73: {  	_ =	shalt  }
0x74: {  	_ =	shalt  }
0x75: {  	_ =	shalt  }
0x76: {  	_ =	shalt  }
0x77: {  	_ =	shalt  }
0x78: {  	_ =	shalt  }
0x79: {  	_ =	shalt  }
0x7a: {  	_ =	shalt  }
0x7b: {  	_ =	shalt  }
0x7c: {  	_ =	shalt  }
0x7d: {  	_ =	shalt  }
0x7e: {  	_ =	shalt  }
0x7f: {  	_ =	shalt  }
0x80: {  	_ =	shalt  }
0x81: {  	_ =	shalt  }
0x82: {  	_ =	shalt  }
0x83: {  	_ =	shalt  }
0x84: {  	_ =	shalt  }
0x85: {  	_ =	shalt  }
0x86: {  	_ =	shalt  }
0x87: {  	_ =	shalt  }
.Lfunc_end0:
.L_simem_size_0:
called_computation.1_lowered:
.L_overlay_start_0:
0x88: {  	s2 =	sld [smem:$0x3FD9]  }
0x89: {  	s3 =	sld [smem:$0x3FFE];
	_ =	sdelay $0x1  }
0x8a: {  	s1 =	srdreg.scid  }
0x8b: {  	s0 =	sand.u32 $0x1, s1  }
0x8c: {  	s17 =	sshll.u32 s0, $0xA;
	s2 =	sadd.s32 s3, s2  }
0x8d: {  	s2 =	sadd.s32 s2, s17  }
0x8e: {  	[smem:$0x3FBC] =	sst s2  }
0x8f: {  	_ = 	snop  }
0x90: {  	s2 =	sld [smem:$0x3FC8];
	(tm) =	ssettm $0x1  }
0x91: {  	s18 =	sld [smem:$0x3FFB];
	_ =	sdelay $0x3  }
0x92: {  	_ =	strace s18  }
0x93: {  	s3 =	sld [smem:$0x3FFC];
	_ =	sdelay $0x3  }
0x94: {  	_ =	strace s3  }
0x95: {  	s3 =	sld [smem:$0x3FFD];
	_ =	sdelay $0x3  }
0x96: {  	_ =	strace s3  }
0x97: {  	_ =	strace $0x8FFFFFFF  }
0x98: {  	s19 =	sld [smem:$0x3FDB];
	_ =	sdelay $0x1  }
0x99: {  	s4 =	simm.s32 $_scs_section_size  }
0x9a: {  	s5 =	simm.s32 $_size__tile_overlayer_lowered;
	s6 =	simm.s32 $_tile_overlayer_lowered  }
0x9b: {  	s22 =	simm.s32 $0x1BFF;
	s21 =	sshll.u32 s6, $0x1;
	s3 =	sadd.s32 s4, s19  }
0x9c: {  	s7 =	simm.s32 $0x0;
	s20 =	sshll.u32 s5, $0x1;
	s5 =	sadd.s32 s21, s3  }
0x9d: {  	[timem:s7], [sflag:s22] =	dma.local [hbm:s5], s20  }
0x9e: {  	_ =	swait.ge [sflag:s22], s20  }
0x9f: {  	s4 =	ssub.s32 $0x0, s20;
	[sflag:s22] =	ssyncset.done $0x0  }
0xa0: {  	[sflag:s22] =	ssyncadd.s32 s4;
	_ =	sdelay $0x1  }
0xa1: {  	s23 =	simm.s32 $0x1B8B  }
0xa2: {  	_ =	swait.ge [sflag:s23], $0x1  }
0xa3: {  	[sflag:s23] =	ssyncset.done $0x0  }
0xa4: {  	s25 =	simm.s32 $0x1B8E;
	s24 =	sld [smem:$0x3FFE];
	[sflag:s23] =	ssyncadd.s32 $0xFFFFFFFF  }
0xa5: {  	s26 =	simm.s32 $execute0_lowered;
	[smem:$0x3FD2] =	sst s25  }
0xa6: {  	s5 =	sshll.u32 s26, $0x1;
	_ =	strace $0x80000049;
	[dreg:$0x1] =	wrdreg $0xFFFFFFFF  }
0xa7: {  	s28 =	simm.s32 $_size_execute0_lowered;
	s3 =	sadd.s32 s3, s5;
	[dreg:$0x0] =	wrdreg $0x0  }
0xa8: {  	s5 =	sshll.u32 s28, $0x1;
	[dreg:$0x2] =	wrdreg s3  }
0xa9: {  	[dreg:$0x3] =	wrdreg s5  }
0xaa: {  	[dreg:$0x4] =	wrdreg $0xC0  }
0xab: {  	_ =	task [dreg:s7], $0x5FFFF  }
0xac: {  	[dreg:$0x1] =	wrdreg $0xFFFFFFFF  }
0xad: {  	[dreg:$0x0] =	wrdreg $0x60  }
0xae: {  	[dreg:$0x2] =	wrdreg s24  }
0xaf: {  	[dreg:$0x3] =	wrdreg s2  }
0xb0: {  	[dreg:$0x4] =	wrdreg $0xC3000  }
0xb1: {  	[dreg:$0x5] =	wrdreg $0x9  }
0xb2: {  	_ =	task.clear_ibuf [dreg:s7], $0x6FFFF;
	_ =	strace $0x90000049  }
0xb3: {  	s29 =	simm.s32 $0x9;
	_ =	strace $0x8000004B  }
0xb4: {  	_ =	swait.ge [sflag:s29], $0x1  }
0xb5: {  	[sflag:s29] =	ssyncadd.s32 $0xFFFFFFFF  }
0xb6: {  	_ =	strace $0x9000004B  }
0xb7: {  	_ =	sfence  }
0xb8: {  	s30 =	sld [smem:$0x0];
	_ =	sdelay $0x2  }
0xb9: {  	s31 =	sshll.u32 s1, $0xD;
	s1 =	sshrl.u32 s1, $0x2  }
0xba: {  	s3 =	sand.u32 $0x4000, s31;
	s1 =	sadd.s32 s1, s30  }
0xbb: {  	s0 =	sor.u32 s3, s0;
	s1 =	sshll.u32 s1, $0x11  }
0xbc: {  	s0 =	sor.u32 s1, s0  }
0xbd: {  	s0 =	sadd.s32 $0x8F2B, s0  }
0xbe: {  	[sflag:s0] =	ssyncadd.remote.s32 $0x1  }
0xbf: {  	_ =	sfence.sel $0xFFFF  }
0xc0: {  	[dreg:$0x0] =	wrdreg $0xFFFFFFFF;
	(pc) =	sbr.abs _section_cstart, $3  }
0xc1: {  	[dreg:$0x1] =	wrdreg $0xFFFFFFFF  }
0xc2: {  	_ =	task.clear_ibuf [dreg:s7], $0x2FFFF;
	_ =	strace $0x9FFFFFFF  }
0xc3: {  	(tm) =	ssettm $0x7FFFFFFF  }
tec
execute0_lowered:
.L_overlay_start_1:
0x0: {  	(tag) =	ssettag $0x1  }
0x1: {  	s0 =	rddreg [dreg:$0x0]  }
0x2: {  	s6 =	rddreg [dreg:$0x1]  }
0x3: {  	s1 =	rddreg [dreg:$0x2];
	s2 =	simm.s32 $0x0;
	s3 =	srdreg.scid  }
0x4: {  	s30 =	simm.s32 $0x8300;
	s31 =	simm.s32 $0x300;
	s28 =	simm.s32 $0x4  }
0x5: {  	s29 =	simm.s32 $0x5;
	[smem:$0x7FF] =	sst s2;
	s7 =	sand.u32 $0x1, s3  }
0x6: {  	s4 =	sadd.s32 $0x2600, s0;
	s8 =	sadd.s32 $0x29800, s0;
	s3 =	stileid.u32  }
0x7: {  	_ =	strace $0x8000004A;
	s5 =	ssub.s32 $0x2, s7;
	s9 =	smul.u32 $0x138800, s7  }
0x8: {  	s15 =	sshll.u32 s7, $0x4;
	s10 =	sor.u32 $0x10, s3;
	s11 =	smul.u32 $0x2800, s3  }
0x9: {  	s12 =	sor.u32 $0x20, s3;
	s13 =	sor.u32 $0x30, s3;
	s17 =	sor.u32 $0x60, s3  }
0xa: {  	s19 =	sor.u32 $0x70, s3;
	s7 =	sshll.u32 s7, $0x9;
	s16 =	smul.u32 $0x2800, s10  }
0xb: {  	p1 =	sgt.u32 s3, $0xC;
	s14 =	sshrl.u32 s5, $0x1;
	s18 =	smul.u32 $0x2800, s12  }
0xc: {  	s21 =	smul.u32 $0x2800, s13;
	s0 =	ssub.s32 s5, s14;
	s5 =	sor.u32 s3, s15  }
0xd: {  	s14 =	sor.u32 $0x40, s3;
	s15 =	sor.u32 $0x50, s3;
	s11 =	sadd.s32 s11, s9  }
0xe: {  	s11 =	sshrl.u32 s11, $0x3;
	s16 =	sadd.s32 s9, s16;
	s23 =	smul.u32 $0x2800, s14  }
0xf: {  	s20 =	sadd.s32 s9, s18;
	s24 =	sadd.s32 s9, s21;
	s25 =	smul.u32 $0x2800, s15  }
0x10: {  	s0 =	smax.u32 s0, $0x1;
	s11 =	sadd.s32 s8, s11;
	s22 =	sshrl.u32 s20, $0x3  }
0x11: {  	s20 =	smul.u32 $0x2800, s17;
	[dreg:$0x16] =	wrdreg s0;
	s0 =	simm.s32 @!p1 $0x0  }
0x12: {  	[dreg:$0x7] =	wrdreg s11;
	s11 =	sshrl.u32 s16, $0x3;
	s16 =	sadd.s32 s9, s23  }
0x13: {  	s18 =	sadd.s32 s9, s25;
	s25 =	ssub.s32 $0xA24, s5;
	s0 =	simm.s32 @p1 $0x1  }
0x14: {  	s11 =	sadd.s32 s8, s11;
	s26 =	sshrl.u32 s16, $0x3;
	[dreg:$0x4] =	wrdreg s25  }
0x15: {  	s16 =	sshrl.u32 s18, $0x3;
	s21 =	sadd.s32 s9, s20;
	[smem:$0x7FD] =	sst s0  }
0x16: {  	s18 =	sshll.u32 s5, $0x5;
	[dreg:$0x8] =	wrdreg s11;
	s11 =	sadd.s32 s8, s22  }
0x17: {  	s20 =	smul.u32 $0xA000, s3;
	s23 =	sadd.s32 s8, s16;
	[dreg:$0x9] =	wrdreg s11  }
0x18: {  	s22 =	smul.u32 $0x2800, s19;
	s16 =	ssub.s32 $0xA04, s5;
	[dreg:$0xc] =	wrdreg s23  }
0x19: {  	s11 =	sshrl.u32 s24, $0x3;
	s24 =	sshrl.u32 s21, $0x3;
	[dreg:$0x6] =	wrdreg s16  }
0x1a: {  	s16 =	sadd.s32 s6, s18;
	s21 =	smul.u32 $0xA000, s10;
	s6 =	sadd.s32 s7, s6  }
0x1b: {  	s23 =	sshll.u32 s3, $0x5;
	s11 =	sadd.s32 s8, s11;
	s9 =	sadd.s32 s9, s22  }
0x1c: {  	s22 =	smul.u32 $0xA000, s12;
	s6 =	sadd.s32 s23, s6;
	[dreg:$0xf] =	wrdreg s16  }
0x1d: {  	s25 =	sadd.s32 $0x400, s16;
	s12 =	smul.u32 $0xA000, s15;
	[dreg:$0xa] =	wrdreg s11  }
0x1e: {  	s11 =	sadd.s32 s8, s26;
	s26 =	ssub.s32 $0x9E4, s5;
	[dreg:$0x10] =	wrdreg s25  }
0x1f: {  	[dreg:$0xb] =	wrdreg s11;
	s11 =	sadd.s32 s8, s24;
	s24 =	smul.u32 $0xA000, s13  }
0x20: {  	s9 =	sshrl.u32 s9, $0x3;
	[dreg:$0x5] =	wrdreg s26;
	s26 =	smul.u32 $0xA000, s14  }
0x21: {  	s8 =	sadd.s32 s8, s9;
	s9 =	sshrl.u32 s21, $0x2;
	s13 =	smul.u32 $0xA000, s17  }
0x22: {  	s10 =	sshrl.u32 s22, $0x2;
	s22 =	smul.u32 $0xA000, s19;
	[dreg:$0xd] =	wrdreg s11  }
0x23: {  	s23 =	sshrl.u32 s12, $0x2;
	[dreg:$0xe] =	wrdreg s8;
	s8 =	sshrl.u32 s20, $0x2  }
0x24: {  	s14 =	sadd.s32 s9, s1;
	s15 =	sadd.s32 s10, s1;
	s20 =	sadd.s32 s23, s1  }
0x25: {  	s10 =	simm.s32 $0x0;
	s18 =	sadd.s32 s8, s1;
	s21 =	sshrl.u32 s24, $0x2  }
0x26: {  	s7 =	sshrl.u32 s26, $0x2;
	s26 =	sadd.s32 $0x800, s16;
	[dreg:$0x13] =	wrdreg s20  }
0x27: {  	s24 =	sshrl.u32 s13, $0x2;
	s17 =	sadd.s32 s21, s1;
	[dreg:$0x17] =	wrdreg s26  }
0x28: {  	s25 =	sshrl.u32 s22, $0x2;
	s19 =	sadd.s32 s7, s1;
	[dreg:$0x11] =	wrdreg s17  }
0x29: {  	s8 =	simm.s32 $0x8;
	s21 =	sadd.s32 s24, s1;
	[dreg:$0x12] =	wrdreg s19  }
0x2a: {  	s24 =	sadd.s32 s25, s1;
	s25 =	sadd.s32 $0x1000, s6;
	[dreg:$0x14] =	wrdreg s21  }
0x2b: {  	v0 =	vimm.f32 $0.0e+00;
	s6 =	simm.s32 $0x7;
	s7 =	simm.s32 $0x6;
	[dreg:$0x15] =	wrdreg s24  }
.LBB2_1:
0x2c: {  	s9 =	rddreg [dreg:$0xf]  }
0x2d: {  	s22 =	rddreg [dreg:$0x10]  }
0x2e: {  	[tilespmem:s2], [sflag:$0x1] =	stream.linear.gather [hbm4b:s9+s2], $0x80, $0x38;
	[tilespmem:$0x1FB80] =	vst v63  }
0x2f: {  	s0 =	simm.s32 $0x80;
	s23 =	rddreg [dreg:$0x17]  }
0x30: {  	[tilespmem:s0], [sflag:$0x2] =	stream.linear.gather [hbm4b:s22+s2], $0x80, $0x38;
	[tilespmem:$0x1FB80] =	vst v63  }
0x31: {  	s26 =	simm.s32 $0x100;
	s11 =	simm.s32 $0x200;
	s9 =	simm.s32 $0x0  }
0x32: {  	[tilespmem:s26], [sflag:$0x3] =	stream.linear.gather [hbm4b:s23+s2], $0x80, $0x38;
	[tilespmem:$0x1FB80] =	vst v63  }
.LBB2_2:
0x33: {  	p0 =	sne.s32 s11, $0x9E00;
	[tilespmem:s9+$0x8370] =	vst v0  }
0x34: {  	[tilespmem:s9+$0x8300] =	vst v0  }
0x35: {  	[tilespmem:s9+$0x8310] =	vst v0  }
.Ltmp0:
0x36: {  	[tilespmem:s9+$0x8320] =	vst v0;
	(pc) =	sbr.rel @p0 .LBB2_2-.Ltmp0, $4  }
0x37: {  	[tilespmem:s9+$0x8330] =	vst v0  }
0x38: {  	[tilespmem:s9+$0x8340] =	vst v0  }
0x39: {  	[tilespmem:s9+$0x8350] =	vst v0  }
0x3a: {  	[tilespmem:s9+$0x8360] =	vst v0;
	s9 =	sshra.s32 s11, $0x2;
	s11 =	sadd.s32 $0x200, s11  }
0x3b: {  	[tilespmem:s9+$0x8370] =	vst v0  }
0x3c: {  	[tilespmem:s9+$0x8300] =	vst v0  }
0x3d: {  	[tilespmem:s9+$0x8310] =	vst v0  }
0x3e: {  	[tilespmem:s9+$0x8320] =	vst v0  }
0x3f: {  	[tilespmem:s9+$0x8330] =	vst v0  }
0x40: {  	[tilespmem:s9+$0x8340] =	vst v0  }
0x41: {  	[tilespmem:s9+$0x8350] =	vst v0  }
0x42: {  	[tilespmem:s9+$0x8360] =	vst v0  }
0x43: {  	[spmem:s18] =	stream.linear.scatter [tilespmem:s30], [sflag:$0xA], $0x2800, $0x38;
	[tilespmem:$0x1FB80] =	vst v63  }
0x44: {  	_ = 	snop  }
0x45: {  	[spmem:s14] =	stream.linear.scatter [tilespmem:s30], [sflag:$0xA], $0x2800, $0x38;
	[tilespmem:$0x1FB80] =	vst v63  }
0x46: {  	_ = 	snop  }
0x47: {  	[spmem:s15] =	stream.linear.scatter [tilespmem:s30], [sflag:$0xA], $0x2800, $0x38;
	[tilespmem:$0x1FB80] =	vst v63  }
0x48: {  	_ = 	snop  }
0x49: {  	[spmem:s17] =	stream.linear.scatter [tilespmem:s30], [sflag:$0xA], $0x2800, $0x38;
	[tilespmem:$0x1FB80] =	vst v63  }
0x4a: {  	_ = 	snop  }
0x4b: {  	[spmem:s19] =	stream.linear.scatter [tilespmem:s30], [sflag:$0xA], $0x2800, $0x38;
	[tilespmem:$0x1FB80] =	vst v63  }
0x4c: {  	_ = 	snop  }
0x4d: {  	[spmem:s20] =	stream.linear.scatter [tilespmem:s30], [sflag:$0xA], $0x2800, $0x38;
	[tilespmem:$0x1FB80] =	vst v63  }
0x4e: {  	_ = 	snop  }
0x4f: {  	[spmem:s21] =	stream.linear.scatter [tilespmem:s30], [sflag:$0xA], $0x2800, $0x38;
	[tilespmem:$0x1FB80] =	vst v63  }
0x50: {  	s9 =	simm.s32 @!p1 $0x8300  }
0x51: {  	[spmem:s24] =	stream.linear.scatter @!p1 [tilespmem:s9], [sflag:$0xA], $0x2800, $0x38;
	[tilespmem:$0x1FB80] =	vst v63  }
0x52: {  	s11 =	rddreg [dreg:$0x4];
	p1 =	por $0x1, $0x1  }
0x53: {  	p0 =	sle.u32 @!p1 s11, $0x0  }
0x54: {  	p2 =	por p0, p1  }
0x55: {  	s11 =	simm.s32 @!p2 $0x7  }
0x56: {  	s21 =	sadd.s32 $0x0, s5;
	_ =	swait.ge @!p2 [sflag:s11], $0x4000  }
0x57: {  	p0 =	sgt.u32 s21, $0x9C3;
	[sflag:s11] =	ssyncset.done @!p2 $0x0  }
0x58: {  	s23 =	smov.u32 s14;
	s12 =	simm.s32 @!p0 $0x1;
	[sflag:s11] =	ssyncadd.s32 @!p2 $0xFFFFC000  }
0x59: {  	p6 =	por $0x0, $0x0;
	s14 =	simm.s32 @!p0 $0x0;
	_ =	swait.ge @!p0 [sflag:s12], $0x80  }
0x5a: {  	s11 =	simm.s32 @!p0 $0x300;
	[sflag:s12] =	ssyncset.done @!p0 $0x0;
	s13 =	rddreg [dreg:$0x5]  }
0x5b: {  	[sflag:s12] =	ssyncadd.s32 @!p0 $0xFFFFFF80;
	s12 =	simm.s32 @!p0 $0x80;
	p3 =	sgt.u32 s13, $0x0  }
0x5c: {  	[tilespmem:s11], [sflag:$0x4] =	stream.indirect.gather @!p0 [hbm4b:s4+s12], $0x80, s14, s12, $0xb8;
	[tilespmem:$0x1FB80] =	vst v63  }
0x5d: {  	p2 =	por !p6, !p3  }
0x5e: {  	p2 =	por !p2, !p2  }
0x5f: {  	s13 =	sadd.s32 @p2 $0x0, s5  }
0x60: {  	s0 =	smov.u32 s15;
	s17 =	sadd.s32 @!p0 $0xFFFFF010, s25;
	s16 =	sadd.s32 @p2 $0x40, s13  }
0x61: {  	s15 =	simm.s32 @p2 $0x6;
	s13 =	simm.s32 @!p0 $0x180;
	p3 =	sgt.u32 @p2 s16, $0x9C3  }
0x62: {  	[tilespmem:s13], [sflag:$0x7] =	stream.linear.gather @!p0 [hbm4b:s17+s14], $0x80, $0x38;
	[tilespmem:$0x1FB80] =	vst v63  }
0x63: {  	_ =	swait.ge @p2 [sflag:s15], $0x4000;
	p3 =	por p3, !p2  }
0x64: {  	[sflag:s15] =	ssyncset.done @p2 $0x0;
	s14 =	sadd.s32 @!p3 $0xFFFFF800, s25;
	s16 =	simm.s32 @!p3 $0x100  }
0x65: {  	s17 =	simm.s32 @!p3 $0x0;
	[sflag:s15] =	ssyncadd.s32 @p2 $0xFFFFC000;
	s15 =	simm.s32 @p2 $0x9  }
0x66: {  	[tilespmem:s16], [sflag:$0x3] =	stream.linear.gather @!p3 [hbm4b:s14+s17], $0x80, $0x38;
	[tilespmem:$0x1FB80] =	vst v63  }
0x67: {  	s22 =	smov.u32 s18;
	s18 =	simm.s32 @p2 $0x280;
	_ =	swait.ge @p2 [sflag:s15], $0x80  }
0x68: {  	s14 =	simm.s32 @p2 $0x8300;
	[sflag:s15] =	ssyncset.done @p2 $0x0;
	s16 =	rddreg [dreg:$0x6]  }
0x69: {  	s17 =	simm.s32 @p2 $0x80;
	[sflag:s15] =	ssyncadd.s32 @p2 $0xFFFFFF80;
	p3 =	sle.u32 @!p1 s16, $0x0  }
0x6a: {  	[spmem:s1] =	stream.indirect.scatter.add.f32 @p2 [tilespmem:s14], [sflag:$0x9], $0x80, s18, s17, $0xb8;
	[tilespmem:$0x1FB80] =	vst v63  }
0x6b: {  	p3 =	por p3, p1  }
0x6c: {  	s14 =	simm.s32 @!p3 $0x8  }
0x6d: {  	s26 =	sadd.s32 $0x20, s21;
	_ =	swait.ge @!p3 [sflag:s14], $0x4000  }
0x6e: {  	p1 =	sgt.u32 s26, $0x9C3;
	[sflag:s14] =	ssyncset.done @!p3 $0x0  }
0x6f: {  	s16 =	simm.s32 @!p1 $0x2;
	[sflag:s14] =	ssyncadd.s32 @!p3 $0xFFFFC000  }
0x70: {  	_ =	swait.ge @!p1 [sflag:s16], $0x80  }
0x71: {  	[sflag:s16] =	ssyncset.done @!p1 $0x0  }
0x72: {  	s26 =	simm.s32 @!p1 $0x80;
	s14 =	simm.s32 @!p1 $0x4300;
	[sflag:s16] =	ssyncadd.s32 @!p1 $0xFFFFFF80  }
0x73: {  	[tilespmem:s14], [sflag:$0x5] =	stream.indirect.gather @!p1 [hbm4b:s4+s26], $0x80, s26, s26, $0xb8;
	[tilespmem:$0x1FB80] =	vst v63  }
0x74: {  	s24 =	simm.s32 @!p1 $0x200;
	s17 =	simm.s32 @!p1 $0x0;
	s16 =	sadd.s32 @!p1 $0xFFFFF410, s25  }
0x75: {  	[tilespmem:s24], [sflag:$0x8] =	stream.linear.gather @!p1 [hbm4b:s16+s17], $0x80, $0x38;
	[tilespmem:$0x1FB80] =	vst v63  }
0x76: {  	s16 =	simm.s32 @!p0 $0x4  }
0x77: {  	p4 =	por @!p0 $0x0, $0x0;
	_ =	swait.ge @!p0 [sflag:s16], $0x4000  }
0x78: {  	p3 =	por p4, p0;
	[sflag:s16] =	ssyncset.done @!p0 $0x0  }
0x79: {  	s17 =	simm.s32 @!p3 $0xA;
	[sflag:s16] =	ssyncadd.s32 @!p0 $0xFFFFC000  }
0x7a: {  	_ =	swait.ge @!p3 [sflag:s17], $0x2800  }
0x7b: {  	[sflag:s17] =	ssyncset.done @!p3 $0x0  }
0x7c: {  	[sflag:s17] =	ssyncadd.s32 @!p3 $0xFFFFD800  }
0x7d: {  	_ =	swait.ge @!p3 [sflag:s17], $0x2800  }
0x7e: {  	[sflag:s17] =	ssyncset.done @!p3 $0x0  }
0x7f: {  	[sflag:s17] =	ssyncadd.s32 @!p3 $0xFFFFD800  }
0x80: {  	_ =	swait.ge @!p3 [sflag:s17], $0x2800  }
0x81: {  	[sflag:s17] =	ssyncset.done @!p3 $0x0  }
0x82: {  	[sflag:s17] =	ssyncadd.s32 @!p3 $0xFFFFD800  }
0x83: {  	_ =	swait.ge @!p3 [sflag:s17], $0x2800  }
0x84: {  	[sflag:s17] =	ssyncset.done @!p3 $0x0  }
0x85: {  	[sflag:s17] =	ssyncadd.s32 @!p3 $0xFFFFD800  }
0x86: {  	_ =	swait.ge @!p3 [sflag:s17], $0x2800  }
0x87: {  	[sflag:s17] =	ssyncset.done @!p3 $0x0  }
0x88: {  	[sflag:s17] =	ssyncadd.s32 @!p3 $0xFFFFD800  }
0x89: {  	_ =	swait.ge @!p3 [sflag:s17], $0x2800  }
0x8a: {  	[sflag:s17] =	ssyncset.done @!p3 $0x0  }
0x8b: {  	p5 =	sgt.u32 @!p3 s3, $0xC;
	[sflag:s17] =	ssyncadd.s32 @!p3 $0xFFFFD800  }
0x8c: {  	p4 =	por @!p0 p5, p4;
	_ =	swait.ge @!p3 [sflag:s17], $0x2800  }
0x8d: {  	p4 =	por p4, p0;
	[sflag:s17] =	ssyncset.done @!p3 $0x0  }
0x8e: {  	s16 =	sadd.s32 @!p0 $0x0, s5;
	[sflag:s17] =	ssyncadd.s32 @!p3 $0xFFFFD800;
	s17 =	simm.s32 @!p4 $0xA  }
0x8f: {  	s16 =	sadd.s32 @!p0 $0x60, s16;
	_ =	swait.ge @!p4 [sflag:s17], $0x2800  }
0x90: {  	p5 =	sgt.u32 @!p0 s16, $0x9C3;
	[sflag:s17] =	ssyncset.done @!p4 $0x0  }
0x91: {  	[sflag:s17] =	ssyncadd.s32 @!p4 $0xFFFFD800;
	p4 =	por p5, p0  }
0x92: {  	[bflag:$0x0] =	sbarrier.arrive @!p3 $0xFFFF;
	s16 =	sadd.s32 @!p4 $0xFFFFFC00, s25;
	s17 =	simm.s32 @!p4 $0x0  }
0x93: {  	[tilespmem:s17], [sflag:$0x1] =	stream.linear.gather @!p4 [hbm4b:s16+s17], $0x80, $0x38;
	[tilespmem:$0x1FB80] =	vst v63  }
0x94: {  	s16 =	simm.s32 @!p0 $0x7  }
0x95: {  	_ =	swait.ge @!p0 [sflag:s16], $0x80  }
0x96: {  	[sflag:s16] =	ssyncset.done @!p0 $0x0  }
0x97: {  	[sflag:s16] =	ssyncadd.s32 @!p0 $0xFFFFFF80  }
0x98: {  	[spmem:s1] =	stream.indirect.scatter.add.f32 @!p0 [tilespmem:s11], [sflag:$0x7], $0x80, s13, s12, $0xb8;
	[tilespmem:$0x1FB80] =	vst v63  }
0x99: {  	s9 =	sadd.s32 $0x40, s21;
	_ =	swait.ge @p2 [sflag:s15], $0x4000  }
0x9a: {  	p0 =	sgt.u32 s9, $0x9C3;
	[sflag:s15] =	ssyncset.done @p2 $0x0  }
0x9b: {  	s9 =	simm.s32 @!p0 $0x3;
	[sflag:s15] =	ssyncadd.s32 @p2 $0xFFFFC000  }
0x9c: {  	_ =	swait.ge @!p0 [sflag:s9], $0x80  }
0x9d: {  	s11 =	sadd.s32 @!p1 $0x0, s5;
	s12 =	simm.s32 @!p0 $0x8300;
	[sflag:s9] =	ssyncset.done @!p0 $0x0  }
0x9e: {  	s13 =	simm.s32 @!p0 $0x80;
	[sflag:s9] =	ssyncadd.s32 @!p0 $0xFFFFFF80;
	s9 =	simm.s32 @!p0 $0x100  }
0x9f: {  	[tilespmem:s12], [sflag:$0x6] =	stream.indirect.gather @!p0 [hbm4b:s4+s13], $0x80, s9, s13, $0xb8;
	[tilespmem:$0x1FB80] =	vst v63  }
0xa0: {  	s9 =	simm.s32 @!p0 $0x280;
	s12 =	sadd.s32 @!p0 $0xFFFFF810, s25;
	s13 =	simm.s32 @!p0 $0x0  }
0xa1: {  	[tilespmem:s9], [sflag:$0x9] =	stream.linear.gather @!p0 [hbm4b:s12+s13], $0x80, $0x38;
	[tilespmem:$0x1FB80] =	vst v63  }
0xa2: {  	s9 =	sadd.s32 @!p1 $0x80, s11;
	s11 =	simm.s32 @!p1 $0x5  }
0xa3: {  	p0 =	sgt.u32 @!p1 s9, $0x9C3;
	_ =	swait.ge @!p1 [sflag:s11], $0x4000  }
0xa4: {  	p0 =	por p0, p1;
	[sflag:s11] =	ssyncset.done @!p1 $0x0  }
0xa5: {  	s9 =	simm.s32 @!p0 $0x0;
	s12 =	simm.s32 @!p0 $0x80;
	[sflag:s11] =	ssyncadd.s32 @!p1 $0xFFFFC000  }
0xa6: {  	[tilespmem:s12], [sflag:$0x2] =	stream.linear.gather @!p0 [hbm4b:s25+s9], $0x80, $0x38;
	[tilespmem:$0x1FB80] =	vst v63  }
0xa7: {  	s15 =	simm.s32 $0xC0;
	s9 =	simm.s32 @!p1 $0x8  }
0xa8: {  	s13 =	simm.s32 $0x60;
	s11 =	sadd.s32 $0xC00, s25;
	_ =	swait.ge @!p1 [sflag:s9], $0x80  }
.LBB2_4:
0xa9: {  	s19 =	smov.u32 s15;
	s15 =	sadd.s32 $0x60, s15  }
0xaa: {  	s12 =	rddreg [dreg:$0x4];
	[sflag:s9] =	ssyncset.done @!p1 $0x0;
	p0 =	sne.s32 s15, $0xAE0  }
0xab: {  	p6 =	seq.s32 s13, $0x0;
	[sflag:s9] =	ssyncadd.s32 @!p1 $0xFFFFFF80;
	s16 =	simm.s32 @!p0 $0x0  }
0xac: {  	[spmem:s1] =	stream.indirect.scatter.add.f32 @!p1 [tilespmem:s14], [sflag:$0x8], $0x80, s24, s26, $0xb8;
	[tilespmem:$0x1FB80] =	vst v63  }
0xad: {  	s16 =	simm.s32 @p0 $0x1;
	p0 =	sge.u32 @!p6 s13, s12  }
0xae: {  	p0 =	por p0, p6  }
0xaf: {  	s18 =	sadd.s32 s13, s5;
	[smem:$0x7FC] =	sst s16;
	s9 =	simm.s32 @!p0 $0x7  }
0xb0: {  	p4 =	sne.s32 s13, $0x0;
	p3 =	sgt.u32 s18, $0x9C3;
	_ =	swait.ge @!p0 [sflag:s9], $0x4000  }
0xb1: {  	s14 =	sadd.s32 $0x20, s18;
	s17 =	sadd.s32 @!p3 s13, s5;
	[sflag:s9] =	ssyncset.done @!p0 $0x0  }
0xb2: {  	s24 =	simm.s32 @!p3 $0x0;
	s16 =	simm.s32 @!p3 $0x1;
	[sflag:s9] =	ssyncadd.s32 @!p0 $0xFFFFC000  }
0xb3: {  	s12 =	simm.s32 @!p3 $0x300;
	s17 =	sadd.s32 @!p3 $0x60, s17;
	_ =	swait.ge @!p3 [sflag:s16], $0x80  }
0xb4: {  	s9 =	sadd.s32 $0x40, s18;
	[sflag:s16] =	ssyncset.done @!p3 $0x0;
	s18 =	rddreg [dreg:$0x5]  }
0xb5: {  	[sflag:s16] =	ssyncadd.s32 @!p3 $0xFFFFFF80;
	s16 =	simm.s32 @!p3 $0x80;
	p5 =	slt.u32 s13, s18  }
0xb6: {  	[tilespmem:s12], [sflag:$0x4] =	stream.indirect.gather @!p3 [hbm4b:s4+s16], $0x80, s24, s16, $0xb8;
	[tilespmem:$0x1FB80] =	vst v63  }
0xb7: {  	p1 =	sgt.u32 @!p3 s17, $0x9C3;
	p0 =	por !p4, !p5  }
0xb8: {  	p4 =	por !p0, !p0;
	p0 =	por p1, p3  }
0xb9: {  	s20 =	sadd.s32 @!p3 $0xFFFFF010, s11;
	s17 =	simm.s32 @!p0 $0x0;
	s26 =	sadd.s32 @p4 s13, s5  }
0xba: {  	s18 =	simm.s32 @p4 $0x6;
	s17 =	simm.s32 @p0 $0x1;
	s26 =	sadd.s32 @p4 $0x40, s26  }
0xbb: {  	[smem:$0x7FB] =	sst s17;
	s17 =	simm.s32 @!p3 $0x180;
	p0 =	sgt.u32 @p4 s26, $0x9C3  }
0xbc: {  	[tilespmem:s17], [sflag:$0x7] =	stream.linear.gather @!p3 [hbm4b:s20+s24], $0x80, $0x38;
	[tilespmem:$0x1FB80] =	vst v63  }
0xbd: {  	p0 =	por p0, !p4;
	_ =	swait.ge @p4 [sflag:s18], $0x4000  }
0xbe: {  	s20 =	sadd.s32 @!p0 $0xFFFFF800, s11;
	s24 =	simm.s32 @!p0 $0x100;
	[sflag:s18] =	ssyncset.done @p4 $0x0  }
0xbf: {  	s26 =	simm.s32 @!p0 $0x0;
	[sflag:s18] =	ssyncadd.s32 @p4 $0xFFFFC000;
	s18 =	simm.s32 @p4 $0x9  }
0xc0: {  	[tilespmem:s24], [sflag:$0x3] =	stream.linear.gather @!p0 [hbm4b:s20+s26], $0x80, $0x38;
	[tilespmem:$0x1FB80] =	vst v63  }
0xc1: {  	s21 =	simm.s32 @p4 $0x280;
	_ =	swait.ge @p4 [sflag:s18], $0x80  }
0xc2: {  	s20 =	simm.s32 @p4 $0x8300;
	[sflag:s18] =	ssyncset.done @p4 $0x0;
	s24 =	rddreg [dreg:$0x6]  }
0xc3: {  	s26 =	simm.s32 @p4 $0x80;
	[sflag:s18] =	ssyncadd.s32 @p4 $0xFFFFFF80;
	p0 =	sge.u32 @!p6 s13, s24  }
0xc4: {  	[spmem:s1] =	stream.indirect.scatter.add.f32 @p4 [tilespmem:s20], [sflag:$0x9], $0x80, s21, s26, $0xb8;
	[tilespmem:$0x1FB80] =	vst v63  }
0xc5: {  	p0 =	por p0, p6  }
0xc6: {  	s20 =	simm.s32 @!p0 $0x8  }
0xc7: {  	_ =	swait.ge @!p0 [sflag:s20], $0x4000  }
0xc8: {  	p2 =	sne.s32 @!p3 s13, $0x0;
	p1 =	sgt.u32 s14, $0x9C3;
	[sflag:s20] =	ssyncset.done @!p0 $0x0  }
0xc9: {  	s13 =	sadd.s32 @!p1 s13, s5;
	s21 =	simm.s32 @!p1 $0x2;
	[sflag:s20] =	ssyncadd.s32 @!p0 $0xFFFFC000  }
0xca: {  	s24 =	simm.s32 @!p1 $0x200;
	s14 =	sadd.s32 @!p1 $0x80, s13;
	_ =	swait.ge @!p1 [sflag:s21], $0x80  }
0xcb: {  	s13 =	smov.u32 s19;
	s26 =	simm.s32 @!p1 $0x80;
	[sflag:s21] =	ssyncset.done @!p1 $0x0  }
0xcc: {  	p0 =	sgt.u32 @!p1 s14, $0x9C3;
	s14 =	simm.s32 @!p1 $0x4300;
	[sflag:s21] =	ssyncadd.s32 @!p1 $0xFFFFFF80  }
0xcd: {  	[tilespmem:s14], [sflag:$0x5] =	stream.indirect.gather @!p1 [hbm4b:s4+s26], $0x80, s26, s26, $0xb8;
	[tilespmem:$0x1FB80] =	vst v63  }
0xce: {  	s19 =	sadd.s32 @!p1 $0xFFFFF410, s11;
	s20 =	simm.s32 @!p1 $0x0;
	s21 =	simm.s32 @!p3 $0x4  }
0xcf: {  	[tilespmem:s24], [sflag:$0x8] =	stream.linear.gather @!p1 [hbm4b:s19+s20], $0x80, $0x38;
	[tilespmem:$0x1FB80] =	vst v63  }
0xd0: {  	_ =	swait.ge @!p3 [sflag:s21], $0x4000  }
0xd1: {  	p6 =	por p0, p1;
	p0 =	por p2, p3;
	[sflag:s21] =	ssyncset.done @!p3 $0x0  }
0xd2: {  	s19 =	simm.s32 @!p0 $0xA;
	[sflag:s21] =	ssyncadd.s32 @!p3 $0xFFFFC000  }
0xd3: {  	_ =	swait.ge @!p0 [sflag:s19], $0x2800  }
0xd4: {  	[sflag:s19] =	ssyncset.done @!p0 $0x0  }
0xd5: {  	[sflag:s19] =	ssyncadd.s32 @!p0 $0xFFFFD800  }
0xd6: {  	_ =	swait.ge @!p0 [sflag:s19], $0x2800  }
0xd7: {  	[sflag:s19] =	ssyncset.done @!p0 $0x0  }
0xd8: {  	[sflag:s19] =	ssyncadd.s32 @!p0 $0xFFFFD800  }
0xd9: {  	_ =	swait.ge @!p0 [sflag:s19], $0x2800  }
0xda: {  	[sflag:s19] =	ssyncset.done @!p0 $0x0  }
0xdb: {  	[sflag:s19] =	ssyncadd.s32 @!p0 $0xFFFFD800  }
0xdc: {  	_ =	swait.ge @!p0 [sflag:s19], $0x2800  }
0xdd: {  	[sflag:s19] =	ssyncset.done @!p0 $0x0  }
0xde: {  	[sflag:s19] =	ssyncadd.s32 @!p0 $0xFFFFD800  }
0xdf: {  	_ =	swait.ge @!p0 [sflag:s19], $0x2800  }
0xe0: {  	[sflag:s19] =	ssyncset.done @!p0 $0x0  }
0xe1: {  	[sflag:s19] =	ssyncadd.s32 @!p0 $0xFFFFD800  }
0xe2: {  	_ =	swait.ge @!p0 [sflag:s19], $0x2800  }
0xe3: {  	[sflag:s19] =	ssyncset.done @!p0 $0x0  }
0xe4: {  	p5 =	sgt.u32 @!p0 s3, $0xC;
	[sflag:s19] =	ssyncadd.s32 @!p0 $0xFFFFD800  }
0xe5: {  	p2 =	por @!p3 p5, p2;
	_ =	swait.ge @!p0 [sflag:s19], $0x2800  }
0xe6: {  	p2 =	por p2, p3;
	[sflag:s19] =	ssyncset.done @!p0 $0x0  }
0xe7: {  	s20 =	simm.s32 @!p2 $0xA;
	[sflag:s19] =	ssyncadd.s32 @!p0 $0xFFFFD800  }
0xe8: {  	_ =	swait.ge @!p2 [sflag:s20], $0x2800  }
0xe9: {  	[sflag:s20] =	ssyncset.done @!p2 $0x0  }
0xea: {  	[sflag:s20] =	ssyncadd.s32 @!p2 $0xFFFFD800;
	s20 =	sld [smem:$0x7FB];
	_ =	sdelay $0x2  }
0xeb: {  	s21 =	simm.s32 @!p3 $0x7;
	p2 =	seq.s32 s20, $0x1  }
0xec: {  	[bflag:$0x0] =	sbarrier.arrive @!p0 $0xFFFF;
	s19 =	sadd.s32 @!p2 $0xFFFFFC00, s11;
	s20 =	simm.s32 @!p2 $0x0  }
0xed: {  	[tilespmem:s20], [sflag:$0x1] =	stream.linear.gather @!p2 [hbm4b:s19+s20], $0x80, $0x38;
	[tilespmem:$0x1FB80] =	vst v63  }
0xee: {  	_ =	swait.ge @!p3 [sflag:s21], $0x80  }
0xef: {  	[sflag:s21] =	ssyncset.done @!p3 $0x0  }
0xf0: {  	[sflag:s21] =	ssyncadd.s32 @!p3 $0xFFFFFF80  }
0xf1: {  	[spmem:s1] =	stream.indirect.scatter.add.f32 @!p3 [tilespmem:s12], [sflag:$0x7], $0x80, s17, s16, $0xb8;
	[tilespmem:$0x1FB80] =	vst v63  }
0xf2: {  	_ =	swait.ge @p4 [sflag:s18], $0x4000  }
0xf3: {  	p0 =	sgt.u32 s9, $0x9C3;
	[sflag:s18] =	ssyncset.done @p4 $0x0  }
0xf4: {  	s9 =	simm.s32 @!p0 $0x3;
	[sflag:s18] =	ssyncadd.s32 @p4 $0xFFFFC000  }
0xf5: {  	_ =	swait.ge @!p0 [sflag:s9], $0x80  }
0xf6: {  	s19 =	simm.s32 @!p0 $0x0;
	s12 =	simm.s32 @!p0 $0x8300;
	[sflag:s9] =	ssyncset.done @!p0 $0x0  }
0xf7: {  	s17 =	simm.s32 @!p0 $0x80;
	s18 =	simm.s32 @!p0 $0x100;
	[sflag:s9] =	ssyncadd.s32 @!p0 $0xFFFFFF80  }
0xf8: {  	[tilespmem:s12], [sflag:$0x6] =	stream.indirect.gather @!p0 [hbm4b:s4+s17], $0x80, s18, s17, $0xb8;
	[tilespmem:$0x1FB80] =	vst v63  }
0xf9: {  	s16 =	simm.s32 @!p0 $0x280;
	s9 =	sadd.s32 @!p0 $0xFFFFF810, s11;
	s12 =	simm.s32 @!p1 $0x5  }
0xfa: {  	[tilespmem:s16], [sflag:$0x9] =	stream.linear.gather @!p0 [hbm4b:s9+s19], $0x80, $0x38;
	[tilespmem:$0x1FB80] =	vst v63  }
0xfb: {  	_ =	swait.ge @!p1 [sflag:s12], $0x4000  }
0xfc: {  	s17 =	simm.s32 @!p6 $0x80;
	[sflag:s12] =	ssyncset.done @!p1 $0x0  }
0xfd: {  	s16 =	simm.s32 @!p6 $0x0;
	s9 =	simm.s32 @!p1 $0x8;
	[sflag:s12] =	ssyncadd.s32 @!p1 $0xFFFFC000  }
0xfe: {  	[tilespmem:s17], [sflag:$0x2] =	stream.linear.gather @!p6 [hbm4b:s11+s16], $0x80, $0x38;
	[tilespmem:$0x1FB80] =	vst v63  }
0xff: {  	_ =	swait.ge @!p1 [sflag:s9], $0x80  }
0x100: {  	s21 =	sld [smem:$0x7FC];
	_ =	sdelay $0x2  }
0x101: {  	p0 =	seq.s32 s21, $0x1  }
.Ltmp1:
0x102: {  	_ = 	snop;
	(pc) =	sbr.rel @p0 .LBB2_4-.Ltmp1, $2  }
0x103: {  	_ =	sdelay $0x2  }
0x104: {  	s11 =	sadd.s32 $0xC00, s11  }
0x105: {  	s12 =	rddreg [dreg:$0x4];
	[sflag:s9] =	ssyncset.done @!p1 $0x0;
	p2 =	seq.s32 s13, $0x0  }
0x106: {  	[sflag:s9] =	ssyncadd.s32 @!p1 $0xFFFFFF80;
	p0 =	sge.u32 @!p2 s13, s12  }
0x107: {  	[spmem:s1] =	stream.indirect.scatter.add.f32 @!p1 [tilespmem:s14], [sflag:$0x8], $0x80, s24, s26, $0xb8;
	[tilespmem:$0x1FB80] =	vst v63  }
0x108: {  	p1 =	por p0, p2  }
0x109: {  	s12 =	simm.s32 @!p1 $0x7  }
0x10a: {  	s24 =	sadd.s32 s13, s5;
	_ =	swait.ge @!p1 [sflag:s12], $0x4000  }
0x10b: {  	p0 =	sgt.u32 s24, $0x9C3;
	[sflag:s12] =	ssyncset.done @!p1 $0x0  }
0x10c: {  	s14 =	simm.s32 @!p0 $0x1;
	[sflag:s12] =	ssyncadd.s32 @!p1 $0xFFFFC000  }
0x10d: {  	p6 =	sne.s32 s13, $0x0;
	s16 =	simm.s32 @!p0 $0x0;
	_ =	swait.ge @!p0 [sflag:s14], $0x80  }
0x10e: {  	s12 =	simm.s32 @!p0 $0x300;
	[sflag:s14] =	ssyncset.done @!p0 $0x0;
	s15 =	rddreg [dreg:$0x5]  }
0x10f: {  	[sflag:s14] =	ssyncadd.s32 @!p0 $0xFFFFFF80;
	s14 =	simm.s32 @!p0 $0x80;
	p3 =	slt.u32 s13, s15  }
0x110: {  	[tilespmem:s12], [sflag:$0x4] =	stream.indirect.gather @!p0 [hbm4b:s4+s14], $0x80, s16, s14, $0xb8;
	[tilespmem:$0x1FB80] =	vst v63  }
0x111: {  	p1 =	por !p6, !p3  }
0x112: {  	s19 =	sadd.s32 @!p0 $0xFFFFF010, s11;
	p1 =	por !p1, !p1  }
0x113: {  	s17 =	simm.s32 @!p0 $0x180;
	s15 =	sadd.s32 @p1 s13, s5;
	s18 =	simm.s32 @p1 $0x6  }
0x114: {  	[tilespmem:s17], [sflag:$0x7] =	stream.linear.gather @!p0 [hbm4b:s19+s16], $0x80, $0x38;
	[tilespmem:$0x1FB80] =	vst v63  }
0x115: {  	s15 =	sadd.s32 @p1 $0x40, s15;
	_ =	swait.ge @p1 [sflag:s18], $0x4000  }
0x116: {  	p3 =	sgt.u32 @p1 s15, $0x9C3;
	[sflag:s18] =	ssyncset.done @p1 $0x0  }
0x117: {  	s19 =	simm.s32 @p1 $0x9;
	p3 =	por p3, !p1;
	[sflag:s18] =	ssyncadd.s32 @p1 $0xFFFFC000  }
0x118: {  	s15 =	sadd.s32 @!p3 $0xFFFFF800, s11;
	s16 =	simm.s32 @!p3 $0x100;
	s18 =	simm.s32 @!p3 $0x0  }
0x119: {  	[tilespmem:s16], [sflag:$0x3] =	stream.linear.gather @!p3 [hbm4b:s15+s18], $0x80, $0x38;
	[tilespmem:$0x1FB80] =	vst v63  }
0x11a: {  	s20 =	simm.s32 @p1 $0x280;
	_ =	swait.ge @p1 [sflag:s19], $0x80  }
0x11b: {  	s15 =	simm.s32 @p1 $0x8300;
	[sflag:s19] =	ssyncset.done @p1 $0x0;
	s16 =	rddreg [dreg:$0x6]  }
0x11c: {  	s18 =	simm.s32 @p1 $0x80;
	[sflag:s19] =	ssyncadd.s32 @p1 $0xFFFFFF80;
	p3 =	sge.u32 @!p2 s13, s16  }
0x11d: {  	[spmem:s1] =	stream.indirect.scatter.add.f32 @p1 [tilespmem:s15], [sflag:$0x9], $0x80, s20, s18, $0xb8;
	[tilespmem:$0x1FB80] =	vst v63  }
0x11e: {  	p3 =	por p3, p2  }
0x11f: {  	s15 =	simm.s32 @!p3 $0x8  }
0x120: {  	s26 =	sadd.s32 $0x20, s24;
	_ =	swait.ge @!p3 [sflag:s15], $0x4000  }
0x121: {  	p2 =	sgt.u32 s26, $0x9C3;
	[sflag:s15] =	ssyncset.done @!p3 $0x0  }
0x122: {  	s18 =	simm.s32 @!p2 $0x2;
	[sflag:s15] =	ssyncadd.s32 @!p3 $0xFFFFC000  }
0x123: {  	_ =	swait.ge @!p2 [sflag:s18], $0x80  }
0x124: {  	[sflag:s18] =	ssyncset.done @!p2 $0x0  }
0x125: {  	s16 =	simm.s32 @!p2 $0x4300;
	s15 =	simm.s32 @!p2 $0x80;
	[sflag:s18] =	ssyncadd.s32 @!p2 $0xFFFFFF80  }
0x126: {  	[tilespmem:s16], [sflag:$0x5] =	stream.indirect.gather @!p2 [hbm4b:s4+s15], $0x80, s15, s15, $0xb8;
	[tilespmem:$0x1FB80] =	vst v63  }
0x127: {  	s20 =	sadd.s32 @!p2 $0xFFFFF410, s11;
	s21 =	simm.s32 @!p2 $0x0;
	s18 =	simm.s32 @!p2 $0x200  }
0x128: {  	[tilespmem:s18], [sflag:$0x8] =	stream.linear.gather @!p2 [hbm4b:s20+s21], $0x80, $0x38;
	[tilespmem:$0x1FB80] =	vst v63  }
0x129: {  	s20 =	simm.s32 @!p0 $0x4  }
0x12a: {  	p4 =	sne.s32 @!p0 s13, $0x0;
	_ =	swait.ge @!p0 [sflag:s20], $0x4000  }
0x12b: {  	p3 =	por p4, p0;
	[sflag:s20] =	ssyncset.done @!p0 $0x0  }
0x12c: {  	s21 =	simm.s32 @!p3 $0xA;
	[sflag:s20] =	ssyncadd.s32 @!p0 $0xFFFFC000  }
0x12d: {  	_ =	swait.ge @!p3 [sflag:s21], $0x2800  }
0x12e: {  	[sflag:s21] =	ssyncset.done @!p3 $0x0  }
0x12f: {  	[sflag:s21] =	ssyncadd.s32 @!p3 $0xFFFFD800  }
0x130: {  	_ =	swait.ge @!p3 [sflag:s21], $0x2800  }
0x131: {  	[sflag:s21] =	ssyncset.done @!p3 $0x0  }
0x132: {  	[sflag:s21] =	ssyncadd.s32 @!p3 $0xFFFFD800  }
0x133: {  	_ =	swait.ge @!p3 [sflag:s21], $0x2800  }
0x134: {  	[sflag:s21] =	ssyncset.done @!p3 $0x0  }
0x135: {  	[sflag:s21] =	ssyncadd.s32 @!p3 $0xFFFFD800  }
0x136: {  	_ =	swait.ge @!p3 [sflag:s21], $0x2800  }
0x137: {  	[sflag:s21] =	ssyncset.done @!p3 $0x0  }
0x138: {  	[sflag:s21] =	ssyncadd.s32 @!p3 $0xFFFFD800  }
0x139: {  	_ =	swait.ge @!p3 [sflag:s21], $0x2800  }
0x13a: {  	[sflag:s21] =	ssyncset.done @!p3 $0x0  }
0x13b: {  	[sflag:s21] =	ssyncadd.s32 @!p3 $0xFFFFD800  }
0x13c: {  	_ =	swait.ge @!p3 [sflag:s21], $0x2800  }
0x13d: {  	[sflag:s21] =	ssyncset.done @!p3 $0x0  }
0x13e: {  	p5 =	sgt.u32 @!p3 s3, $0xC;
	[sflag:s21] =	ssyncadd.s32 @!p3 $0xFFFFD800  }
0x13f: {  	p4 =	por @!p0 p5, p4;
	_ =	swait.ge @!p3 [sflag:s21], $0x2800  }
0x140: {  	p4 =	por p4, p0;
	[sflag:s21] =	ssyncset.done @!p3 $0x0  }
0x141: {  	s20 =	sadd.s32 @!p0 s13, s5;
	[sflag:s21] =	ssyncadd.s32 @!p3 $0xFFFFD800;
	s21 =	simm.s32 @!p4 $0xA  }
0x142: {  	s20 =	sadd.s32 @!p0 $0x60, s20;
	_ =	swait.ge @!p4 [sflag:s21], $0x2800  }
0x143: {  	p5 =	sgt.u32 @!p0 s20, $0x9C3;
	[sflag:s21] =	ssyncset.done @!p4 $0x0  }
0x144: {  	[sflag:s21] =	ssyncadd.s32 @!p4 $0xFFFFD800;
	p4 =	por p5, p0  }
0x145: {  	[bflag:$0x0] =	sbarrier.arrive @!p3 $0xFFFF;
	s20 =	sadd.s32 @!p4 $0xFFFFFC00, s11;
	s21 =	simm.s32 @!p4 $0x0  }
0x146: {  	[tilespmem:s21], [sflag:$0x1] =	stream.linear.gather @!p4 [hbm4b:s20+s21], $0x80, $0x38;
	[tilespmem:$0x1FB80] =	vst v63  }
0x147: {  	s20 =	simm.s32 @!p0 $0x7  }
0x148: {  	_ =	swait.ge @!p0 [sflag:s20], $0x80  }
0x149: {  	[sflag:s20] =	ssyncset.done @!p0 $0x0  }
0x14a: {  	[sflag:s20] =	ssyncadd.s32 @!p0 $0xFFFFFF80  }
0x14b: {  	[spmem:s1] =	stream.indirect.scatter.add.f32 @!p0 [tilespmem:s12], [sflag:$0x7], $0x80, s17, s14, $0xb8;
	[tilespmem:$0x1FB80] =	vst v63  }
0x14c: {  	s9 =	sadd.s32 $0x40, s24;
	_ =	swait.ge @p1 [sflag:s19], $0x4000  }
0x14d: {  	p0 =	sgt.u32 s9, $0x9C3;
	[sflag:s19] =	ssyncset.done @p1 $0x0  }
0x14e: {  	s9 =	simm.s32 @!p0 $0x3;
	[sflag:s19] =	ssyncadd.s32 @p1 $0xFFFFC000  }
0x14f: {  	_ =	swait.ge @!p0 [sflag:s9], $0x80  }
0x150: {  	s12 =	simm.s32 @!p0 $0x8300;
	[sflag:s9] =	ssyncset.done @!p0 $0x0  }
0x151: {  	s14 =	simm.s32 @!p0 $0x80;
	[sflag:s9] =	ssyncadd.s32 @!p0 $0xFFFFFF80;
	s9 =	simm.s32 @!p0 $0x100  }
0x152: {  	[tilespmem:s12], [sflag:$0x6] =	stream.indirect.gather @!p0 [hbm4b:s4+s14], $0x80, s9, s14, $0xb8;
	[tilespmem:$0x1FB80] =	vst v63  }
0x153: {  	s9 =	simm.s32 @!p0 $0x280;
	s12 =	sadd.s32 @!p0 $0xFFFFF810, s11;
	s14 =	simm.s32 @!p0 $0x0  }
0x154: {  	[tilespmem:s9], [sflag:$0x9] =	stream.linear.gather @!p0 [hbm4b:s12+s14], $0x80, $0x38;
	[tilespmem:$0x1FB80] =	vst v63  }
0x155: {  	s9 =	sadd.s32 @!p2 s13, s5  }
0x156: {  	s12 =	simm.s32 @!p2 $0x5;
	s9 =	sadd.s32 @!p2 $0x80, s9  }
0x157: {  	_ =	swait.ge @!p2 [sflag:s12], $0x4000;
	p0 =	sgt.u32 @!p2 s9, $0x9C3  }
0x158: {  	[sflag:s12] =	ssyncset.done @!p2 $0x0;
	p0 =	por p0, p2  }
0x159: {  	[sflag:s12] =	ssyncadd.s32 @!p2 $0xFFFFC000;
	s9 =	simm.s32 @!p0 $0x0;
	s12 =	simm.s32 @!p0 $0x80  }
0x15a: {  	[tilespmem:s12], [sflag:$0x2] =	stream.linear.gather @!p0 [hbm4b:s11+s9], $0x80, $0x38;
	[tilespmem:$0x1FB80] =	vst v63  }
0x15b: {  	s9 =	simm.s32 @!p2 $0x8  }
0x15c: {  	_ =	swait.ge @!p2 [sflag:s9], $0x80  }
0x15d: {  	[sflag:s9] =	ssyncset.done @!p2 $0x0  }
0x15e: {  	[sflag:s9] =	ssyncadd.s32 @!p2 $0xFFFFFF80  }
0x15f: {  	[spmem:s1] =	stream.indirect.scatter.add.f32 @!p2 [tilespmem:s16], [sflag:$0x8], $0x80, s18, s15, $0xb8;
	[tilespmem:$0x1FB80] =	vst v63  }
0x160: {  	[bflag:$0x0] =	sbarrier.arrive $0xFFFF  }
0x161: {  	[tilespmem:s31], [sflag:$0x4] =	stream.linear.gather [spmem:s22], $0x2800, $0x38;
	[tilespmem:$0x1FB80] =	vst v63  }
0x162: {  	s13 =	simm.s32 $0x4300  }
0x163: {  	[tilespmem:s13], [sflag:$0x5] =	stream.linear.gather [spmem:s23], $0x2800, $0x38;
	[tilespmem:$0x1FB80] =	vst v63  }
0x164: {  	_ =	swait.ge [sflag:s28], $0x2800  }
0x165: {  	[sflag:s28] =	ssyncset.done $0x0  }
0x166: {  	s16 =	rddreg [dreg:$0x7];
	[sflag:s28] =	ssyncadd.s32 $0xFFFFD800  }
0x167: {  	[hbm4b:s16+s2] =	stream.linear.scatter [tilespmem:s31], [sflag:$0x7], $0x2800, $0x38;
	[tilespmem:$0x1FB80] =	vst v63  }
0x168: {  	_ = 	snop  }
0x169: {  	[tilespmem:s30], [sflag:$0x6] =	stream.linear.gather [spmem:s0], $0x2800, $0x38;
	[tilespmem:$0x1FB80] =	vst v63  }
0x16a: {  	_ =	swait.ge [sflag:s29], $0x2800  }
0x16b: {  	[sflag:s29] =	ssyncset.done $0x0  }
0x16c: {  	s17 =	rddreg [dreg:$0x8];
	[sflag:s29] =	ssyncadd.s32 $0xFFFFD800  }
0x16d: {  	[hbm4b:s17+s2] =	stream.linear.scatter [tilespmem:s13], [sflag:$0x8], $0x2800, $0x38;
	[tilespmem:$0x1FB80] =	vst v63  }
0x16e: {  	_ =	swait.ge [sflag:s6], $0x2800  }
0x16f: {  	[sflag:s6] =	ssyncset.done $0x0  }
0x170: {  	s17 =	rddreg [dreg:$0x11];
	[sflag:s6] =	ssyncadd.s32 $0xFFFFD800  }
0x171: {  	[tilespmem:s31], [sflag:$0x4] =	stream.linear.gather [spmem:s17], $0x2800, $0x38;
	[tilespmem:$0x1FB80] =	vst v63  }
0x172: {  	_ =	swait.ge [sflag:s7], $0x2800  }
0x173: {  	[sflag:s7] =	ssyncset.done $0x0  }
0x174: {  	s19 =	rddreg [dreg:$0x9];
	[sflag:s7] =	ssyncadd.s32 $0xFFFFD800  }
0x175: {  	[hbm4b:s19+s2] =	stream.linear.scatter [tilespmem:s30], [sflag:$0x9], $0x2800, $0x38;
	[tilespmem:$0x1FB80] =	vst v63  }
0x176: {  	_ =	swait.ge [sflag:s8], $0x2800  }
0x177: {  	[sflag:s8] =	ssyncset.done $0x0  }
0x178: {  	s19 =	rddreg [dreg:$0x12];
	[sflag:s8] =	ssyncadd.s32 $0xFFFFD800  }
0x179: {  	[tilespmem:s13], [sflag:$0x5] =	stream.linear.gather [spmem:s19], $0x2800, $0x38;
	[tilespmem:$0x1FB80] =	vst v63  }
0x17a: {  	_ =	swait.ge [sflag:s28], $0x2800  }
0x17b: {  	[sflag:s28] =	ssyncset.done $0x0  }
0x17c: {  	s21 =	simm.s32 $0x9;
	s20 =	rddreg [dreg:$0xa];
	[sflag:s28] =	ssyncadd.s32 $0xFFFFD800  }
0x17d: {  	[hbm4b:s20+s2] =	stream.linear.scatter [tilespmem:s31], [sflag:$0x7], $0x2800, $0x38;
	[tilespmem:$0x1FB80] =	vst v63  }
0x17e: {  	_ =	swait.ge [sflag:s21], $0x2800  }
0x17f: {  	[sflag:s21] =	ssyncset.done $0x0  }
0x180: {  	s20 =	rddreg [dreg:$0x13];
	[sflag:s21] =	ssyncadd.s32 $0xFFFFD800  }
0x181: {  	[tilespmem:s30], [sflag:$0x6] =	stream.linear.gather [spmem:s20], $0x2800, $0x38;
	[tilespmem:$0x1FB80] =	vst v63  }
0x182: {  	_ =	swait.ge [sflag:s29], $0x2800  }
0x183: {  	[sflag:s29] =	ssyncset.done $0x0  }
0x184: {  	s18 =	smov.u32 s22;
	s22 =	rddreg [dreg:$0xb];
	[sflag:s29] =	ssyncadd.s32 $0xFFFFD800  }
0x185: {  	[hbm4b:s22+s2] =	stream.linear.scatter [tilespmem:s13], [sflag:$0x8], $0x2800, $0x38;
	[tilespmem:$0x1FB80] =	vst v63  }
0x186: {  	_ =	swait.ge [sflag:s6], $0x2800  }
0x187: {  	[sflag:s6] =	ssyncset.done $0x0  }
0x188: {  	s21 =	rddreg [dreg:$0x14];
	[sflag:s6] =	ssyncadd.s32 $0xFFFFD800  }
0x189: {  	[tilespmem:s31], [sflag:$0x4] =	stream.linear.gather [spmem:s21], $0x2800, $0x38;
	[tilespmem:$0x1FB80] =	vst v63  }
0x18a: {  	_ =	swait.ge [sflag:s7], $0x2800  }
0x18b: {  	[sflag:s7] =	ssyncset.done $0x0  }
0x18c: {  	s14 =	smov.u32 s23;
	s23 =	rddreg [dreg:$0xc];
	[sflag:s7] =	ssyncadd.s32 $0xFFFFD800  }
0x18d: {  	[hbm4b:s23+s2] =	stream.linear.scatter [tilespmem:s30], [sflag:$0x9], $0x2800, $0x38;
	[tilespmem:$0x1FB80] =	vst v63  }
0x18e: {  	_ =	swait.ge [sflag:s8], $0x2800  }
0x18f: {  	s24 =	sld [smem:$0x7FD];
	_ =	sdelay $0x2  }
0x190: {  	[sflag:s8] =	ssyncset.done $0x0;
	p1 =	seq.s32 s24, $0x1  }
0x191: {  	[sflag:s8] =	ssyncadd.s32 $0xFFFFD800;
	s9 =	simm.s32 @p1 $0x4  }
0x192: {  	_ =	swait.ge @p1 [sflag:s9], $0x2800  }
0x193: {  	s11 =	simm.s32 @p1 $0x300;
	[sflag:s9] =	ssyncset.done @p1 $0x0  }
0x194: {  	s13 =	rddreg [dreg:$0xd];
	[sflag:s9] =	ssyncadd.s32 @p1 $0xFFFFD800;
	s9 =	simm.s32 @p1 $0x0  }
0x195: {  	[hbm4b:s13+s9] =	stream.linear.scatter @p1 [tilespmem:s11], [sflag:$0x7], $0x2800, $0x38;
	[tilespmem:$0x1FB80] =	vst v63  }
0x196: {  	s24 =	rddreg [dreg:$0x15];
	s9 =	simm.s32 @!p1 $0x4300;
	s11 =	simm.s32 @!p1 $0x4  }
0x197: {  	[tilespmem:s9], [sflag:$0x5] =	stream.linear.gather @!p1 [spmem:s24], $0x2800, $0x38;
	[tilespmem:$0x1FB80] =	vst v63  }
0x198: {  	_ =	swait.ge @!p1 [sflag:s11], $0x2800  }
0x199: {  	[sflag:s11] =	ssyncset.done @!p1 $0x0  }
0x19a: {  	s12 =	simm.s32 @!p1 $0x300;
	[sflag:s11] =	ssyncadd.s32 @!p1 $0xFFFFD800;
	s11 =	simm.s32 @!p1 $0x0  }
0x19b: {  	[hbm4b:s13+s11] =	stream.linear.scatter @!p1 [tilespmem:s12], [sflag:$0x7], $0x2800, $0x38;
	[tilespmem:$0x1FB80] =	vst v63  }
0x19c: {  	s12 =	simm.s32 @!p1 $0x5  }
0x19d: {  	_ =	swait.ge @!p1 [sflag:s12], $0x2800  }
0x19e: {  	[sflag:s12] =	ssyncset.done @!p1 $0x0  }
0x19f: {  	[sflag:s12] =	ssyncadd.s32 @!p1 $0xFFFFD800;
	s12 =	rddreg [dreg:$0xe]  }
0x1a0: {  	[hbm4b:s12+s11] =	stream.linear.scatter @!p1 [tilespmem:s9], [sflag:$0x8], $0x2800, $0x38;
	[tilespmem:$0x1FB80] =	vst v63  }
0x1a1: {  	s9 =	simm.s32 @!p1 $0x9  }
0x1a2: {  	_ =	swait.ge @!p1 [sflag:s9], $0x2800  }
0x1a3: {  	s11 =	simm.s32 @!p1 $0x7;
	[sflag:s9] =	ssyncset.done @!p1 $0x0  }
0x1a4: {  	s11 =	simm.s32 @p1 $0x9;
	[sflag:s9] =	ssyncadd.s32 @!p1 $0xFFFFD800  }
0x1a5: {  	_ =	swait.ge [sflag:s11], $0x2800  }
0x1a6: {  	s9 =	simm.s32 @!p1 $0x8;
	[sflag:s11] =	ssyncset.done $0x0  }
0x1a7: {  	s9 =	simm.s32 @p1 $0x7;
	[sflag:s11] =	ssyncadd.s32 $0xFFFFD800  }
0x1a8: {  	_ =	swait.ge [sflag:s9], $0x2800  }
0x1a9: {  	s10 =	sadd.s32 $0x1, s10;
	s26 =	rddreg [dreg:$0x16]  }
0x1aa: {  	p0 =	sne.s32 s10, s26  }
.Ltmp2:
0x1ab: {  	_ = 	snop;
	(pc) =	sbr.rel @p0 .LBB2_1-.Ltmp2, $3  }
0x1ac: {  	_ =	sdelay $0x1  }
0x1ad: {  	[sflag:s9] =	ssyncset.done $0x0  }
0x1ae: {  	s15 =	smov.u32 s0;
	[sflag:s9] =	ssyncadd.s32 $0xFFFFD800  }
0x1af: {  	_ =	sfence.sel $0x180000  }
0x1b0: {  	[bflag:$0x0] =	sbarrier.arrive $0xFFFF  }
0x1b1: {  	_ =	strace $0x9000004A  }
0x1b2: {  	[bflag:$0x2] =	sbarrier.arrive $0xFFFF  }
0x1b3: {  	p0 =	sne.s32 s3, $0x0;
	s0 =	rddreg [dreg:$0x3]  }
0x1b4: {  	s0 =	sadd.s32 @!p0 $0x100000, s0  }
0x1b5: {  	[sflag:s0] =	ssyncadd.tile.s32 @!p0 $0x1;
	_ =	shalt  }
.Lfunc_end2:
_tile_overlayer_lowered:
.L_overlay_start_2:
0x1b6: {  	(tag) =	ssettag $0x2  }
0x1b7: {  	s0 =	rddreg [dreg:$0x0];
	s2 =	stileid.u32  }
0x1b8: {  	s1 =	rddreg [dreg:$0x1];
	p0 =	sne.s32 s2, $0x0  }
0x1b9: {  	s3 =	rddreg [dreg:$0x2];
	[bflag:$0x3] =	sbarrier.arrive $0xFFFF;
	s2 =	simm.s32 @!p0 $0x1C0B  }
0x1ba: {  	[timem:s3], [sflag:s2] =	dma.local @!p0 [hbm:s0], s1  }
0x1bb: {  	s0 =	simm.s32 @!p0 $0xB  }
0x1bc: {  	_ =	swait.ge @!p0 [sflag:s0], s1  }
0x1bd: {  	s1 =	ssub.s32 @!p0 $0x0, s1;
	[sflag:s0] =	ssyncset.done @!p0 $0x0  }
0x1be: {  	[sflag:s0] =	ssyncadd.s32 @!p0 s1  }
0x1bf: {  	[bflag:$0x3] =	sbarrier.arrive $0xFFFF  }
0x1c0: {  	_ =	shalt  }

</sc_bundles>
